<compile_context>
chip_gen: v7x
topology: tpu7x:2x2x1
jax: 0.10.2.dev20260603
libtpu: 0.0.44.dev20260713+nightly
codegen_flags: <defaults>
</compile_context>

<pallas_src>
import functools

import jax
import jax.numpy as jnp
from jax import lax
from jax.experimental import pallas as pl
from jax.experimental.pallas import tpu as pltpu
from jax.experimental.pallas import tpu_sc as plsc

N = 10000
E = 320000
D = 128

NC = 2
NS = 16
NW = NC * NS
PER_TILE = E // NW
CH = 80
N_CHUNK = PER_TILE // CH
NP = 10112
ROWS_PER_TILE = NP // NS

_MESH = plsc.VectorSubcoreMesh(core_axis_name="c", subcore_axis_name="s")

L = 16
NVEC = PER_TILE // L
NPVEC = NP // L


@functools.partial(
    pl.kernel,
    out_type=jax.ShapeDtypeStruct((NW, NP), jnp.float32),
    mesh=_MESH,
    compiler_params=pltpu.CompilerParams(needs_layout_passes=False),
    scratch_types=[
        pltpu.VMEM((PER_TILE,), jnp.int32),
        pltpu.VMEM((NP,), jnp.float32),
    ],
)
def _sc_degree(dst_hbm, out_hbm, dst_b, hist):
    c = lax.axis_index("c")
    s = lax.axis_index("s")
    wid = s * NC + c
    pltpu.sync_copy(dst_hbm.at[pl.ds(wid * PER_TILE, PER_TILE)], dst_b)
    z16 = jnp.zeros((L,), jnp.float32)
    one16 = jnp.ones((L,), jnp.float32)

    def zbody(i, carry):
        hist[pl.ds(i * L, L)] = z16
        return carry

    lax.fori_loop(0, NPVEC, zbody, 0)

    def body(i, carry):
        idx = dst_b[pl.ds(i * L, L)]
        plsc.addupdate_scatter(hist, [idx], one16)
        return carry

    lax.fori_loop(0, NVEC, body, 0)
    pltpu.sync_copy(hist, out_hbm.at[wid])


@functools.partial(
    pl.kernel,
    out_type=[
        jax.ShapeDtypeStruct((NC, NP, D), jnp.float32),
        jax.ShapeDtypeStruct((NC, NP, D), jnp.float32),
    ],
    mesh=_MESH,
    scratch_types=[
        pltpu.VMEM((PER_TILE,), jnp.int32),
        pltpu.VMEM((N_CHUNK, CH), jnp.int32),
        pltpu.VMEM((2, CH, D), jnp.float32),
        pltpu.VMEM_SHARED((NP, D), jnp.float32),
        pltpu.SemaphoreType.DMA,
        pltpu.SemaphoreType.DMA,
    ],
)
def _sc_edge_pass(z1_hbm, z2_hbm, src_hbm, dst_hbm, zeros_hbm,
                  out1_hbm, out2_hbm, src_v, dst_v, rows_v, acc_s, semA, semB):
    c = lax.axis_index("c")
    s = lax.axis_index("s")
    wid = s * NC + c
    rows = pl.ds(s * ROWS_PER_TILE, ROWS_PER_TILE)
    pltpu.sync_copy(zeros_hbm, acc_s.at[rows])
    pltpu.sync_copy(src_hbm.at[pl.ds(wid * PER_TILE, PER_TILE)], src_v)
    pltpu.sync_copy(dst_hbm.at[wid], dst_v)
    plsc.subcore_barrier()

    def one_pass(z_hbm, out_hbm):
        def gather_start(i, p, sem):
            pltpu.async_copy(z_hbm.at[src_v.at[pl.ds(i * CH, CH)]],
                             rows_v.at[p], sem)

        def gather_wait(i, p, sem):
            pltpu.make_async_copy(
                z_hbm.at[src_v.at[pl.ds(i * CH, CH)]], rows_v.at[p], sem).wait()

        def scatter(i, p):
            pltpu.sync_copy(rows_v.at[p], acc_s.at[dst_v.at[i]], add=True)

        gather_start(0, 0, semA)

        def body(i, carry):
            @pl.when(i % 2 == 0)
            def _():
                gather_start(i + 1, 1, semB)
                gather_wait(i, 0, semA)
                scatter(i, 0)

            @pl.when(i % 2 == 1)
            def _():
                gather_start(i + 1, 0, semA)
                gather_wait(i, 1, semB)
                scatter(i, 1)

            return carry

        lax.fori_loop(0, N_CHUNK - 1, body, 0)
        gather_wait(N_CHUNK - 1, 0, semA)
        scatter(N_CHUNK - 1, 0)
        plsc.subcore_barrier()
        pltpu.sync_copy(acc_s.at[rows], out_hbm.at[c, rows])

    one_pass(z1_hbm, out1_hbm)
    pltpu.sync_copy(zeros_hbm, acc_s.at[rows])
    plsc.subcore_barrier()
    one_pass(z2_hbm, out2_hbm)


LCAP = PER_TILE + 2 * L
TRASH = LCAP - 1


@functools.partial(
    pl.kernel,
    out_type=jax.ShapeDtypeStruct((NC, NS, 8, D), jnp.float32),
    mesh=_MESH,
    compiler_params=pltpu.CompilerParams(needs_layout_passes=False),
    scratch_types=[
        pltpu.VMEM((PER_TILE,), jnp.int32),
        pltpu.VMEM((PER_TILE,), jnp.int32),
        pltpu.VMEM((LCAP,), jnp.int32),
        pltpu.VMEM((LCAP,), jnp.int32),
        pltpu.VMEM((2, L), jnp.int32),
        pltpu.VMEM((2,), jnp.int32),
        pltpu.VMEM((L, D), jnp.float32),
        pltpu.VMEM((L, D), jnp.float32),
        pltpu.VMEM((8, D), jnp.float32),
        pltpu.SemaphoreType.DMA,
    ],
)
def _sc_filter(src_hbm, dst_hbm, ops_hbm, ops2_hbm, q1_hbm, q2_hbm, out_hbm,
               dst_b, src_b, list1, list2, ops_v, idx2_v, rows1, rows2,
               uacc, sem):
    c = lax.axis_index("c")
    s = lax.axis_index("s")
    wid = s * NC + c
    base = wid * PER_TILE
    pltpu.sync_copy(dst_hbm.at[pl.ds(base, PER_TILE)], dst_b)
    pltpu.sync_copy(src_hbm.at[pl.ds(base, PER_TILE)], src_b)
    pltpu.sync_copy(ops_hbm, ops_v)
    op1v = ops_v[0, :]
    op2v = ops_v[1, :]
    z16 = jnp.zeros((L,), jnp.float32)
    for r in range(8):
        for j in range(D // L):
            uacc[r, pl.ds(j * L, L)] = z16

    def process_vreg(i, c1, c2):
        dv = dst_b[pl.ds(i * L, L)]
        sv = src_b[pl.ds(i * L, L)]
        m1 = dv == op1v
        m2 = dv == op2v
        one16 = jnp.ones((L,), jnp.int32)
        trash16 = jnp.full((L,), TRASH, jnp.int32)
        pos1 = plsc.cumsum(m1.astype(jnp.int32))
        pos2 = plsc.cumsum(m2.astype(jnp.int32))
        c1v = jnp.full((L,), c1, jnp.int32)
        c2v = jnp.full((L,), c2, jnp.int32)
        idx1 = jnp.where(m1, c1v + pos1 - one16, trash16)
        idx2 = jnp.where(m2, c2v + pos2 - one16, trash16)
        plsc.store_scatter(list1, [idx1], sv)
        plsc.store_scatter(list2, [idx2], sv)
        return c1 + jnp.max(pos1), c2 + jnp.max(pos2)

    VPC = 25

    def scan_chunk(ci, carry):
        anym = jnp.zeros((L,), jnp.int32) > jnp.zeros((L,), jnp.int32)
        for j in range(VPC):
            dv = dst_b[pl.ds((ci * VPC + j) * L, L)]
            anym = anym | (dv == op1v) | (dv == op2v)
        pc = plsc.all_reduce_population_count(anym)

        def slow(c1, c2):
            return lax.fori_loop(
                ci * VPC, (ci + 1) * VPC,
                lambda j, cc: process_vreg(j, cc[0], cc[1]), (c1, c2))

        def fast(c1, c2):
            return c1, c2

        return lax.cond(pc[0] > 0, slow, fast, *carry)

    cnt1, cnt2 = lax.fori_loop(0, NVEC // VPC, scan_chunk,
                               (jnp.int32(0), jnp.int32(0)))

    padn16 = jnp.full((L,), N, jnp.int32)

    def accumulate(lst, cnt, r1, r2):
        lst[pl.ds(cnt, L)] = padn16
        nch = (cnt + (L - 1)) // L

        def body(k, carry):
            ids = lst.at[pl.ds(k * L, L)]
            pltpu.async_copy(q1_hbm.at[ids], rows1, sem).wait()
            pltpu.async_copy(q2_hbm.at[ids], rows2, sem).wait()

            def row_add(t, cc):
                for j in range(D // L):
                    sl = pl.ds(j * L, L)
                    uacc[r1, sl] = uacc[r1, sl] + rows1[t, sl]
                    uacc[r2, sl] = uacc[r2, sl] + rows2[t, sl]
                return cc

            lax.fori_loop(0, L, row_add, 0)
            return carry

        lax.fori_loop(0, nch, body, 0)

    accumulate(list1, cnt1, 0, 2)
    accumulate(list2, cnt2, 1, 3)

    @pl.when(wid == 0)
    def _():
        pltpu.sync_copy(ops2_hbm, idx2_v)
        pltpu.async_copy(q1_hbm.at[idx2_v], rows1.at[pl.ds(0, 2)], sem).wait()
        pltpu.async_copy(q2_hbm.at[idx2_v], rows2.at[pl.ds(0, 2)], sem).wait()
        for j in range(D // L):
            sl = pl.ds(j * L, L)
            uacc[4, sl] = rows1[0, sl]
            uacc[5, sl] = rows1[1, sl]
            uacc[6, sl] = rows2[0, sl]
            uacc[7, sl] = rows2[1, sl]

    pltpu.sync_copy(uacc, out_hbm.at[c, s])


ROW_BLK = 400
N_BLK = N // ROW_BLK


def _tc_pre(x, deg_part, W1, W2):
    def body(x_ref, p_ref, w1_ref, w2_ref, o1_ref, o2_ref, d_ref):
        deg = jnp.sum(p_ref[...], axis=0) + 1.0
        d = lax.rsqrt(deg)
        d_ref[...] = d
        xd = d * x_ref[...]
        o1_ref[...] = jnp.dot(xd, w1_ref[...],
                              preferred_element_type=jnp.float32)
        o2_ref[...] = jnp.dot(xd, w2_ref[...],
                              preferred_element_type=jnp.float32)

    return pl.pallas_call(
        body,
        grid=(N_BLK,),
        in_specs=[
            pl.BlockSpec((ROW_BLK, D), lambda i: (i, 0)),
            pl.BlockSpec((NW, ROW_BLK, 1), lambda i: (0, i, 0)),
            pl.BlockSpec((D, D), lambda i: (0, 0)),
            pl.BlockSpec((D, D), lambda i: (0, 0)),
        ],
        out_specs=[
            pl.BlockSpec((ROW_BLK, D), lambda i: (i, 0)),
            pl.BlockSpec((ROW_BLK, D), lambda i: (i, 0)),
            pl.BlockSpec((ROW_BLK, 1), lambda i: (i, 0)),
        ],
        out_shape=[
            jax.ShapeDtypeStruct((N, D), jnp.float32),
            jax.ShapeDtypeStruct((N, D), jnp.float32),
            jax.ShapeDtypeStruct((N, 1), jnp.float32),
        ],
    )(x, deg_part, W1, W2)


NQ = N + ROW_BLK


def _tc_q(p1, p2, z1, z2, dinv, b1, b2):
    def body(p1_ref, p2_ref, z1_ref, z2_ref, d_ref, b1_ref, b2_ref,
             o1_ref, o2_ref):
        k = pl.program_id(0)
        d = d_ref[...]
        h1 = jnp.maximum(d * (p1_ref[0] + p1_ref[1] + z1_ref[...])
                         + b1_ref[...], 0.0)
        h2 = jnp.maximum(d * (p2_ref[0] + p2_ref[1] + z2_ref[...])
                         + b2_ref[...], 0.0)
        live = (k < N_BLK).astype(jnp.float32)
        o1_ref[...] = live * d * h1
        o2_ref[...] = live * d * h2

    clamp = lambda i: (jnp.minimum(i, N_BLK - 1), 0)
    clamp3 = lambda i: (0, jnp.minimum(i, N_BLK - 1), 0)
    return pl.pallas_call(
        body,
        grid=(N_BLK + 1,),
        in_specs=[
            pl.BlockSpec((NC, ROW_BLK, D), clamp3),
            pl.BlockSpec((NC, ROW_BLK, D), clamp3),
            pl.BlockSpec((ROW_BLK, D), clamp),
            pl.BlockSpec((ROW_BLK, D), clamp),
            pl.BlockSpec((ROW_BLK, 1), clamp),
            pl.BlockSpec((1, D), lambda i: (0, 0)),
            pl.BlockSpec((1, D), lambda i: (0, 0)),
        ],
        out_specs=[
            pl.BlockSpec((ROW_BLK, D), lambda i: (i, 0)),
            pl.BlockSpec((ROW_BLK, D), lambda i: (i, 0)),
        ],
        out_shape=[
            jax.ShapeDtypeStruct((NQ, D), jnp.float32),
            jax.ShapeDtypeStruct((NQ, D), jnp.float32),
        ],
    )(p1, p2, z1, z2, dinv, b1, b2)


def _tc_finish(slabs, dinv, W1b, b1b, W2b, b2b, ops):
    def body(ops_ref, sl_ref, d_ref, w1_ref, b1_ref, w2_ref, b2_ref, o_ref):
        u = jnp.sum(sl_ref[...], axis=0)
        o1 = ops_ref[0]
        o2 = ops_ref[1]
        u1 = u[0:2] + u[4:6]
        u2 = u[2:4] + u[6:8]
        d1 = d_ref[pl.ds(o1, 1), :]
        d2 = d_ref[pl.ds(o2, 1), :]
        a = jnp.dot(u1, w1_ref[...], preferred_element_type=jnp.float32)
        b = jnp.dot(u2, w2_ref[...], preferred_element_type=jnp.float32)
        y11 = d1 * a[0:1] + b1_ref[...]
        y12 = d2 * a[1:2] + b1_ref[...]
        y21 = d1 * b[0:1] + b2_ref[...]
        y22 = d2 * b[1:2] + b2_ref[...]
        o_ref[0] = jnp.sum(y11 * y12)
        o_ref[1] = jnp.sum(y21 * y22)

    return pl.pallas_call(
        body,
        in_specs=[
            pl.BlockSpec(memory_space=pltpu.SMEM),
            pl.BlockSpec(memory_space=pltpu.VMEM),
            pl.BlockSpec(memory_space=pltpu.VMEM),
            pl.BlockSpec(memory_space=pltpu.VMEM),
            pl.BlockSpec(memory_space=pltpu.VMEM),
            pl.BlockSpec(memory_space=pltpu.VMEM),
            pl.BlockSpec(memory_space=pltpu.VMEM),
        ],
        out_specs=pl.BlockSpec(memory_space=pltpu.SMEM),
        out_shape=jax.ShapeDtypeStruct((2,), jnp.float32),
    )(ops, slabs, dinv, W1b, b1b, W2b, b2b)


def kernel(x, edge_index, op1, op2, W1a, b1a, W1b, b1b, W2a, b2a, W2b, b2b):
    src = edge_index[0]
    dst = edge_index[1]
    zeros_row = jnp.zeros((ROWS_PER_TILE, D), jnp.float32)
    ops = jnp.stack([op1, op2]).astype(jnp.int32)
    ops16 = jnp.broadcast_to(ops[:, None], (2, L))

    deg_part = _sc_degree(dst)
    dst_t = dst.reshape(NW, N_CHUNK, CH)
    z1, z2, dinv = _tc_pre(x, deg_part.reshape(NW, NP, 1), W1a, W2a)
    p1, p2 = _sc_edge_pass(z1, z2, src, dst_t, zeros_row)
    q1, q2 = _tc_q(p1, p2, z1, z2, dinv, b1a.reshape(1, D), b2a.reshape(1, D))

    slabs = _sc_filter(src, dst, ops16, ops, q1, q2)
    slabs = slabs.reshape(NC * NS, 8, D)
    return _tc_finish(slabs, dinv, W1b, b1b.reshape(1, D),
                      W2b, b2b.reshape(1, D), ops)

# --- scband reference (transcript-rebuilt; emitter-appended) ---
"""Pipeline reference for scband-gnnpolicy-82678120448124 (READ-ONLY COPY).

The authoritative reference and input builder live on the scoring server;
editing this copy changes nothing except your own understanding.
"""

import jax, jax.numpy as jnp
import numpy as np

N_NODES = 10000
N_EDGES = 320000
D = 128


def setup_inputs(seed: int = 0) -> dict:
    key = jax.random.key(seed)
    ks = jax.random.split(key, 12)
    scale = 1.0 / np.sqrt(D)
    inp = {
        "x": jax.random.normal(ks[0], (N_NODES, D), dtype=jnp.float32),
        "edge_index": jax.random.randint(ks[1], (2, N_EDGES), 0, N_NODES, dtype=jnp.int32),
        "op1": 1,
        "op2": 3,
        "W1a": jax.random.normal(ks[2], (D, D), dtype=jnp.float32) * scale,
        "b1a": jnp.zeros((D,), dtype=jnp.float32),
        "W1b": jax.random.normal(ks[3], (D, D), dtype=jnp.float32) * scale,
        "b1b": jnp.zeros((D,), dtype=jnp.float32),
        "W2a": jax.random.normal(ks[4], (D, D), dtype=jnp.float32) * scale,
        "b2a": jnp.zeros((D,), dtype=jnp.float32),
        "W2b": jax.random.normal(ks[5], (D, D), dtype=jnp.float32) * scale,
        "b2b": jnp.zeros((D,), dtype=jnp.float32),
    }
    return inp


def _gcn_conv(x, edge_index, W, b):
    # PyG GCNConv: add self-loops, symmetric normalization D^-1/2 (A+I) D^-1/2 X W + b
    n = x.shape[0]
    loop = jnp.arange(n, dtype=edge_index.dtype)
    src = jnp.concatenate([edge_index[0], loop])
    dst = jnp.concatenate([edge_index[1], loop])
    xw = x @ W
    deg = jax.ops.segment_sum(jnp.ones_like(dst, dtype=x.dtype), dst, num_segments=n)
    dinv = jnp.where(deg > 0, deg ** -0.5, 0.0)
    norm = dinv[src] * dinv[dst]
    msg = xw[src] * norm[:, None]
    out = jax.ops.segment_sum(msg, dst, num_segments=n)
    return out + b


def _gcn_stack(x, edge_index, Wa, ba, Wb, bb):
    h = _gcn_conv(x, edge_index, Wa, ba)
    h = jax.nn.relu(h)
    return _gcn_conv(h, edge_index, Wb, bb)


def reference(x, edge_index, op1, op2, W1a, b1a, W1b, b1b, W2a, b2a, W2b, b2b):
    y1 = _gcn_stack(x, edge_index, W1a, b1a, W1b, b1b)
    y2 = _gcn_stack(x, edge_index, W2a, b2a, W2b, b2b)
    l1 = (y1[op1] * y1[op2]).sum()
    l2 = (y2[op1] * y2[op2]).sum()
    return jnp.stack([l1, l2])

if __name__ == "__main__":
    import jax
    _d = setup_inputs()
    print(jax.jit(kernel)(*tuple(_d.values())))

</pallas_src>

<mosaic_0001>
#map = affine_map<(d0, d1) -> (0, 0)>
#map1 = affine_map<(d0, d1) -> (0)>
#map2 = affine_map<(d0, d1) -> (0, 0, 0)>
module attributes {stable_mosaic.version = 14 : i64} {
  func.func @_sc_edge_pass(%arg0: i32, %arg1: i32, %arg2: memref<10000x128xf32, #tpu.memory_space<hbm>>, %arg3: memref<10000x128xf32, #tpu.memory_space<hbm>>, %arg4: memref<320000xi32, #tpu.memory_space<hbm>>, %arg5: memref<32x125x80xi32, #tpu.memory_space<hbm>>, %arg6: memref<632x128xf32, #tpu.memory_space<hbm>>, %arg7: memref<2x10112x128xf32, #tpu.memory_space<hbm>>, %arg8: memref<2x10112x128xf32, #tpu.memory_space<hbm>>, %arg9: memref<10000xi32, #tpu.memory_space<vmem>>, %arg10: memref<125x80xi32, #tpu.memory_space<vmem>>, %arg11: memref<2x80x128xf32, #tpu.memory_space<vmem>>, %arg12: memref<10112x128xf32, #tpu.memory_space<vmem_shared>>, %arg13: memref<!tpu.dma_semaphore, #tpu.memory_space<semaphore_mem>>, %arg14: memref<!tpu.dma_semaphore, #tpu.memory_space<semaphore_mem>>) attributes {dimension_semantics = [#tpu.dimension_semantics<core_parallel>, #tpu.dimension_semantics<subcore_parallel>], iteration_bounds = array<i64: 2, 16>, scalar_prefetch = 0 : i64, scratch_operands = 6 : i64, tpu.core_type = #tpu.core_type<sc_vector_subcore>, window_params = [{transform_indices = #map}, {transform_indices = #map}, {transform_indices = #map1}, {transform_indices = #map2}, {transform_indices = #map}, {transform_indices = #map2}, {transform_indices = #map2}]} {
    %mul3A = arith.constant 2 : i32
    %mul3A_0 = arith.muli %arg1, %mul3A : i32
    %add3A = arith.addi %mul3A_0, %arg0 : i32
    %mul3A_1 = arith.constant 632 : i32
    %mul3A_2 = arith.muli %arg1, %mul3A_1 : i32
    "tpu.region"() ({
      %run_scoped3A_60 = tpu.sem_alloc : memref<!tpu.dma_semaphore, #tpu.memory_space<semaphore_mem>>
      %dma_start3A_61 = arith.constant 0 : i32
      %dma_start3A_62 = tpu.memref_slice %arg12[%mul3A_2, %dma_start3A_61] : memref<10112x128xf32, #tpu.memory_space<vmem_shared>> -> memref<632x128xf32, #tpu.memory_space<vmem_shared>>
      tpu.enqueue_dma source(%arg6 : memref<632x128xf32, #tpu.memory_space<hbm>>) target(%dma_start3A_62 : memref<632x128xf32, #tpu.memory_space<vmem_shared>>) target_semaphore(%run_scoped3A_60 : memref<!tpu.dma_semaphore, #tpu.memory_space<semaphore_mem>>)
      %dma_wait3A_63 = arith.constant 0 : i32
      %dma_wait3A_64 = tpu.memref_slice %arg12[%mul3A_2, %dma_wait3A_63] : memref<10112x128xf32, #tpu.memory_space<vmem_shared>> -> memref<632x128xf32, #tpu.memory_space<vmem_shared>>
      tpu.wait_dma2 semaphore(%run_scoped3A_60 : memref<!tpu.dma_semaphore, #tpu.memory_space<semaphore_mem>>) src(%arg6 : memref<632x128xf32, #tpu.memory_space<hbm>>) dst(%dma_wait3A_64 : memref<632x128xf32, #tpu.memory_space<vmem_shared>>)
      tpu.yield
    }) : () -> ()
    %mul3A_3 = arith.constant 10000 : i32
    %mul3A_4 = arith.muli %add3A, %mul3A_3 : i32
    "tpu.region"() ({
      %run_scoped3A_60 = tpu.sem_alloc : memref<!tpu.dma_semaphore, #tpu.memory_space<semaphore_mem>>
      %dma_start3A_61 = tpu.memref_slice %arg4[%mul3A_4] : memref<320000xi32, #tpu.memory_space<hbm>> -> memref<10000xi32, #tpu.memory_space<hbm>>
      %dma_start3A_62 = tpu.memref_slice %arg4[%mul3A_4] : memref<320000xi32, #tpu.memory_space<hbm>> -> memref<10000xi32, #tpu.memory_space<hbm>>
      tpu.enqueue_dma source(%dma_start3A_62 : memref<10000xi32, #tpu.memory_space<hbm>>) target(%arg9 : memref<10000xi32, #tpu.memory_space<vmem>>) target_semaphore(%run_scoped3A_60 : memref<!tpu.dma_semaphore, #tpu.memory_space<semaphore_mem>>)
      %dma_wait3A_63 = tpu.memref_slice %arg4[%mul3A_4] : memref<320000xi32, #tpu.memory_space<hbm>> -> memref<10000xi32, #tpu.memory_space<hbm>>
      %dma_wait3A_64 = tpu.memref_slice %arg4[%mul3A_4] : memref<320000xi32, #tpu.memory_space<hbm>> -> memref<10000xi32, #tpu.memory_space<hbm>>
      tpu.wait_dma2 semaphore(%run_scoped3A_60 : memref<!tpu.dma_semaphore, #tpu.memory_space<semaphore_mem>>) src(%dma_wait3A_64 : memref<10000xi32, #tpu.memory_space<hbm>>) dst(%arg9 : memref<10000xi32, #tpu.memory_space<vmem>>)
      tpu.yield
    }) : () -> ()
    "tpu.region"() ({
      %run_scoped3A_60 = tpu.sem_alloc : memref<!tpu.dma_semaphore, #tpu.memory_space<semaphore_mem>>
      %dma_start3A_61 = arith.constant 0 : i32
      %dma_start3A_62 = arith.constant 0 : i32
      %dma_start3A_63 = tpu.memref_slice %arg5[%add3A, %dma_start3A_61, %dma_start3A_62] : memref<32x125x80xi32, #tpu.memory_space<hbm>> -> memref<1x125x80xi32, #tpu.memory_space<hbm>>
      %dma_start3A_64 = tpu.memref_squeeze %dma_start3A_63 : memref<1x125x80xi32, #tpu.memory_space<hbm>> -> memref<125x80xi32, #tpu.memory_space<hbm>>
      %dma_start3A_65 = arith.constant 0 : i32
      %dma_start3A_66 = arith.constant 0 : i32
      %dma_start3A_67 = tpu.memref_slice %arg5[%add3A, %dma_start3A_65, %dma_start3A_66] : memref<32x125x80xi32, #tpu.memory_space<hbm>> -> memref<1x125x80xi32, #tpu.memory_space<hbm>>
      %dma_start3A_68 = tpu.memref_squeeze %dma_start3A_67 : memref<1x125x80xi32, #tpu.memory_space<hbm>> -> memref<125x80xi32, #tpu.memory_space<hbm>>
      tpu.enqueue_dma source(%dma_start3A_68 : memref<125x80xi32, #tpu.memory_space<hbm>>) target(%arg10 : memref<125x80xi32, #tpu.memory_space<vmem>>) target_semaphore(%run_scoped3A_60 : memref<!tpu.dma_semaphore, #tpu.memory_space<semaphore_mem>>)
      %dma_wait3A_69 = arith.constant 0 : i32
      %dma_wait3A_70 = arith.constant 0 : i32
      %dma_wait3A_71 = tpu.memref_slice %arg5[%add3A, %dma_wait3A_69, %dma_wait3A_70] : memref<32x125x80xi32, #tpu.memory_space<hbm>> -> memref<1x125x80xi32, #tpu.memory_space<hbm>>
      %dma_wait3A_72 = tpu.memref_squeeze %dma_wait3A_71 : memref<1x125x80xi32, #tpu.memory_space<hbm>> -> memref<125x80xi32, #tpu.memory_space<hbm>>
      %dma_wait3A_73 = arith.constant 0 : i32
      %dma_wait3A_74 = arith.constant 0 : i32
      %dma_wait3A_75 = tpu.memref_slice %arg5[%add3A, %dma_wait3A_73, %dma_wait3A_74] : memref<32x125x80xi32, #tpu.memory_space<hbm>> -> memref<1x125x80xi32, #tpu.memory_space<hbm>>
      %dma_wait3A_76 = tpu.memref_squeeze %dma_wait3A_75 : memref<1x125x80xi32, #tpu.memory_space<hbm>> -> memref<125x80xi32, #tpu.memory_space<hbm>>
      tpu.wait_dma2 semaphore(%run_scoped3A_60 : memref<!tpu.dma_semaphore, #tpu.memory_space<semaphore_mem>>) src(%dma_wait3A_76 : memref<125x80xi32, #tpu.memory_space<hbm>>) dst(%arg10 : memref<125x80xi32, #tpu.memory_space<vmem>>)
      tpu.yield
    }) : () -> ()
    %barrier3A = arith.constant 0 : index
    tpu.barrier barrier_id(%barrier3A)
    %dma_start3A = arith.constant 0 : i32
    %dma_start3A_5 = arith.constant 0 : i32
    %dma_start3A_6 = arith.constant 0 : i32
    %dma_start3A_7 = tpu.memref_slice %arg11[%dma_start3A, %dma_start3A_5, %dma_start3A_6] : memref<2x80x128xf32, #tpu.memory_space<vmem>> -> memref<1x80x128xf32, #tpu.memory_space<vmem>>
    %dma_start3A_8 = tpu.memref_squeeze %dma_start3A_7 : memref<1x80x128xf32, #tpu.memory_space<vmem>> -> memref<80x128xf32, #tpu.memory_space<vmem>>
    %dma_start3A_9 = arith.constant 0 : i32
    %dma_start3A_10 = tpu.memref_slice %arg9[%dma_start3A_9] : memref<10000xi32, #tpu.memory_space<vmem>> -> memref<80xi32, #tpu.memory_space<vmem>>
    %dma_start3A_11 = arith.constant 0 : i32
    %dma_start3A_12 = arith.constant 0 : i32
    %dma_start3A_13 = tpu.memref_slice %arg2[%dma_start3A_11, %dma_start3A_12] : memref<10000x128xf32, #tpu.memory_space<hbm>> -> memref<10000x128xf32, #tpu.memory_space<hbm>>
    tpu.enqueue_indirect_dma source(%dma_start3A_13 : memref<10000x128xf32, #tpu.memory_space<hbm>>) target(%dma_start3A_8 : memref<80x128xf32, #tpu.memory_space<vmem>>) offsets(%dma_start3A_10 : memref<80xi32, #tpu.memory_space<vmem>>) semaphore(%arg13 : memref<!tpu.dma_semaphore, #tpu.memory_space<semaphore_mem>>)
    %scan3A = arith.constant 0 : i32
    %scan3A_14 = arith.constant 0 : i32
    %scan3A_15 = arith.constant 124 : i32
    %scan3A_16 = arith.addi %scan3A_14, %scan3A_15 : i32
    %scan3A_17 = arith.constant 1 : i32
    scf.for %scan3A_60 = %scan3A_14 to %scan3A_16 step %scan3A_17  : i32 {
      %jit3A = arith.constant 2 : i32
      %eq3A = arith.constant 0 : i32
      %eq3A_61 = arith.cmpi eq, %jit3A, %eq3A : i32
      %jit3A_62 = arith.constant 1 : i32
      %select_n3A = arith.select %eq3A_61, %jit3A_62, %jit3A : i32
      %rem3A = arith.remsi %scan3A_60, %select_n3A : i32
      %ne3A = arith.constant 0 : i32
      %ne3A_63 = arith.cmpi ne, %rem3A, %ne3A : i32
      %lt3A = arith.constant 0 : i32
      %lt3A_64 = arith.cmpi slt, %rem3A, %lt3A : i32
      %lt3A_65 = arith.constant 0 : i32
      %lt3A_66 = arith.cmpi slt, %select_n3A, %lt3A_65 : i32
      %ne3A_67 = arith.xori %lt3A_64, %lt3A_66 : i1
      %and3A = arith.andi %ne3A_67, %ne3A_63 : i1
      %add3A_68 = arith.addi %rem3A, %select_n3A : i32
      %select_n3A_69 = arith.select %and3A, %add3A_68, %rem3A : i32
      %eq3A_70 = arith.constant 0 : i32
      %eq3A_71 = arith.cmpi eq, %select_n3A_69, %eq3A_70 : i32
      %convert_element_type3A = arith.extui %eq3A_71 : i1 to i32
      %cond3A = arith.constant 0 : i32
      %cond3A_72 = arith.cmpi ne, %convert_element_type3A, %cond3A : i32
      scf.if %cond3A_72 {
        %add3A_94 = arith.constant 1 : i32
        %add3A_95 = arith.addi %scan3A_60, %add3A_94 : i32
        %mul3A_96 = arith.constant 80 : i32
        %mul3A_97 = arith.muli %add3A_95, %mul3A_96 : i32
        %dma_start3A_98 = arith.constant 1 : i32
        %dma_start3A_99 = arith.constant 0 : i32
        %dma_start3A_100 = arith.constant 0 : i32
        %dma_start3A_101 = tpu.memref_slice %arg11[%dma_start3A_98, %dma_start3A_99, %dma_start3A_100] : memref<2x80x128xf32, #tpu.memory_space<vmem>> -> memref<1x80x128xf32, #tpu.memory_space<vmem>>
        %dma_start3A_102 = tpu.memref_squeeze %dma_start3A_101 : memref<1x80x128xf32, #tpu.memory_space<vmem>> -> memref<80x128xf32, #tpu.memory_space<vmem>>
        %dma_start3A_103 = tpu.memref_slice %arg9[%mul3A_97] : memref<10000xi32, #tpu.memory_space<vmem>> -> memref<80xi32, #tpu.memory_space<vmem>>
        %dma_start3A_104 = arith.constant 0 : i32
        %dma_start3A_105 = arith.constant 0 : i32
        %dma_start3A_106 = tpu.memref_slice %arg2[%dma_start3A_104, %dma_start3A_105] : memref<10000x128xf32, #tpu.memory_space<hbm>> -> memref<10000x128xf32, #tpu.memory_space<hbm>>
        tpu.enqueue_indirect_dma source(%dma_start3A_106 : memref<10000x128xf32, #tpu.memory_space<hbm>>) target(%dma_start3A_102 : memref<80x128xf32, #tpu.memory_space<vmem>>) offsets(%dma_start3A_103 : memref<80xi32, #tpu.memory_space<vmem>>) semaphore(%arg14 : memref<!tpu.dma_semaphore, #tpu.memory_space<semaphore_mem>>)
        %mul3A_107 = arith.constant 80 : i32
        %mul3A_108 = arith.muli %scan3A_60, %mul3A_107 : i32
        %dma_wait3A_109 = arith.constant 0 : i32
        %dma_wait3A_110 = arith.constant 0 : i32
        %dma_wait3A_111 = arith.constant 0 : i32
        %dma_wait3A_112 = tpu.memref_slice %arg11[%dma_wait3A_109, %dma_wait3A_110, %dma_wait3A_111] : memref<2x80x128xf32, #tpu.memory_space<vmem>> -> memref<1x80x128xf32, #tpu.memory_space<vmem>>
        %dma_wait3A_113 = tpu.memref_squeeze %dma_wait3A_112 : memref<1x80x128xf32, #tpu.memory_space<vmem>> -> memref<80x128xf32, #tpu.memory_space<vmem>>
        %dma_wait3A_114 = tpu.memref_slice %arg9[%mul3A_108] : memref<10000xi32, #tpu.memory_space<vmem>> -> memref<80xi32, #tpu.memory_space<vmem>>
        %dma_wait3A_115 = arith.constant 0 : i32
        %dma_wait3A_116 = arith.constant 0 : i32
        %dma_wait3A_117 = tpu.memref_slice %arg2[%dma_wait3A_115, %dma_wait3A_116] : memref<10000x128xf32, #tpu.memory_space<hbm>> -> memref<10000x128xf32, #tpu.memory_space<hbm>>
        tpu.wait_indirect_dma semaphore(%arg13 : memref<!tpu.dma_semaphore, #tpu.memory_space<semaphore_mem>>) src(%dma_wait3A_117 : memref<10000x128xf32, #tpu.memory_space<hbm>>) dst(%dma_wait3A_113 : memref<80x128xf32, #tpu.memory_space<vmem>>)
        %run_scoped3A_118 = arith.constant 0 : i32
        "tpu.region"() ({
          %run_scoped3A_119 = tpu.sem_alloc : memref<!tpu.dma_semaphore, #tpu.memory_space<semaphore_mem>>
          %dma_start3A_120 = arith.constant 0 : i32
          %dma_start3A_121 = arith.constant 0 : i32
          %dma_start3A_122 = tpu.memref_slice %arg11[%run_scoped3A_118, %dma_start3A_120, %dma_start3A_121] : memref<2x80x128xf32, #tpu.memory_space<vmem>> -> memref<1x80x128xf32, #tpu.memory_space<vmem>>
          %dma_start3A_123 = tpu.memref_squeeze %dma_start3A_122 : memref<1x80x128xf32, #tpu.memory_space<vmem>> -> memref<80x128xf32, #tpu.memory_space<vmem>>
          %dma_start3A_124 = arith.constant 0 : i32
          %dma_start3A_125 = tpu.memref_slice %arg10[%scan3A_60, %dma_start3A_124] : memref<125x80xi32, #tpu.memory_space<vmem>> -> memref<1x80xi32, #tpu.memory_space<vmem>>
          %dma_start3A_126 = tpu.memref_squeeze %dma_start3A_125 : memref<1x80xi32, #tpu.memory_space<vmem>> -> memref<80xi32, #tpu.memory_space<vmem>>
          %dma_start3A_127 = arith.constant 0 : i32
          %dma_start3A_128 = arith.constant 0 : i32
          %dma_start3A_129 = tpu.memref_slice %arg12[%dma_start3A_127, %dma_start3A_128] : memref<10112x128xf32, #tpu.memory_space<vmem_shared>> -> memref<10112x128xf32, #tpu.memory_space<vmem_shared>>
          tpu.enqueue_indirect_dma source(%dma_start3A_123 : memref<80x128xf32, #tpu.memory_space<vmem>>) target(%dma_start3A_129 : memref<10112x128xf32, #tpu.memory_space<vmem_shared>>) offsets(%dma_start3A_126 : memref<80xi32, #tpu.memory_space<vmem>>) semaphore(%run_scoped3A_119 : memref<!tpu.dma_semaphore, #tpu.memory_space<semaphore_mem>>) {add = true}
          %dma_wait3A_130 = arith.constant 0 : i32
          %dma_wait3A_131 = arith.constant 0 : i32
          %dma_wait3A_132 = tpu.memref_slice %arg11[%run_scoped3A_118, %dma_wait3A_130, %dma_wait3A_131] : memref<2x80x128xf32, #tpu.memory_space<vmem>> -> memref<1x80x128xf32, #tpu.memory_space<vmem>>
          %dma_wait3A_133 = tpu.memref_squeeze %dma_wait3A_132 : memref<1x80x128xf32, #tpu.memory_space<vmem>> -> memref<80x128xf32, #tpu.memory_space<vmem>>
          %dma_wait3A_134 = arith.constant 0 : i32
          %dma_wait3A_135 = tpu.memref_slice %arg10[%scan3A_60, %dma_wait3A_134] : memref<125x80xi32, #tpu.memory_space<vmem>> -> memref<1x80xi32, #tpu.memory_space<vmem>>
          %dma_wait3A_136 = tpu.memref_squeeze %dma_wait3A_135 : memref<1x80xi32, #tpu.memory_space<vmem>> -> memref<80xi32, #tpu.memory_space<vmem>>
          %dma_wait3A_137 = arith.constant 0 : i32
          %dma_wait3A_138 = arith.constant 0 : i32
          %dma_wait3A_139 = tpu.memref_slice %arg12[%dma_wait3A_137, %dma_wait3A_138] : memref<10112x128xf32, #tpu.memory_space<vmem_shared>> -> memref<10112x128xf32, #tpu.memory_space<vmem_shared>>
          tpu.wait_indirect_dma semaphore(%run_scoped3A_119 : memref<!tpu.dma_semaphore, #tpu.memory_space<semaphore_mem>>) src(%dma_wait3A_133 : memref<80x128xf32, #tpu.memory_space<vmem>>) dst(%dma_wait3A_139 : memref<10112x128xf32, #tpu.memory_space<vmem_shared>>)
          tpu.yield
        }) : () -> ()
      } else {
      }
      %jit3A_73 = arith.constant 2 : i32
      %eq3A_74 = arith.constant 0 : i32
      %eq3A_75 = arith.cmpi eq, %jit3A_73, %eq3A_74 : i32
      %jit3A_76 = arith.constant 1 : i32
      %select_n3A_77 = arith.select %eq3A_75, %jit3A_76, %jit3A_73 : i32
      %rem3A_78 = arith.remsi %scan3A_60, %select_n3A_77 : i32
      %ne3A_79 = arith.constant 0 : i32
      %ne3A_80 = arith.cmpi ne, %rem3A_78, %ne3A_79 : i32
      %lt3A_81 = arith.constant 0 : i32
      %lt3A_82 = arith.cmpi slt, %rem3A_78, %lt3A_81 : i32
      %lt3A_83 = arith.constant 0 : i32
      %lt3A_84 = arith.cmpi slt, %select_n3A_77, %lt3A_83 : i32
      %ne3A_85 = arith.xori %lt3A_82, %lt3A_84 : i1
      %and3A_86 = arith.andi %ne3A_85, %ne3A_80 : i1
      %add3A_87 = arith.addi %rem3A_78, %select_n3A_77 : i32
      %select_n3A_88 = arith.select %and3A_86, %add3A_87, %rem3A_78 : i32
      %eq3A_89 = arith.constant 1 : i32
      %eq3A_90 = arith.cmpi eq, %select_n3A_88, %eq3A_89 : i32
      %convert_element_type3A_91 = arith.extui %eq3A_90 : i1 to i32
      %cond3A_92 = arith.constant 0 : i32
      %cond3A_93 = arith.cmpi ne, %convert_element_type3A_91, %cond3A_92 : i32
      scf.if %cond3A_93 {
        %add3A_94 = arith.constant 1 : i32
        %add3A_95 = arith.addi %scan3A_60, %add3A_94 : i32
        %mul3A_96 = arith.constant 80 : i32
        %mul3A_97 = arith.muli %add3A_95, %mul3A_96 : i32
        %dma_start3A_98 = arith.constant 0 : i32
        %dma_start3A_99 = arith.constant 0 : i32
        %dma_start3A_100 = arith.constant 0 : i32
        %dma_start3A_101 = tpu.memref_slice %arg11[%dma_start3A_98, %dma_start3A_99, %dma_start3A_100] : memref<2x80x128xf32, #tpu.memory_space<vmem>> -> memref<1x80x128xf32, #tpu.memory_space<vmem>>
        %dma_start3A_102 = tpu.memref_squeeze %dma_start3A_101 : memref<1x80x128xf32, #tpu.memory_space<vmem>> -> memref<80x128xf32, #tpu.memory_space<vmem>>
        %dma_start3A_103 = tpu.memref_slice %arg9[%mul3A_97] : memref<10000xi32, #tpu.memory_space<vmem>> -> memref<80xi32, #tpu.memory_space<vmem>>
        %dma_start3A_104 = arith.constant 0 : i32
        %dma_start3A_105 = arith.constant 0 : i32
        %dma_start3A_106 = tpu.memref_slice %arg2[%dma_start3A_104, %dma_start3A_105] : memref<10000x128xf32, #tpu.memory_space<hbm>> -> memref<10000x128xf32, #tpu.memory_space<hbm>>
        tpu.enqueue_indirect_dma source(%dma_start3A_106 : memref<10000x128xf32, #tpu.memory_space<hbm>>) target(%dma_start3A_102 : memref<80x128xf32, #tpu.memory_space<vmem>>) offsets(%dma_start3A_103 : memref<80xi32, #tpu.memory_space<vmem>>) semaphore(%arg13 : memref<!tpu.dma_semaphore, #tpu.memory_space<semaphore_mem>>)
        %mul3A_107 = arith.constant 80 : i32
        %mul3A_108 = arith.muli %scan3A_60, %mul3A_107 : i32
        %dma_wait3A_109 = arith.constant 1 : i32
        %dma_wait3A_110 = arith.constant 0 : i32
        %dma_wait3A_111 = arith.constant 0 : i32
        %dma_wait3A_112 = tpu.memref_slice %arg11[%dma_wait3A_109, %dma_wait3A_110, %dma_wait3A_111] : memref<2x80x128xf32, #tpu.memory_space<vmem>> -> memref<1x80x128xf32, #tpu.memory_space<vmem>>
        %dma_wait3A_113 = tpu.memref_squeeze %dma_wait3A_112 : memref<1x80x128xf32, #tpu.memory_space<vmem>> -> memref<80x128xf32, #tpu.memory_space<vmem>>
        %dma_wait3A_114 = tpu.memref_slice %arg9[%mul3A_108] : memref<10000xi32, #tpu.memory_space<vmem>> -> memref<80xi32, #tpu.memory_space<vmem>>
        %dma_wait3A_115 = arith.constant 0 : i32
        %dma_wait3A_116 = arith.constant 0 : i32
        %dma_wait3A_117 = tpu.memref_slice %arg2[%dma_wait3A_115, %dma_wait3A_116] : memref<10000x128xf32, #tpu.memory_space<hbm>> -> memref<10000x128xf32, #tpu.memory_space<hbm>>
        tpu.wait_indirect_dma semaphore(%arg14 : memref<!tpu.dma_semaphore, #tpu.memory_space<semaphore_mem>>) src(%dma_wait3A_117 : memref<10000x128xf32, #tpu.memory_space<hbm>>) dst(%dma_wait3A_113 : memref<80x128xf32, #tpu.memory_space<vmem>>)
        %run_scoped3A_118 = arith.constant 1 : i32
        "tpu.region"() ({
          %run_scoped3A_119 = tpu.sem_alloc : memref<!tpu.dma_semaphore, #tpu.memory_space<semaphore_mem>>
          %dma_start3A_120 = arith.constant 0 : i32
          %dma_start3A_121 = arith.constant 0 : i32
          %dma_start3A_122 = tpu.memref_slice %arg11[%run_scoped3A_118, %dma_start3A_120, %dma_start3A_121] : memref<2x80x128xf32, #tpu.memory_space<vmem>> -> memref<1x80x128xf32, #tpu.memory_space<vmem>>
          %dma_start3A_123 = tpu.memref_squeeze %dma_start3A_122 : memref<1x80x128xf32, #tpu.memory_space<vmem>> -> memref<80x128xf32, #tpu.memory_space<vmem>>
          %dma_start3A_124 = arith.constant 0 : i32
          %dma_start3A_125 = tpu.memref_slice %arg10[%scan3A_60, %dma_start3A_124] : memref<125x80xi32, #tpu.memory_space<vmem>> -> memref<1x80xi32, #tpu.memory_space<vmem>>
          %dma_start3A_126 = tpu.memref_squeeze %dma_start3A_125 : memref<1x80xi32, #tpu.memory_space<vmem>> -> memref<80xi32, #tpu.memory_space<vmem>>
          %dma_start3A_127 = arith.constant 0 : i32
          %dma_start3A_128 = arith.constant 0 : i32
          %dma_start3A_129 = tpu.memref_slice %arg12[%dma_start3A_127, %dma_start3A_128] : memref<10112x128xf32, #tpu.memory_space<vmem_shared>> -> memref<10112x128xf32, #tpu.memory_space<vmem_shared>>
          tpu.enqueue_indirect_dma source(%dma_start3A_123 : memref<80x128xf32, #tpu.memory_space<vmem>>) target(%dma_start3A_129 : memref<10112x128xf32, #tpu.memory_space<vmem_shared>>) offsets(%dma_start3A_126 : memref<80xi32, #tpu.memory_space<vmem>>) semaphore(%run_scoped3A_119 : memref<!tpu.dma_semaphore, #tpu.memory_space<semaphore_mem>>) {add = true}
          %dma_wait3A_130 = arith.constant 0 : i32
          %dma_wait3A_131 = arith.constant 0 : i32
          %dma_wait3A_132 = tpu.memref_slice %arg11[%run_scoped3A_118, %dma_wait3A_130, %dma_wait3A_131] : memref<2x80x128xf32, #tpu.memory_space<vmem>> -> memref<1x80x128xf32, #tpu.memory_space<vmem>>
          %dma_wait3A_133 = tpu.memref_squeeze %dma_wait3A_132 : memref<1x80x128xf32, #tpu.memory_space<vmem>> -> memref<80x128xf32, #tpu.memory_space<vmem>>
          %dma_wait3A_134 = arith.constant 0 : i32
          %dma_wait3A_135 = tpu.memref_slice %arg10[%scan3A_60, %dma_wait3A_134] : memref<125x80xi32, #tpu.memory_space<vmem>> -> memref<1x80xi32, #tpu.memory_space<vmem>>
          %dma_wait3A_136 = tpu.memref_squeeze %dma_wait3A_135 : memref<1x80xi32, #tpu.memory_space<vmem>> -> memref<80xi32, #tpu.memory_space<vmem>>
          %dma_wait3A_137 = arith.constant 0 : i32
          %dma_wait3A_138 = arith.constant 0 : i32
          %dma_wait3A_139 = tpu.memref_slice %arg12[%dma_wait3A_137, %dma_wait3A_138] : memref<10112x128xf32, #tpu.memory_space<vmem_shared>> -> memref<10112x128xf32, #tpu.memory_space<vmem_shared>>
          tpu.wait_indirect_dma semaphore(%run_scoped3A_119 : memref<!tpu.dma_semaphore, #tpu.memory_space<semaphore_mem>>) src(%dma_wait3A_133 : memref<80x128xf32, #tpu.memory_space<vmem>>) dst(%dma_wait3A_139 : memref<10112x128xf32, #tpu.memory_space<vmem_shared>>)
          tpu.yield
        }) : () -> ()
      } else {
      }
    }
    %scan3A_18 = arith.constant 124 : i32
    %dma_wait3A = arith.constant 0 : i32
    %dma_wait3A_19 = arith.constant 0 : i32
    %dma_wait3A_20 = arith.constant 0 : i32
    %dma_wait3A_21 = tpu.memref_slice %arg11[%dma_wait3A, %dma_wait3A_19, %dma_wait3A_20] : memref<2x80x128xf32, #tpu.memory_space<vmem>> -> memref<1x80x128xf32, #tpu.memory_space<vmem>>
    %dma_wait3A_22 = tpu.memref_squeeze %dma_wait3A_21 : memref<1x80x128xf32, #tpu.memory_space<vmem>> -> memref<80x128xf32, #tpu.memory_space<vmem>>
    %dma_wait3A_23 = arith.constant 9920 : i32
    %dma_wait3A_24 = tpu.memref_slice %arg9[%dma_wait3A_23] : memref<10000xi32, #tpu.memory_space<vmem>> -> memref<80xi32, #tpu.memory_space<vmem>>
    %dma_wait3A_25 = arith.constant 0 : i32
    %dma_wait3A_26 = arith.constant 0 : i32
    %dma_wait3A_27 = tpu.memref_slice %arg2[%dma_wait3A_25, %dma_wait3A_26] : memref<10000x128xf32, #tpu.memory_space<hbm>> -> memref<10000x128xf32, #tpu.memory_space<hbm>>
    tpu.wait_indirect_dma semaphore(%arg13 : memref<!tpu.dma_semaphore, #tpu.memory_space<semaphore_mem>>) src(%dma_wait3A_27 : memref<10000x128xf32, #tpu.memory_space<hbm>>) dst(%dma_wait3A_22 : memref<80x128xf32, #tpu.memory_space<vmem>>)
    %run_scoped3A = arith.constant 0 : i32
    %run_scoped3A_28 = arith.constant 124 : i32
    "tpu.region"() ({
      %run_scoped3A_60 = tpu.sem_alloc : memref<!tpu.dma_semaphore, #tpu.memory_space<semaphore_mem>>
      %dma_start3A_61 = arith.constant 0 : i32
      %dma_start3A_62 = arith.constant 0 : i32
      %dma_start3A_63 = tpu.memref_slice %arg11[%run_scoped3A, %dma_start3A_61, %dma_start3A_62] : memref<2x80x128xf32, #tpu.memory_space<vmem>> -> memref<1x80x128xf32, #tpu.memory_space<vmem>>
      %dma_start3A_64 = tpu.memref_squeeze %dma_start3A_63 : memref<1x80x128xf32, #tpu.memory_space<vmem>> -> memref<80x128xf32, #tpu.memory_space<vmem>>
      %dma_start3A_65 = arith.constant 0 : i32
      %dma_start3A_66 = tpu.memref_slice %arg10[%run_scoped3A_28, %dma_start3A_65] : memref<125x80xi32, #tpu.memory_space<vmem>> -> memref<1x80xi32, #tpu.memory_space<vmem>>
      %dma_start3A_67 = tpu.memref_squeeze %dma_start3A_66 : memref<1x80xi32, #tpu.memory_space<vmem>> -> memref<80xi32, #tpu.memory_space<vmem>>
      %dma_start3A_68 = arith.constant 0 : i32
      %dma_start3A_69 = arith.constant 0 : i32
      %dma_start3A_70 = tpu.memref_slice %arg12[%dma_start3A_68, %dma_start3A_69] : memref<10112x128xf32, #tpu.memory_space<vmem_shared>> -> memref<10112x128xf32, #tpu.memory_space<vmem_shared>>
      tpu.enqueue_indirect_dma source(%dma_start3A_64 : memref<80x128xf32, #tpu.memory_space<vmem>>) target(%dma_start3A_70 : memref<10112x128xf32, #tpu.memory_space<vmem_shared>>) offsets(%dma_start3A_67 : memref<80xi32, #tpu.memory_space<vmem>>) semaphore(%run_scoped3A_60 : memref<!tpu.dma_semaphore, #tpu.memory_space<semaphore_mem>>) {add = true}
      %dma_wait3A_71 = arith.constant 0 : i32
      %dma_wait3A_72 = arith.constant 0 : i32
      %dma_wait3A_73 = tpu.memref_slice %arg11[%run_scoped3A, %dma_wait3A_71, %dma_wait3A_72] : memref<2x80x128xf32, #tpu.memory_space<vmem>> -> memref<1x80x128xf32, #tpu.memory_space<vmem>>
      %dma_wait3A_74 = tpu.memref_squeeze %dma_wait3A_73 : memref<1x80x128xf32, #tpu.memory_space<vmem>> -> memref<80x128xf32, #tpu.memory_space<vmem>>
      %dma_wait3A_75 = arith.constant 0 : i32
      %dma_wait3A_76 = tpu.memref_slice %arg10[%run_scoped3A_28, %dma_wait3A_75] : memref<125x80xi32, #tpu.memory_space<vmem>> -> memref<1x80xi32, #tpu.memory_space<vmem>>
      %dma_wait3A_77 = tpu.memref_squeeze %dma_wait3A_76 : memref<1x80xi32, #tpu.memory_space<vmem>> -> memref<80xi32, #tpu.memory_space<vmem>>
      %dma_wait3A_78 = arith.constant 0 : i32
      %dma_wait3A_79 = arith.constant 0 : i32
      %dma_wait3A_80 = tpu.memref_slice %arg12[%dma_wait3A_78, %dma_wait3A_79] : memref<10112x128xf32, #tpu.memory_space<vmem_shared>> -> memref<10112x128xf32, #tpu.memory_space<vmem_shared>>
      tpu.wait_indirect_dma semaphore(%run_scoped3A_60 : memref<!tpu.dma_semaphore, #tpu.memory_space<semaphore_mem>>) src(%dma_wait3A_74 : memref<80x128xf32, #tpu.memory_space<vmem>>) dst(%dma_wait3A_80 : memref<10112x128xf32, #tpu.memory_space<vmem_shared>>)
      tpu.yield
    }) : () -> ()
    %barrier3A_29 = arith.constant 0 : index
    tpu.barrier barrier_id(%barrier3A_29)
    "tpu.region"() ({
      %run_scoped3A_60 = tpu.sem_alloc : memref<!tpu.dma_semaphore, #tpu.memory_space<semaphore_mem>>
      %dma_start3A_61 = arith.constant 0 : i32
      %dma_start3A_62 = tpu.memref_slice %arg7[%arg0, %mul3A_2, %dma_start3A_61] : memref<2x10112x128xf32, #tpu.memory_space<hbm>> -> memref<1x632x128xf32, #tpu.memory_space<hbm>>
      %dma_start3A_63 = tpu.memref_squeeze %dma_start3A_62 : memref<1x632x128xf32, #tpu.memory_space<hbm>> -> memref<632x128xf32, #tpu.memory_space<hbm>>
      %dma_start3A_64 = arith.constant 0 : i32
      %dma_start3A_65 = tpu.memref_slice %arg12[%mul3A_2, %dma_start3A_64] : memref<10112x128xf32, #tpu.memory_space<vmem_shared>> -> memref<632x128xf32, #tpu.memory_space<vmem_shared>>
      tpu.enqueue_dma source(%dma_start3A_65 : memref<632x128xf32, #tpu.memory_space<vmem_shared>>) target(%dma_start3A_63 : memref<632x128xf32, #tpu.memory_space<hbm>>) target_semaphore(%run_scoped3A_60 : memref<!tpu.dma_semaphore, #tpu.memory_space<semaphore_mem>>)
      %dma_wait3A_66 = arith.constant 0 : i32
      %dma_wait3A_67 = tpu.memref_slice %arg7[%arg0, %mul3A_2, %dma_wait3A_66] : memref<2x10112x128xf32, #tpu.memory_space<hbm>> -> memref<1x632x128xf32, #tpu.memory_space<hbm>>
      %dma_wait3A_68 = tpu.memref_squeeze %dma_wait3A_67 : memref<1x632x128xf32, #tpu.memory_space<hbm>> -> memref<632x128xf32, #tpu.memory_space<hbm>>
      %dma_wait3A_69 = arith.constant 0 : i32
      %dma_wait3A_70 = tpu.memref_slice %arg12[%mul3A_2, %dma_wait3A_69] : memref<10112x128xf32, #tpu.memory_space<vmem_shared>> -> memref<632x128xf32, #tpu.memory_space<vmem_shared>>
      tpu.wait_dma2 semaphore(%run_scoped3A_60 : memref<!tpu.dma_semaphore, #tpu.memory_space<semaphore_mem>>) src(%dma_wait3A_70 : memref<632x128xf32, #tpu.memory_space<vmem_shared>>) dst(%dma_wait3A_68 : memref<632x128xf32, #tpu.memory_space<hbm>>)
      tpu.yield
    }) : () -> ()
    "tpu.region"() ({
      %run_scoped3A_60 = tpu.sem_alloc : memref<!tpu.dma_semaphore, #tpu.memory_space<semaphore_mem>>
      %dma_start3A_61 = arith.constant 0 : i32
      %dma_start3A_62 = tpu.memref_slice %arg12[%mul3A_2, %dma_start3A_61] : memref<10112x128xf32, #tpu.memory_space<vmem_shared>> -> memref<632x128xf32, #tpu.memory_space<vmem_shared>>
      tpu.enqueue_dma source(%arg6 : memref<632x128xf32, #tpu.memory_space<hbm>>) target(%dma_start3A_62 : memref<632x128xf32, #tpu.memory_space<vmem_shared>>) target_semaphore(%run_scoped3A_60 : memref<!tpu.dma_semaphore, #tpu.memory_space<semaphore_mem>>)
      %dma_wait3A_63 = arith.constant 0 : i32
      %dma_wait3A_64 = tpu.memref_slice %arg12[%mul3A_2, %dma_wait3A_63] : memref<10112x128xf32, #tpu.memory_space<vmem_shared>> -> memref<632x128xf32, #tpu.memory_space<vmem_shared>>
      tpu.wait_dma2 semaphore(%run_scoped3A_60 : memref<!tpu.dma_semaphore, #tpu.memory_space<semaphore_mem>>) src(%arg6 : memref<632x128xf32, #tpu.memory_space<hbm>>) dst(%dma_wait3A_64 : memref<632x128xf32, #tpu.memory_space<vmem_shared>>)
      tpu.yield
    }) : () -> ()
    %barrier3A_30 = arith.constant 0 : index
    tpu.barrier barrier_id(%barrier3A_30)
    %dma_start3A_31 = arith.constant 0 : i32
    %dma_start3A_32 = arith.constant 0 : i32
    %dma_start3A_33 = arith.constant 0 : i32
    %dma_start3A_34 = tpu.memref_slice %arg11[%dma_start3A_31, %dma_start3A_32, %dma_start3A_33] : memref<2x80x128xf32, #tpu.memory_space<vmem>> -> memref<1x80x128xf32, #tpu.memory_space<vmem>>
    %dma_start3A_35 = tpu.memref_squeeze %dma_start3A_34 : memref<1x80x128xf32, #tpu.memory_space<vmem>> -> memref<80x128xf32, #tpu.memory_space<vmem>>
    %dma_start3A_36 = arith.constant 0 : i32
    %dma_start3A_37 = tpu.memref_slice %arg9[%dma_start3A_36] : memref<10000xi32, #tpu.memory_space<vmem>> -> memref<80xi32, #tpu.memory_space<vmem>>
    %dma_start3A_38 = arith.constant 0 : i32
    %dma_start3A_39 = arith.constant 0 : i32
    %dma_start3A_40 = tpu.memref_slice %arg3[%dma_start3A_38, %dma_start3A_39] : memref<10000x128xf32, #tpu.memory_space<hbm>> -> memref<10000x128xf32, #tpu.memory_space<hbm>>
    tpu.enqueue_indirect_dma source(%dma_start3A_40 : memref<10000x128xf32, #tpu.memory_space<hbm>>) target(%dma_start3A_35 : memref<80x128xf32, #tpu.memory_space<vmem>>) offsets(%dma_start3A_37 : memref<80xi32, #tpu.memory_space<vmem>>) semaphore(%arg13 : memref<!tpu.dma_semaphore, #tpu.memory_space<semaphore_mem>>)
    %scan3A_41 = arith.constant 0 : i32
    %scan3A_42 = arith.constant 0 : i32
    %scan3A_43 = arith.constant 124 : i32
    %scan3A_44 = arith.addi %scan3A_42, %scan3A_43 : i32
    %scan3A_45 = arith.constant 1 : i32
    scf.for %scan3A_60 = %scan3A_42 to %scan3A_44 step %scan3A_45  : i32 {
      %jit3A = arith.constant 2 : i32
      %eq3A = arith.constant 0 : i32
      %eq3A_61 = arith.cmpi eq, %jit3A, %eq3A : i32
      %jit3A_62 = arith.constant 1 : i32
      %select_n3A = arith.select %eq3A_61, %jit3A_62, %jit3A : i32
      %rem3A = arith.remsi %scan3A_60, %select_n3A : i32
      %ne3A = arith.constant 0 : i32
      %ne3A_63 = arith.cmpi ne, %rem3A, %ne3A : i32
      %lt3A = arith.constant 0 : i32
      %lt3A_64 = arith.cmpi slt, %rem3A, %lt3A : i32
      %lt3A_65 = arith.constant 0 : i32
      %lt3A_66 = arith.cmpi slt, %select_n3A, %lt3A_65 : i32
      %ne3A_67 = arith.xori %lt3A_64, %lt3A_66 : i1
      %and3A = arith.andi %ne3A_67, %ne3A_63 : i1
      %add3A_68 = arith.addi %rem3A, %select_n3A : i32
      %select_n3A_69 = arith.select %and3A, %add3A_68, %rem3A : i32
      %eq3A_70 = arith.constant 0 : i32
      %eq3A_71 = arith.cmpi eq, %select_n3A_69, %eq3A_70 : i32
      %convert_element_type3A = arith.extui %eq3A_71 : i1 to i32
      %cond3A = arith.constant 0 : i32
      %cond3A_72 = arith.cmpi ne, %convert_element_type3A, %cond3A : i32
      scf.if %cond3A_72 {
        %add3A_94 = arith.constant 1 : i32
        %add3A_95 = arith.addi %scan3A_60, %add3A_94 : i32
        %mul3A_96 = arith.constant 80 : i32
        %mul3A_97 = arith.muli %add3A_95, %mul3A_96 : i32
        %dma_start3A_98 = arith.constant 1 : i32
        %dma_start3A_99 = arith.constant 0 : i32
        %dma_start3A_100 = arith.constant 0 : i32
        %dma_start3A_101 = tpu.memref_slice %arg11[%dma_start3A_98, %dma_start3A_99, %dma_start3A_100] : memref<2x80x128xf32, #tpu.memory_space<vmem>> -> memref<1x80x128xf32, #tpu.memory_space<vmem>>
        %dma_start3A_102 = tpu.memref_squeeze %dma_start3A_101 : memref<1x80x128xf32, #tpu.memory_space<vmem>> -> memref<80x128xf32, #tpu.memory_space<vmem>>
        %dma_start3A_103 = tpu.memref_slice %arg9[%mul3A_97] : memref<10000xi32, #tpu.memory_space<vmem>> -> memref<80xi32, #tpu.memory_space<vmem>>
        %dma_start3A_104 = arith.constant 0 : i32
        %dma_start3A_105 = arith.constant 0 : i32
        %dma_start3A_106 = tpu.memref_slice %arg3[%dma_start3A_104, %dma_start3A_105] : memref<10000x128xf32, #tpu.memory_space<hbm>> -> memref<10000x128xf32, #tpu.memory_space<hbm>>
        tpu.enqueue_indirect_dma source(%dma_start3A_106 : memref<10000x128xf32, #tpu.memory_space<hbm>>) target(%dma_start3A_102 : memref<80x128xf32, #tpu.memory_space<vmem>>) offsets(%dma_start3A_103 : memref<80xi32, #tpu.memory_space<vmem>>) semaphore(%arg14 : memref<!tpu.dma_semaphore, #tpu.memory_space<semaphore_mem>>)
        %mul3A_107 = arith.constant 80 : i32
        %mul3A_108 = arith.muli %scan3A_60, %mul3A_107 : i32
        %dma_wait3A_109 = arith.constant 0 : i32
        %dma_wait3A_110 = arith.constant 0 : i32
        %dma_wait3A_111 = arith.constant 0 : i32
        %dma_wait3A_112 = tpu.memref_slice %arg11[%dma_wait3A_109, %dma_wait3A_110, %dma_wait3A_111] : memref<2x80x128xf32, #tpu.memory_space<vmem>> -> memref<1x80x128xf32, #tpu.memory_space<vmem>>
        %dma_wait3A_113 = tpu.memref_squeeze %dma_wait3A_112 : memref<1x80x128xf32, #tpu.memory_space<vmem>> -> memref<80x128xf32, #tpu.memory_space<vmem>>
        %dma_wait3A_114 = tpu.memref_slice %arg9[%mul3A_108] : memref<10000xi32, #tpu.memory_space<vmem>> -> memref<80xi32, #tpu.memory_space<vmem>>
        %dma_wait3A_115 = arith.constant 0 : i32
        %dma_wait3A_116 = arith.constant 0 : i32
        %dma_wait3A_117 = tpu.memref_slice %arg3[%dma_wait3A_115, %dma_wait3A_116] : memref<10000x128xf32, #tpu.memory_space<hbm>> -> memref<10000x128xf32, #tpu.memory_space<hbm>>
        tpu.wait_indirect_dma semaphore(%arg13 : memref<!tpu.dma_semaphore, #tpu.memory_space<semaphore_mem>>) src(%dma_wait3A_117 : memref<10000x128xf32, #tpu.memory_space<hbm>>) dst(%dma_wait3A_113 : memref<80x128xf32, #tpu.memory_space<vmem>>)
        %run_scoped3A_118 = arith.constant 0 : i32
        "tpu.region"() ({
          %run_scoped3A_119 = tpu.sem_alloc : memref<!tpu.dma_semaphore, #tpu.memory_space<semaphore_mem>>
          %dma_start3A_120 = arith.constant 0 : i32
          %dma_start3A_121 = arith.constant 0 : i32
          %dma_start3A_122 = tpu.memref_slice %arg11[%run_scoped3A_118, %dma_start3A_120, %dma_start3A_121] : memref<2x80x128xf32, #tpu.memory_space<vmem>> -> memref<1x80x128xf32, #tpu.memory_space<vmem>>
          %dma_start3A_123 = tpu.memref_squeeze %dma_start3A_122 : memref<1x80x128xf32, #tpu.memory_space<vmem>> -> memref<80x128xf32, #tpu.memory_space<vmem>>
          %dma_start3A_124 = arith.constant 0 : i32
          %dma_start3A_125 = tpu.memref_slice %arg10[%scan3A_60, %dma_start3A_124] : memref<125x80xi32, #tpu.memory_space<vmem>> -> memref<1x80xi32, #tpu.memory_space<vmem>>
          %dma_start3A_126 = tpu.memref_squeeze %dma_start3A_125 : memref<1x80xi32, #tpu.memory_space<vmem>> -> memref<80xi32, #tpu.memory_space<vmem>>
          %dma_start3A_127 = arith.constant 0 : i32
          %dma_start3A_128 = arith.constant 0 : i32
          %dma_start3A_129 = tpu.memref_slice %arg12[%dma_start3A_127, %dma_start3A_128] : memref<10112x128xf32, #tpu.memory_space<vmem_shared>> -> memref<10112x128xf32, #tpu.memory_space<vmem_shared>>
          tpu.enqueue_indirect_dma source(%dma_start3A_123 : memref<80x128xf32, #tpu.memory_space<vmem>>) target(%dma_start3A_129 : memref<10112x128xf32, #tpu.memory_space<vmem_shared>>) offsets(%dma_start3A_126 : memref<80xi32, #tpu.memory_space<vmem>>) semaphore(%run_scoped3A_119 : memref<!tpu.dma_semaphore, #tpu.memory_space<semaphore_mem>>) {add = true}
          %dma_wait3A_130 = arith.constant 0 : i32
          %dma_wait3A_131 = arith.constant 0 : i32
          %dma_wait3A_132 = tpu.memref_slice %arg11[%run_scoped3A_118, %dma_wait3A_130, %dma_wait3A_131] : memref<2x80x128xf32, #tpu.memory_space<vmem>> -> memref<1x80x128xf32, #tpu.memory_space<vmem>>
          %dma_wait3A_133 = tpu.memref_squeeze %dma_wait3A_132 : memref<1x80x128xf32, #tpu.memory_space<vmem>> -> memref<80x128xf32, #tpu.memory_space<vmem>>
          %dma_wait3A_134 = arith.constant 0 : i32
          %dma_wait3A_135 = tpu.memref_slice %arg10[%scan3A_60, %dma_wait3A_134] : memref<125x80xi32, #tpu.memory_space<vmem>> -> memref<1x80xi32, #tpu.memory_space<vmem>>
          %dma_wait3A_136 = tpu.memref_squeeze %dma_wait3A_135 : memref<1x80xi32, #tpu.memory_space<vmem>> -> memref<80xi32, #tpu.memory_space<vmem>>
          %dma_wait3A_137 = arith.constant 0 : i32
          %dma_wait3A_138 = arith.constant 0 : i32
          %dma_wait3A_139 = tpu.memref_slice %arg12[%dma_wait3A_137, %dma_wait3A_138] : memref<10112x128xf32, #tpu.memory_space<vmem_shared>> -> memref<10112x128xf32, #tpu.memory_space<vmem_shared>>
          tpu.wait_indirect_dma semaphore(%run_scoped3A_119 : memref<!tpu.dma_semaphore, #tpu.memory_space<semaphore_mem>>) src(%dma_wait3A_133 : memref<80x128xf32, #tpu.memory_space<vmem>>) dst(%dma_wait3A_139 : memref<10112x128xf32, #tpu.memory_space<vmem_shared>>)
          tpu.yield
        }) : () -> ()
      } else {
      }
      %jit3A_73 = arith.constant 2 : i32
      %eq3A_74 = arith.constant 0 : i32
      %eq3A_75 = arith.cmpi eq, %jit3A_73, %eq3A_74 : i32
      %jit3A_76 = arith.constant 1 : i32
      %select_n3A_77 = arith.select %eq3A_75, %jit3A_76, %jit3A_73 : i32
      %rem3A_78 = arith.remsi %scan3A_60, %select_n3A_77 : i32
      %ne3A_79 = arith.constant 0 : i32
      %ne3A_80 = arith.cmpi ne, %rem3A_78, %ne3A_79 : i32
      %lt3A_81 = arith.constant 0 : i32
      %lt3A_82 = arith.cmpi slt, %rem3A_78, %lt3A_81 : i32
      %lt3A_83 = arith.constant 0 : i32
      %lt3A_84 = arith.cmpi slt, %select_n3A_77, %lt3A_83 : i32
      %ne3A_85 = arith.xori %lt3A_82, %lt3A_84 : i1
      %and3A_86 = arith.andi %ne3A_85, %ne3A_80 : i1
      %add3A_87 = arith.addi %rem3A_78, %select_n3A_77 : i32
      %select_n3A_88 = arith.select %and3A_86, %add3A_87, %rem3A_78 : i32
      %eq3A_89 = arith.constant 1 : i32
      %eq3A_90 = arith.cmpi eq, %select_n3A_88, %eq3A_89 : i32
      %convert_element_type3A_91 = arith.extui %eq3A_90 : i1 to i32
      %cond3A_92 = arith.constant 0 : i32
      %cond3A_93 = arith.cmpi ne, %convert_element_type3A_91, %cond3A_92 : i32
      scf.if %cond3A_93 {
        %add3A_94 = arith.constant 1 : i32
        %add3A_95 = arith.addi %scan3A_60, %add3A_94 : i32
        %mul3A_96 = arith.constant 80 : i32
        %mul3A_97 = arith.muli %add3A_95, %mul3A_96 : i32
        %dma_start3A_98 = arith.constant 0 : i32
        %dma_start3A_99 = arith.constant 0 : i32
        %dma_start3A_100 = arith.constant 0 : i32
        %dma_start3A_101 = tpu.memref_slice %arg11[%dma_start3A_98, %dma_start3A_99, %dma_start3A_100] : memref<2x80x128xf32, #tpu.memory_space<vmem>> -> memref<1x80x128xf32, #tpu.memory_space<vmem>>
        %dma_start3A_102 = tpu.memref_squeeze %dma_start3A_101 : memref<1x80x128xf32, #tpu.memory_space<vmem>> -> memref<80x128xf32, #tpu.memory_space<vmem>>
        %dma_start3A_103 = tpu.memref_slice %arg9[%mul3A_97] : memref<10000xi32, #tpu.memory_space<vmem>> -> memref<80xi32, #tpu.memory_space<vmem>>
        %dma_start3A_104 = arith.constant 0 : i32
        %dma_start3A_105 = arith.constant 0 : i32
        %dma_start3A_106 = tpu.memref_slice %arg3[%dma_start3A_104, %dma_start3A_105] : memref<10000x128xf32, #tpu.memory_space<hbm>> -> memref<10000x128xf32, #tpu.memory_space<hbm>>
        tpu.enqueue_indirect_dma source(%dma_start3A_106 : memref<10000x128xf32, #tpu.memory_space<hbm>>) target(%dma_start3A_102 : memref<80x128xf32, #tpu.memory_space<vmem>>) offsets(%dma_start3A_103 : memref<80xi32, #tpu.memory_space<vmem>>) semaphore(%arg13 : memref<!tpu.dma_semaphore, #tpu.memory_space<semaphore_mem>>)
        %mul3A_107 = arith.constant 80 : i32
        %mul3A_108 = arith.muli %scan3A_60, %mul3A_107 : i32
        %dma_wait3A_109 = arith.constant 1 : i32
        %dma_wait3A_110 = arith.constant 0 : i32
        %dma_wait3A_111 = arith.constant 0 : i32
        %dma_wait3A_112 = tpu.memref_slice %arg11[%dma_wait3A_109, %dma_wait3A_110, %dma_wait3A_111] : memref<2x80x128xf32, #tpu.memory_space<vmem>> -> memref<1x80x128xf32, #tpu.memory_space<vmem>>
        %dma_wait3A_113 = tpu.memref_squeeze %dma_wait3A_112 : memref<1x80x128xf32, #tpu.memory_space<vmem>> -> memref<80x128xf32, #tpu.memory_space<vmem>>
        %dma_wait3A_114 = tpu.memref_slice %arg9[%mul3A_108] : memref<10000xi32, #tpu.memory_space<vmem>> -> memref<80xi32, #tpu.memory_space<vmem>>
        %dma_wait3A_115 = arith.constant 0 : i32
        %dma_wait3A_116 = arith.constant 0 : i32
        %dma_wait3A_117 = tpu.memref_slice %arg3[%dma_wait3A_115, %dma_wait3A_116] : memref<10000x128xf32, #tpu.memory_space<hbm>> -> memref<10000x128xf32, #tpu.memory_space<hbm>>
        tpu.wait_indirect_dma semaphore(%arg14 : memref<!tpu.dma_semaphore, #tpu.memory_space<semaphore_mem>>) src(%dma_wait3A_117 : memref<10000x128xf32, #tpu.memory_space<hbm>>) dst(%dma_wait3A_113 : memref<80x128xf32, #tpu.memory_space<vmem>>)
        %run_scoped3A_118 = arith.constant 1 : i32
        "tpu.region"() ({
          %run_scoped3A_119 = tpu.sem_alloc : memref<!tpu.dma_semaphore, #tpu.memory_space<semaphore_mem>>
          %dma_start3A_120 = arith.constant 0 : i32
          %dma_start3A_121 = arith.constant 0 : i32
          %dma_start3A_122 = tpu.memref_slice %arg11[%run_scoped3A_118, %dma_start3A_120, %dma_start3A_121] : memref<2x80x128xf32, #tpu.memory_space<vmem>> -> memref<1x80x128xf32, #tpu.memory_space<vmem>>
          %dma_start3A_123 = tpu.memref_squeeze %dma_start3A_122 : memref<1x80x128xf32, #tpu.memory_space<vmem>> -> memref<80x128xf32, #tpu.memory_space<vmem>>
          %dma_start3A_124 = arith.constant 0 : i32
          %dma_start3A_125 = tpu.memref_slice %arg10[%scan3A_60, %dma_start3A_124] : memref<125x80xi32, #tpu.memory_space<vmem>> -> memref<1x80xi32, #tpu.memory_space<vmem>>
          %dma_start3A_126 = tpu.memref_squeeze %dma_start3A_125 : memref<1x80xi32, #tpu.memory_space<vmem>> -> memref<80xi32, #tpu.memory_space<vmem>>
          %dma_start3A_127 = arith.constant 0 : i32
          %dma_start3A_128 = arith.constant 0 : i32
          %dma_start3A_129 = tpu.memref_slice %arg12[%dma_start3A_127, %dma_start3A_128] : memref<10112x128xf32, #tpu.memory_space<vmem_shared>> -> memref<10112x128xf32, #tpu.memory_space<vmem_shared>>
          tpu.enqueue_indirect_dma source(%dma_start3A_123 : memref<80x128xf32, #tpu.memory_space<vmem>>) target(%dma_start3A_129 : memref<10112x128xf32, #tpu.memory_space<vmem_shared>>) offsets(%dma_start3A_126 : memref<80xi32, #tpu.memory_space<vmem>>) semaphore(%run_scoped3A_119 : memref<!tpu.dma_semaphore, #tpu.memory_space<semaphore_mem>>) {add = true}
          %dma_wait3A_130 = arith.constant 0 : i32
          %dma_wait3A_131 = arith.constant 0 : i32
          %dma_wait3A_132 = tpu.memref_slice %arg11[%run_scoped3A_118, %dma_wait3A_130, %dma_wait3A_131] : memref<2x80x128xf32, #tpu.memory_space<vmem>> -> memref<1x80x128xf32, #tpu.memory_space<vmem>>
          %dma_wait3A_133 = tpu.memref_squeeze %dma_wait3A_132 : memref<1x80x128xf32, #tpu.memory_space<vmem>> -> memref<80x128xf32, #tpu.memory_space<vmem>>
          %dma_wait3A_134 = arith.constant 0 : i32
          %dma_wait3A_135 = tpu.memref_slice %arg10[%scan3A_60, %dma_wait3A_134] : memref<125x80xi32, #tpu.memory_space<vmem>> -> memref<1x80xi32, #tpu.memory_space<vmem>>
          %dma_wait3A_136 = tpu.memref_squeeze %dma_wait3A_135 : memref<1x80xi32, #tpu.memory_space<vmem>> -> memref<80xi32, #tpu.memory_space<vmem>>
          %dma_wait3A_137 = arith.constant 0 : i32
          %dma_wait3A_138 = arith.constant 0 : i32
          %dma_wait3A_139 = tpu.memref_slice %arg12[%dma_wait3A_137, %dma_wait3A_138] : memref<10112x128xf32, #tpu.memory_space<vmem_shared>> -> memref<10112x128xf32, #tpu.memory_space<vmem_shared>>
          tpu.wait_indirect_dma semaphore(%run_scoped3A_119 : memref<!tpu.dma_semaphore, #tpu.memory_space<semaphore_mem>>) src(%dma_wait3A_133 : memref<80x128xf32, #tpu.memory_space<vmem>>) dst(%dma_wait3A_139 : memref<10112x128xf32, #tpu.memory_space<vmem_shared>>)
          tpu.yield
        }) : () -> ()
      } else {
      }
    }
    %scan3A_46 = arith.constant 124 : i32
    %dma_wait3A_47 = arith.constant 0 : i32
    %dma_wait3A_48 = arith.constant 0 : i32
    %dma_wait3A_49 = arith.constant 0 : i32
    %dma_wait3A_50 = tpu.memref_slice %arg11[%dma_wait3A_47, %dma_wait3A_48, %dma_wait3A_49] : memref<2x80x128xf32, #tpu.memory_space<vmem>> -> memref<1x80x128xf32, #tpu.memory_space<vmem>>
    %dma_wait3A_51 = tpu.memref_squeeze %dma_wait3A_50 : memref<1x80x128xf32, #tpu.memory_space<vmem>> -> memref<80x128xf32, #tpu.memory_space<vmem>>
    %dma_wait3A_52 = arith.constant 9920 : i32
    %dma_wait3A_53 = tpu.memref_slice %arg9[%dma_wait3A_52] : memref<10000xi32, #tpu.memory_space<vmem>> -> memref<80xi32, #tpu.memory_space<vmem>>
    %dma_wait3A_54 = arith.constant 0 : i32
    %dma_wait3A_55 = arith.constant 0 : i32
    %dma_wait3A_56 = tpu.memref_slice %arg3[%dma_wait3A_54, %dma_wait3A_55] : memref<10000x128xf32, #tpu.memory_space<hbm>> -> memref<10000x128xf32, #tpu.memory_space<hbm>>
    tpu.wait_indirect_dma semaphore(%arg13 : memref<!tpu.dma_semaphore, #tpu.memory_space<semaphore_mem>>) src(%dma_wait3A_56 : memref<10000x128xf32, #tpu.memory_space<hbm>>) dst(%dma_wait3A_51 : memref<80x128xf32, #tpu.memory_space<vmem>>)
    %run_scoped3A_57 = arith.constant 0 : i32
    %run_scoped3A_58 = arith.constant 124 : i32
    "tpu.region"() ({
      %run_scoped3A_60 = tpu.sem_alloc : memref<!tpu.dma_semaphore, #tpu.memory_space<semaphore_mem>>
      %dma_start3A_61 = arith.constant 0 : i32
      %dma_start3A_62 = arith.constant 0 : i32
      %dma_start3A_63 = tpu.memref_slice %arg11[%run_scoped3A_57, %dma_start3A_61, %dma_start3A_62] : memref<2x80x128xf32, #tpu.memory_space<vmem>> -> memref<1x80x128xf32, #tpu.memory_space<vmem>>
      %dma_start3A_64 = tpu.memref_squeeze %dma_start3A_63 : memref<1x80x128xf32, #tpu.memory_space<vmem>> -> memref<80x128xf32, #tpu.memory_space<vmem>>
      %dma_start3A_65 = arith.constant 0 : i32
      %dma_start3A_66 = tpu.memref_slice %arg10[%run_scoped3A_58, %dma_start3A_65] : memref<125x80xi32, #tpu.memory_space<vmem>> -> memref<1x80xi32, #tpu.memory_space<vmem>>
      %dma_start3A_67 = tpu.memref_squeeze %dma_start3A_66 : memref<1x80xi32, #tpu.memory_space<vmem>> -> memref<80xi32, #tpu.memory_space<vmem>>
      %dma_start3A_68 = arith.constant 0 : i32
      %dma_start3A_69 = arith.constant 0 : i32
      %dma_start3A_70 = tpu.memref_slice %arg12[%dma_start3A_68, %dma_start3A_69] : memref<10112x128xf32, #tpu.memory_space<vmem_shared>> -> memref<10112x128xf32, #tpu.memory_space<vmem_shared>>
      tpu.enqueue_indirect_dma source(%dma_start3A_64 : memref<80x128xf32, #tpu.memory_space<vmem>>) target(%dma_start3A_70 : memref<10112x128xf32, #tpu.memory_space<vmem_shared>>) offsets(%dma_start3A_67 : memref<80xi32, #tpu.memory_space<vmem>>) semaphore(%run_scoped3A_60 : memref<!tpu.dma_semaphore, #tpu.memory_space<semaphore_mem>>) {add = true}
      %dma_wait3A_71 = arith.constant 0 : i32
      %dma_wait3A_72 = arith.constant 0 : i32
      %dma_wait3A_73 = tpu.memref_slice %arg11[%run_scoped3A_57, %dma_wait3A_71, %dma_wait3A_72] : memref<2x80x128xf32, #tpu.memory_space<vmem>> -> memref<1x80x128xf32, #tpu.memory_space<vmem>>
      %dma_wait3A_74 = tpu.memref_squeeze %dma_wait3A_73 : memref<1x80x128xf32, #tpu.memory_space<vmem>> -> memref<80x128xf32, #tpu.memory_space<vmem>>
      %dma_wait3A_75 = arith.constant 0 : i32
      %dma_wait3A_76 = tpu.memref_slice %arg10[%run_scoped3A_58, %dma_wait3A_75] : memref<125x80xi32, #tpu.memory_space<vmem>> -> memref<1x80xi32, #tpu.memory_space<vmem>>
      %dma_wait3A_77 = tpu.memref_squeeze %dma_wait3A_76 : memref<1x80xi32, #tpu.memory_space<vmem>> -> memref<80xi32, #tpu.memory_space<vmem>>
      %dma_wait3A_78 = arith.constant 0 : i32
      %dma_wait3A_79 = arith.constant 0 : i32
      %dma_wait3A_80 = tpu.memref_slice %arg12[%dma_wait3A_78, %dma_wait3A_79] : memref<10112x128xf32, #tpu.memory_space<vmem_shared>> -> memref<10112x128xf32, #tpu.memory_space<vmem_shared>>
      tpu.wait_indirect_dma semaphore(%run_scoped3A_60 : memref<!tpu.dma_semaphore, #tpu.memory_space<semaphore_mem>>) src(%dma_wait3A_74 : memref<80x128xf32, #tpu.memory_space<vmem>>) dst(%dma_wait3A_80 : memref<10112x128xf32, #tpu.memory_space<vmem_shared>>)
      tpu.yield
    }) : () -> ()
    %barrier3A_59 = arith.constant 0 : index
    tpu.barrier barrier_id(%barrier3A_59)
    "tpu.region"() ({
      %run_scoped3A_60 = tpu.sem_alloc : memref<!tpu.dma_semaphore, #tpu.memory_space<semaphore_mem>>
      %dma_start3A_61 = arith.constant 0 : i32
      %dma_start3A_62 = tpu.memref_slice %arg8[%arg0, %mul3A_2, %dma_start3A_61] : memref<2x10112x128xf32, #tpu.memory_space<hbm>> -> memref<1x632x128xf32, #tpu.memory_space<hbm>>
      %dma_start3A_63 = tpu.memref_squeeze %dma_start3A_62 : memref<1x632x128xf32, #tpu.memory_space<hbm>> -> memref<632x128xf32, #tpu.memory_space<hbm>>
      %dma_start3A_64 = arith.constant 0 : i32
      %dma_start3A_65 = tpu.memref_slice %arg12[%mul3A_2, %dma_start3A_64] : memref<10112x128xf32, #tpu.memory_space<vmem_shared>> -> memref<632x128xf32, #tpu.memory_space<vmem_shared>>
      tpu.enqueue_dma source(%dma_start3A_65 : memref<632x128xf32, #tpu.memory_space<vmem_shared>>) target(%dma_start3A_63 : memref<632x128xf32, #tpu.memory_space<hbm>>) target_semaphore(%run_scoped3A_60 : memref<!tpu.dma_semaphore, #tpu.memory_space<semaphore_mem>>)
      %dma_wait3A_66 = arith.constant 0 : i32
      %dma_wait3A_67 = tpu.memref_slice %arg8[%arg0, %mul3A_2, %dma_wait3A_66] : memref<2x10112x128xf32, #tpu.memory_space<hbm>> -> memref<1x632x128xf32, #tpu.memory_space<hbm>>
      %dma_wait3A_68 = tpu.memref_squeeze %dma_wait3A_67 : memref<1x632x128xf32, #tpu.memory_space<hbm>> -> memref<632x128xf32, #tpu.memory_space<hbm>>
      %dma_wait3A_69 = arith.constant 0 : i32
      %dma_wait3A_70 = tpu.memref_slice %arg12[%mul3A_2, %dma_wait3A_69] : memref<10112x128xf32, #tpu.memory_space<vmem_shared>> -> memref<632x128xf32, #tpu.memory_space<vmem_shared>>
      tpu.wait_dma2 semaphore(%run_scoped3A_60 : memref<!tpu.dma_semaphore, #tpu.memory_space<semaphore_mem>>) src(%dma_wait3A_70 : memref<632x128xf32, #tpu.memory_space<vmem_shared>>) dst(%dma_wait3A_68 : memref<632x128xf32, #tpu.memory_space<hbm>>)
      tpu.yield
    }) : () -> ()
    return
  }
}

#map = affine_map<(d0, d1) -> (0)>
#map1 = affine_map<(d0, d1) -> (0, 0)>
module attributes {stable_mosaic.version = 14 : i64} {
  func.func @_sc_degree(%arg0: i32, %arg1: i32, %arg2: memref<320000xi32, #tpu.memory_space<hbm>>, %arg3: memref<32x10112xf32, #tpu.memory_space<hbm>>, %arg4: memref<10000xi32, #tpu.memory_space<vmem>>, %arg5: memref<10112xf32, #tpu.memory_space<vmem>>) attributes {dimension_semantics = [#tpu.dimension_semantics<core_parallel>, #tpu.dimension_semantics<subcore_parallel>], iteration_bounds = array<i64: 2, 16>, scalar_prefetch = 0 : i64, scratch_operands = 2 : i64, tpu.core_type = #tpu.core_type<sc_vector_subcore>, window_params = [{transform_indices = #map}, {transform_indices = #map1}]} {
    %mul3A = arith.constant 2 : i32
    %mul3A_0 = arith.muli %arg1, %mul3A : i32
    %add3A = arith.addi %mul3A_0, %arg0 : i32
    %mul3A_1 = arith.constant 10000 : i32
    %mul3A_2 = arith.muli %add3A, %mul3A_1 : i32
    "tpu.region"() ({
      %run_scoped3A = tpu.sem_alloc : memref<!tpu.dma_semaphore, #tpu.memory_space<semaphore_mem>>
      %dma_start3A = tpu.memref_slice %arg2[%mul3A_2] : memref<320000xi32, #tpu.memory_space<hbm>> -> memref<10000xi32, #tpu.memory_space<hbm>>
      %dma_start3A_17 = tpu.memref_slice %arg2[%mul3A_2] : memref<320000xi32, #tpu.memory_space<hbm>> -> memref<10000xi32, #tpu.memory_space<hbm>>
      tpu.enqueue_dma source(%dma_start3A_17 : memref<10000xi32, #tpu.memory_space<hbm>>) target(%arg4 : memref<10000xi32, #tpu.memory_space<vmem>>) target_semaphore(%run_scoped3A : memref<!tpu.dma_semaphore, #tpu.memory_space<semaphore_mem>>)
      %dma_wait3A = tpu.memref_slice %arg2[%mul3A_2] : memref<320000xi32, #tpu.memory_space<hbm>> -> memref<10000xi32, #tpu.memory_space<hbm>>
      %dma_wait3A_18 = tpu.memref_slice %arg2[%mul3A_2] : memref<320000xi32, #tpu.memory_space<hbm>> -> memref<10000xi32, #tpu.memory_space<hbm>>
      tpu.wait_dma2 semaphore(%run_scoped3A : memref<!tpu.dma_semaphore, #tpu.memory_space<semaphore_mem>>) src(%dma_wait3A_18 : memref<10000xi32, #tpu.memory_space<hbm>>) dst(%arg4 : memref<10000xi32, #tpu.memory_space<vmem>>)
      tpu.yield
    }) : () -> ()
    %broadcast_in_dim3A = arith.constant 0.000000e+00 : f32
    %broadcast_in_dim3A_3 = vector.broadcast %broadcast_in_dim3A : f32 to vector<16xf32>
    %broadcast_in_dim3A_4 = arith.constant 1.000000e+00 : f32
    %broadcast_in_dim3A_5 = vector.broadcast %broadcast_in_dim3A_4 : f32 to vector<16xf32>
    %scan3A = arith.constant 0 : i32
    %scan3A_6 = arith.constant 0 : i32
    %scan3A_7 = arith.constant 632 : i32
    %scan3A_8 = arith.addi %scan3A_6, %scan3A_7 : i32
    %scan3A_9 = arith.constant 1 : i32
    scf.for %scan3A_17 = %scan3A_6 to %scan3A_8 step %scan3A_9  : i32 {
      %mul3A_18 = arith.constant 16 : i32
      %mul3A_19 = arith.muli %scan3A_17, %mul3A_18 : i32
      %swap3A = arith.index_cast %mul3A_19 : i32 to index
      %swap3A_20 = tpu.vector_load %arg5[%swap3A] {strides = array<i32>} : memref<10112xf32, #tpu.memory_space<vmem>>, vector<16xf32>,
      tpu.vector_store %arg5[%swap3A], %broadcast_in_dim3A_3 {strides = array<i32>} : memref<10112xf32, #tpu.memory_space<vmem>>, vector<16xf32>,
    }
    %scan3A_10 = arith.constant 632 : i32
    %scan3A_11 = arith.constant 0 : i32
    %scan3A_12 = arith.constant 0 : i32
    %scan3A_13 = arith.constant 625 : i32
    %scan3A_14 = arith.addi %scan3A_12, %scan3A_13 : i32
    %scan3A_15 = arith.constant 1 : i32
    scf.for %scan3A_17 = %scan3A_12 to %scan3A_14 step %scan3A_15  : i32 {
      %mul3A_18 = arith.constant 16 : i32
      %mul3A_19 = arith.muli %scan3A_17, %mul3A_18 : i32
      %get3A = arith.index_cast %mul3A_19 : i32 to index
      %get3A_20 = tpu.vector_load %arg4[%get3A] {strides = array<i32>} : memref<10000xi32, #tpu.memory_space<vmem>>, vector<16xi32>,
      tpu.vector_store_idx %arg5[%get3A_20], %broadcast_in_dim3A_5 {add = true} : memref<10112xf32, #tpu.memory_space<vmem>>[vector<16xi32>], vector<16xf32>,
    }
    %scan3A_16 = arith.constant 625 : i32
    "tpu.region"() ({
      %run_scoped3A = tpu.sem_alloc : memref<!tpu.dma_semaphore, #tpu.memory_space<semaphore_mem>>
      %dma_start3A = arith.constant 0 : i32
      %dma_start3A_17 = tpu.memref_slice %arg3[%add3A, %dma_start3A] : memref<32x10112xf32, #tpu.memory_space<hbm>> -> memref<1x10112xf32, #tpu.memory_space<hbm>>
      %dma_start3A_18 = tpu.memref_squeeze %dma_start3A_17 : memref<1x10112xf32, #tpu.memory_space<hbm>> -> memref<10112xf32, #tpu.memory_space<hbm>>
      %dma_start3A_19 = arith.constant 0 : i32
      %dma_start3A_20 = tpu.memref_slice %arg3[%add3A, %dma_start3A_19] : memref<32x10112xf32, #tpu.memory_space<hbm>> -> memref<1x10112xf32, #tpu.memory_space<hbm>>
      %dma_start3A_21 = tpu.memref_squeeze %dma_start3A_20 : memref<1x10112xf32, #tpu.memory_space<hbm>> -> memref<10112xf32, #tpu.memory_space<hbm>>
      tpu.enqueue_dma source(%arg5 : memref<10112xf32, #tpu.memory_space<vmem>>) target(%dma_start3A_21 : memref<10112xf32, #tpu.memory_space<hbm>>) target_semaphore(%run_scoped3A : memref<!tpu.dma_semaphore, #tpu.memory_space<semaphore_mem>>)
      %dma_wait3A = arith.constant 0 : i32
      %dma_wait3A_22 = tpu.memref_slice %arg3[%add3A, %dma_wait3A] : memref<32x10112xf32, #tpu.memory_space<hbm>> -> memref<1x10112xf32, #tpu.memory_space<hbm>>
      %dma_wait3A_23 = tpu.memref_squeeze %dma_wait3A_22 : memref<1x10112xf32, #tpu.memory_space<hbm>> -> memref<10112xf32, #tpu.memory_space<hbm>>
      %dma_wait3A_24 = arith.constant 0 : i32
      %dma_wait3A_25 = tpu.memref_slice %arg3[%add3A, %dma_wait3A_24] : memref<32x10112xf32, #tpu.memory_space<hbm>> -> memref<1x10112xf32, #tpu.memory_space<hbm>>
      %dma_wait3A_26 = tpu.memref_squeeze %dma_wait3A_25 : memref<1x10112xf32, #tpu.memory_space<hbm>> -> memref<10112xf32, #tpu.memory_space<hbm>>
      tpu.wait_dma2 semaphore(%run_scoped3A : memref<!tpu.dma_semaphore, #tpu.memory_space<semaphore_mem>>) src(%arg5 : memref<10112xf32, #tpu.memory_space<vmem>>) dst(%dma_wait3A_26 : memref<10112xf32, #tpu.memory_space<hbm>>)
      tpu.yield
    }) : () -> ()
    return
  }
}

#map = affine_map<(d0, d1) -> (0)>
#map1 = affine_map<(d0, d1) -> (0, 0)>
#map2 = affine_map<(d0, d1) -> (0, 0, 0, 0)>
module attributes {stable_mosaic.version = 14 : i64} {
  func.func @_sc_filter(%arg0: i32, %arg1: i32, %arg2: memref<320000xi32, #tpu.memory_space<hbm>>, %arg3: memref<320000xi32, #tpu.memory_space<hbm>>, %arg4: memref<2x16xi32, #tpu.memory_space<hbm>>, %arg5: memref<2xi32, #tpu.memory_space<hbm>>, %arg6: memref<10400x128xf32, #tpu.memory_space<hbm>>, %arg7: memref<10400x128xf32, #tpu.memory_space<hbm>>, %arg8: memref<2x16x8x128xf32, #tpu.memory_space<hbm>>, %arg9: memref<10000xi32, #tpu.memory_space<vmem>>, %arg10: memref<10000xi32, #tpu.memory_space<vmem>>, %arg11: memref<10032xi32, #tpu.memory_space<vmem>>, %arg12: memref<10032xi32, #tpu.memory_space<vmem>>, %arg13: memref<2x16xi32, #tpu.memory_space<vmem>>, %arg14: memref<2xi32, #tpu.memory_space<vmem>>, %arg15: memref<16x128xf32, #tpu.memory_space<vmem>>, %arg16: memref<16x128xf32, #tpu.memory_space<vmem>>, %arg17: memref<8x128xf32, #tpu.memory_space<vmem>>, %arg18: memref<!tpu.dma_semaphore, #tpu.memory_space<semaphore_mem>>) attributes {dimension_semantics = [#tpu.dimension_semantics<core_parallel>, #tpu.dimension_semantics<subcore_parallel>], iteration_bounds = array<i64: 2, 16>, scalar_prefetch = 0 : i64, scratch_operands = 10 : i64, tpu.core_type = #tpu.core_type<sc_vector_subcore>, window_params = [{transform_indices = #map}, {transform_indices = #map}, {transform_indices = #map1}, {transform_indices = #map}, {transform_indices = #map1}, {transform_indices = #map1}, {transform_indices = #map2}]} {
    %mul3A = arith.constant 2 : i32
    %mul3A_0 = arith.muli %arg1, %mul3A : i32
    %add3A = arith.addi %mul3A_0, %arg0 : i32
    %mul3A_1 = arith.constant 10000 : i32
    %mul3A_2 = arith.muli %add3A, %mul3A_1 : i32
    "tpu.region"() ({
      %run_scoped3A = tpu.sem_alloc : memref<!tpu.dma_semaphore, #tpu.memory_space<semaphore_mem>>
      %dma_start3A = tpu.memref_slice %arg3[%mul3A_2] : memref<320000xi32, #tpu.memory_space<hbm>> -> memref<10000xi32, #tpu.memory_space<hbm>>
      %dma_start3A_344 = tpu.memref_slice %arg3[%mul3A_2] : memref<320000xi32, #tpu.memory_space<hbm>> -> memref<10000xi32, #tpu.memory_space<hbm>>
      tpu.enqueue_dma source(%dma_start3A_344 : memref<10000xi32, #tpu.memory_space<hbm>>) target(%arg9 : memref<10000xi32, #tpu.memory_space<vmem>>) target_semaphore(%run_scoped3A : memref<!tpu.dma_semaphore, #tpu.memory_space<semaphore_mem>>)
      %dma_wait3A = tpu.memref_slice %arg3[%mul3A_2] : memref<320000xi32, #tpu.memory_space<hbm>> -> memref<10000xi32, #tpu.memory_space<hbm>>
      %dma_wait3A_345 = tpu.memref_slice %arg3[%mul3A_2] : memref<320000xi32, #tpu.memory_space<hbm>> -> memref<10000xi32, #tpu.memory_space<hbm>>
      tpu.wait_dma2 semaphore(%run_scoped3A : memref<!tpu.dma_semaphore, #tpu.memory_space<semaphore_mem>>) src(%dma_wait3A_345 : memref<10000xi32, #tpu.memory_space<hbm>>) dst(%arg9 : memref<10000xi32, #tpu.memory_space<vmem>>)
      tpu.yield
    }) : () -> ()
    "tpu.region"() ({
      %run_scoped3A = tpu.sem_alloc : memref<!tpu.dma_semaphore, #tpu.memory_space<semaphore_mem>>
      %dma_start3A = tpu.memref_slice %arg2[%mul3A_2] : memref<320000xi32, #tpu.memory_space<hbm>> -> memref<10000xi32, #tpu.memory_space<hbm>>
      %dma_start3A_344 = tpu.memref_slice %arg2[%mul3A_2] : memref<320000xi32, #tpu.memory_space<hbm>> -> memref<10000xi32, #tpu.memory_space<hbm>>
      tpu.enqueue_dma source(%dma_start3A_344 : memref<10000xi32, #tpu.memory_space<hbm>>) target(%arg10 : memref<10000xi32, #tpu.memory_space<vmem>>) target_semaphore(%run_scoped3A : memref<!tpu.dma_semaphore, #tpu.memory_space<semaphore_mem>>)
      %dma_wait3A = tpu.memref_slice %arg2[%mul3A_2] : memref<320000xi32, #tpu.memory_space<hbm>> -> memref<10000xi32, #tpu.memory_space<hbm>>
      %dma_wait3A_345 = tpu.memref_slice %arg2[%mul3A_2] : memref<320000xi32, #tpu.memory_space<hbm>> -> memref<10000xi32, #tpu.memory_space<hbm>>
      tpu.wait_dma2 semaphore(%run_scoped3A : memref<!tpu.dma_semaphore, #tpu.memory_space<semaphore_mem>>) src(%dma_wait3A_345 : memref<10000xi32, #tpu.memory_space<hbm>>) dst(%arg10 : memref<10000xi32, #tpu.memory_space<vmem>>)
      tpu.yield
    }) : () -> ()
    "tpu.region"() ({
      %run_scoped3A = tpu.sem_alloc : memref<!tpu.dma_semaphore, #tpu.memory_space<semaphore_mem>>
      tpu.enqueue_dma source(%arg4 : memref<2x16xi32, #tpu.memory_space<hbm>>) target(%arg13 : memref<2x16xi32, #tpu.memory_space<vmem>>) target_semaphore(%run_scoped3A : memref<!tpu.dma_semaphore, #tpu.memory_space<semaphore_mem>>)
      tpu.wait_dma2 semaphore(%run_scoped3A : memref<!tpu.dma_semaphore, #tpu.memory_space<semaphore_mem>>) src(%arg4 : memref<2x16xi32, #tpu.memory_space<hbm>>) dst(%arg13 : memref<2x16xi32, #tpu.memory_space<vmem>>)
      tpu.yield
    }) : () -> ()
    %get3A = arith.constant 0 : i32
    %get3A_3 = arith.index_cast %get3A : i32 to index
    %get3A_4 = arith.constant 0 : index
    %get3A_5 = tpu.vector_load %arg13[%get3A_3, %get3A_4] {strides = array<i32>} : memref<2x16xi32, #tpu.memory_space<vmem>>, vector<16xi32>,
    %get3A_6 = arith.constant 1 : i32
    %get3A_7 = arith.index_cast %get3A_6 : i32 to index
    %get3A_8 = arith.constant 0 : index
    %get3A_9 = tpu.vector_load %arg13[%get3A_7, %get3A_8] {strides = array<i32>} : memref<2x16xi32, #tpu.memory_space<vmem>>, vector<16xi32>,
    %broadcast_in_dim3A = arith.constant 0.000000e+00 : f32
    %broadcast_in_dim3A_10 = vector.broadcast %broadcast_in_dim3A : f32 to vector<16xf32>
    %swap3A = arith.constant 0 : i32
    %swap3A_11 = arith.index_cast %swap3A : i32 to index
    %swap3A_12 = arith.constant 0 : index
    %swap3A_13 = tpu.vector_load %arg17[%swap3A_11, %swap3A_12] {strides = array<i32>} : memref<8x128xf32, #tpu.memory_space<vmem>>, vector<16xf32>,
    tpu.vector_store %arg17[%swap3A_11, %swap3A_12], %broadcast_in_dim3A_10 {strides = array<i32>} : memref<8x128xf32, #tpu.memory_space<vmem>>, vector<16xf32>,
    %swap3A_14 = arith.constant 0 : i32
    %swap3A_15 = arith.index_cast %swap3A_14 : i32 to index
    %swap3A_16 = arith.constant 16 : index
    %swap3A_17 = tpu.vector_load %arg17[%swap3A_15, %swap3A_16] {strides = array<i32>} : memref<8x128xf32, #tpu.memory_space<vmem>>, vector<16xf32>,
    tpu.vector_store %arg17[%swap3A_15, %swap3A_16], %broadcast_in_dim3A_10 {strides = array<i32>} : memref<8x128xf32, #tpu.memory_space<vmem>>, vector<16xf32>,
    %swap3A_18 = arith.constant 0 : i32
    %swap3A_19 = arith.index_cast %swap3A_18 : i32 to index
    %swap3A_20 = arith.constant 32 : index
    %swap3A_21 = tpu.vector_load %arg17[%swap3A_19, %swap3A_20] {strides = array<i32>} : memref<8x128xf32, #tpu.memory_space<vmem>>, vector<16xf32>,
    tpu.vector_store %arg17[%swap3A_19, %swap3A_20], %broadcast_in_dim3A_10 {strides = array<i32>} : memref<8x128xf32, #tpu.memory_space<vmem>>, vector<16xf32>,
    %swap3A_22 = arith.constant 0 : i32
    %swap3A_23 = arith.index_cast %swap3A_22 : i32 to index
    %swap3A_24 = arith.constant 48 : index
    %swap3A_25 = tpu.vector_load %arg17[%swap3A_23, %swap3A_24] {strides = array<i32>} : memref<8x128xf32, #tpu.memory_space<vmem>>, vector<16xf32>,
    tpu.vector_store %arg17[%swap3A_23, %swap3A_24], %broadcast_in_dim3A_10 {strides = array<i32>} : memref<8x128xf32, #tpu.memory_space<vmem>>, vector<16xf32>,
    %swap3A_26 = arith.constant 0 : i32
    %swap3A_27 = arith.index_cast %swap3A_26 : i32 to index
    %swap3A_28 = arith.constant 64 : index
    %swap3A_29 = tpu.vector_load %arg17[%swap3A_27, %swap3A_28] {strides = array<i32>} : memref<8x128xf32, #tpu.memory_space<vmem>>, vector<16xf32>,
    tpu.vector_store %arg17[%swap3A_27, %swap3A_28], %broadcast_in_dim3A_10 {strides = array<i32>} : memref<8x128xf32, #tpu.memory_space<vmem>>, vector<16xf32>,
    %swap3A_30 = arith.constant 0 : i32
    %swap3A_31 = arith.index_cast %swap3A_30 : i32 to index
    %swap3A_32 = arith.constant 80 : index
    %swap3A_33 = tpu.vector_load %arg17[%swap3A_31, %swap3A_32] {strides = array<i32>} : memref<8x128xf32, #tpu.memory_space<vmem>>, vector<16xf32>,
    tpu.vector_store %arg17[%swap3A_31, %swap3A_32], %broadcast_in_dim3A_10 {strides = array<i32>} : memref<8x128xf32, #tpu.memory_space<vmem>>, vector<16xf32>,
    %swap3A_34 = arith.constant 0 : i32
    %swap3A_35 = arith.index_cast %swap3A_34 : i32 to index
    %swap3A_36 = arith.constant 96 : index
    %swap3A_37 = tpu.vector_load %arg17[%swap3A_35, %swap3A_36] {strides = array<i32>} : memref<8x128xf32, #tpu.memory_space<vmem>>, vector<16xf32>,
    tpu.vector_store %arg17[%swap3A_35, %swap3A_36], %broadcast_in_dim3A_10 {strides = array<i32>} : memref<8x128xf32, #tpu.memory_space<vmem>>, vector<16xf32>,
    %swap3A_38 = arith.constant 0 : i32
    %swap3A_39 = arith.index_cast %swap3A_38 : i32 to index
    %swap3A_40 = arith.constant 112 : index
    %swap3A_41 = tpu.vector_load %arg17[%swap3A_39, %swap3A_40] {strides = array<i32>} : memref<8x128xf32, #tpu.memory_space<vmem>>, vector<16xf32>,
    tpu.vector_store %arg17[%swap3A_39, %swap3A_40], %broadcast_in_dim3A_10 {strides = array<i32>} : memref<8x128xf32, #tpu.memory_space<vmem>>, vector<16xf32>,
    %swap3A_42 = arith.constant 1 : i32
    %swap3A_43 = arith.index_cast %swap3A_42 : i32 to index
    %swap3A_44 = arith.constant 0 : index
    %swap3A_45 = tpu.vector_load %arg17[%swap3A_43, %swap3A_44] {strides = array<i32>} : memref<8x128xf32, #tpu.memory_space<vmem>>, vector<16xf32>,
    tpu.vector_store %arg17[%swap3A_43, %swap3A_44], %broadcast_in_dim3A_10 {strides = array<i32>} : memref<8x128xf32, #tpu.memory_space<vmem>>, vector<16xf32>,
    %swap3A_46 = arith.constant 1 : i32
    %swap3A_47 = arith.index_cast %swap3A_46 : i32 to index
    %swap3A_48 = arith.constant 16 : index
    %swap3A_49 = tpu.vector_load %arg17[%swap3A_47, %swap3A_48] {strides = array<i32>} : memref<8x128xf32, #tpu.memory_space<vmem>>, vector<16xf32>,
    tpu.vector_store %arg17[%swap3A_47, %swap3A_48], %broadcast_in_dim3A_10 {strides = array<i32>} : memref<8x128xf32, #tpu.memory_space<vmem>>, vector<16xf32>,
    %swap3A_50 = arith.constant 1 : i32
    %swap3A_51 = arith.index_cast %swap3A_50 : i32 to index
    %swap3A_52 = arith.constant 32 : index
    %swap3A_53 = tpu.vector_load %arg17[%swap3A_51, %swap3A_52] {strides = array<i32>} : memref<8x128xf32, #tpu.memory_space<vmem>>, vector<16xf32>,
    tpu.vector_store %arg17[%swap3A_51, %swap3A_52], %broadcast_in_dim3A_10 {strides = array<i32>} : memref<8x128xf32, #tpu.memory_space<vmem>>, vector<16xf32>,
    %swap3A_54 = arith.constant 1 : i32
    %swap3A_55 = arith.index_cast %swap3A_54 : i32 to index
    %swap3A_56 = arith.constant 48 : index
    %swap3A_57 = tpu.vector_load %arg17[%swap3A_55, %swap3A_56] {strides = array<i32>} : memref<8x128xf32, #tpu.memory_space<vmem>>, vector<16xf32>,
    tpu.vector_store %arg17[%swap3A_55, %swap3A_56], %broadcast_in_dim3A_10 {strides = array<i32>} : memref<8x128xf32, #tpu.memory_space<vmem>>, vector<16xf32>,
    %swap3A_58 = arith.constant 1 : i32
    %swap3A_59 = arith.index_cast %swap3A_58 : i32 to index
    %swap3A_60 = arith.constant 64 : index
    %swap3A_61 = tpu.vector_load %arg17[%swap3A_59, %swap3A_60] {strides = array<i32>} : memref<8x128xf32, #tpu.memory_space<vmem>>, vector<16xf32>,
    tpu.vector_store %arg17[%swap3A_59, %swap3A_60], %broadcast_in_dim3A_10 {strides = array<i32>} : memref<8x128xf32, #tpu.memory_space<vmem>>, vector<16xf32>,
    %swap3A_62 = arith.constant 1 : i32
    %swap3A_63 = arith.index_cast %swap3A_62 : i32 to index
    %swap3A_64 = arith.constant 80 : index
    %swap3A_65 = tpu.vector_load %arg17[%swap3A_63, %swap3A_64] {strides = array<i32>} : memref<8x128xf32, #tpu.memory_space<vmem>>, vector<16xf32>,
    tpu.vector_store %arg17[%swap3A_63, %swap3A_64], %broadcast_in_dim3A_10 {strides = array<i32>} : memref<8x128xf32, #tpu.memory_space<vmem>>, vector<16xf32>,
    %swap3A_66 = arith.constant 1 : i32
    %swap3A_67 = arith.index_cast %swap3A_66 : i32 to index
    %swap3A_68 = arith.constant 96 : index
    %swap3A_69 = tpu.vector_load %arg17[%swap3A_67, %swap3A_68] {strides = array<i32>} : memref<8x128xf32, #tpu.memory_space<vmem>>, vector<16xf32>,
    tpu.vector_store %arg17[%swap3A_67, %swap3A_68], %broadcast_in_dim3A_10 {strides = array<i32>} : memref<8x128xf32, #tpu.memory_space<vmem>>, vector<16xf32>,
    %swap3A_70 = arith.constant 1 : i32
    %swap3A_71 = arith.index_cast %swap3A_70 : i32 to index
    %swap3A_72 = arith.constant 112 : index
    %swap3A_73 = tpu.vector_load %arg17[%swap3A_71, %swap3A_72] {strides = array<i32>} : memref<8x128xf32, #tpu.memory_space<vmem>>, vector<16xf32>,
    tpu.vector_store %arg17[%swap3A_71, %swap3A_72], %broadcast_in_dim3A_10 {strides = array<i32>} : memref<8x128xf32, #tpu.memory_space<vmem>>, vector<16xf32>,
    %swap3A_74 = arith.constant 2 : i32
    %swap3A_75 = arith.index_cast %swap3A_74 : i32 to index
    %swap3A_76 = arith.constant 0 : index
    %swap3A_77 = tpu.vector_load %arg17[%swap3A_75, %swap3A_76] {strides = array<i32>} : memref<8x128xf32, #tpu.memory_space<vmem>>, vector<16xf32>,
    tpu.vector_store %arg17[%swap3A_75, %swap3A_76], %broadcast_in_dim3A_10 {strides = array<i32>} : memref<8x128xf32, #tpu.memory_space<vmem>>, vector<16xf32>,
    %swap3A_78 = arith.constant 2 : i32
    %swap3A_79 = arith.index_cast %swap3A_78 : i32 to index
    %swap3A_80 = arith.constant 16 : index
    %swap3A_81 = tpu.vector_load %arg17[%swap3A_79, %swap3A_80] {strides = array<i32>} : memref<8x128xf32, #tpu.memory_space<vmem>>, vector<16xf32>,
    tpu.vector_store %arg17[%swap3A_79, %swap3A_80], %broadcast_in_dim3A_10 {strides = array<i32>} : memref<8x128xf32, #tpu.memory_space<vmem>>, vector<16xf32>,
    %swap3A_82 = arith.constant 2 : i32
    %swap3A_83 = arith.index_cast %swap3A_82 : i32 to index
    %swap3A_84 = arith.constant 32 : index
    %swap3A_85 = tpu.vector_load %arg17[%swap3A_83, %swap3A_84] {strides = array<i32>} : memref<8x128xf32, #tpu.memory_space<vmem>>, vector<16xf32>,
    tpu.vector_store %arg17[%swap3A_83, %swap3A_84], %broadcast_in_dim3A_10 {strides = array<i32>} : memref<8x128xf32, #tpu.memory_space<vmem>>, vector<16xf32>,
    %swap3A_86 = arith.constant 2 : i32
    %swap3A_87 = arith.index_cast %swap3A_86 : i32 to index
    %swap3A_88 = arith.constant 48 : index
    %swap3A_89 = tpu.vector_load %arg17[%swap3A_87, %swap3A_88] {strides = array<i32>} : memref<8x128xf32, #tpu.memory_space<vmem>>, vector<16xf32>,
    tpu.vector_store %arg17[%swap3A_87, %swap3A_88], %broadcast_in_dim3A_10 {strides = array<i32>} : memref<8x128xf32, #tpu.memory_space<vmem>>, vector<16xf32>,
    %swap3A_90 = arith.constant 2 : i32
    %swap3A_91 = arith.index_cast %swap3A_90 : i32 to index
    %swap3A_92 = arith.constant 64 : index
    %swap3A_93 = tpu.vector_load %arg17[%swap3A_91, %swap3A_92] {strides = array<i32>} : memref<8x128xf32, #tpu.memory_space<vmem>>, vector<16xf32>,
    tpu.vector_store %arg17[%swap3A_91, %swap3A_92], %broadcast_in_dim3A_10 {strides = array<i32>} : memref<8x128xf32, #tpu.memory_space<vmem>>, vector<16xf32>,
    %swap3A_94 = arith.constant 2 : i32
    %swap3A_95 = arith.index_cast %swap3A_94 : i32 to index
    %swap3A_96 = arith.constant 80 : index
    %swap3A_97 = tpu.vector_load %arg17[%swap3A_95, %swap3A_96] {strides = array<i32>} : memref<8x128xf32, #tpu.memory_space<vmem>>, vector<16xf32>,
    tpu.vector_store %arg17[%swap3A_95, %swap3A_96], %broadcast_in_dim3A_10 {strides = array<i32>} : memref<8x128xf32, #tpu.memory_space<vmem>>, vector<16xf32>,
    %swap3A_98 = arith.constant 2 : i32
    %swap3A_99 = arith.index_cast %swap3A_98 : i32 to index
    %swap3A_100 = arith.constant 96 : index
    %swap3A_101 = tpu.vector_load %arg17[%swap3A_99, %swap3A_100] {strides = array<i32>} : memref<8x128xf32, #tpu.memory_space<vmem>>, vector<16xf32>,
    tpu.vector_store %arg17[%swap3A_99, %swap3A_100], %broadcast_in_dim3A_10 {strides = array<i32>} : memref<8x128xf32, #tpu.memory_space<vmem>>, vector<16xf32>,
    %swap3A_102 = arith.constant 2 : i32
    %swap3A_103 = arith.index_cast %swap3A_102 : i32 to index
    %swap3A_104 = arith.constant 112 : index
    %swap3A_105 = tpu.vector_load %arg17[%swap3A_103, %swap3A_104] {strides = array<i32>} : memref<8x128xf32, #tpu.memory_space<vmem>>, vector<16xf32>,
    tpu.vector_store %arg17[%swap3A_103, %swap3A_104], %broadcast_in_dim3A_10 {strides = array<i32>} : memref<8x128xf32, #tpu.memory_space<vmem>>, vector<16xf32>,
    %swap3A_106 = arith.constant 3 : i32
    %swap3A_107 = arith.index_cast %swap3A_106 : i32 to index
    %swap3A_108 = arith.constant 0 : index
    %swap3A_109 = tpu.vector_load %arg17[%swap3A_107, %swap3A_108] {strides = array<i32>} : memref<8x128xf32, #tpu.memory_space<vmem>>, vector<16xf32>,
    tpu.vector_store %arg17[%swap3A_107, %swap3A_108], %broadcast_in_dim3A_10 {strides = array<i32>} : memref<8x128xf32, #tpu.memory_space<vmem>>, vector<16xf32>,
    %swap3A_110 = arith.constant 3 : i32
    %swap3A_111 = arith.index_cast %swap3A_110 : i32 to index
    %swap3A_112 = arith.constant 16 : index
    %swap3A_113 = tpu.vector_load %arg17[%swap3A_111, %swap3A_112] {strides = array<i32>} : memref<8x128xf32, #tpu.memory_space<vmem>>, vector<16xf32>,
    tpu.vector_store %arg17[%swap3A_111, %swap3A_112], %broadcast_in_dim3A_10 {strides = array<i32>} : memref<8x128xf32, #tpu.memory_space<vmem>>, vector<16xf32>,
    %swap3A_114 = arith.constant 3 : i32
    %swap3A_115 = arith.index_cast %swap3A_114 : i32 to index
    %swap3A_116 = arith.constant 32 : index
    %swap3A_117 = tpu.vector_load %arg17[%swap3A_115, %swap3A_116] {strides = array<i32>} : memref<8x128xf32, #tpu.memory_space<vmem>>, vector<16xf32>,
    tpu.vector_store %arg17[%swap3A_115, %swap3A_116], %broadcast_in_dim3A_10 {strides = array<i32>} : memref<8x128xf32, #tpu.memory_space<vmem>>, vector<16xf32>,
    %swap3A_118 = arith.constant 3 : i32
    %swap3A_119 = arith.index_cast %swap3A_118 : i32 to index
    %swap3A_120 = arith.constant 48 : index
    %swap3A_121 = tpu.vector_load %arg17[%swap3A_119, %swap3A_120] {strides = array<i32>} : memref<8x128xf32, #tpu.memory_space<vmem>>, vector<16xf32>,
    tpu.vector_store %arg17[%swap3A_119, %swap3A_120], %broadcast_in_dim3A_10 {strides = array<i32>} : memref<8x128xf32, #tpu.memory_space<vmem>>, vector<16xf32>,
    %swap3A_122 = arith.constant 3 : i32
    %swap3A_123 = arith.index_cast %swap3A_122 : i32 to index
    %swap3A_124 = arith.constant 64 : index
    %swap3A_125 = tpu.vector_load %arg17[%swap3A_123, %swap3A_124] {strides = array<i32>} : memref<8x128xf32, #tpu.memory_space<vmem>>, vector<16xf32>,
    tpu.vector_store %arg17[%swap3A_123, %swap3A_124], %broadcast_in_dim3A_10 {strides = array<i32>} : memref<8x128xf32, #tpu.memory_space<vmem>>, vector<16xf32>,
    %swap3A_126 = arith.constant 3 : i32
    %swap3A_127 = arith.index_cast %swap3A_126 : i32 to index
    %swap3A_128 = arith.constant 80 : index
    %swap3A_129 = tpu.vector_load %arg17[%swap3A_127, %swap3A_128] {strides = array<i32>} : memref<8x128xf32, #tpu.memory_space<vmem>>, vector<16xf32>,
    tpu.vector_store %arg17[%swap3A_127, %swap3A_128], %broadcast_in_dim3A_10 {strides = array<i32>} : memref<8x128xf32, #tpu.memory_space<vmem>>, vector<16xf32>,
    %swap3A_130 = arith.constant 3 : i32
    %swap3A_131 = arith.index_cast %swap3A_130 : i32 to index
    %swap3A_132 = arith.constant 96 : index
    %swap3A_133 = tpu.vector_load %arg17[%swap3A_131, %swap3A_132] {strides = array<i32>} : memref<8x128xf32, #tpu.memory_space<vmem>>, vector<16xf32>,
    tpu.vector_store %arg17[%swap3A_131, %swap3A_132], %broadcast_in_dim3A_10 {strides = array<i32>} : memref<8x128xf32, #tpu.memory_space<vmem>>, vector<16xf32>,
    %swap3A_134 = arith.constant 3 : i32
    %swap3A_135 = arith.index_cast %swap3A_134 : i32 to index
    %swap3A_136 = arith.constant 112 : index
    %swap3A_137 = tpu.vector_load %arg17[%swap3A_135, %swap3A_136] {strides = array<i32>} : memref<8x128xf32, #tpu.memory_space<vmem>>, vector<16xf32>,
    tpu.vector_store %arg17[%swap3A_135, %swap3A_136], %broadcast_in_dim3A_10 {strides = array<i32>} : memref<8x128xf32, #tpu.memory_space<vmem>>, vector<16xf32>,
    %swap3A_138 = arith.constant 4 : i32
    %swap3A_139 = arith.index_cast %swap3A_138 : i32 to index
    %swap3A_140 = arith.constant 0 : index
    %swap3A_141 = tpu.vector_load %arg17[%swap3A_139, %swap3A_140] {strides = array<i32>} : memref<8x128xf32, #tpu.memory_space<vmem>>, vector<16xf32>,
    tpu.vector_store %arg17[%swap3A_139, %swap3A_140], %broadcast_in_dim3A_10 {strides = array<i32>} : memref<8x128xf32, #tpu.memory_space<vmem>>, vector<16xf32>,
    %swap3A_142 = arith.constant 4 : i32
    %swap3A_143 = arith.index_cast %swap3A_142 : i32 to index
    %swap3A_144 = arith.constant 16 : index
    %swap3A_145 = tpu.vector_load %arg17[%swap3A_143, %swap3A_144] {strides = array<i32>} : memref<8x128xf32, #tpu.memory_space<vmem>>, vector<16xf32>,
    tpu.vector_store %arg17[%swap3A_143, %swap3A_144], %broadcast_in_dim3A_10 {strides = array<i32>} : memref<8x128xf32, #tpu.memory_space<vmem>>, vector<16xf32>,
    %swap3A_146 = arith.constant 4 : i32
    %swap3A_147 = arith.index_cast %swap3A_146 : i32 to index
    %swap3A_148 = arith.constant 32 : index
    %swap3A_149 = tpu.vector_load %arg17[%swap3A_147, %swap3A_148] {strides = array<i32>} : memref<8x128xf32, #tpu.memory_space<vmem>>, vector<16xf32>,
    tpu.vector_store %arg17[%swap3A_147, %swap3A_148], %broadcast_in_dim3A_10 {strides = array<i32>} : memref<8x128xf32, #tpu.memory_space<vmem>>, vector<16xf32>,
    %swap3A_150 = arith.constant 4 : i32
    %swap3A_151 = arith.index_cast %swap3A_150 : i32 to index
    %swap3A_152 = arith.constant 48 : index
    %swap3A_153 = tpu.vector_load %arg17[%swap3A_151, %swap3A_152] {strides = array<i32>} : memref<8x128xf32, #tpu.memory_space<vmem>>, vector<16xf32>,
    tpu.vector_store %arg17[%swap3A_151, %swap3A_152], %broadcast_in_dim3A_10 {strides = array<i32>} : memref<8x128xf32, #tpu.memory_space<vmem>>, vector<16xf32>,
    %swap3A_154 = arith.constant 4 : i32
    %swap3A_155 = arith.index_cast %swap3A_154 : i32 to index
    %swap3A_156 = arith.constant 64 : index
    %swap3A_157 = tpu.vector_load %arg17[%swap3A_155, %swap3A_156] {strides = array<i32>} : memref<8x128xf32, #tpu.memory_space<vmem>>, vector<16xf32>,
    tpu.vector_store %arg17[%swap3A_155, %swap3A_156], %broadcast_in_dim3A_10 {strides = array<i32>} : memref<8x128xf32, #tpu.memory_space<vmem>>, vector<16xf32>,
    %swap3A_158 = arith.constant 4 : i32
    %swap3A_159 = arith.index_cast %swap3A_158 : i32 to index
    %swap3A_160 = arith.constant 80 : index
    %swap3A_161 = tpu.vector_load %arg17[%swap3A_159, %swap3A_160] {strides = array<i32>} : memref<8x128xf32, #tpu.memory_space<vmem>>, vector<16xf32>,
    tpu.vector_store %arg17[%swap3A_159, %swap3A_160], %broadcast_in_dim3A_10 {strides = array<i32>} : memref<8x128xf32, #tpu.memory_space<vmem>>, vector<16xf32>,
    %swap3A_162 = arith.constant 4 : i32
    %swap3A_163 = arith.index_cast %swap3A_162 : i32 to index
    %swap3A_164 = arith.constant 96 : index
    %swap3A_165 = tpu.vector_load %arg17[%swap3A_163, %swap3A_164] {strides = array<i32>} : memref<8x128xf32, #tpu.memory_space<vmem>>, vector<16xf32>,
    tpu.vector_store %arg17[%swap3A_163, %swap3A_164], %broadcast_in_dim3A_10 {strides = array<i32>} : memref<8x128xf32, #tpu.memory_space<vmem>>, vector<16xf32>,
    %swap3A_166 = arith.constant 4 : i32
    %swap3A_167 = arith.index_cast %swap3A_166 : i32 to index
    %swap3A_168 = arith.constant 112 : index
    %swap3A_169 = tpu.vector_load %arg17[%swap3A_167, %swap3A_168] {strides = array<i32>} : memref<8x128xf32, #tpu.memory_space<vmem>>, vector<16xf32>,
    tpu.vector_store %arg17[%swap3A_167, %swap3A_168], %broadcast_in_dim3A_10 {strides = array<i32>} : memref<8x128xf32, #tpu.memory_space<vmem>>, vector<16xf32>,
    %swap3A_170 = arith.constant 5 : i32
    %swap3A_171 = arith.index_cast %swap3A_170 : i32 to index
    %swap3A_172 = arith.constant 0 : index
    %swap3A_173 = tpu.vector_load %arg17[%swap3A_171, %swap3A_172] {strides = array<i32>} : memref<8x128xf32, #tpu.memory_space<vmem>>, vector<16xf32>,
    tpu.vector_store %arg17[%swap3A_171, %swap3A_172], %broadcast_in_dim3A_10 {strides = array<i32>} : memref<8x128xf32, #tpu.memory_space<vmem>>, vector<16xf32>,
    %swap3A_174 = arith.constant 5 : i32
    %swap3A_175 = arith.index_cast %swap3A_174 : i32 to index
    %swap3A_176 = arith.constant 16 : index
    %swap3A_177 = tpu.vector_load %arg17[%swap3A_175, %swap3A_176] {strides = array<i32>} : memref<8x128xf32, #tpu.memory_space<vmem>>, vector<16xf32>,
    tpu.vector_store %arg17[%swap3A_175, %swap3A_176], %broadcast_in_dim3A_10 {strides = array<i32>} : memref<8x128xf32, #tpu.memory_space<vmem>>, vector<16xf32>,
    %swap3A_178 = arith.constant 5 : i32
    %swap3A_179 = arith.index_cast %swap3A_178 : i32 to index
    %swap3A_180 = arith.constant 32 : index
    %swap3A_181 = tpu.vector_load %arg17[%swap3A_179, %swap3A_180] {strides = array<i32>} : memref<8x128xf32, #tpu.memory_space<vmem>>, vector<16xf32>,
    tpu.vector_store %arg17[%swap3A_179, %swap3A_180], %broadcast_in_dim3A_10 {strides = array<i32>} : memref<8x128xf32, #tpu.memory_space<vmem>>, vector<16xf32>,
    %swap3A_182 = arith.constant 5 : i32
    %swap3A_183 = arith.index_cast %swap3A_182 : i32 to index
    %swap3A_184 = arith.constant 48 : index
    %swap3A_185 = tpu.vector_load %arg17[%swap3A_183, %swap3A_184] {strides = array<i32>} : memref<8x128xf32, #tpu.memory_space<vmem>>, vector<16xf32>,
    tpu.vector_store %arg17[%swap3A_183, %swap3A_184], %broadcast_in_dim3A_10 {strides = array<i32>} : memref<8x128xf32, #tpu.memory_space<vmem>>, vector<16xf32>,
    %swap3A_186 = arith.constant 5 : i32
    %swap3A_187 = arith.index_cast %swap3A_186 : i32 to index
    %swap3A_188 = arith.constant 64 : index
    %swap3A_189 = tpu.vector_load %arg17[%swap3A_187, %swap3A_188] {strides = array<i32>} : memref<8x128xf32, #tpu.memory_space<vmem>>, vector<16xf32>,
    tpu.vector_store %arg17[%swap3A_187, %swap3A_188], %broadcast_in_dim3A_10 {strides = array<i32>} : memref<8x128xf32, #tpu.memory_space<vmem>>, vector<16xf32>,
    %swap3A_190 = arith.constant 5 : i32
    %swap3A_191 = arith.index_cast %swap3A_190 : i32 to index
    %swap3A_192 = arith.constant 80 : index
    %swap3A_193 = tpu.vector_load %arg17[%swap3A_191, %swap3A_192] {strides = array<i32>} : memref<8x128xf32, #tpu.memory_space<vmem>>, vector<16xf32>,
    tpu.vector_store %arg17[%swap3A_191, %swap3A_192], %broadcast_in_dim3A_10 {strides = array<i32>} : memref<8x128xf32, #tpu.memory_space<vmem>>, vector<16xf32>,
    %swap3A_194 = arith.constant 5 : i32
    %swap3A_195 = arith.index_cast %swap3A_194 : i32 to index
    %swap3A_196 = arith.constant 96 : index
    %swap3A_197 = tpu.vector_load %arg17[%swap3A_195, %swap3A_196] {strides = array<i32>} : memref<8x128xf32, #tpu.memory_space<vmem>>, vector<16xf32>,
    tpu.vector_store %arg17[%swap3A_195, %swap3A_196], %broadcast_in_dim3A_10 {strides = array<i32>} : memref<8x128xf32, #tpu.memory_space<vmem>>, vector<16xf32>,
    %swap3A_198 = arith.constant 5 : i32
    %swap3A_199 = arith.index_cast %swap3A_198 : i32 to index
    %swap3A_200 = arith.constant 112 : index
    %swap3A_201 = tpu.vector_load %arg17[%swap3A_199, %swap3A_200] {strides = array<i32>} : memref<8x128xf32, #tpu.memory_space<vmem>>, vector<16xf32>,
    tpu.vector_store %arg17[%swap3A_199, %swap3A_200], %broadcast_in_dim3A_10 {strides = array<i32>} : memref<8x128xf32, #tpu.memory_space<vmem>>, vector<16xf32>,
    %swap3A_202 = arith.constant 6 : i32
    %swap3A_203 = arith.index_cast %swap3A_202 : i32 to index
    %swap3A_204 = arith.constant 0 : index
    %swap3A_205 = tpu.vector_load %arg17[%swap3A_203, %swap3A_204] {strides = array<i32>} : memref<8x128xf32, #tpu.memory_space<vmem>>, vector<16xf32>,
    tpu.vector_store %arg17[%swap3A_203, %swap3A_204], %broadcast_in_dim3A_10 {strides = array<i32>} : memref<8x128xf32, #tpu.memory_space<vmem>>, vector<16xf32>,
    %swap3A_206 = arith.constant 6 : i32
    %swap3A_207 = arith.index_cast %swap3A_206 : i32 to index
    %swap3A_208 = arith.constant 16 : index
    %swap3A_209 = tpu.vector_load %arg17[%swap3A_207, %swap3A_208] {strides = array<i32>} : memref<8x128xf32, #tpu.memory_space<vmem>>, vector<16xf32>,
    tpu.vector_store %arg17[%swap3A_207, %swap3A_208], %broadcast_in_dim3A_10 {strides = array<i32>} : memref<8x128xf32, #tpu.memory_space<vmem>>, vector<16xf32>,
    %swap3A_210 = arith.constant 6 : i32
    %swap3A_211 = arith.index_cast %swap3A_210 : i32 to index
    %swap3A_212 = arith.constant 32 : index
    %swap3A_213 = tpu.vector_load %arg17[%swap3A_211, %swap3A_212] {strides = array<i32>} : memref<8x128xf32, #tpu.memory_space<vmem>>, vector<16xf32>,
    tpu.vector_store %arg17[%swap3A_211, %swap3A_212], %broadcast_in_dim3A_10 {strides = array<i32>} : memref<8x128xf32, #tpu.memory_space<vmem>>, vector<16xf32>,
    %swap3A_214 = arith.constant 6 : i32
    %swap3A_215 = arith.index_cast %swap3A_214 : i32 to index
    %swap3A_216 = arith.constant 48 : index
    %swap3A_217 = tpu.vector_load %arg17[%swap3A_215, %swap3A_216] {strides = array<i32>} : memref<8x128xf32, #tpu.memory_space<vmem>>, vector<16xf32>,
    tpu.vector_store %arg17[%swap3A_215, %swap3A_216], %broadcast_in_dim3A_10 {strides = array<i32>} : memref<8x128xf32, #tpu.memory_space<vmem>>, vector<16xf32>,
    %swap3A_218 = arith.constant 6 : i32
    %swap3A_219 = arith.index_cast %swap3A_218 : i32 to index
    %swap3A_220 = arith.constant 64 : index
    %swap3A_221 = tpu.vector_load %arg17[%swap3A_219, %swap3A_220] {strides = array<i32>} : memref<8x128xf32, #tpu.memory_space<vmem>>, vector<16xf32>,
    tpu.vector_store %arg17[%swap3A_219, %swap3A_220], %broadcast_in_dim3A_10 {strides = array<i32>} : memref<8x128xf32, #tpu.memory_space<vmem>>, vector<16xf32>,
    %swap3A_222 = arith.constant 6 : i32
    %swap3A_223 = arith.index_cast %swap3A_222 : i32 to index
    %swap3A_224 = arith.constant 80 : index
    %swap3A_225 = tpu.vector_load %arg17[%swap3A_223, %swap3A_224] {strides = array<i32>} : memref<8x128xf32, #tpu.memory_space<vmem>>, vector<16xf32>,
    tpu.vector_store %arg17[%swap3A_223, %swap3A_224], %broadcast_in_dim3A_10 {strides = array<i32>} : memref<8x128xf32, #tpu.memory_space<vmem>>, vector<16xf32>,
    %swap3A_226 = arith.constant 6 : i32
    %swap3A_227 = arith.index_cast %swap3A_226 : i32 to index
    %swap3A_228 = arith.constant 96 : index
    %swap3A_229 = tpu.vector_load %arg17[%swap3A_227, %swap3A_228] {strides = array<i32>} : memref<8x128xf32, #tpu.memory_space<vmem>>, vector<16xf32>,
    tpu.vector_store %arg17[%swap3A_227, %swap3A_228], %broadcast_in_dim3A_10 {strides = array<i32>} : memref<8x128xf32, #tpu.memory_space<vmem>>, vector<16xf32>,
    %swap3A_230 = arith.constant 6 : i32
    %swap3A_231 = arith.index_cast %swap3A_230 : i32 to index
    %swap3A_232 = arith.constant 112 : index
    %swap3A_233 = tpu.vector_load %arg17[%swap3A_231, %swap3A_232] {strides = array<i32>} : memref<8x128xf32, #tpu.memory_space<vmem>>, vector<16xf32>,
    tpu.vector_store %arg17[%swap3A_231, %swap3A_232], %broadcast_in_dim3A_10 {strides = array<i32>} : memref<8x128xf32, #tpu.memory_space<vmem>>, vector<16xf32>,
    %swap3A_234 = arith.constant 7 : i32
    %swap3A_235 = arith.index_cast %swap3A_234 : i32 to index
    %swap3A_236 = arith.constant 0 : index
    %swap3A_237 = tpu.vector_load %arg17[%swap3A_235, %swap3A_236] {strides = array<i32>} : memref<8x128xf32, #tpu.memory_space<vmem>>, vector<16xf32>,
    tpu.vector_store %arg17[%swap3A_235, %swap3A_236], %broadcast_in_dim3A_10 {strides = array<i32>} : memref<8x128xf32, #tpu.memory_space<vmem>>, vector<16xf32>,
    %swap3A_238 = arith.constant 7 : i32
    %swap3A_239 = arith.index_cast %swap3A_238 : i32 to index
    %swap3A_240 = arith.constant 16 : index
    %swap3A_241 = tpu.vector_load %arg17[%swap3A_239, %swap3A_240] {strides = array<i32>} : memref<8x128xf32, #tpu.memory_space<vmem>>, vector<16xf32>,
    tpu.vector_store %arg17[%swap3A_239, %swap3A_240], %broadcast_in_dim3A_10 {strides = array<i32>} : memref<8x128xf32, #tpu.memory_space<vmem>>, vector<16xf32>,
    %swap3A_242 = arith.constant 7 : i32
    %swap3A_243 = arith.index_cast %swap3A_242 : i32 to index
    %swap3A_244 = arith.constant 32 : index
    %swap3A_245 = tpu.vector_load %arg17[%swap3A_243, %swap3A_244] {strides = array<i32>} : memref<8x128xf32, #tpu.memory_space<vmem>>, vector<16xf32>,
    tpu.vector_store %arg17[%swap3A_243, %swap3A_244], %broadcast_in_dim3A_10 {strides = array<i32>} : memref<8x128xf32, #tpu.memory_space<vmem>>, vector<16xf32>,
    %swap3A_246 = arith.constant 7 : i32
    %swap3A_247 = arith.index_cast %swap3A_246 : i32 to index
    %swap3A_248 = arith.constant 48 : index
    %swap3A_249 = tpu.vector_load %arg17[%swap3A_247, %swap3A_248] {strides = array<i32>} : memref<8x128xf32, #tpu.memory_space<vmem>>, vector<16xf32>,
    tpu.vector_store %arg17[%swap3A_247, %swap3A_248], %broadcast_in_dim3A_10 {strides = array<i32>} : memref<8x128xf32, #tpu.memory_space<vmem>>, vector<16xf32>,
    %swap3A_250 = arith.constant 7 : i32
    %swap3A_251 = arith.index_cast %swap3A_250 : i32 to index
    %swap3A_252 = arith.constant 64 : index
    %swap3A_253 = tpu.vector_load %arg17[%swap3A_251, %swap3A_252] {strides = array<i32>} : memref<8x128xf32, #tpu.memory_space<vmem>>, vector<16xf32>,
    tpu.vector_store %arg17[%swap3A_251, %swap3A_252], %broadcast_in_dim3A_10 {strides = array<i32>} : memref<8x128xf32, #tpu.memory_space<vmem>>, vector<16xf32>,
    %swap3A_254 = arith.constant 7 : i32
    %swap3A_255 = arith.index_cast %swap3A_254 : i32 to index
    %swap3A_256 = arith.constant 80 : index
    %swap3A_257 = tpu.vector_load %arg17[%swap3A_255, %swap3A_256] {strides = array<i32>} : memref<8x128xf32, #tpu.memory_space<vmem>>, vector<16xf32>,
    tpu.vector_store %arg17[%swap3A_255, %swap3A_256], %broadcast_in_dim3A_10 {strides = array<i32>} : memref<8x128xf32, #tpu.memory_space<vmem>>, vector<16xf32>,
    %swap3A_258 = arith.constant 7 : i32
    %swap3A_259 = arith.index_cast %swap3A_258 : i32 to index
    %swap3A_260 = arith.constant 96 : index
    %swap3A_261 = tpu.vector_load %arg17[%swap3A_259, %swap3A_260] {strides = array<i32>} : memref<8x128xf32, #tpu.memory_space<vmem>>, vector<16xf32>,
    tpu.vector_store %arg17[%swap3A_259, %swap3A_260], %broadcast_in_dim3A_10 {strides = array<i32>} : memref<8x128xf32, #tpu.memory_space<vmem>>, vector<16xf32>,
    %swap3A_262 = arith.constant 7 : i32
    %swap3A_263 = arith.index_cast %swap3A_262 : i32 to index
    %swap3A_264 = arith.constant 112 : index
    %swap3A_265 = tpu.vector_load %arg17[%swap3A_263, %swap3A_264] {strides = array<i32>} : memref<8x128xf32, #tpu.memory_space<vmem>>, vector<16xf32>,
    tpu.vector_store %arg17[%swap3A_263, %swap3A_264], %broadcast_in_dim3A_10 {strides = array<i32>} : memref<8x128xf32, #tpu.memory_space<vmem>>, vector<16xf32>,
    %scan3A = arith.constant 0 : i32
    %scan3A_266 = arith.constant 0 : i32
    %scan3A_267 = arith.constant 0 : i32
    %scan3A_268 = arith.constant 25 : i32
    %scan3A_269 = arith.addi %scan3A_267, %scan3A_268 : i32
    %scan3A_270 = arith.constant 1 : i32
    %scan3A_271:2 = scf.for %scan3A_344 = %scan3A_267 to %scan3A_269 step %scan3A_270 iter_args(%scan3A_345 = %scan3A, %scan3A_346 = %scan3A_266) -> (i32, i32)  : i32 {
      %broadcast_in_dim3A_347 = arith.constant 0 : i32
      %broadcast_in_dim3A_348 = vector.broadcast %broadcast_in_dim3A_347 : i32 to vector<16xi32>
      %broadcast_in_dim3A_349 = arith.constant 0 : i32
      %broadcast_in_dim3A_350 = vector.broadcast %broadcast_in_dim3A_349 : i32 to vector<16xi32>
      %gt3A = arith.cmpi sgt, %broadcast_in_dim3A_348, %broadcast_in_dim3A_350 : vector<16xi32>
      %mul3A_351 = arith.constant 25 : i32
      %mul3A_352 = arith.muli %scan3A_344, %mul3A_351 : i32
      %add3A_353 = arith.constant 0 : i32
      %add3A_354 = arith.addi %mul3A_352, %add3A_353 : i32
      %mul3A_355 = arith.constant 16 : i32
      %mul3A_356 = arith.muli %add3A_354, %mul3A_355 : i32
      %get3A_357 = arith.index_cast %mul3A_356 : i32 to index
      %get3A_358 = tpu.vector_load %arg9[%get3A_357] {strides = array<i32>} : memref<10000xi32, #tpu.memory_space<vmem>>, vector<16xi32>,
      %eq3A_359 = arith.cmpi eq, %get3A_358, %get3A_5 : vector<16xi32>
      %or3A = arith.ori %gt3A, %eq3A_359 : vector<16xi1>
      %eq3A_360 = arith.cmpi eq, %get3A_358, %get3A_9 : vector<16xi32>
      %or3A_361 = arith.ori %or3A, %eq3A_360 : vector<16xi1>
      %mul3A_362 = arith.constant 25 : i32
      %mul3A_363 = arith.muli %scan3A_344, %mul3A_362 : i32
      %add3A_364 = arith.constant 1 : i32
      %add3A_365 = arith.addi %mul3A_363, %add3A_364 : i32
      %mul3A_366 = arith.constant 16 : i32
      %mul3A_367 = arith.muli %add3A_365, %mul3A_366 : i32
      %get3A_368 = arith.index_cast %mul3A_367 : i32 to index
      %get3A_369 = tpu.vector_load %arg9[%get3A_368] {strides = array<i32>} : memref<10000xi32, #tpu.memory_space<vmem>>, vector<16xi32>,
      %eq3A_370 = arith.cmpi eq, %get3A_369, %get3A_5 : vector<16xi32>
      %or3A_371 = arith.ori %or3A_361, %eq3A_370 : vector<16xi1>
      %eq3A_372 = arith.cmpi eq, %get3A_369, %get3A_9 : vector<16xi32>
      %or3A_373 = arith.ori %or3A_371, %eq3A_372 : vector<16xi1>
      %mul3A_374 = arith.constant 25 : i32
      %mul3A_375 = arith.muli %scan3A_344, %mul3A_374 : i32
      %add3A_376 = arith.constant 2 : i32
      %add3A_377 = arith.addi %mul3A_375, %add3A_376 : i32
      %mul3A_378 = arith.constant 16 : i32
      %mul3A_379 = arith.muli %add3A_377, %mul3A_378 : i32
      %get3A_380 = arith.index_cast %mul3A_379 : i32 to index
      %get3A_381 = tpu.vector_load %arg9[%get3A_380] {strides = array<i32>} : memref<10000xi32, #tpu.memory_space<vmem>>, vector<16xi32>,
      %eq3A_382 = arith.cmpi eq, %get3A_381, %get3A_5 : vector<16xi32>
      %or3A_383 = arith.ori %or3A_373, %eq3A_382 : vector<16xi1>
      %eq3A_384 = arith.cmpi eq, %get3A_381, %get3A_9 : vector<16xi32>
      %or3A_385 = arith.ori %or3A_383, %eq3A_384 : vector<16xi1>
      %mul3A_386 = arith.constant 25 : i32
      %mul3A_387 = arith.muli %scan3A_344, %mul3A_386 : i32
      %add3A_388 = arith.constant 3 : i32
      %add3A_389 = arith.addi %mul3A_387, %add3A_388 : i32
      %mul3A_390 = arith.constant 16 : i32
      %mul3A_391 = arith.muli %add3A_389, %mul3A_390 : i32
      %get3A_392 = arith.index_cast %mul3A_391 : i32 to index
      %get3A_393 = tpu.vector_load %arg9[%get3A_392] {strides = array<i32>} : memref<10000xi32, #tpu.memory_space<vmem>>, vector<16xi32>,
      %eq3A_394 = arith.cmpi eq, %get3A_393, %get3A_5 : vector<16xi32>
      %or3A_395 = arith.ori %or3A_385, %eq3A_394 : vector<16xi1>
      %eq3A_396 = arith.cmpi eq, %get3A_393, %get3A_9 : vector<16xi32>
      %or3A_397 = arith.ori %or3A_395, %eq3A_396 : vector<16xi1>
      %mul3A_398 = arith.constant 25 : i32
      %mul3A_399 = arith.muli %scan3A_344, %mul3A_398 : i32
      %add3A_400 = arith.constant 4 : i32
      %add3A_401 = arith.addi %mul3A_399, %add3A_400 : i32
      %mul3A_402 = arith.constant 16 : i32
      %mul3A_403 = arith.muli %add3A_401, %mul3A_402 : i32
      %get3A_404 = arith.index_cast %mul3A_403 : i32 to index
      %get3A_405 = tpu.vector_load %arg9[%get3A_404] {strides = array<i32>} : memref<10000xi32, #tpu.memory_space<vmem>>, vector<16xi32>,
      %eq3A_406 = arith.cmpi eq, %get3A_405, %get3A_5 : vector<16xi32>
      %or3A_407 = arith.ori %or3A_397, %eq3A_406 : vector<16xi1>
      %eq3A_408 = arith.cmpi eq, %get3A_405, %get3A_9 : vector<16xi32>
      %or3A_409 = arith.ori %or3A_407, %eq3A_408 : vector<16xi1>
      %mul3A_410 = arith.constant 25 : i32
      %mul3A_411 = arith.muli %scan3A_344, %mul3A_410 : i32
      %add3A_412 = arith.constant 5 : i32
      %add3A_413 = arith.addi %mul3A_411, %add3A_412 : i32
      %mul3A_414 = arith.constant 16 : i32
      %mul3A_415 = arith.muli %add3A_413, %mul3A_414 : i32
      %get3A_416 = arith.index_cast %mul3A_415 : i32 to index
      %get3A_417 = tpu.vector_load %arg9[%get3A_416] {strides = array<i32>} : memref<10000xi32, #tpu.memory_space<vmem>>, vector<16xi32>,
      %eq3A_418 = arith.cmpi eq, %get3A_417, %get3A_5 : vector<16xi32>
      %or3A_419 = arith.ori %or3A_409, %eq3A_418 : vector<16xi1>
      %eq3A_420 = arith.cmpi eq, %get3A_417, %get3A_9 : vector<16xi32>
      %or3A_421 = arith.ori %or3A_419, %eq3A_420 : vector<16xi1>
      %mul3A_422 = arith.constant 25 : i32
      %mul3A_423 = arith.muli %scan3A_344, %mul3A_422 : i32
      %add3A_424 = arith.constant 6 : i32
      %add3A_425 = arith.addi %mul3A_423, %add3A_424 : i32
      %mul3A_426 = arith.constant 16 : i32
      %mul3A_427 = arith.muli %add3A_425, %mul3A_426 : i32
      %get3A_428 = arith.index_cast %mul3A_427 : i32 to index
      %get3A_429 = tpu.vector_load %arg9[%get3A_428] {strides = array<i32>} : memref<10000xi32, #tpu.memory_space<vmem>>, vector<16xi32>,
      %eq3A_430 = arith.cmpi eq, %get3A_429, %get3A_5 : vector<16xi32>
      %or3A_431 = arith.ori %or3A_421, %eq3A_430 : vector<16xi1>
      %eq3A_432 = arith.cmpi eq, %get3A_429, %get3A_9 : vector<16xi32>
      %or3A_433 = arith.ori %or3A_431, %eq3A_432 : vector<16xi1>
      %mul3A_434 = arith.constant 25 : i32
      %mul3A_435 = arith.muli %scan3A_344, %mul3A_434 : i32
      %add3A_436 = arith.constant 7 : i32
      %add3A_437 = arith.addi %mul3A_435, %add3A_436 : i32
      %mul3A_438 = arith.constant 16 : i32
      %mul3A_439 = arith.muli %add3A_437, %mul3A_438 : i32
      %get3A_440 = arith.index_cast %mul3A_439 : i32 to index
      %get3A_441 = tpu.vector_load %arg9[%get3A_440] {strides = array<i32>} : memref<10000xi32, #tpu.memory_space<vmem>>, vector<16xi32>,
      %eq3A_442 = arith.cmpi eq, %get3A_441, %get3A_5 : vector<16xi32>
      %or3A_443 = arith.ori %or3A_433, %eq3A_442 : vector<16xi1>
      %eq3A_444 = arith.cmpi eq, %get3A_441, %get3A_9 : vector<16xi32>
      %or3A_445 = arith.ori %or3A_443, %eq3A_444 : vector<16xi1>
      %mul3A_446 = arith.constant 25 : i32
      %mul3A_447 = arith.muli %scan3A_344, %mul3A_446 : i32
      %add3A_448 = arith.constant 8 : i32
      %add3A_449 = arith.addi %mul3A_447, %add3A_448 : i32
      %mul3A_450 = arith.constant 16 : i32
      %mul3A_451 = arith.muli %add3A_449, %mul3A_450 : i32
      %get3A_452 = arith.index_cast %mul3A_451 : i32 to index
      %get3A_453 = tpu.vector_load %arg9[%get3A_452] {strides = array<i32>} : memref<10000xi32, #tpu.memory_space<vmem>>, vector<16xi32>,
      %eq3A_454 = arith.cmpi eq, %get3A_453, %get3A_5 : vector<16xi32>
      %or3A_455 = arith.ori %or3A_445, %eq3A_454 : vector<16xi1>
      %eq3A_456 = arith.cmpi eq, %get3A_453, %get3A_9 : vector<16xi32>
      %or3A_457 = arith.ori %or3A_455, %eq3A_456 : vector<16xi1>
      %mul3A_458 = arith.constant 25 : i32
      %mul3A_459 = arith.muli %scan3A_344, %mul3A_458 : i32
      %add3A_460 = arith.constant 9 : i32
      %add3A_461 = arith.addi %mul3A_459, %add3A_460 : i32
      %mul3A_462 = arith.constant 16 : i32
      %mul3A_463 = arith.muli %add3A_461, %mul3A_462 : i32
      %get3A_464 = arith.index_cast %mul3A_463 : i32 to index
      %get3A_465 = tpu.vector_load %arg9[%get3A_464] {strides = array<i32>} : memref<10000xi32, #tpu.memory_space<vmem>>, vector<16xi32>,
      %eq3A_466 = arith.cmpi eq, %get3A_465, %get3A_5 : vector<16xi32>
      %or3A_467 = arith.ori %or3A_457, %eq3A_466 : vector<16xi1>
      %eq3A_468 = arith.cmpi eq, %get3A_465, %get3A_9 : vector<16xi32>
      %or3A_469 = arith.ori %or3A_467, %eq3A_468 : vector<16xi1>
      %mul3A_470 = arith.constant 25 : i32
      %mul3A_471 = arith.muli %scan3A_344, %mul3A_470 : i32
      %add3A_472 = arith.constant 10 : i32
      %add3A_473 = arith.addi %mul3A_471, %add3A_472 : i32
      %mul3A_474 = arith.constant 16 : i32
      %mul3A_475 = arith.muli %add3A_473, %mul3A_474 : i32
      %get3A_476 = arith.index_cast %mul3A_475 : i32 to index
      %get3A_477 = tpu.vector_load %arg9[%get3A_476] {strides = array<i32>} : memref<10000xi32, #tpu.memory_space<vmem>>, vector<16xi32>,
      %eq3A_478 = arith.cmpi eq, %get3A_477, %get3A_5 : vector<16xi32>
      %or3A_479 = arith.ori %or3A_469, %eq3A_478 : vector<16xi1>
      %eq3A_480 = arith.cmpi eq, %get3A_477, %get3A_9 : vector<16xi32>
      %or3A_481 = arith.ori %or3A_479, %eq3A_480 : vector<16xi1>
      %mul3A_482 = arith.constant 25 : i32
      %mul3A_483 = arith.muli %scan3A_344, %mul3A_482 : i32
      %add3A_484 = arith.constant 11 : i32
      %add3A_485 = arith.addi %mul3A_483, %add3A_484 : i32
      %mul3A_486 = arith.constant 16 : i32
      %mul3A_487 = arith.muli %add3A_485, %mul3A_486 : i32
      %get3A_488 = arith.index_cast %mul3A_487 : i32 to index
      %get3A_489 = tpu.vector_load %arg9[%get3A_488] {strides = array<i32>} : memref<10000xi32, #tpu.memory_space<vmem>>, vector<16xi32>,
      %eq3A_490 = arith.cmpi eq, %get3A_489, %get3A_5 : vector<16xi32>
      %or3A_491 = arith.ori %or3A_481, %eq3A_490 : vector<16xi1>
      %eq3A_492 = arith.cmpi eq, %get3A_489, %get3A_9 : vector<16xi32>
      %or3A_493 = arith.ori %or3A_491, %eq3A_492 : vector<16xi1>
      %mul3A_494 = arith.constant 25 : i32
      %mul3A_495 = arith.muli %scan3A_344, %mul3A_494 : i32
      %add3A_496 = arith.constant 12 : i32
      %add3A_497 = arith.addi %mul3A_495, %add3A_496 : i32
      %mul3A_498 = arith.constant 16 : i32
      %mul3A_499 = arith.muli %add3A_497, %mul3A_498 : i32
      %get3A_500 = arith.index_cast %mul3A_499 : i32 to index
      %get3A_501 = tpu.vector_load %arg9[%get3A_500] {strides = array<i32>} : memref<10000xi32, #tpu.memory_space<vmem>>, vector<16xi32>,
      %eq3A_502 = arith.cmpi eq, %get3A_501, %get3A_5 : vector<16xi32>
      %or3A_503 = arith.ori %or3A_493, %eq3A_502 : vector<16xi1>
      %eq3A_504 = arith.cmpi eq, %get3A_501, %get3A_9 : vector<16xi32>
      %or3A_505 = arith.ori %or3A_503, %eq3A_504 : vector<16xi1>
      %mul3A_506 = arith.constant 25 : i32
      %mul3A_507 = arith.muli %scan3A_344, %mul3A_506 : i32
      %add3A_508 = arith.constant 13 : i32
      %add3A_509 = arith.addi %mul3A_507, %add3A_508 : i32
      %mul3A_510 = arith.constant 16 : i32
      %mul3A_511 = arith.muli %add3A_509, %mul3A_510 : i32
      %get3A_512 = arith.index_cast %mul3A_511 : i32 to index
      %get3A_513 = tpu.vector_load %arg9[%get3A_512] {strides = array<i32>} : memref<10000xi32, #tpu.memory_space<vmem>>, vector<16xi32>,
      %eq3A_514 = arith.cmpi eq, %get3A_513, %get3A_5 : vector<16xi32>
      %or3A_515 = arith.ori %or3A_505, %eq3A_514 : vector<16xi1>
      %eq3A_516 = arith.cmpi eq, %get3A_513, %get3A_9 : vector<16xi32>
      %or3A_517 = arith.ori %or3A_515, %eq3A_516 : vector<16xi1>
      %mul3A_518 = arith.constant 25 : i32
      %mul3A_519 = arith.muli %scan3A_344, %mul3A_518 : i32
      %add3A_520 = arith.constant 14 : i32
      %add3A_521 = arith.addi %mul3A_519, %add3A_520 : i32
      %mul3A_522 = arith.constant 16 : i32
      %mul3A_523 = arith.muli %add3A_521, %mul3A_522 : i32
      %get3A_524 = arith.index_cast %mul3A_523 : i32 to index
      %get3A_525 = tpu.vector_load %arg9[%get3A_524] {strides = array<i32>} : memref<10000xi32, #tpu.memory_space<vmem>>, vector<16xi32>,
      %eq3A_526 = arith.cmpi eq, %get3A_525, %get3A_5 : vector<16xi32>
      %or3A_527 = arith.ori %or3A_517, %eq3A_526 : vector<16xi1>
      %eq3A_528 = arith.cmpi eq, %get3A_525, %get3A_9 : vector<16xi32>
      %or3A_529 = arith.ori %or3A_527, %eq3A_528 : vector<16xi1>
      %mul3A_530 = arith.constant 25 : i32
      %mul3A_531 = arith.muli %scan3A_344, %mul3A_530 : i32
      %add3A_532 = arith.constant 15 : i32
      %add3A_533 = arith.addi %mul3A_531, %add3A_532 : i32
      %mul3A_534 = arith.constant 16 : i32
      %mul3A_535 = arith.muli %add3A_533, %mul3A_534 : i32
      %get3A_536 = arith.index_cast %mul3A_535 : i32 to index
      %get3A_537 = tpu.vector_load %arg9[%get3A_536] {strides = array<i32>} : memref<10000xi32, #tpu.memory_space<vmem>>, vector<16xi32>,
      %eq3A_538 = arith.cmpi eq, %get3A_537, %get3A_5 : vector<16xi32>
      %or3A_539 = arith.ori %or3A_529, %eq3A_538 : vector<16xi1>
      %eq3A_540 = arith.cmpi eq, %get3A_537, %get3A_9 : vector<16xi32>
      %or3A_541 = arith.ori %or3A_539, %eq3A_540 : vector<16xi1>
      %mul3A_542 = arith.constant 25 : i32
      %mul3A_543 = arith.muli %scan3A_344, %mul3A_542 : i32
      %add3A_544 = arith.constant 16 : i32
      %add3A_545 = arith.addi %mul3A_543, %add3A_544 : i32
      %mul3A_546 = arith.constant 16 : i32
      %mul3A_547 = arith.muli %add3A_545, %mul3A_546 : i32
      %get3A_548 = arith.index_cast %mul3A_547 : i32 to index
      %get3A_549 = tpu.vector_load %arg9[%get3A_548] {strides = array<i32>} : memref<10000xi32, #tpu.memory_space<vmem>>, vector<16xi32>,
      %eq3A_550 = arith.cmpi eq, %get3A_549, %get3A_5 : vector<16xi32>
      %or3A_551 = arith.ori %or3A_541, %eq3A_550 : vector<16xi1>
      %eq3A_552 = arith.cmpi eq, %get3A_549, %get3A_9 : vector<16xi32>
      %or3A_553 = arith.ori %or3A_551, %eq3A_552 : vector<16xi1>
      %mul3A_554 = arith.constant 25 : i32
      %mul3A_555 = arith.muli %scan3A_344, %mul3A_554 : i32
      %add3A_556 = arith.constant 17 : i32
      %add3A_557 = arith.addi %mul3A_555, %add3A_556 : i32
      %mul3A_558 = arith.constant 16 : i32
      %mul3A_559 = arith.muli %add3A_557, %mul3A_558 : i32
      %get3A_560 = arith.index_cast %mul3A_559 : i32 to index
      %get3A_561 = tpu.vector_load %arg9[%get3A_560] {strides = array<i32>} : memref<10000xi32, #tpu.memory_space<vmem>>, vector<16xi32>,
      %eq3A_562 = arith.cmpi eq, %get3A_561, %get3A_5 : vector<16xi32>
      %or3A_563 = arith.ori %or3A_553, %eq3A_562 : vector<16xi1>
      %eq3A_564 = arith.cmpi eq, %get3A_561, %get3A_9 : vector<16xi32>
      %or3A_565 = arith.ori %or3A_563, %eq3A_564 : vector<16xi1>
      %mul3A_566 = arith.constant 25 : i32
      %mul3A_567 = arith.muli %scan3A_344, %mul3A_566 : i32
      %add3A_568 = arith.constant 18 : i32
      %add3A_569 = arith.addi %mul3A_567, %add3A_568 : i32
      %mul3A_570 = arith.constant 16 : i32
      %mul3A_571 = arith.muli %add3A_569, %mul3A_570 : i32
      %get3A_572 = arith.index_cast %mul3A_571 : i32 to index
      %get3A_573 = tpu.vector_load %arg9[%get3A_572] {strides = array<i32>} : memref<10000xi32, #tpu.memory_space<vmem>>, vector<16xi32>,
      %eq3A_574 = arith.cmpi eq, %get3A_573, %get3A_5 : vector<16xi32>
      %or3A_575 = arith.ori %or3A_565, %eq3A_574 : vector<16xi1>
      %eq3A_576 = arith.cmpi eq, %get3A_573, %get3A_9 : vector<16xi32>
      %or3A_577 = arith.ori %or3A_575, %eq3A_576 : vector<16xi1>
      %mul3A_578 = arith.constant 25 : i32
      %mul3A_579 = arith.muli %scan3A_344, %mul3A_578 : i32
      %add3A_580 = arith.constant 19 : i32
      %add3A_581 = arith.addi %mul3A_579, %add3A_580 : i32
      %mul3A_582 = arith.constant 16 : i32
      %mul3A_583 = arith.muli %add3A_581, %mul3A_582 : i32
      %get3A_584 = arith.index_cast %mul3A_583 : i32 to index
      %get3A_585 = tpu.vector_load %arg9[%get3A_584] {strides = array<i32>} : memref<10000xi32, #tpu.memory_space<vmem>>, vector<16xi32>,
      %eq3A_586 = arith.cmpi eq, %get3A_585, %get3A_5 : vector<16xi32>
      %or3A_587 = arith.ori %or3A_577, %eq3A_586 : vector<16xi1>
      %eq3A_588 = arith.cmpi eq, %get3A_585, %get3A_9 : vector<16xi32>
      %or3A_589 = arith.ori %or3A_587, %eq3A_588 : vector<16xi1>
      %mul3A_590 = arith.constant 25 : i32
      %mul3A_591 = arith.muli %scan3A_344, %mul3A_590 : i32
      %add3A_592 = arith.constant 20 : i32
      %add3A_593 = arith.addi %mul3A_591, %add3A_592 : i32
      %mul3A_594 = arith.constant 16 : i32
      %mul3A_595 = arith.muli %add3A_593, %mul3A_594 : i32
      %get3A_596 = arith.index_cast %mul3A_595 : i32 to index
      %get3A_597 = tpu.vector_load %arg9[%get3A_596] {strides = array<i32>} : memref<10000xi32, #tpu.memory_space<vmem>>, vector<16xi32>,
      %eq3A_598 = arith.cmpi eq, %get3A_597, %get3A_5 : vector<16xi32>
      %or3A_599 = arith.ori %or3A_589, %eq3A_598 : vector<16xi1>
      %eq3A_600 = arith.cmpi eq, %get3A_597, %get3A_9 : vector<16xi32>
      %or3A_601 = arith.ori %or3A_599, %eq3A_600 : vector<16xi1>
      %mul3A_602 = arith.constant 25 : i32
      %mul3A_603 = arith.muli %scan3A_344, %mul3A_602 : i32
      %add3A_604 = arith.constant 21 : i32
      %add3A_605 = arith.addi %mul3A_603, %add3A_604 : i32
      %mul3A_606 = arith.constant 16 : i32
      %mul3A_607 = arith.muli %add3A_605, %mul3A_606 : i32
      %get3A_608 = arith.index_cast %mul3A_607 : i32 to index
      %get3A_609 = tpu.vector_load %arg9[%get3A_608] {strides = array<i32>} : memref<10000xi32, #tpu.memory_space<vmem>>, vector<16xi32>,
      %eq3A_610 = arith.cmpi eq, %get3A_609, %get3A_5 : vector<16xi32>
      %or3A_611 = arith.ori %or3A_601, %eq3A_610 : vector<16xi1>
      %eq3A_612 = arith.cmpi eq, %get3A_609, %get3A_9 : vector<16xi32>
      %or3A_613 = arith.ori %or3A_611, %eq3A_612 : vector<16xi1>
      %mul3A_614 = arith.constant 25 : i32
      %mul3A_615 = arith.muli %scan3A_344, %mul3A_614 : i32
      %add3A_616 = arith.constant 22 : i32
      %add3A_617 = arith.addi %mul3A_615, %add3A_616 : i32
      %mul3A_618 = arith.constant 16 : i32
      %mul3A_619 = arith.muli %add3A_617, %mul3A_618 : i32
      %get3A_620 = arith.index_cast %mul3A_619 : i32 to index
      %get3A_621 = tpu.vector_load %arg9[%get3A_620] {strides = array<i32>} : memref<10000xi32, #tpu.memory_space<vmem>>, vector<16xi32>,
      %eq3A_622 = arith.cmpi eq, %get3A_621, %get3A_5 : vector<16xi32>
      %or3A_623 = arith.ori %or3A_613, %eq3A_622 : vector<16xi1>
      %eq3A_624 = arith.cmpi eq, %get3A_621, %get3A_9 : vector<16xi32>
      %or3A_625 = arith.ori %or3A_623, %eq3A_624 : vector<16xi1>
      %mul3A_626 = arith.constant 25 : i32
      %mul3A_627 = arith.muli %scan3A_344, %mul3A_626 : i32
      %add3A_628 = arith.constant 23 : i32
      %add3A_629 = arith.addi %mul3A_627, %add3A_628 : i32
      %mul3A_630 = arith.constant 16 : i32
      %mul3A_631 = arith.muli %add3A_629, %mul3A_630 : i32
      %get3A_632 = arith.index_cast %mul3A_631 : i32 to index
      %get3A_633 = tpu.vector_load %arg9[%get3A_632] {strides = array<i32>} : memref<10000xi32, #tpu.memory_space<vmem>>, vector<16xi32>,
      %eq3A_634 = arith.cmpi eq, %get3A_633, %get3A_5 : vector<16xi32>
      %or3A_635 = arith.ori %or3A_625, %eq3A_634 : vector<16xi1>
      %eq3A_636 = arith.cmpi eq, %get3A_633, %get3A_9 : vector<16xi32>
      %or3A_637 = arith.ori %or3A_635, %eq3A_636 : vector<16xi1>
      %mul3A_638 = arith.constant 25 : i32
      %mul3A_639 = arith.muli %scan3A_344, %mul3A_638 : i32
      %add3A_640 = arith.constant 24 : i32
      %add3A_641 = arith.addi %mul3A_639, %add3A_640 : i32
      %mul3A_642 = arith.constant 16 : i32
      %mul3A_643 = arith.muli %add3A_641, %mul3A_642 : i32
      %get3A_644 = arith.index_cast %mul3A_643 : i32 to index
      %get3A_645 = tpu.vector_load %arg9[%get3A_644] {strides = array<i32>} : memref<10000xi32, #tpu.memory_space<vmem>>, vector<16xi32>,
      %eq3A_646 = arith.cmpi eq, %get3A_645, %get3A_5 : vector<16xi32>
      %or3A_647 = arith.ori %or3A_637, %eq3A_646 : vector<16xi1>
      %eq3A_648 = arith.cmpi eq, %get3A_645, %get3A_9 : vector<16xi32>
      %or3A_649 = arith.ori %or3A_647, %eq3A_648 : vector<16xi1>
      %all_reduce_population_count3A = tpu.all_reduce %or3A_649 {dim = 0 : i64, kind = #tpu.reduction_kind<sum>} : vector<16xi1> -> vector<16xi32>
      %slice3A = vector.extract_strided_slice %all_reduce_population_count3A {offsets = [0], sizes = [1], strides = [1]} : vector<16xi32> to vector<1xi32>
      %squeeze3A = vector.extract %slice3A[0] : i32 from vector<1xi32>
      %gt3A_650 = arith.constant 0 : i32
      %gt3A_651 = arith.cmpi sgt, %squeeze3A, %gt3A_650 : i32
      %convert_element_type3A_652 = arith.extui %gt3A_651 : i1 to i32
      %cond3A_653 = arith.constant 0 : i32
      %cond3A_654 = arith.cmpi ne, %convert_element_type3A_652, %cond3A_653 : i32
      %cond3A_655:2 = scf.if %cond3A_654 -> (i32, i32) {
        %mul3A_656 = arith.constant 25 : i32
        %mul3A_657 = arith.muli %scan3A_344, %mul3A_656 : i32
        %add3A_658 = arith.constant 1 : i32
        %add3A_659 = arith.addi %scan3A_344, %add3A_658 : i32
        %mul3A_660 = arith.constant 25 : i32
        %mul3A_661 = arith.muli %add3A_659, %mul3A_660 : i32
        %while3A_662 = arith.subi %mul3A_661, %mul3A_657 : i32
        %while3A_663 = arith.addi %mul3A_657, %while3A_662 : i32
        %while3A_664 = arith.constant 1 : i32
        %while3A_665 = arith.divsi %while3A_662, %while3A_664 : i32
        %while3A_666 = arith.muli %while3A_665, %while3A_664 : i32
        %while3A_667 = arith.addi %mul3A_657, %while3A_666 : i32
        %while3A_668 = arith.constant 1 : i32
        %while3A_669:2 = scf.for %while3A_672 = %mul3A_657 to %while3A_667 step %while3A_668 iter_args(%while3A_673 = %scan3A_345, %while3A_674 = %scan3A_346) -> (i32, i32)  : i32 {
          %mul3A_675 = arith.constant 16 : i32
          %mul3A_676 = arith.muli %while3A_672, %mul3A_675 : i32
          %get3A_677 = arith.index_cast %mul3A_676 : i32 to index
          %get3A_678 = tpu.vector_load %arg9[%get3A_677] {strides = array<i32>} : memref<10000xi32, #tpu.memory_space<vmem>>, vector<16xi32>,
          %mul3A_679 = arith.constant 16 : i32
          %mul3A_680 = arith.muli %while3A_672, %mul3A_679 : i32
          %get3A_681 = arith.index_cast %mul3A_680 : i32 to index
          %get3A_682 = tpu.vector_load %arg10[%get3A_681] {strides = array<i32>} : memref<10000xi32, #tpu.memory_space<vmem>>, vector<16xi32>,
          %eq3A_683 = arith.cmpi eq, %get3A_678, %get3A_5 : vector<16xi32>
          %eq3A_684 = arith.cmpi eq, %get3A_678, %get3A_9 : vector<16xi32>
          %broadcast_in_dim3A_685 = arith.constant 1 : i32
          %broadcast_in_dim3A_686 = vector.broadcast %broadcast_in_dim3A_685 : i32 to vector<16xi32>
          %broadcast_in_dim3A_687 = arith.constant 10031 : i32
          %broadcast_in_dim3A_688 = vector.broadcast %broadcast_in_dim3A_687 : i32 to vector<16xi32>
          %convert_element_type3A_689 = arith.extui %eq3A_683 : vector<16xi1> to vector<16xi32>
          %broadcast_in_dim3A_690 = arith.constant true
          %broadcast_in_dim3A_691 = vector.broadcast %broadcast_in_dim3A_690 : i1 to vector<16xi1>
          %masked_cumsum3A = tpu.scan <sum>, %convert_element_type3A_689 masked %broadcast_in_dim3A_691 : vector<16xi32>, vector<16xi1> -> vector<16xi32>
          %convert_element_type3A_692 = arith.extui %eq3A_684 : vector<16xi1> to vector<16xi32>
          %broadcast_in_dim3A_693 = arith.constant true
          %broadcast_in_dim3A_694 = vector.broadcast %broadcast_in_dim3A_693 : i1 to vector<16xi1>
          %masked_cumsum3A_695 = tpu.scan <sum>, %convert_element_type3A_692 masked %broadcast_in_dim3A_694 : vector<16xi32>, vector<16xi1> -> vector<16xi32>
          %broadcast_in_dim3A_696 = vector.broadcast %while3A_673 : i32 to vector<16xi32>
          %broadcast_in_dim3A_697 = vector.broadcast %while3A_674 : i32 to vector<16xi32>
          %add3A_698 = arith.addi %broadcast_in_dim3A_696, %masked_cumsum3A : vector<16xi32>
          %sub3A_699 = arith.subi %add3A_698, %broadcast_in_dim3A_686 : vector<16xi32>
          %select_n3A_700 = arith.select %eq3A_683, %sub3A_699, %broadcast_in_dim3A_688 : vector<16xi1>, vector<16xi32>
          %add3A_701 = arith.addi %broadcast_in_dim3A_697, %masked_cumsum3A_695 : vector<16xi32>
          %sub3A_702 = arith.subi %add3A_701, %broadcast_in_dim3A_686 : vector<16xi32>
          %select_n3A_703 = arith.select %eq3A_684, %sub3A_702, %broadcast_in_dim3A_688 : vector<16xi1>, vector<16xi32>
          tpu.vector_store_idx %arg11[%select_n3A_700], %get3A_682 : memref<10032xi32, #tpu.memory_space<vmem>>[vector<16xi32>], vector<16xi32>,
          tpu.vector_store_idx %arg12[%select_n3A_703], %get3A_682 : memref<10032xi32, #tpu.memory_space<vmem>>[vector<16xi32>], vector<16xi32>,
          %reduce_max3A = arith.constant true
          %reduce_max3A_704 = vector.broadcast %reduce_max3A : i1 to vector<16xi1>
          %reduce_max3A_705 = arith.constant -2147483648 : i32
          %reduce_max3A_706 = vector.broadcast %reduce_max3A_705 : i32 to vector<16xi32>
          %reduce_max3A_707 = arith.xori %masked_cumsum3A, %reduce_max3A_706 : vector<16xi32>
          %reduce_max3A_708 = tpu.scan <max>, %reduce_max3A_707 masked %reduce_max3A_704 : vector<16xi32>, vector<16xi1> -> vector<16xi32>
          %reduce_max3A_709 = arith.xori %reduce_max3A_708, %reduce_max3A_706 : vector<16xi32>
          %reduce_max3A_710 = vector.extract %reduce_max3A_709[15] : i32 from vector<16xi32>
          %add3A_711 = arith.addi %while3A_673, %reduce_max3A_710 : i32
          %reduce_max3A_712 = arith.constant true
          %reduce_max3A_713 = vector.broadcast %reduce_max3A_712 : i1 to vector<16xi1>
          %reduce_max3A_714 = arith.constant -2147483648 : i32
          %reduce_max3A_715 = vector.broadcast %reduce_max3A_714 : i32 to vector<16xi32>
          %reduce_max3A_716 = arith.xori %masked_cumsum3A_695, %reduce_max3A_715 : vector<16xi32>
          %reduce_max3A_717 = tpu.scan <max>, %reduce_max3A_716 masked %reduce_max3A_713 : vector<16xi32>, vector<16xi1> -> vector<16xi32>
          %reduce_max3A_718 = arith.xori %reduce_max3A_717, %reduce_max3A_715 : vector<16xi32>
          %reduce_max3A_719 = vector.extract %reduce_max3A_718[15] : i32 from vector<16xi32>
          %add3A_720 = arith.addi %while3A_674, %reduce_max3A_719 : i32
          scf.yield %add3A_711, %add3A_720 : i32, i32
        }
        %while3A_670 = arith.constant 1 : i32
        %while3A_671:2 = scf.for %while3A_672 = %while3A_667 to %while3A_663 step %while3A_670 iter_args(%while3A_673 = %while3A_669#0, %while3A_674 = %while3A_669#1) -> (i32, i32)  : i32 {
          %mul3A_675 = arith.constant 16 : i32
          %mul3A_676 = arith.muli %while3A_672, %mul3A_675 : i32
          %get3A_677 = arith.index_cast %mul3A_676 : i32 to index
          %get3A_678 = tpu.vector_load %arg9[%get3A_677] {strides = array<i32>} : memref<10000xi32, #tpu.memory_space<vmem>>, vector<16xi32>,
          %mul3A_679 = arith.constant 16 : i32
          %mul3A_680 = arith.muli %while3A_672, %mul3A_679 : i32
          %get3A_681 = arith.index_cast %mul3A_680 : i32 to index
          %get3A_682 = tpu.vector_load %arg10[%get3A_681] {strides = array<i32>} : memref<10000xi32, #tpu.memory_space<vmem>>, vector<16xi32>,
          %eq3A_683 = arith.cmpi eq, %get3A_678, %get3A_5 : vector<16xi32>
          %eq3A_684 = arith.cmpi eq, %get3A_678, %get3A_9 : vector<16xi32>
          %broadcast_in_dim3A_685 = arith.constant 1 : i32
          %broadcast_in_dim3A_686 = vector.broadcast %broadcast_in_dim3A_685 : i32 to vector<16xi32>
          %broadcast_in_dim3A_687 = arith.constant 10031 : i32
          %broadcast_in_dim3A_688 = vector.broadcast %broadcast_in_dim3A_687 : i32 to vector<16xi32>
          %convert_element_type3A_689 = arith.extui %eq3A_683 : vector<16xi1> to vector<16xi32>
          %broadcast_in_dim3A_690 = arith.constant true
          %broadcast_in_dim3A_691 = vector.broadcast %broadcast_in_dim3A_690 : i1 to vector<16xi1>
          %masked_cumsum3A = tpu.scan <sum>, %convert_element_type3A_689 masked %broadcast_in_dim3A_691 : vector<16xi32>, vector<16xi1> -> vector<16xi32>
          %convert_element_type3A_692 = arith.extui %eq3A_684 : vector<16xi1> to vector<16xi32>
          %broadcast_in_dim3A_693 = arith.constant true
          %broadcast_in_dim3A_694 = vector.broadcast %broadcast_in_dim3A_693 : i1 to vector<16xi1>
          %masked_cumsum3A_695 = tpu.scan <sum>, %convert_element_type3A_692 masked %broadcast_in_dim3A_694 : vector<16xi32>, vector<16xi1> -> vector<16xi32>
          %broadcast_in_dim3A_696 = vector.broadcast %while3A_673 : i32 to vector<16xi32>
          %broadcast_in_dim3A_697 = vector.broadcast %while3A_674 : i32 to vector<16xi32>
          %add3A_698 = arith.addi %broadcast_in_dim3A_696, %masked_cumsum3A : vector<16xi32>
          %sub3A_699 = arith.subi %add3A_698, %broadcast_in_dim3A_686 : vector<16xi32>
          %select_n3A_700 = arith.select %eq3A_683, %sub3A_699, %broadcast_in_dim3A_688 : vector<16xi1>, vector<16xi32>
          %add3A_701 = arith.addi %broadcast_in_dim3A_697, %masked_cumsum3A_695 : vector<16xi32>
          %sub3A_702 = arith.subi %add3A_701, %broadcast_in_dim3A_686 : vector<16xi32>
          %select_n3A_703 = arith.select %eq3A_684, %sub3A_702, %broadcast_in_dim3A_688 : vector<16xi1>, vector<16xi32>
          tpu.vector_store_idx %arg11[%select_n3A_700], %get3A_682 : memref<10032xi32, #tpu.memory_space<vmem>>[vector<16xi32>], vector<16xi32>,
          tpu.vector_store_idx %arg12[%select_n3A_703], %get3A_682 : memref<10032xi32, #tpu.memory_space<vmem>>[vector<16xi32>], vector<16xi32>,
          %reduce_max3A = arith.constant true
          %reduce_max3A_704 = vector.broadcast %reduce_max3A : i1 to vector<16xi1>
          %reduce_max3A_705 = arith.constant -2147483648 : i32
          %reduce_max3A_706 = vector.broadcast %reduce_max3A_705 : i32 to vector<16xi32>
          %reduce_max3A_707 = arith.xori %masked_cumsum3A, %reduce_max3A_706 : vector<16xi32>
          %reduce_max3A_708 = tpu.scan <max>, %reduce_max3A_707 masked %reduce_max3A_704 : vector<16xi32>, vector<16xi1> -> vector<16xi32>
          %reduce_max3A_709 = arith.xori %reduce_max3A_708, %reduce_max3A_706 : vector<16xi32>
          %reduce_max3A_710 = vector.extract %reduce_max3A_709[15] : i32 from vector<16xi32>
          %add3A_711 = arith.addi %while3A_673, %reduce_max3A_710 : i32
          %reduce_max3A_712 = arith.constant true
          %reduce_max3A_713 = vector.broadcast %reduce_max3A_712 : i1 to vector<16xi1>
          %reduce_max3A_714 = arith.constant -2147483648 : i32
          %reduce_max3A_715 = vector.broadcast %reduce_max3A_714 : i32 to vector<16xi32>
          %reduce_max3A_716 = arith.xori %masked_cumsum3A_695, %reduce_max3A_715 : vector<16xi32>
          %reduce_max3A_717 = tpu.scan <max>, %reduce_max3A_716 masked %reduce_max3A_713 : vector<16xi32>, vector<16xi1> -> vector<16xi32>
          %reduce_max3A_718 = arith.xori %reduce_max3A_717, %reduce_max3A_715 : vector<16xi32>
          %reduce_max3A_719 = vector.extract %reduce_max3A_718[15] : i32 from vector<16xi32>
          %add3A_720 = arith.addi %while3A_674, %reduce_max3A_719 : i32
          scf.yield %add3A_711, %add3A_720 : i32, i32
        }
        scf.yield %while3A_671#0, %while3A_671#1 : i32, i32
      } else {
        scf.yield %scan3A_345, %scan3A_346 : i32, i32
      }
      scf.yield %cond3A_655#0, %cond3A_655#1 : i32, i32
    }
    %scan3A_272 = arith.constant 25 : i32
    %broadcast_in_dim3A_273 = arith.constant 10000 : i32
    %broadcast_in_dim3A_274 = vector.broadcast %broadcast_in_dim3A_273 : i32 to vector<16xi32>
    %swap3A_275 = arith.index_cast %scan3A_271#0 : i32 to index
    %swap3A_276 = tpu.vector_load %arg11[%swap3A_275] {strides = array<i32>} : memref<10032xi32, #tpu.memory_space<vmem>>, vector<16xi32>,
    tpu.vector_store %arg11[%swap3A_275], %broadcast_in_dim3A_274 {strides = array<i32>} : memref<10032xi32, #tpu.memory_space<vmem>>, vector<16xi32>,
    %add3A_277 = arith.constant 15 : i32
    %add3A_278 = arith.addi %scan3A_271#0, %add3A_277 : i32
    %jit3A = arith.constant 16 : i32
    %div3A = arith.divsi %add3A_278, %jit3A : i32
    %sign3A = arith.constant 0 : i32
    %sign3A_279 = arith.cmpi sgt, %add3A_278, %sign3A : i32
    %sign3A_280 = arith.extui %sign3A_279 : i1 to i32
    %sign3A_281 = arith.constant 0 : i32
    %sign3A_282 = arith.cmpi slt, %add3A_278, %sign3A_281 : i32
    %sign3A_283 = arith.extui %sign3A_282 : i1 to i32
    %sign3A_284 = arith.subi %sign3A_280, %sign3A_283 : i32
    %sign3A_285 = arith.constant 0 : i32
    %sign3A_286 = arith.cmpi sgt, %jit3A, %sign3A_285 : i32
    %sign3A_287 = arith.extui %sign3A_286 : i1 to i32
    %sign3A_288 = arith.constant 0 : i32
    %sign3A_289 = arith.cmpi slt, %jit3A, %sign3A_288 : i32
    %sign3A_290 = arith.extui %sign3A_289 : i1 to i32
    %sign3A_291 = arith.subi %sign3A_287, %sign3A_290 : i32
    %ne3A = arith.cmpi ne, %sign3A_284, %sign3A_291 : i32
    %rem3A = arith.remsi %add3A_278, %jit3A : i32
    %ne3A_292 = arith.constant 0 : i32
    %ne3A_293 = arith.cmpi ne, %rem3A, %ne3A_292 : i32
    %and3A = arith.andi %ne3A, %ne3A_293 : i1
    %sub3A = arith.constant 1 : i32
    %sub3A_294 = arith.subi %div3A, %sub3A : i32
    %select_n3A = arith.select %and3A, %sub3A_294, %div3A : i32
    %while3A = arith.constant 0 : i32
    %while3A_295 = arith.constant 0 : i32
    %while3A_296 = arith.subi %select_n3A, %while3A_295 : i32
    %while3A_297 = arith.addi %while3A_295, %while3A_296 : i32
    %while3A_298 = arith.constant 1 : i32
    %while3A_299 = arith.divsi %while3A_296, %while3A_298 : i32
    %while3A_300 = arith.muli %while3A_299, %while3A_298 : i32
    %while3A_301 = arith.addi %while3A_295, %while3A_300 : i32
    %while3A_302 = arith.constant 1 : i32
    scf.for %while3A_344 = %while3A_295 to %while3A_301 step %while3A_302  : i32 {
      %mul3A_345 = arith.constant 16 : i32
      %mul3A_346 = arith.muli %while3A_344, %mul3A_345 : i32
      %dma_start3A = tpu.memref_slice %arg11[%mul3A_346] : memref<10032xi32, #tpu.memory_space<vmem>> -> memref<16xi32, #tpu.memory_space<vmem>>
      %dma_start3A_347 = arith.constant 0 : i32
      %dma_start3A_348 = arith.constant 0 : i32
      %dma_start3A_349 = tpu.memref_slice %arg6[%dma_start3A_347, %dma_start3A_348] : memref<10400x128xf32, #tpu.memory_space<hbm>> -> memref<10400x128xf32, #tpu.memory_space<hbm>>
      tpu.enqueue_indirect_dma source(%dma_start3A_349 : memref<10400x128xf32, #tpu.memory_space<hbm>>) target(%arg15 : memref<16x128xf32, #tpu.memory_space<vmem>>) offsets(%dma_start3A : memref<16xi32, #tpu.memory_space<vmem>>) semaphore(%arg18 : memref<!tpu.dma_semaphore, #tpu.memory_space<semaphore_mem>>)
      %dma_wait3A = tpu.memref_slice %arg11[%mul3A_346] : memref<10032xi32, #tpu.memory_space<vmem>> -> memref<16xi32, #tpu.memory_space<vmem>>
      %dma_wait3A_350 = arith.constant 0 : i32
      %dma_wait3A_351 = arith.constant 0 : i32
      %dma_wait3A_352 = tpu.memref_slice %arg6[%dma_wait3A_350, %dma_wait3A_351] : memref<10400x128xf32, #tpu.memory_space<hbm>> -> memref<10400x128xf32, #tpu.memory_space<hbm>>
      tpu.wait_indirect_dma semaphore(%arg18 : memref<!tpu.dma_semaphore, #tpu.memory_space<semaphore_mem>>) src(%dma_wait3A_352 : memref<10400x128xf32, #tpu.memory_space<hbm>>) dst(%arg15 : memref<16x128xf32, #tpu.memory_space<vmem>>)
      %dma_start3A_353 = tpu.memref_slice %arg11[%mul3A_346] : memref<10032xi32, #tpu.memory_space<vmem>> -> memref<16xi32, #tpu.memory_space<vmem>>
      %dma_start3A_354 = arith.constant 0 : i32
      %dma_start3A_355 = arith.constant 0 : i32
      %dma_start3A_356 = tpu.memref_slice %arg7[%dma_start3A_354, %dma_start3A_355] : memref<10400x128xf32, #tpu.memory_space<hbm>> -> memref<10400x128xf32, #tpu.memory_space<hbm>>
      tpu.enqueue_indirect_dma source(%dma_start3A_356 : memref<10400x128xf32, #tpu.memory_space<hbm>>) target(%arg16 : memref<16x128xf32, #tpu.memory_space<vmem>>) offsets(%dma_start3A_353 : memref<16xi32, #tpu.memory_space<vmem>>) semaphore(%arg18 : memref<!tpu.dma_semaphore, #tpu.memory_space<semaphore_mem>>)
      %dma_wait3A_357 = tpu.memref_slice %arg11[%mul3A_346] : memref<10032xi32, #tpu.memory_space<vmem>> -> memref<16xi32, #tpu.memory_space<vmem>>
      %dma_wait3A_358 = arith.constant 0 : i32
      %dma_wait3A_359 = arith.constant 0 : i32
      %dma_wait3A_360 = tpu.memref_slice %arg7[%dma_wait3A_358, %dma_wait3A_359] : memref<10400x128xf32, #tpu.memory_space<hbm>> -> memref<10400x128xf32, #tpu.memory_space<hbm>>
      tpu.wait_indirect_dma semaphore(%arg18 : memref<!tpu.dma_semaphore, #tpu.memory_space<semaphore_mem>>) src(%dma_wait3A_360 : memref<10400x128xf32, #tpu.memory_space<hbm>>) dst(%arg16 : memref<16x128xf32, #tpu.memory_space<vmem>>)
      %scan3A_361 = arith.constant 0 : i32
      %scan3A_362 = arith.constant 0 : i32
      %scan3A_363 = arith.constant 16 : i32
      %scan3A_364 = arith.addi %scan3A_362, %scan3A_363 : i32
      %scan3A_365 = arith.constant 1 : i32
      scf.for %scan3A_367 = %scan3A_362 to %scan3A_364 step %scan3A_365  : i32 {
        %get3A_368 = arith.constant 0 : i32
        %get3A_369 = arith.index_cast %get3A_368 : i32 to index
        %get3A_370 = arith.constant 0 : index
        %get3A_371 = tpu.vector_load %arg17[%get3A_369, %get3A_370] {strides = array<i32>} : memref<8x128xf32, #tpu.memory_space<vmem>>, vector<16xf32>,
        %get3A_372 = arith.index_cast %scan3A_367 : i32 to index
        %get3A_373 = arith.constant 0 : index
        %get3A_374 = tpu.vector_load %arg15[%get3A_372, %get3A_373] {strides = array<i32>} : memref<16x128xf32, #tpu.memory_space<vmem>>, vector<16xf32>,
        %add3A_375 = arith.addf %get3A_371, %get3A_374 : vector<16xf32>
        %swap3A_376 = arith.constant 0 : i32
        %swap3A_377 = arith.index_cast %swap3A_376 : i32 to index
        %swap3A_378 = arith.constant 0 : index
        %swap3A_379 = tpu.vector_load %arg17[%swap3A_377, %swap3A_378] {strides = array<i32>} : memref<8x128xf32, #tpu.memory_space<vmem>>, vector<16xf32>,
        tpu.vector_store %arg17[%swap3A_377, %swap3A_378], %add3A_375 {strides = array<i32>} : memref<8x128xf32, #tpu.memory_space<vmem>>, vector<16xf32>,
        %get3A_380 = arith.constant 2 : i32
        %get3A_381 = arith.index_cast %get3A_380 : i32 to index
        %get3A_382 = arith.constant 0 : index
        %get3A_383 = tpu.vector_load %arg17[%get3A_381, %get3A_382] {strides = array<i32>} : memref<8x128xf32, #tpu.memory_space<vmem>>, vector<16xf32>,
        %get3A_384 = arith.index_cast %scan3A_367 : i32 to index
        %get3A_385 = arith.constant 0 : index
        %get3A_386 = tpu.vector_load %arg16[%get3A_384, %get3A_385] {strides = array<i32>} : memref<16x128xf32, #tpu.memory_space<vmem>>, vector<16xf32>,
        %add3A_387 = arith.addf %get3A_383, %get3A_386 : vector<16xf32>
        %swap3A_388 = arith.constant 2 : i32
        %swap3A_389 = arith.index_cast %swap3A_388 : i32 to index
        %swap3A_390 = arith.constant 0 : index
        %swap3A_391 = tpu.vector_load %arg17[%swap3A_389, %swap3A_390] {strides = array<i32>} : memref<8x128xf32, #tpu.memory_space<vmem>>, vector<16xf32>,
        tpu.vector_store %arg17[%swap3A_389, %swap3A_390], %add3A_387 {strides = array<i32>} : memref<8x128xf32, #tpu.memory_space<vmem>>, vector<16xf32>,
        %get3A_392 = arith.constant 0 : i32
        %get3A_393 = arith.index_cast %get3A_392 : i32 to index
        %get3A_394 = arith.constant 16 : index
        %get3A_395 = tpu.vector_load %arg17[%get3A_393, %get3A_394] {strides = array<i32>} : memref<8x128xf32, #tpu.memory_space<vmem>>, vector<16xf32>,
        %get3A_396 = arith.index_cast %scan3A_367 : i32 to index
        %get3A_397 = arith.constant 16 : index
        %get3A_398 = tpu.vector_load %arg15[%get3A_396, %get3A_397] {strides = array<i32>} : memref<16x128xf32, #tpu.memory_space<vmem>>, vector<16xf32>,
        %add3A_399 = arith.addf %get3A_395, %get3A_398 : vector<16xf32>
        %swap3A_400 = arith.constant 0 : i32
        %swap3A_401 = arith.index_cast %swap3A_400 : i32 to index
        %swap3A_402 = arith.constant 16 : index
        %swap3A_403 = tpu.vector_load %arg17[%swap3A_401, %swap3A_402] {strides = array<i32>} : memref<8x128xf32, #tpu.memory_space<vmem>>, vector<16xf32>,
        tpu.vector_store %arg17[%swap3A_401, %swap3A_402], %add3A_399 {strides = array<i32>} : memref<8x128xf32, #tpu.memory_space<vmem>>, vector<16xf32>,
        %get3A_404 = arith.constant 2 : i32
        %get3A_405 = arith.index_cast %get3A_404 : i32 to index
        %get3A_406 = arith.constant 16 : index
        %get3A_407 = tpu.vector_load %arg17[%get3A_405, %get3A_406] {strides = array<i32>} : memref<8x128xf32, #tpu.memory_space<vmem>>, vector<16xf32>,
        %get3A_408 = arith.index_cast %scan3A_367 : i32 to index
        %get3A_409 = arith.constant 16 : index
        %get3A_410 = tpu.vector_load %arg16[%get3A_408, %get3A_409] {strides = array<i32>} : memref<16x128xf32, #tpu.memory_space<vmem>>, vector<16xf32>,
        %add3A_411 = arith.addf %get3A_407, %get3A_410 : vector<16xf32>
        %swap3A_412 = arith.constant 2 : i32
        %swap3A_413 = arith.index_cast %swap3A_412 : i32 to index
        %swap3A_414 = arith.constant 16 : index
        %swap3A_415 = tpu.vector_load %arg17[%swap3A_413, %swap3A_414] {strides = array<i32>} : memref<8x128xf32, #tpu.memory_space<vmem>>, vector<16xf32>,
        tpu.vector_store %arg17[%swap3A_413, %swap3A_414], %add3A_411 {strides = array<i32>} : memref<8x128xf32, #tpu.memory_space<vmem>>, vector<16xf32>,
        %get3A_416 = arith.constant 0 : i32
        %get3A_417 = arith.index_cast %get3A_416 : i32 to index
        %get3A_418 = arith.constant 32 : index
        %get3A_419 = tpu.vector_load %arg17[%get3A_417, %get3A_418] {strides = array<i32>} : memref<8x128xf32, #tpu.memory_space<vmem>>, vector<16xf32>,
        %get3A_420 = arith.index_cast %scan3A_367 : i32 to index
        %get3A_421 = arith.constant 32 : index
        %get3A_422 = tpu.vector_load %arg15[%get3A_420, %get3A_421] {strides = array<i32>} : memref<16x128xf32, #tpu.memory_space<vmem>>, vector<16xf32>,
        %add3A_423 = arith.addf %get3A_419, %get3A_422 : vector<16xf32>
        %swap3A_424 = arith.constant 0 : i32
        %swap3A_425 = arith.index_cast %swap3A_424 : i32 to index
        %swap3A_426 = arith.constant 32 : index
        %swap3A_427 = tpu.vector_load %arg17[%swap3A_425, %swap3A_426] {strides = array<i32>} : memref<8x128xf32, #tpu.memory_space<vmem>>, vector<16xf32>,
        tpu.vector_store %arg17[%swap3A_425, %swap3A_426], %add3A_423 {strides = array<i32>} : memref<8x128xf32, #tpu.memory_space<vmem>>, vector<16xf32>,
        %get3A_428 = arith.constant 2 : i32
        %get3A_429 = arith.index_cast %get3A_428 : i32 to index
        %get3A_430 = arith.constant 32 : index
        %get3A_431 = tpu.vector_load %arg17[%get3A_429, %get3A_430] {strides = array<i32>} : memref<8x128xf32, #tpu.memory_space<vmem>>, vector<16xf32>,
        %get3A_432 = arith.index_cast %scan3A_367 : i32 to index
        %get3A_433 = arith.constant 32 : index
        %get3A_434 = tpu.vector_load %arg16[%get3A_432, %get3A_433] {strides = array<i32>} : memref<16x128xf32, #tpu.memory_space<vmem>>, vector<16xf32>,
        %add3A_435 = arith.addf %get3A_431, %get3A_434 : vector<16xf32>
        %swap3A_436 = arith.constant 2 : i32
        %swap3A_437 = arith.index_cast %swap3A_436 : i32 to index
        %swap3A_438 = arith.constant 32 : index
        %swap3A_439 = tpu.vector_load %arg17[%swap3A_437, %swap3A_438] {strides = array<i32>} : memref<8x128xf32, #tpu.memory_space<vmem>>, vector<16xf32>,
        tpu.vector_store %arg17[%swap3A_437, %swap3A_438], %add3A_435 {strides = array<i32>} : memref<8x128xf32, #tpu.memory_space<vmem>>, vector<16xf32>,
        %get3A_440 = arith.constant 0 : i32
        %get3A_441 = arith.index_cast %get3A_440 : i32 to index
        %get3A_442 = arith.constant 48 : index
        %get3A_443 = tpu.vector_load %arg17[%get3A_441, %get3A_442] {strides = array<i32>} : memref<8x128xf32, #tpu.memory_space<vmem>>, vector<16xf32>,
        %get3A_444 = arith.index_cast %scan3A_367 : i32 to index
        %get3A_445 = arith.constant 48 : index
        %get3A_446 = tpu.vector_load %arg15[%get3A_444, %get3A_445] {strides = array<i32>} : memref<16x128xf32, #tpu.memory_space<vmem>>, vector<16xf32>,
        %add3A_447 = arith.addf %get3A_443, %get3A_446 : vector<16xf32>
        %swap3A_448 = arith.constant 0 : i32
        %swap3A_449 = arith.index_cast %swap3A_448 : i32 to index
        %swap3A_450 = arith.constant 48 : index
        %swap3A_451 = tpu.vector_load %arg17[%swap3A_449, %swap3A_450] {strides = array<i32>} : memref<8x128xf32, #tpu.memory_space<vmem>>, vector<16xf32>,
        tpu.vector_store %arg17[%swap3A_449, %swap3A_450], %add3A_447 {strides = array<i32>} : memref<8x128xf32, #tpu.memory_space<vmem>>, vector<16xf32>,
        %get3A_452 = arith.constant 2 : i32
        %get3A_453 = arith.index_cast %get3A_452 : i32 to index
        %get3A_454 = arith.constant 48 : index
        %get3A_455 = tpu.vector_load %arg17[%get3A_453, %get3A_454] {strides = array<i32>} : memref<8x128xf32, #tpu.memory_space<vmem>>, vector<16xf32>,
        %get3A_456 = arith.index_cast %scan3A_367 : i32 to index
        %get3A_457 = arith.constant 48 : index
        %get3A_458 = tpu.vector_load %arg16[%get3A_456, %get3A_457] {strides = array<i32>} : memref<16x128xf32, #tpu.memory_space<vmem>>, vector<16xf32>,
        %add3A_459 = arith.addf %get3A_455, %get3A_458 : vector<16xf32>
        %swap3A_460 = arith.constant 2 : i32
        %swap3A_461 = arith.index_cast %swap3A_460 : i32 to index
        %swap3A_462 = arith.constant 48 : index
        %swap3A_463 = tpu.vector_load %arg17[%swap3A_461, %swap3A_462] {strides = array<i32>} : memref<8x128xf32, #tpu.memory_space<vmem>>, vector<16xf32>,
        tpu.vector_store %arg17[%swap3A_461, %swap3A_462], %add3A_459 {strides = array<i32>} : memref<8x128xf32, #tpu.memory_space<vmem>>, vector<16xf32>,
        %get3A_464 = arith.constant 0 : i32
        %get3A_465 = arith.index_cast %get3A_464 : i32 to index
        %get3A_466 = arith.constant 64 : index
        %get3A_467 = tpu.vector_load %arg17[%get3A_465, %get3A_466] {strides = array<i32>} : memref<8x128xf32, #tpu.memory_space<vmem>>, vector<16xf32>,
        %get3A_468 = arith.index_cast %scan3A_367 : i32 to index
        %get3A_469 = arith.constant 64 : index
        %get3A_470 = tpu.vector_load %arg15[%get3A_468, %get3A_469] {strides = array<i32>} : memref<16x128xf32, #tpu.memory_space<vmem>>, vector<16xf32>,
        %add3A_471 = arith.addf %get3A_467, %get3A_470 : vector<16xf32>
        %swap3A_472 = arith.constant 0 : i32
        %swap3A_473 = arith.index_cast %swap3A_472 : i32 to index
        %swap3A_474 = arith.constant 64 : index
        %swap3A_475 = tpu.vector_load %arg17[%swap3A_473, %swap3A_474] {strides = array<i32>} : memref<8x128xf32, #tpu.memory_space<vmem>>, vector<16xf32>,
        tpu.vector_store %arg17[%swap3A_473, %swap3A_474], %add3A_471 {strides = array<i32>} : memref<8x128xf32, #tpu.memory_space<vmem>>, vector<16xf32>,
        %get3A_476 = arith.constant 2 : i32
        %get3A_477 = arith.index_cast %get3A_476 : i32 to index
        %get3A_478 = arith.constant 64 : index
        %get3A_479 = tpu.vector_load %arg17[%get3A_477, %get3A_478] {strides = array<i32>} : memref<8x128xf32, #tpu.memory_space<vmem>>, vector<16xf32>,
        %get3A_480 = arith.index_cast %scan3A_367 : i32 to index
        %get3A_481 = arith.constant 64 : index
        %get3A_482 = tpu.vector_load %arg16[%get3A_480, %get3A_481] {strides = array<i32>} : memref<16x128xf32, #tpu.memory_space<vmem>>, vector<16xf32>,
        %add3A_483 = arith.addf %get3A_479, %get3A_482 : vector<16xf32>
        %swap3A_484 = arith.constant 2 : i32
        %swap3A_485 = arith.index_cast %swap3A_484 : i32 to index
        %swap3A_486 = arith.constant 64 : index
        %swap3A_487 = tpu.vector_load %arg17[%swap3A_485, %swap3A_486] {strides = array<i32>} : memref<8x128xf32, #tpu.memory_space<vmem>>, vector<16xf32>,
        tpu.vector_store %arg17[%swap3A_485, %swap3A_486], %add3A_483 {strides = array<i32>} : memref<8x128xf32, #tpu.memory_space<vmem>>, vector<16xf32>,
        %get3A_488 = arith.constant 0 : i32
        %get3A_489 = arith.index_cast %get3A_488 : i32 to index
        %get3A_490 = arith.constant 80 : index
        %get3A_491 = tpu.vector_load %arg17[%get3A_489, %get3A_490] {strides = array<i32>} : memref<8x128xf32, #tpu.memory_space<vmem>>, vector<16xf32>,
        %get3A_492 = arith.index_cast %scan3A_367 : i32 to index
        %get3A_493 = arith.constant 80 : index
        %get3A_494 = tpu.vector_load %arg15[%get3A_492, %get3A_493] {strides = array<i32>} : memref<16x128xf32, #tpu.memory_space<vmem>>, vector<16xf32>,
        %add3A_495 = arith.addf %get3A_491, %get3A_494 : vector<16xf32>
        %swap3A_496 = arith.constant 0 : i32
        %swap3A_497 = arith.index_cast %swap3A_496 : i32 to index
        %swap3A_498 = arith.constant 80 : index
        %swap3A_499 = tpu.vector_load %arg17[%swap3A_497, %swap3A_498] {strides = array<i32>} : memref<8x128xf32, #tpu.memory_space<vmem>>, vector<16xf32>,
        tpu.vector_store %arg17[%swap3A_497, %swap3A_498], %add3A_495 {strides = array<i32>} : memref<8x128xf32, #tpu.memory_space<vmem>>, vector<16xf32>,
        %get3A_500 = arith.constant 2 : i32
        %get3A_501 = arith.index_cast %get3A_500 : i32 to index
        %get3A_502 = arith.constant 80 : index
        %get3A_503 = tpu.vector_load %arg17[%get3A_501, %get3A_502] {strides = array<i32>} : memref<8x128xf32, #tpu.memory_space<vmem>>, vector<16xf32>,
        %get3A_504 = arith.index_cast %scan3A_367 : i32 to index
        %get3A_505 = arith.constant 80 : index
        %get3A_506 = tpu.vector_load %arg16[%get3A_504, %get3A_505] {strides = array<i32>} : memref<16x128xf32, #tpu.memory_space<vmem>>, vector<16xf32>,
        %add3A_507 = arith.addf %get3A_503, %get3A_506 : vector<16xf32>
        %swap3A_508 = arith.constant 2 : i32
        %swap3A_509 = arith.index_cast %swap3A_508 : i32 to index
        %swap3A_510 = arith.constant 80 : index
        %swap3A_511 = tpu.vector_load %arg17[%swap3A_509, %swap3A_510] {strides = array<i32>} : memref<8x128xf32, #tpu.memory_space<vmem>>, vector<16xf32>,
        tpu.vector_store %arg17[%swap3A_509, %swap3A_510], %add3A_507 {strides = array<i32>} : memref<8x128xf32, #tpu.memory_space<vmem>>, vector<16xf32>,
        %get3A_512 = arith.constant 0 : i32
        %get3A_513 = arith.index_cast %get3A_512 : i32 to index
        %get3A_514 = arith.constant 96 : index
        %get3A_515 = tpu.vector_load %arg17[%get3A_513, %get3A_514] {strides = array<i32>} : memref<8x128xf32, #tpu.memory_space<vmem>>, vector<16xf32>,
        %get3A_516 = arith.index_cast %scan3A_367 : i32 to index
        %get3A_517 = arith.constant 96 : index
        %get3A_518 = tpu.vector_load %arg15[%get3A_516, %get3A_517] {strides = array<i32>} : memref<16x128xf32, #tpu.memory_space<vmem>>, vector<16xf32>,
        %add3A_519 = arith.addf %get3A_515, %get3A_518 : vector<16xf32>
        %swap3A_520 = arith.constant 0 : i32
        %swap3A_521 = arith.index_cast %swap3A_520 : i32 to index
        %swap3A_522 = arith.constant 96 : index
        %swap3A_523 = tpu.vector_load %arg17[%swap3A_521, %swap3A_522] {strides = array<i32>} : memref<8x128xf32, #tpu.memory_space<vmem>>, vector<16xf32>,
        tpu.vector_store %arg17[%swap3A_521, %swap3A_522], %add3A_519 {strides = array<i32>} : memref<8x128xf32, #tpu.memory_space<vmem>>, vector<16xf32>,
        %get3A_524 = arith.constant 2 : i32
        %get3A_525 = arith.index_cast %get3A_524 : i32 to index
        %get3A_526 = arith.constant 96 : index
        %get3A_527 = tpu.vector_load %arg17[%get3A_525, %get3A_526] {strides = array<i32>} : memref<8x128xf32, #tpu.memory_space<vmem>>, vector<16xf32>,
        %get3A_528 = arith.index_cast %scan3A_367 : i32 to index
        %get3A_529 = arith.constant 96 : index
        %get3A_530 = tpu.vector_load %arg16[%get3A_528, %get3A_529] {strides = array<i32>} : memref<16x128xf32, #tpu.memory_space<vmem>>, vector<16xf32>,
        %add3A_531 = arith.addf %get3A_527, %get3A_530 : vector<16xf32>
        %swap3A_532 = arith.constant 2 : i32
        %swap3A_533 = arith.index_cast %swap3A_532 : i32 to index
        %swap3A_534 = arith.constant 96 : index
        %swap3A_535 = tpu.vector_load %arg17[%swap3A_533, %swap3A_534] {strides = array<i32>} : memref<8x128xf32, #tpu.memory_space<vmem>>, vector<16xf32>,
        tpu.vector_store %arg17[%swap3A_533, %swap3A_534], %add3A_531 {strides = array<i32>} : memref<8x128xf32, #tpu.memory_space<vmem>>, vector<16xf32>,
        %get3A_536 = arith.constant 0 : i32
        %get3A_537 = arith.index_cast %get3A_536 : i32 to index
        %get3A_538 = arith.constant 112 : index
        %get3A_539 = tpu.vector_load %arg17[%get3A_537, %get3A_538] {strides = array<i32>} : memref<8x128xf32, #tpu.memory_space<vmem>>, vector<16xf32>,
        %get3A_540 = arith.index_cast %scan3A_367 : i32 to index
        %get3A_541 = arith.constant 112 : index
        %get3A_542 = tpu.vector_load %arg15[%get3A_540, %get3A_541] {strides = array<i32>} : memref<16x128xf32, #tpu.memory_space<vmem>>, vector<16xf32>,
        %add3A_543 = arith.addf %get3A_539, %get3A_542 : vector<16xf32>
        %swap3A_544 = arith.constant 0 : i32
        %swap3A_545 = arith.index_cast %swap3A_544 : i32 to index
        %swap3A_546 = arith.constant 112 : index
        %swap3A_547 = tpu.vector_load %arg17[%swap3A_545, %swap3A_546] {strides = array<i32>} : memref<8x128xf32, #tpu.memory_space<vmem>>, vector<16xf32>,
        tpu.vector_store %arg17[%swap3A_545, %swap3A_546], %add3A_543 {strides = array<i32>} : memref<8x128xf32, #tpu.memory_space<vmem>>, vector<16xf32>,
        %get3A_548 = arith.constant 2 : i32
        %get3A_549 = arith.index_cast %get3A_548 : i32 to index
        %get3A_550 = arith.constant 112 : index
        %get3A_551 = tpu.vector_load %arg17[%get3A_549, %get3A_550] {strides = array<i32>} : memref<8x128xf32, #tpu.memory_space<vmem>>, vector<16xf32>,
        %get3A_552 = arith.index_cast %scan3A_367 : i32 to index
        %get3A_553 = arith.constant 112 : index
        %get3A_554 = tpu.vector_load %arg16[%get3A_552, %get3A_553] {strides = array<i32>} : memref<16x128xf32, #tpu.memory_space<vmem>>, vector<16xf32>,
        %add3A_555 = arith.addf %get3A_551, %get3A_554 : vector<16xf32>
        %swap3A_556 = arith.constant 2 : i32
        %swap3A_557 = arith.index_cast %swap3A_556 : i32 to index
        %swap3A_558 = arith.constant 112 : index
        %swap3A_559 = tpu.vector_load %arg17[%swap3A_557, %swap3A_558] {strides = array<i32>} : memref<8x128xf32, #tpu.memory_space<vmem>>, vector<16xf32>,
        tpu.vector_store %arg17[%swap3A_557, %swap3A_558], %add3A_555 {strides = array<i32>} : memref<8x128xf32, #tpu.memory_space<vmem>>, vector<16xf32>,
      }
      %scan3A_366 = arith.constant 16 : i32
    }
    %while3A_303 = arith.constant 1 : i32
    scf.for %while3A_344 = %while3A_301 to %while3A_297 step %while3A_303  : i32 {
      %mul3A_345 = arith.constant 16 : i32
      %mul3A_346 = arith.muli %while3A_344, %mul3A_345 : i32
      %dma_start3A = tpu.memref_slice %arg11[%mul3A_346] : memref<10032xi32, #tpu.memory_space<vmem>> -> memref<16xi32, #tpu.memory_space<vmem>>
      %dma_start3A_347 = arith.constant 0 : i32
      %dma_start3A_348 = arith.constant 0 : i32
      %dma_start3A_349 = tpu.memref_slice %arg6[%dma_start3A_347, %dma_start3A_348] : memref<10400x128xf32, #tpu.memory_space<hbm>> -> memref<10400x128xf32, #tpu.memory_space<hbm>>
      tpu.enqueue_indirect_dma source(%dma_start3A_349 : memref<10400x128xf32, #tpu.memory_space<hbm>>) target(%arg15 : memref<16x128xf32, #tpu.memory_space<vmem>>) offsets(%dma_start3A : memref<16xi32, #tpu.memory_space<vmem>>) semaphore(%arg18 : memref<!tpu.dma_semaphore, #tpu.memory_space<semaphore_mem>>)
      %dma_wait3A = tpu.memref_slice %arg11[%mul3A_346] : memref<10032xi32, #tpu.memory_space<vmem>> -> memref<16xi32, #tpu.memory_space<vmem>>
      %dma_wait3A_350 = arith.constant 0 : i32
      %dma_wait3A_351 = arith.constant 0 : i32
      %dma_wait3A_352 = tpu.memref_slice %arg6[%dma_wait3A_350, %dma_wait3A_351] : memref<10400x128xf32, #tpu.memory_space<hbm>> -> memref<10400x128xf32, #tpu.memory_space<hbm>>
      tpu.wait_indirect_dma semaphore(%arg18 : memref<!tpu.dma_semaphore, #tpu.memory_space<semaphore_mem>>) src(%dma_wait3A_352 : memref<10400x128xf32, #tpu.memory_space<hbm>>) dst(%arg15 : memref<16x128xf32, #tpu.memory_space<vmem>>)
      %dma_start3A_353 = tpu.memref_slice %arg11[%mul3A_346] : memref<10032xi32, #tpu.memory_space<vmem>> -> memref<16xi32, #tpu.memory_space<vmem>>
      %dma_start3A_354 = arith.constant 0 : i32
      %dma_start3A_355 = arith.constant 0 : i32
      %dma_start3A_356 = tpu.memref_slice %arg7[%dma_start3A_354, %dma_start3A_355] : memref<10400x128xf32, #tpu.memory_space<hbm>> -> memref<10400x128xf32, #tpu.memory_space<hbm>>
      tpu.enqueue_indirect_dma source(%dma_start3A_356 : memref<10400x128xf32, #tpu.memory_space<hbm>>) target(%arg16 : memref<16x128xf32, #tpu.memory_space<vmem>>) offsets(%dma_start3A_353 : memref<16xi32, #tpu.memory_space<vmem>>) semaphore(%arg18 : memref<!tpu.dma_semaphore, #tpu.memory_space<semaphore_mem>>)
      %dma_wait3A_357 = tpu.memref_slice %arg11[%mul3A_346] : memref<10032xi32, #tpu.memory_space<vmem>> -> memref<16xi32, #tpu.memory_space<vmem>>
      %dma_wait3A_358 = arith.constant 0 : i32
      %dma_wait3A_359 = arith.constant 0 : i32
      %dma_wait3A_360 = tpu.memref_slice %arg7[%dma_wait3A_358, %dma_wait3A_359] : memref<10400x128xf32, #tpu.memory_space<hbm>> -> memref<10400x128xf32, #tpu.memory_space<hbm>>
      tpu.wait_indirect_dma semaphore(%arg18 : memref<!tpu.dma_semaphore, #tpu.memory_space<semaphore_mem>>) src(%dma_wait3A_360 : memref<10400x128xf32, #tpu.memory_space<hbm>>) dst(%arg16 : memref<16x128xf32, #tpu.memory_space<vmem>>)
      %scan3A_361 = arith.constant 0 : i32
      %scan3A_362 = arith.constant 0 : i32
      %scan3A_363 = arith.constant 16 : i32
      %scan3A_364 = arith.addi %scan3A_362, %scan3A_363 : i32
      %scan3A_365 = arith.constant 1 : i32
      scf.for %scan3A_367 = %scan3A_362 to %scan3A_364 step %scan3A_365  : i32 {
        %get3A_368 = arith.constant 0 : i32
        %get3A_369 = arith.index_cast %get3A_368 : i32 to index
        %get3A_370 = arith.constant 0 : index
        %get3A_371 = tpu.vector_load %arg17[%get3A_369, %get3A_370] {strides = array<i32>} : memref<8x128xf32, #tpu.memory_space<vmem>>, vector<16xf32>,
        %get3A_372 = arith.index_cast %scan3A_367 : i32 to index
        %get3A_373 = arith.constant 0 : index
        %get3A_374 = tpu.vector_load %arg15[%get3A_372, %get3A_373] {strides = array<i32>} : memref<16x128xf32, #tpu.memory_space<vmem>>, vector<16xf32>,
        %add3A_375 = arith.addf %get3A_371, %get3A_374 : vector<16xf32>
        %swap3A_376 = arith.constant 0 : i32
        %swap3A_377 = arith.index_cast %swap3A_376 : i32 to index
        %swap3A_378 = arith.constant 0 : index
        %swap3A_379 = tpu.vector_load %arg17[%swap3A_377, %swap3A_378] {strides = array<i32>} : memref<8x128xf32, #tpu.memory_space<vmem>>, vector<16xf32>,
        tpu.vector_store %arg17[%swap3A_377, %swap3A_378], %add3A_375 {strides = array<i32>} : memref<8x128xf32, #tpu.memory_space<vmem>>, vector<16xf32>,
        %get3A_380 = arith.constant 2 : i32
        %get3A_381 = arith.index_cast %get3A_380 : i32 to index
        %get3A_382 = arith.constant 0 : index
        %get3A_383 = tpu.vector_load %arg17[%get3A_381, %get3A_382] {strides = array<i32>} : memref<8x128xf32, #tpu.memory_space<vmem>>, vector<16xf32>,
        %get3A_384 = arith.index_cast %scan3A_367 : i32 to index
        %get3A_385 = arith.constant 0 : index
        %get3A_386 = tpu.vector_load %arg16[%get3A_384, %get3A_385] {strides = array<i32>} : memref<16x128xf32, #tpu.memory_space<vmem>>, vector<16xf32>,
        %add3A_387 = arith.addf %get3A_383, %get3A_386 : vector<16xf32>
        %swap3A_388 = arith.constant 2 : i32
        %swap3A_389 = arith.index_cast %swap3A_388 : i32 to index
        %swap3A_390 = arith.constant 0 : index
        %swap3A_391 = tpu.vector_load %arg17[%swap3A_389, %swap3A_390] {strides = array<i32>} : memref<8x128xf32, #tpu.memory_space<vmem>>, vector<16xf32>,
        tpu.vector_store %arg17[%swap3A_389, %swap3A_390], %add3A_387 {strides = array<i32>} : memref<8x128xf32, #tpu.memory_space<vmem>>, vector<16xf32>,
        %get3A_392 = arith.constant 0 : i32
        %get3A_393 = arith.index_cast %get3A_392 : i32 to index
        %get3A_394 = arith.constant 16 : index
        %get3A_395 = tpu.vector_load %arg17[%get3A_393, %get3A_394] {strides = array<i32>} : memref<8x128xf32, #tpu.memory_space<vmem>>, vector<16xf32>,
        %get3A_396 = arith.index_cast %scan3A_367 : i32 to index
        %get3A_397 = arith.constant 16 : index
        %get3A_398 = tpu.vector_load %arg15[%get3A_396, %get3A_397] {strides = array<i32>} : memref<16x128xf32, #tpu.memory_space<vmem>>, vector<16xf32>,
        %add3A_399 = arith.addf %get3A_395, %get3A_398 : vector<16xf32>
        %swap3A_400 = arith.constant 0 : i32
        %swap3A_401 = arith.index_cast %swap3A_400 : i32 to index
        %swap3A_402 = arith.constant 16 : index
        %swap3A_403 = tpu.vector_load %arg17[%swap3A_401, %swap3A_402] {strides = array<i32>} : memref<8x128xf32, #tpu.memory_space<vmem>>, vector<16xf32>,
        tpu.vector_store %arg17[%swap3A_401, %swap3A_402], %add3A_399 {strides = array<i32>} : memref<8x128xf32, #tpu.memory_space<vmem>>, vector<16xf32>,
        %get3A_404 = arith.constant 2 : i32
        %get3A_405 = arith.index_cast %get3A_404 : i32 to index
        %get3A_406 = arith.constant 16 : index
        %get3A_407 = tpu.vector_load %arg17[%get3A_405, %get3A_406] {strides = array<i32>} : memref<8x128xf32, #tpu.memory_space<vmem>>, vector<16xf32>,
        %get3A_408 = arith.index_cast %scan3A_367 : i32 to index
        %get3A_409 = arith.constant 16 : index
        %get3A_410 = tpu.vector_load %arg16[%get3A_408, %get3A_409] {strides = array<i32>} : memref<16x128xf32, #tpu.memory_space<vmem>>, vector<16xf32>,
        %add3A_411 = arith.addf %get3A_407, %get3A_410 : vector<16xf32>
        %swap3A_412 = arith.constant 2 : i32
        %swap3A_413 = arith.index_cast %swap3A_412 : i32 to index
        %swap3A_414 = arith.constant 16 : index
        %swap3A_415 = tpu.vector_load %arg17[%swap3A_413, %swap3A_414] {strides = array<i32>} : memref<8x128xf32, #tpu.memory_space<vmem>>, vector<16xf32>,
        tpu.vector_store %arg17[%swap3A_413, %swap3A_414], %add3A_411 {strides = array<i32>} : memref<8x128xf32, #tpu.memory_space<vmem>>, vector<16xf32>,
        %get3A_416 = arith.constant 0 : i32
        %get3A_417 = arith.index_cast %get3A_416 : i32 to index
        %get3A_418 = arith.constant 32 : index
        %get3A_419 = tpu.vector_load %arg17[%get3A_417, %get3A_418] {strides = array<i32>} : memref<8x128xf32, #tpu.memory_space<vmem>>, vector<16xf32>,
        %get3A_420 = arith.index_cast %scan3A_367 : i32 to index
        %get3A_421 = arith.constant 32 : index
        %get3A_422 = tpu.vector_load %arg15[%get3A_420, %get3A_421] {strides = array<i32>} : memref<16x128xf32, #tpu.memory_space<vmem>>, vector<16xf32>,
        %add3A_423 = arith.addf %get3A_419, %get3A_422 : vector<16xf32>
        %swap3A_424 = arith.constant 0 : i32
        %swap3A_425 = arith.index_cast %swap3A_424 : i32 to index
        %swap3A_426 = arith.constant 32 : index
        %swap3A_427 = tpu.vector_load %arg17[%swap3A_425, %swap3A_426] {strides = array<i32>} : memref<8x128xf32, #tpu.memory_space<vmem>>, vector<16xf32>,
        tpu.vector_store %arg17[%swap3A_425, %swap3A_426], %add3A_423 {strides = array<i32>} : memref<8x128xf32, #tpu.memory_space<vmem>>, vector<16xf32>,
        %get3A_428 = arith.constant 2 : i32
        %get3A_429 = arith.index_cast %get3A_428 : i32 to index
        %get3A_430 = arith.constant 32 : index
        %get3A_431 = tpu.vector_load %arg17[%get3A_429, %get3A_430] {strides = array<i32>} : memref<8x128xf32, #tpu.memory_space<vmem>>, vector<16xf32>,
        %get3A_432 = arith.index_cast %scan3A_367 : i32 to index
        %get3A_433 = arith.constant 32 : index
        %get3A_434 = tpu.vector_load %arg16[%get3A_432, %get3A_433] {strides = array<i32>} : memref<16x128xf32, #tpu.memory_space<vmem>>, vector<16xf32>,
        %add3A_435 = arith.addf %get3A_431, %get3A_434 : vector<16xf32>
        %swap3A_436 = arith.constant 2 : i32
        %swap3A_437 = arith.index_cast %swap3A_436 : i32 to index
        %swap3A_438 = arith.constant 32 : index
        %swap3A_439 = tpu.vector_load %arg17[%swap3A_437, %swap3A_438] {strides = array<i32>} : memref<8x128xf32, #tpu.memory_space<vmem>>, vector<16xf32>,
        tpu.vector_store %arg17[%swap3A_437, %swap3A_438], %add3A_435 {strides = array<i32>} : memref<8x128xf32, #tpu.memory_space<vmem>>, vector<16xf32>,
        %get3A_440 = arith.constant 0 : i32
        %get3A_441 = arith.index_cast %get3A_440 : i32 to index
        %get3A_442 = arith.constant 48 : index
        %get3A_443 = tpu.vector_load %arg17[%get3A_441, %get3A_442] {strides = array<i32>} : memref<8x128xf32, #tpu.memory_space<vmem>>, vector<16xf32>,
        %get3A_444 = arith.index_cast %scan3A_367 : i32 to index
        %get3A_445 = arith.constant 48 : index
        %get3A_446 = tpu.vector_load %arg15[%get3A_444, %get3A_445] {strides = array<i32>} : memref<16x128xf32, #tpu.memory_space<vmem>>, vector<16xf32>,
        %add3A_447 = arith.addf %get3A_443, %get3A_446 : vector<16xf32>
        %swap3A_448 = arith.constant 0 : i32
        %swap3A_449 = arith.index_cast %swap3A_448 : i32 to index
        %swap3A_450 = arith.constant 48 : index
        %swap3A_451 = tpu.vector_load %arg17[%swap3A_449, %swap3A_450] {strides = array<i32>} : memref<8x128xf32, #tpu.memory_space<vmem>>, vector<16xf32>,
        tpu.vector_store %arg17[%swap3A_449, %swap3A_450], %add3A_447 {strides = array<i32>} : memref<8x128xf32, #tpu.memory_space<vmem>>, vector<16xf32>,
        %get3A_452 = arith.constant 2 : i32
        %get3A_453 = arith.index_cast %get3A_452 : i32 to index
        %get3A_454 = arith.constant 48 : index
        %get3A_455 = tpu.vector_load %arg17[%get3A_453, %get3A_454] {strides = array<i32>} : memref<8x128xf32, #tpu.memory_space<vmem>>, vector<16xf32>,
        %get3A_456 = arith.index_cast %scan3A_367 : i32 to index
        %get3A_457 = arith.constant 48 : index
        %get3A_458 = tpu.vector_load %arg16[%get3A_456, %get3A_457] {strides = array<i32>} : memref<16x128xf32, #tpu.memory_space<vmem>>, vector<16xf32>,
        %add3A_459 = arith.addf %get3A_455, %get3A_458 : vector<16xf32>
        %swap3A_460 = arith.constant 2 : i32
        %swap3A_461 = arith.index_cast %swap3A_460 : i32 to index
        %swap3A_462 = arith.constant 48 : index
        %swap3A_463 = tpu.vector_load %arg17[%swap3A_461, %swap3A_462] {strides = array<i32>} : memref<8x128xf32, #tpu.memory_space<vmem>>, vector<16xf32>,
        tpu.vector_store %arg17[%swap3A_461, %swap3A_462], %add3A_459 {strides = array<i32>} : memref<8x128xf32, #tpu.memory_space<vmem>>, vector<16xf32>,
        %get3A_464 = arith.constant 0 : i32
        %get3A_465 = arith.index_cast %get3A_464 : i32 to index
        %get3A_466 = arith.constant 64 : index
        %get3A_467 = tpu.vector_load %arg17[%get3A_465, %get3A_466] {strides = array<i32>} : memref<8x128xf32, #tpu.memory_space<vmem>>, vector<16xf32>,
        %get3A_468 = arith.index_cast %scan3A_367 : i32 to index
        %get3A_469 = arith.constant 64 : index
        %get3A_470 = tpu.vector_load %arg15[%get3A_468, %get3A_469] {strides = array<i32>} : memref<16x128xf32, #tpu.memory_space<vmem>>, vector<16xf32>,
        %add3A_471 = arith.addf %get3A_467, %get3A_470 : vector<16xf32>
        %swap3A_472 = arith.constant 0 : i32
        %swap3A_473 = arith.index_cast %swap3A_472 : i32 to index
        %swap3A_474 = arith.constant 64 : index
        %swap3A_475 = tpu.vector_load %arg17[%swap3A_473, %swap3A_474] {strides = array<i32>} : memref<8x128xf32, #tpu.memory_space<vmem>>, vector<16xf32>,
        tpu.vector_store %arg17[%swap3A_473, %swap3A_474], %add3A_471 {strides = array<i32>} : memref<8x128xf32, #tpu.memory_space<vmem>>, vector<16xf32>,
        %get3A_476 = arith.constant 2 : i32
        %get3A_477 = arith.index_cast %get3A_476 : i32 to index
        %get3A_478 = arith.constant 64 : index
        %get3A_479 = tpu.vector_load %arg17[%get3A_477, %get3A_478] {strides = array<i32>} : memref<8x128xf32, #tpu.memory_space<vmem>>, vector<16xf32>,
        %get3A_480 = arith.index_cast %scan3A_367 : i32 to index
        %get3A_481 = arith.constant 64 : index
        %get3A_482 = tpu.vector_load %arg16[%get3A_480, %get3A_481] {strides = array<i32>} : memref<16x128xf32, #tpu.memory_space<vmem>>, vector<16xf32>,
        %add3A_483 = arith.addf %get3A_479, %get3A_482 : vector<16xf32>
        %swap3A_484 = arith.constant 2 : i32
        %swap3A_485 = arith.index_cast %swap3A_484 : i32 to index
        %swap3A_486 = arith.constant 64 : index
        %swap3A_487 = tpu.vector_load %arg17[%swap3A_485, %swap3A_486] {strides = array<i32>} : memref<8x128xf32, #tpu.memory_space<vmem>>, vector<16xf32>,
        tpu.vector_store %arg17[%swap3A_485, %swap3A_486], %add3A_483 {strides = array<i32>} : memref<8x128xf32, #tpu.memory_space<vmem>>, vector<16xf32>,
        %get3A_488 = arith.constant 0 : i32
        %get3A_489 = arith.index_cast %get3A_488 : i32 to index
        %get3A_490 = arith.constant 80 : index
        %get3A_491 = tpu.vector_load %arg17[%get3A_489, %get3A_490] {strides = array<i32>} : memref<8x128xf32, #tpu.memory_space<vmem>>, vector<16xf32>,
        %get3A_492 = arith.index_cast %scan3A_367 : i32 to index
        %get3A_493 = arith.constant 80 : index
        %get3A_494 = tpu.vector_load %arg15[%get3A_492, %get3A_493] {strides = array<i32>} : memref<16x128xf32, #tpu.memory_space<vmem>>, vector<16xf32>,
        %add3A_495 = arith.addf %get3A_491, %get3A_494 : vector<16xf32>
        %swap3A_496 = arith.constant 0 : i32
        %swap3A_497 = arith.index_cast %swap3A_496 : i32 to index
        %swap3A_498 = arith.constant 80 : index
        %swap3A_499 = tpu.vector_load %arg17[%swap3A_497, %swap3A_498] {strides = array<i32>} : memref<8x128xf32, #tpu.memory_space<vmem>>, vector<16xf32>,
        tpu.vector_store %arg17[%swap3A_497, %swap3A_498], %add3A_495 {strides = array<i32>} : memref<8x128xf32, #tpu.memory_space<vmem>>, vector<16xf32>,
        %get3A_500 = arith.constant 2 : i32
        %get3A_501 = arith.index_cast %get3A_500 : i32 to index
        %get3A_502 = arith.constant 80 : index
        %get3A_503 = tpu.vector_load %arg17[%get3A_501, %get3A_502] {strides = array<i32>} : memref<8x128xf32, #tpu.memory_space<vmem>>, vector<16xf32>,
        %get3A_504 = arith.index_cast %scan3A_367 : i32 to index
        %get3A_505 = arith.constant 80 : index
        %get3A_506 = tpu.vector_load %arg16[%get3A_504, %get3A_505] {strides = array<i32>} : memref<16x128xf32, #tpu.memory_space<vmem>>, vector<16xf32>,
        %add3A_507 = arith.addf %get3A_503, %get3A_506 : vector<16xf32>
        %swap3A_508 = arith.constant 2 : i32
        %swap3A_509 = arith.index_cast %swap3A_508 : i32 to index
        %swap3A_510 = arith.constant 80 : index
        %swap3A_511 = tpu.vector_load %arg17[%swap3A_509, %swap3A_510] {strides = array<i32>} : memref<8x128xf32, #tpu.memory_space<vmem>>, vector<16xf32>,
        tpu.vector_store %arg17[%swap3A_509, %swap3A_510], %add3A_507 {strides = array<i32>} : memref<8x128xf32, #tpu.memory_space<vmem>>, vector<16xf32>,
        %get3A_512 = arith.constant 0 : i32
        %get3A_513 = arith.index_cast %get3A_512 : i32 to index
        %get3A_514 = arith.constant 96 : index
        %get3A_515 = tpu.vector_load %arg17[%get3A_513, %get3A_514] {strides = array<i32>} : memref<8x128xf32, #tpu.memory_space<vmem>>, vector<16xf32>,
        %get3A_516 = arith.index_cast %scan3A_367 : i32 to index
        %get3A_517 = arith.constant 96 : index
        %get3A_518 = tpu.vector_load %arg15[%get3A_516, %get3A_517] {strides = array<i32>} : memref<16x128xf32, #tpu.memory_space<vmem>>, vector<16xf32>,
        %add3A_519 = arith.addf %get3A_515, %get3A_518 : vector<16xf32>
        %swap3A_520 = arith.constant 0 : i32
        %swap3A_521 = arith.index_cast %swap3A_520 : i32 to index
        %swap3A_522 = arith.constant 96 : index
        %swap3A_523 = tpu.vector_load %arg17[%swap3A_521, %swap3A_522] {strides = array<i32>} : memref<8x128xf32, #tpu.memory_space<vmem>>, vector<16xf32>,
        tpu.vector_store %arg17[%swap3A_521, %swap3A_522], %add3A_519 {strides = array<i32>} : memref<8x128xf32, #tpu.memory_space<vmem>>, vector<16xf32>,
        %get3A_524 = arith.constant 2 : i32
        %get3A_525 = arith.index_cast %get3A_524 : i32 to index
        %get3A_526 = arith.constant 96 : index
        %get3A_527 = tpu.vector_load %arg17[%get3A_525, %get3A_526] {strides = array<i32>} : memref<8x128xf32, #tpu.memory_space<vmem>>, vector<16xf32>,
        %get3A_528 = arith.index_cast %scan3A_367 : i32 to index
        %get3A_529 = arith.constant 96 : index
        %get3A_530 = tpu.vector_load %arg16[%get3A_528, %get3A_529] {strides = array<i32>} : memref<16x128xf32, #tpu.memory_space<vmem>>, vector<16xf32>,
        %add3A_531 = arith.addf %get3A_527, %get3A_530 : vector<16xf32>
        %swap3A_532 = arith.constant 2 : i32
        %swap3A_533 = arith.index_cast %swap3A_532 : i32 to index
        %swap3A_534 = arith.constant 96 : index
        %swap3A_535 = tpu.vector_load %arg17[%swap3A_533, %swap3A_534] {strides = array<i32>} : memref<8x128xf32, #tpu.memory_space<vmem>>, vector<16xf32>,
        tpu.vector_store %arg17[%swap3A_533, %swap3A_534], %add3A_531 {strides = array<i32>} : memref<8x128xf32, #tpu.memory_space<vmem>>, vector<16xf32>,
        %get3A_536 = arith.constant 0 : i32
        %get3A_537 = arith.index_cast %get3A_536 : i32 to index
        %get3A_538 = arith.constant 112 : index
        %get3A_539 = tpu.vector_load %arg17[%get3A_537, %get3A_538] {strides = array<i32>} : memref<8x128xf32, #tpu.memory_space<vmem>>, vector<16xf32>,
        %get3A_540 = arith.index_cast %scan3A_367 : i32 to index
        %get3A_541 = arith.constant 112 : index
        %get3A_542 = tpu.vector_load %arg15[%get3A_540, %get3A_541] {strides = array<i32>} : memref<16x128xf32, #tpu.memory_space<vmem>>, vector<16xf32>,
        %add3A_543 = arith.addf %get3A_539, %get3A_542 : vector<16xf32>
        %swap3A_544 = arith.constant 0 : i32
        %swap3A_545 = arith.index_cast %swap3A_544 : i32 to index
        %swap3A_546 = arith.constant 112 : index
        %swap3A_547 = tpu.vector_load %arg17[%swap3A_545, %swap3A_546] {strides = array<i32>} : memref<8x128xf32, #tpu.memory_space<vmem>>, vector<16xf32>,
        tpu.vector_store %arg17[%swap3A_545, %swap3A_546], %add3A_543 {strides = array<i32>} : memref<8x128xf32, #tpu.memory_space<vmem>>, vector<16xf32>,
        %get3A_548 = arith.constant 2 : i32
        %get3A_549 = arith.index_cast %get3A_548 : i32 to index
        %get3A_550 = arith.constant 112 : index
        %get3A_551 = tpu.vector_load %arg17[%get3A_549, %get3A_550] {strides = array<i32>} : memref<8x128xf32, #tpu.memory_space<vmem>>, vector<16xf32>,
        %get3A_552 = arith.index_cast %scan3A_367 : i32 to index
        %get3A_553 = arith.constant 112 : index
        %get3A_554 = tpu.vector_load %arg16[%get3A_552, %get3A_553] {strides = array<i32>} : memref<16x128xf32, #tpu.memory_space<vmem>>, vector<16xf32>,
        %add3A_555 = arith.addf %get3A_551, %get3A_554 : vector<16xf32>
        %swap3A_556 = arith.constant 2 : i32
        %swap3A_557 = arith.index_cast %swap3A_556 : i32 to index
        %swap3A_558 = arith.constant 112 : index
        %swap3A_559 = tpu.vector_load %arg17[%swap3A_557, %swap3A_558] {strides = array<i32>} : memref<8x128xf32, #tpu.memory_space<vmem>>, vector<16xf32>,
        tpu.vector_store %arg17[%swap3A_557, %swap3A_558], %add3A_555 {strides = array<i32>} : memref<8x128xf32, #tpu.memory_space<vmem>>, vector<16xf32>,
      }
      %scan3A_366 = arith.constant 16 : i32
    }
    %swap3A_304 = arith.index_cast %scan3A_271#1 : i32 to index
    %swap3A_305 = tpu.vector_load %arg12[%swap3A_304] {strides = array<i32>} : memref<10032xi32, #tpu.memory_space<vmem>>, vector<16xi32>,
    tpu.vector_store %arg12[%swap3A_304], %broadcast_in_dim3A_274 {strides = array<i32>} : memref<10032xi32, #tpu.memory_space<vmem>>, vector<16xi32>,
    %add3A_306 = arith.constant 15 : i32
    %add3A_307 = arith.addi %scan3A_271#1, %add3A_306 : i32
    %jit3A_308 = arith.constant 16 : i32
    %div3A_309 = arith.divsi %add3A_307, %jit3A_308 : i32
    %sign3A_310 = arith.constant 0 : i32
    %sign3A_311 = arith.cmpi sgt, %add3A_307, %sign3A_310 : i32
    %sign3A_312 = arith.extui %sign3A_311 : i1 to i32
    %sign3A_313 = arith.constant 0 : i32
    %sign3A_314 = arith.cmpi slt, %add3A_307, %sign3A_313 : i32
    %sign3A_315 = arith.extui %sign3A_314 : i1 to i32
    %sign3A_316 = arith.subi %sign3A_312, %sign3A_315 : i32
    %sign3A_317 = arith.constant 0 : i32
    %sign3A_318 = arith.cmpi sgt, %jit3A_308, %sign3A_317 : i32
    %sign3A_319 = arith.extui %sign3A_318 : i1 to i32
    %sign3A_320 = arith.constant 0 : i32
    %sign3A_321 = arith.cmpi slt, %jit3A_308, %sign3A_320 : i32
    %sign3A_322 = arith.extui %sign3A_321 : i1 to i32
    %sign3A_323 = arith.subi %sign3A_319, %sign3A_322 : i32
    %ne3A_324 = arith.cmpi ne, %sign3A_316, %sign3A_323 : i32
    %rem3A_325 = arith.remsi %add3A_307, %jit3A_308 : i32
    %ne3A_326 = arith.constant 0 : i32
    %ne3A_327 = arith.cmpi ne, %rem3A_325, %ne3A_326 : i32
    %and3A_328 = arith.andi %ne3A_324, %ne3A_327 : i1
    %sub3A_329 = arith.constant 1 : i32
    %sub3A_330 = arith.subi %div3A_309, %sub3A_329 : i32
    %select_n3A_331 = arith.select %and3A_328, %sub3A_330, %div3A_309 : i32
    %while3A_332 = arith.constant 0 : i32
    %while3A_333 = arith.constant 0 : i32
    %while3A_334 = arith.subi %select_n3A_331, %while3A_333 : i32
    %while3A_335 = arith.addi %while3A_333, %while3A_334 : i32
    %while3A_336 = arith.constant 1 : i32
    %while3A_337 = arith.divsi %while3A_334, %while3A_336 : i32
    %while3A_338 = arith.muli %while3A_337, %while3A_336 : i32
    %while3A_339 = arith.addi %while3A_333, %while3A_338 : i32
    %while3A_340 = arith.constant 1 : i32
    scf.for %while3A_344 = %while3A_333 to %while3A_339 step %while3A_340  : i32 {
      %mul3A_345 = arith.constant 16 : i32
      %mul3A_346 = arith.muli %while3A_344, %mul3A_345 : i32
      %dma_start3A = tpu.memref_slice %arg12[%mul3A_346] : memref<10032xi32, #tpu.memory_space<vmem>> -> memref<16xi32, #tpu.memory_space<vmem>>
      %dma_start3A_347 = arith.constant 0 : i32
      %dma_start3A_348 = arith.constant 0 : i32
      %dma_start3A_349 = tpu.memref_slice %arg6[%dma_start3A_347, %dma_start3A_348] : memref<10400x128xf32, #tpu.memory_space<hbm>> -> memref<10400x128xf32, #tpu.memory_space<hbm>>
      tpu.enqueue_indirect_dma source(%dma_start3A_349 : memref<10400x128xf32, #tpu.memory_space<hbm>>) target(%arg15 : memref<16x128xf32, #tpu.memory_space<vmem>>) offsets(%dma_start3A : memref<16xi32, #tpu.memory_space<vmem>>) semaphore(%arg18 : memref<!tpu.dma_semaphore, #tpu.memory_space<semaphore_mem>>)
      %dma_wait3A = tpu.memref_slice %arg12[%mul3A_346] : memref<10032xi32, #tpu.memory_space<vmem>> -> memref<16xi32, #tpu.memory_space<vmem>>
      %dma_wait3A_350 = arith.constant 0 : i32
      %dma_wait3A_351 = arith.constant 0 : i32
      %dma_wait3A_352 = tpu.memref_slice %arg6[%dma_wait3A_350, %dma_wait3A_351] : memref<10400x128xf32, #tpu.memory_space<hbm>> -> memref<10400x128xf32, #tpu.memory_space<hbm>>
      tpu.wait_indirect_dma semaphore(%arg18 : memref<!tpu.dma_semaphore, #tpu.memory_space<semaphore_mem>>) src(%dma_wait3A_352 : memref<10400x128xf32, #tpu.memory_space<hbm>>) dst(%arg15 : memref<16x128xf32, #tpu.memory_space<vmem>>)
      %dma_start3A_353 = tpu.memref_slice %arg12[%mul3A_346] : memref<10032xi32, #tpu.memory_space<vmem>> -> memref<16xi32, #tpu.memory_space<vmem>>
      %dma_start3A_354 = arith.constant 0 : i32
      %dma_start3A_355 = arith.constant 0 : i32
      %dma_start3A_356 = tpu.memref_slice %arg7[%dma_start3A_354, %dma_start3A_355] : memref<10400x128xf32, #tpu.memory_space<hbm>> -> memref<10400x128xf32, #tpu.memory_space<hbm>>
      tpu.enqueue_indirect_dma source(%dma_start3A_356 : memref<10400x128xf32, #tpu.memory_space<hbm>>) target(%arg16 : memref<16x128xf32, #tpu.memory_space<vmem>>) offsets(%dma_start3A_353 : memref<16xi32, #tpu.memory_space<vmem>>) semaphore(%arg18 : memref<!tpu.dma_semaphore, #tpu.memory_space<semaphore_mem>>)
      %dma_wait3A_357 = tpu.memref_slice %arg12[%mul3A_346] : memref<10032xi32, #tpu.memory_space<vmem>> -> memref<16xi32, #tpu.memory_space<vmem>>
      %dma_wait3A_358 = arith.constant 0 : i32
      %dma_wait3A_359 = arith.constant 0 : i32
      %dma_wait3A_360 = tpu.memref_slice %arg7[%dma_wait3A_358, %dma_wait3A_359] : memref<10400x128xf32, #tpu.memory_space<hbm>> -> memref<10400x128xf32, #tpu.memory_space<hbm>>
      tpu.wait_indirect_dma semaphore(%arg18 : memref<!tpu.dma_semaphore, #tpu.memory_space<semaphore_mem>>) src(%dma_wait3A_360 : memref<10400x128xf32, #tpu.memory_space<hbm>>) dst(%arg16 : memref<16x128xf32, #tpu.memory_space<vmem>>)
      %scan3A_361 = arith.constant 0 : i32
      %scan3A_362 = arith.constant 0 : i32
      %scan3A_363 = arith.constant 16 : i32
      %scan3A_364 = arith.addi %scan3A_362, %scan3A_363 : i32
      %scan3A_365 = arith.constant 1 : i32
      scf.for %scan3A_367 = %scan3A_362 to %scan3A_364 step %scan3A_365  : i32 {
        %get3A_368 = arith.constant 1 : i32
        %get3A_369 = arith.index_cast %get3A_368 : i32 to index
        %get3A_370 = arith.constant 0 : index
        %get3A_371 = tpu.vector_load %arg17[%get3A_369, %get3A_370] {strides = array<i32>} : memref<8x128xf32, #tpu.memory_space<vmem>>, vector<16xf32>,
        %get3A_372 = arith.index_cast %scan3A_367 : i32 to index
        %get3A_373 = arith.constant 0 : index
        %get3A_374 = tpu.vector_load %arg15[%get3A_372, %get3A_373] {strides = array<i32>} : memref<16x128xf32, #tpu.memory_space<vmem>>, vector<16xf32>,
        %add3A_375 = arith.addf %get3A_371, %get3A_374 : vector<16xf32>
        %swap3A_376 = arith.constant 1 : i32
        %swap3A_377 = arith.index_cast %swap3A_376 : i32 to index
        %swap3A_378 = arith.constant 0 : index
        %swap3A_379 = tpu.vector_load %arg17[%swap3A_377, %swap3A_378] {strides = array<i32>} : memref<8x128xf32, #tpu.memory_space<vmem>>, vector<16xf32>,
        tpu.vector_store %arg17[%swap3A_377, %swap3A_378], %add3A_375 {strides = array<i32>} : memref<8x128xf32, #tpu.memory_space<vmem>>, vector<16xf32>,
        %get3A_380 = arith.constant 3 : i32
        %get3A_381 = arith.index_cast %get3A_380 : i32 to index
        %get3A_382 = arith.constant 0 : index
        %get3A_383 = tpu.vector_load %arg17[%get3A_381, %get3A_382] {strides = array<i32>} : memref<8x128xf32, #tpu.memory_space<vmem>>, vector<16xf32>,
        %get3A_384 = arith.index_cast %scan3A_367 : i32 to index
        %get3A_385 = arith.constant 0 : index
        %get3A_386 = tpu.vector_load %arg16[%get3A_384, %get3A_385] {strides = array<i32>} : memref<16x128xf32, #tpu.memory_space<vmem>>, vector<16xf32>,
        %add3A_387 = arith.addf %get3A_383, %get3A_386 : vector<16xf32>
        %swap3A_388 = arith.constant 3 : i32
        %swap3A_389 = arith.index_cast %swap3A_388 : i32 to index
        %swap3A_390 = arith.constant 0 : index
        %swap3A_391 = tpu.vector_load %arg17[%swap3A_389, %swap3A_390] {strides = array<i32>} : memref<8x128xf32, #tpu.memory_space<vmem>>, vector<16xf32>,
        tpu.vector_store %arg17[%swap3A_389, %swap3A_390], %add3A_387 {strides = array<i32>} : memref<8x128xf32, #tpu.memory_space<vmem>>, vector<16xf32>,
        %get3A_392 = arith.constant 1 : i32
        %get3A_393 = arith.index_cast %get3A_392 : i32 to index
        %get3A_394 = arith.constant 16 : index
        %get3A_395 = tpu.vector_load %arg17[%get3A_393, %get3A_394] {strides = array<i32>} : memref<8x128xf32, #tpu.memory_space<vmem>>, vector<16xf32>,
        %get3A_396 = arith.index_cast %scan3A_367 : i32 to index
        %get3A_397 = arith.constant 16 : index
        %get3A_398 = tpu.vector_load %arg15[%get3A_396, %get3A_397] {strides = array<i32>} : memref<16x128xf32, #tpu.memory_space<vmem>>, vector<16xf32>,
        %add3A_399 = arith.addf %get3A_395, %get3A_398 : vector<16xf32>
        %swap3A_400 = arith.constant 1 : i32
        %swap3A_401 = arith.index_cast %swap3A_400 : i32 to index
        %swap3A_402 = arith.constant 16 : index
        %swap3A_403 = tpu.vector_load %arg17[%swap3A_401, %swap3A_402] {strides = array<i32>} : memref<8x128xf32, #tpu.memory_space<vmem>>, vector<16xf32>,
        tpu.vector_store %arg17[%swap3A_401, %swap3A_402], %add3A_399 {strides = array<i32>} : memref<8x128xf32, #tpu.memory_space<vmem>>, vector<16xf32>,
        %get3A_404 = arith.constant 3 : i32
        %get3A_405 = arith.index_cast %get3A_404 : i32 to index
        %get3A_406 = arith.constant 16 : index
        %get3A_407 = tpu.vector_load %arg17[%get3A_405, %get3A_406] {strides = array<i32>} : memref<8x128xf32, #tpu.memory_space<vmem>>, vector<16xf32>,
        %get3A_408 = arith.index_cast %scan3A_367 : i32 to index
        %get3A_409 = arith.constant 16 : index
        %get3A_410 = tpu.vector_load %arg16[%get3A_408, %get3A_409] {strides = array<i32>} : memref<16x128xf32, #tpu.memory_space<vmem>>, vector<16xf32>,
        %add3A_411 = arith.addf %get3A_407, %get3A_410 : vector<16xf32>
        %swap3A_412 = arith.constant 3 : i32
        %swap3A_413 = arith.index_cast %swap3A_412 : i32 to index
        %swap3A_414 = arith.constant 16 : index
        %swap3A_415 = tpu.vector_load %arg17[%swap3A_413, %swap3A_414] {strides = array<i32>} : memref<8x128xf32, #tpu.memory_space<vmem>>, vector<16xf32>,
        tpu.vector_store %arg17[%swap3A_413, %swap3A_414], %add3A_411 {strides = array<i32>} : memref<8x128xf32, #tpu.memory_space<vmem>>, vector<16xf32>,
        %get3A_416 = arith.constant 1 : i32
        %get3A_417 = arith.index_cast %get3A_416 : i32 to index
        %get3A_418 = arith.constant 32 : index
        %get3A_419 = tpu.vector_load %arg17[%get3A_417, %get3A_418] {strides = array<i32>} : memref<8x128xf32, #tpu.memory_space<vmem>>, vector<16xf32>,
        %get3A_420 = arith.index_cast %scan3A_367 : i32 to index
        %get3A_421 = arith.constant 32 : index
        %get3A_422 = tpu.vector_load %arg15[%get3A_420, %get3A_421] {strides = array<i32>} : memref<16x128xf32, #tpu.memory_space<vmem>>, vector<16xf32>,
        %add3A_423 = arith.addf %get3A_419, %get3A_422 : vector<16xf32>
        %swap3A_424 = arith.constant 1 : i32
        %swap3A_425 = arith.index_cast %swap3A_424 : i32 to index
        %swap3A_426 = arith.constant 32 : index
        %swap3A_427 = tpu.vector_load %arg17[%swap3A_425, %swap3A_426] {strides = array<i32>} : memref<8x128xf32, #tpu.memory_space<vmem>>, vector<16xf32>,
        tpu.vector_store %arg17[%swap3A_425, %swap3A_426], %add3A_423 {strides = array<i32>} : memref<8x128xf32, #tpu.memory_space<vmem>>, vector<16xf32>,
        %get3A_428 = arith.constant 3 : i32
        %get3A_429 = arith.index_cast %get3A_428 : i32 to index
        %get3A_430 = arith.constant 32 : index
        %get3A_431 = tpu.vector_load %arg17[%get3A_429, %get3A_430] {strides = array<i32>} : memref<8x128xf32, #tpu.memory_space<vmem>>, vector<16xf32>,
        %get3A_432 = arith.index_cast %scan3A_367 : i32 to index
        %get3A_433 = arith.constant 32 : index
        %get3A_434 = tpu.vector_load %arg16[%get3A_432, %get3A_433] {strides = array<i32>} : memref<16x128xf32, #tpu.memory_space<vmem>>, vector<16xf32>,
        %add3A_435 = arith.addf %get3A_431, %get3A_434 : vector<16xf32>
        %swap3A_436 = arith.constant 3 : i32
        %swap3A_437 = arith.index_cast %swap3A_436 : i32 to index
        %swap3A_438 = arith.constant 32 : index
        %swap3A_439 = tpu.vector_load %arg17[%swap3A_437, %swap3A_438] {strides = array<i32>} : memref<8x128xf32, #tpu.memory_space<vmem>>, vector<16xf32>,
        tpu.vector_store %arg17[%swap3A_437, %swap3A_438], %add3A_435 {strides = array<i32>} : memref<8x128xf32, #tpu.memory_space<vmem>>, vector<16xf32>,
        %get3A_440 = arith.constant 1 : i32
        %get3A_441 = arith.index_cast %get3A_440 : i32 to index
        %get3A_442 = arith.constant 48 : index
        %get3A_443 = tpu.vector_load %arg17[%get3A_441, %get3A_442] {strides = array<i32>} : memref<8x128xf32, #tpu.memory_space<vmem>>, vector<16xf32>,
        %get3A_444 = arith.index_cast %scan3A_367 : i32 to index
        %get3A_445 = arith.constant 48 : index
        %get3A_446 = tpu.vector_load %arg15[%get3A_444, %get3A_445] {strides = array<i32>} : memref<16x128xf32, #tpu.memory_space<vmem>>, vector<16xf32>,
        %add3A_447 = arith.addf %get3A_443, %get3A_446 : vector<16xf32>
        %swap3A_448 = arith.constant 1 : i32
        %swap3A_449 = arith.index_cast %swap3A_448 : i32 to index
        %swap3A_450 = arith.constant 48 : index
        %swap3A_451 = tpu.vector_load %arg17[%swap3A_449, %swap3A_450] {strides = array<i32>} : memref<8x128xf32, #tpu.memory_space<vmem>>, vector<16xf32>,
        tpu.vector_store %arg17[%swap3A_449, %swap3A_450], %add3A_447 {strides = array<i32>} : memref<8x128xf32, #tpu.memory_space<vmem>>, vector<16xf32>,
        %get3A_452 = arith.constant 3 : i32
        %get3A_453 = arith.index_cast %get3A_452 : i32 to index
        %get3A_454 = arith.constant 48 : index
        %get3A_455 = tpu.vector_load %arg17[%get3A_453, %get3A_454] {strides = array<i32>} : memref<8x128xf32, #tpu.memory_space<vmem>>, vector<16xf32>,
        %get3A_456 = arith.index_cast %scan3A_367 : i32 to index
        %get3A_457 = arith.constant 48 : index
        %get3A_458 = tpu.vector_load %arg16[%get3A_456, %get3A_457] {strides = array<i32>} : memref<16x128xf32, #tpu.memory_space<vmem>>, vector<16xf32>,
        %add3A_459 = arith.addf %get3A_455, %get3A_458 : vector<16xf32>
        %swap3A_460 = arith.constant 3 : i32
        %swap3A_461 = arith.index_cast %swap3A_460 : i32 to index
        %swap3A_462 = arith.constant 48 : index
        %swap3A_463 = tpu.vector_load %arg17[%swap3A_461, %swap3A_462] {strides = array<i32>} : memref<8x128xf32, #tpu.memory_space<vmem>>, vector<16xf32>,
        tpu.vector_store %arg17[%swap3A_461, %swap3A_462], %add3A_459 {strides = array<i32>} : memref<8x128xf32, #tpu.memory_space<vmem>>, vector<16xf32>,
        %get3A_464 = arith.constant 1 : i32
        %get3A_465 = arith.index_cast %get3A_464 : i32 to index
        %get3A_466 = arith.constant 64 : index
        %get3A_467 = tpu.vector_load %arg17[%get3A_465, %get3A_466] {strides = array<i32>} : memref<8x128xf32, #tpu.memory_space<vmem>>, vector<16xf32>,
        %get3A_468 = arith.index_cast %scan3A_367 : i32 to index
        %get3A_469 = arith.constant 64 : index
        %get3A_470 = tpu.vector_load %arg15[%get3A_468, %get3A_469] {strides = array<i32>} : memref<16x128xf32, #tpu.memory_space<vmem>>, vector<16xf32>,
        %add3A_471 = arith.addf %get3A_467, %get3A_470 : vector<16xf32>
        %swap3A_472 = arith.constant 1 : i32
        %swap3A_473 = arith.index_cast %swap3A_472 : i32 to index
        %swap3A_474 = arith.constant 64 : index
        %swap3A_475 = tpu.vector_load %arg17[%swap3A_473, %swap3A_474] {strides = array<i32>} : memref<8x128xf32, #tpu.memory_space<vmem>>, vector<16xf32>,
        tpu.vector_store %arg17[%swap3A_473, %swap3A_474], %add3A_471 {strides = array<i32>} : memref<8x128xf32, #tpu.memory_space<vmem>>, vector<16xf32>,
        %get3A_476 = arith.constant 3 : i32
        %get3A_477 = arith.index_cast %get3A_476 : i32 to index
        %get3A_478 = arith.constant 64 : index
        %get3A_479 = tpu.vector_load %arg17[%get3A_477, %get3A_478] {strides = array<i32>} : memref<8x128xf32, #tpu.memory_space<vmem>>, vector<16xf32>,
        %get3A_480 = arith.index_cast %scan3A_367 : i32 to index
        %get3A_481 = arith.constant 64 : index
        %get3A_482 = tpu.vector_load %arg16[%get3A_480, %get3A_481] {strides = array<i32>} : memref<16x128xf32, #tpu.memory_space<vmem>>, vector<16xf32>,
        %add3A_483 = arith.addf %get3A_479, %get3A_482 : vector<16xf32>
        %swap3A_484 = arith.constant 3 : i32
        %swap3A_485 = arith.index_cast %swap3A_484 : i32 to index
        %swap3A_486 = arith.constant 64 : index
        %swap3A_487 = tpu.vector_load %arg17[%swap3A_485, %swap3A_486] {strides = array<i32>} : memref<8x128xf32, #tpu.memory_space<vmem>>, vector<16xf32>,
        tpu.vector_store %arg17[%swap3A_485, %swap3A_486], %add3A_483 {strides = array<i32>} : memref<8x128xf32, #tpu.memory_space<vmem>>, vector<16xf32>,
        %get3A_488 = arith.constant 1 : i32
        %get3A_489 = arith.index_cast %get3A_488 : i32 to index
        %get3A_490 = arith.constant 80 : index
        %get3A_491 = tpu.vector_load %arg17[%get3A_489, %get3A_490] {strides = array<i32>} : memref<8x128xf32, #tpu.memory_space<vmem>>, vector<16xf32>,
        %get3A_492 = arith.index_cast %scan3A_367 : i32 to index
        %get3A_493 = arith.constant 80 : index
        %get3A_494 = tpu.vector_load %arg15[%get3A_492, %get3A_493] {strides = array<i32>} : memref<16x128xf32, #tpu.memory_space<vmem>>, vector<16xf32>,
        %add3A_495 = arith.addf %get3A_491, %get3A_494 : vector<16xf32>
        %swap3A_496 = arith.constant 1 : i32
        %swap3A_497 = arith.index_cast %swap3A_496 : i32 to index
        %swap3A_498 = arith.constant 80 : index
        %swap3A_499 = tpu.vector_load %arg17[%swap3A_497, %swap3A_498] {strides = array<i32>} : memref<8x128xf32, #tpu.memory_space<vmem>>, vector<16xf32>,
        tpu.vector_store %arg17[%swap3A_497, %swap3A_498], %add3A_495 {strides = array<i32>} : memref<8x128xf32, #tpu.memory_space<vmem>>, vector<16xf32>,
        %get3A_500 = arith.constant 3 : i32
        %get3A_501 = arith.index_cast %get3A_500 : i32 to index
        %get3A_502 = arith.constant 80 : index
        %get3A_503 = tpu.vector_load %arg17[%get3A_501, %get3A_502] {strides = array<i32>} : memref<8x128xf32, #tpu.memory_space<vmem>>, vector<16xf32>,
        %get3A_504 = arith.index_cast %scan3A_367 : i32 to index
        %get3A_505 = arith.constant 80 : index
        %get3A_506 = tpu.vector_load %arg16[%get3A_504, %get3A_505] {strides = array<i32>} : memref<16x128xf32, #tpu.memory_space<vmem>>, vector<16xf32>,
        %add3A_507 = arith.addf %get3A_503, %get3A_506 : vector<16xf32>
        %swap3A_508 = arith.constant 3 : i32
        %swap3A_509 = arith.index_cast %swap3A_508 : i32 to index
        %swap3A_510 = arith.constant 80 : index
        %swap3A_511 = tpu.vector_load %arg17[%swap3A_509, %swap3A_510] {strides = array<i32>} : memref<8x128xf32, #tpu.memory_space<vmem>>, vector<16xf32>,
        tpu.vector_store %arg17[%swap3A_509, %swap3A_510], %add3A_507 {strides = array<i32>} : memref<8x128xf32, #tpu.memory_space<vmem>>, vector<16xf32>,
        %get3A_512 = arith.constant 1 : i32
        %get3A_513 = arith.index_cast %get3A_512 : i32 to index
        %get3A_514 = arith.constant 96 : index
        %get3A_515 = tpu.vector_load %arg17[%get3A_513, %get3A_514] {strides = array<i32>} : memref<8x128xf32, #tpu.memory_space<vmem>>, vector<16xf32>,
        %get3A_516 = arith.index_cast %scan3A_367 : i32 to index
        %get3A_517 = arith.constant 96 : index
        %get3A_518 = tpu.vector_load %arg15[%get3A_516, %get3A_517] {strides = array<i32>} : memref<16x128xf32, #tpu.memory_space<vmem>>, vector<16xf32>,
        %add3A_519 = arith.addf %get3A_515, %get3A_518 : vector<16xf32>
        %swap3A_520 = arith.constant 1 : i32
        %swap3A_521 = arith.index_cast %swap3A_520 : i32 to index
        %swap3A_522 = arith.constant 96 : index
        %swap3A_523 = tpu.vector_load %arg17[%swap3A_521, %swap3A_522] {strides = array<i32>} : memref<8x128xf32, #tpu.memory_space<vmem>>, vector<16xf32>,
        tpu.vector_store %arg17[%swap3A_521, %swap3A_522], %add3A_519 {strides = array<i32>} : memref<8x128xf32, #tpu.memory_space<vmem>>, vector<16xf32>,
        %get3A_524 = arith.constant 3 : i32
        %get3A_525 = arith.index_cast %get3A_524 : i32 to index
        %get3A_526 = arith.constant 96 : index
        %get3A_527 = tpu.vector_load %arg17[%get3A_525, %get3A_526] {strides = array<i32>} : memref<8x128xf32, #tpu.memory_space<vmem>>, vector<16xf32>,
        %get3A_528 = arith.index_cast %scan3A_367 : i32 to index
        %get3A_529 = arith.constant 96 : index
        %get3A_530 = tpu.vector_load %arg16[%get3A_528, %get3A_529] {strides = array<i32>} : memref<16x128xf32, #tpu.memory_space<vmem>>, vector<16xf32>,
        %add3A_531 = arith.addf %get3A_527, %get3A_530 : vector<16xf32>
        %swap3A_532 = arith.constant 3 : i32
        %swap3A_533 = arith.index_cast %swap3A_532 : i32 to index
        %swap3A_534 = arith.constant 96 : index
        %swap3A_535 = tpu.vector_load %arg17[%swap3A_533, %swap3A_534] {strides = array<i32>} : memref<8x128xf32, #tpu.memory_space<vmem>>, vector<16xf32>,
        tpu.vector_store %arg17[%swap3A_533, %swap3A_534], %add3A_531 {strides = array<i32>} : memref<8x128xf32, #tpu.memory_space<vmem>>, vector<16xf32>,
        %get3A_536 = arith.constant 1 : i32
        %get3A_537 = arith.index_cast %get3A_536 : i32 to index
        %get3A_538 = arith.constant 112 : index
        %get3A_539 = tpu.vector_load %arg17[%get3A_537, %get3A_538] {strides = array<i32>} : memref<8x128xf32, #tpu.memory_space<vmem>>, vector<16xf32>,
        %get3A_540 = arith.index_cast %scan3A_367 : i32 to index
        %get3A_541 = arith.constant 112 : index
        %get3A_542 = tpu.vector_load %arg15[%get3A_540, %get3A_541] {strides = array<i32>} : memref<16x128xf32, #tpu.memory_space<vmem>>, vector<16xf32>,
        %add3A_543 = arith.addf %get3A_539, %get3A_542 : vector<16xf32>
        %swap3A_544 = arith.constant 1 : i32
        %swap3A_545 = arith.index_cast %swap3A_544 : i32 to index
        %swap3A_546 = arith.constant 112 : index
        %swap3A_547 = tpu.vector_load %arg17[%swap3A_545, %swap3A_546] {strides = array<i32>} : memref<8x128xf32, #tpu.memory_space<vmem>>, vector<16xf32>,
        tpu.vector_store %arg17[%swap3A_545, %swap3A_546], %add3A_543 {strides = array<i32>} : memref<8x128xf32, #tpu.memory_space<vmem>>, vector<16xf32>,
        %get3A_548 = arith.constant 3 : i32
        %get3A_549 = arith.index_cast %get3A_548 : i32 to index
        %get3A_550 = arith.constant 112 : index
        %get3A_551 = tpu.vector_load %arg17[%get3A_549, %get3A_550] {strides = array<i32>} : memref<8x128xf32, #tpu.memory_space<vmem>>, vector<16xf32>,
        %get3A_552 = arith.index_cast %scan3A_367 : i32 to index
        %get3A_553 = arith.constant 112 : index
        %get3A_554 = tpu.vector_load %arg16[%get3A_552, %get3A_553] {strides = array<i32>} : memref<16x128xf32, #tpu.memory_space<vmem>>, vector<16xf32>,
        %add3A_555 = arith.addf %get3A_551, %get3A_554 : vector<16xf32>
        %swap3A_556 = arith.constant 3 : i32
        %swap3A_557 = arith.index_cast %swap3A_556 : i32 to index
        %swap3A_558 = arith.constant 112 : index
        %swap3A_559 = tpu.vector_load %arg17[%swap3A_557, %swap3A_558] {strides = array<i32>} : memref<8x128xf32, #tpu.memory_space<vmem>>, vector<16xf32>,
        tpu.vector_store %arg17[%swap3A_557, %swap3A_558], %add3A_555 {strides = array<i32>} : memref<8x128xf32, #tpu.memory_space<vmem>>, vector<16xf32>,
      }
      %scan3A_366 = arith.constant 16 : i32
    }
    %while3A_341 = arith.constant 1 : i32
    scf.for %while3A_344 = %while3A_339 to %while3A_335 step %while3A_341  : i32 {
      %mul3A_345 = arith.constant 16 : i32
      %mul3A_346 = arith.muli %while3A_344, %mul3A_345 : i32
      %dma_start3A = tpu.memref_slice %arg12[%mul3A_346] : memref<10032xi32, #tpu.memory_space<vmem>> -> memref<16xi32, #tpu.memory_space<vmem>>
      %dma_start3A_347 = arith.constant 0 : i32
      %dma_start3A_348 = arith.constant 0 : i32
      %dma_start3A_349 = tpu.memref_slice %arg6[%dma_start3A_347, %dma_start3A_348] : memref<10400x128xf32, #tpu.memory_space<hbm>> -> memref<10400x128xf32, #tpu.memory_space<hbm>>
      tpu.enqueue_indirect_dma source(%dma_start3A_349 : memref<10400x128xf32, #tpu.memory_space<hbm>>) target(%arg15 : memref<16x128xf32, #tpu.memory_space<vmem>>) offsets(%dma_start3A : memref<16xi32, #tpu.memory_space<vmem>>) semaphore(%arg18 : memref<!tpu.dma_semaphore, #tpu.memory_space<semaphore_mem>>)
      %dma_wait3A = tpu.memref_slice %arg12[%mul3A_346] : memref<10032xi32, #tpu.memory_space<vmem>> -> memref<16xi32, #tpu.memory_space<vmem>>
      %dma_wait3A_350 = arith.constant 0 : i32
      %dma_wait3A_351 = arith.constant 0 : i32
      %dma_wait3A_352 = tpu.memref_slice %arg6[%dma_wait3A_350, %dma_wait3A_351] : memref<10400x128xf32, #tpu.memory_space<hbm>> -> memref<10400x128xf32, #tpu.memory_space<hbm>>
      tpu.wait_indirect_dma semaphore(%arg18 : memref<!tpu.dma_semaphore, #tpu.memory_space<semaphore_mem>>) src(%dma_wait3A_352 : memref<10400x128xf32, #tpu.memory_space<hbm>>) dst(%arg15 : memref<16x128xf32, #tpu.memory_space<vmem>>)
      %dma_start3A_353 = tpu.memref_slice %arg12[%mul3A_346] : memref<10032xi32, #tpu.memory_space<vmem>> -> memref<16xi32, #tpu.memory_space<vmem>>
      %dma_start3A_354 = arith.constant 0 : i32
      %dma_start3A_355 = arith.constant 0 : i32
      %dma_start3A_356 = tpu.memref_slice %arg7[%dma_start3A_354, %dma_start3A_355] : memref<10400x128xf32, #tpu.memory_space<hbm>> -> memref<10400x128xf32, #tpu.memory_space<hbm>>
      tpu.enqueue_indirect_dma source(%dma_start3A_356 : memref<10400x128xf32, #tpu.memory_space<hbm>>) target(%arg16 : memref<16x128xf32, #tpu.memory_space<vmem>>) offsets(%dma_start3A_353 : memref<16xi32, #tpu.memory_space<vmem>>) semaphore(%arg18 : memref<!tpu.dma_semaphore, #tpu.memory_space<semaphore_mem>>)
      %dma_wait3A_357 = tpu.memref_slice %arg12[%mul3A_346] : memref<10032xi32, #tpu.memory_space<vmem>> -> memref<16xi32, #tpu.memory_space<vmem>>
      %dma_wait3A_358 = arith.constant 0 : i32
      %dma_wait3A_359 = arith.constant 0 : i32
      %dma_wait3A_360 = tpu.memref_slice %arg7[%dma_wait3A_358, %dma_wait3A_359] : memref<10400x128xf32, #tpu.memory_space<hbm>> -> memref<10400x128xf32, #tpu.memory_space<hbm>>
      tpu.wait_indirect_dma semaphore(%arg18 : memref<!tpu.dma_semaphore, #tpu.memory_space<semaphore_mem>>) src(%dma_wait3A_360 : memref<10400x128xf32, #tpu.memory_space<hbm>>) dst(%arg16 : memref<16x128xf32, #tpu.memory_space<vmem>>)
      %scan3A_361 = arith.constant 0 : i32
      %scan3A_362 = arith.constant 0 : i32
      %scan3A_363 = arith.constant 16 : i32
      %scan3A_364 = arith.addi %scan3A_362, %scan3A_363 : i32
      %scan3A_365 = arith.constant 1 : i32
      scf.for %scan3A_367 = %scan3A_362 to %scan3A_364 step %scan3A_365  : i32 {
        %get3A_368 = arith.constant 1 : i32
        %get3A_369 = arith.index_cast %get3A_368 : i32 to index
        %get3A_370 = arith.constant 0 : index
        %get3A_371 = tpu.vector_load %arg17[%get3A_369, %get3A_370] {strides = array<i32>} : memref<8x128xf32, #tpu.memory_space<vmem>>, vector<16xf32>,
        %get3A_372 = arith.index_cast %scan3A_367 : i32 to index
        %get3A_373 = arith.constant 0 : index
        %get3A_374 = tpu.vector_load %arg15[%get3A_372, %get3A_373] {strides = array<i32>} : memref<16x128xf32, #tpu.memory_space<vmem>>, vector<16xf32>,
        %add3A_375 = arith.addf %get3A_371, %get3A_374 : vector<16xf32>
        %swap3A_376 = arith.constant 1 : i32
        %swap3A_377 = arith.index_cast %swap3A_376 : i32 to index
        %swap3A_378 = arith.constant 0 : index
        %swap3A_379 = tpu.vector_load %arg17[%swap3A_377, %swap3A_378] {strides = array<i32>} : memref<8x128xf32, #tpu.memory_space<vmem>>, vector<16xf32>,
        tpu.vector_store %arg17[%swap3A_377, %swap3A_378], %add3A_375 {strides = array<i32>} : memref<8x128xf32, #tpu.memory_space<vmem>>, vector<16xf32>,
        %get3A_380 = arith.constant 3 : i32
        %get3A_381 = arith.index_cast %get3A_380 : i32 to index
        %get3A_382 = arith.constant 0 : index
        %get3A_383 = tpu.vector_load %arg17[%get3A_381, %get3A_382] {strides = array<i32>} : memref<8x128xf32, #tpu.memory_space<vmem>>, vector<16xf32>,
        %get3A_384 = arith.index_cast %scan3A_367 : i32 to index
        %get3A_385 = arith.constant 0 : index
        %get3A_386 = tpu.vector_load %arg16[%get3A_384, %get3A_385] {strides = array<i32>} : memref<16x128xf32, #tpu.memory_space<vmem>>, vector<16xf32>,
        %add3A_387 = arith.addf %get3A_383, %get3A_386 : vector<16xf32>
        %swap3A_388 = arith.constant 3 : i32
        %swap3A_389 = arith.index_cast %swap3A_388 : i32 to index
        %swap3A_390 = arith.constant 0 : index
        %swap3A_391 = tpu.vector_load %arg17[%swap3A_389, %swap3A_390] {strides = array<i32>} : memref<8x128xf32, #tpu.memory_space<vmem>>, vector<16xf32>,
        tpu.vector_store %arg17[%swap3A_389, %swap3A_390], %add3A_387 {strides = array<i32>} : memref<8x128xf32, #tpu.memory_space<vmem>>, vector<16xf32>,
        %get3A_392 = arith.constant 1 : i32
        %get3A_393 = arith.index_cast %get3A_392 : i32 to index
        %get3A_394 = arith.constant 16 : index
        %get3A_395 = tpu.vector_load %arg17[%get3A_393, %get3A_394] {strides = array<i32>} : memref<8x128xf32, #tpu.memory_space<vmem>>, vector<16xf32>,
        %get3A_396 = arith.index_cast %scan3A_367 : i32 to index
        %get3A_397 = arith.constant 16 : index
        %get3A_398 = tpu.vector_load %arg15[%get3A_396, %get3A_397] {strides = array<i32>} : memref<16x128xf32, #tpu.memory_space<vmem>>, vector<16xf32>,
        %add3A_399 = arith.addf %get3A_395, %get3A_398 : vector<16xf32>
        %swap3A_400 = arith.constant 1 : i32
        %swap3A_401 = arith.index_cast %swap3A_400 : i32 to index
        %swap3A_402 = arith.constant 16 : index
        %swap3A_403 = tpu.vector_load %arg17[%swap3A_401, %swap3A_402] {strides = array<i32>} : memref<8x128xf32, #tpu.memory_space<vmem>>, vector<16xf32>,
        tpu.vector_store %arg17[%swap3A_401, %swap3A_402], %add3A_399 {strides = array<i32>} : memref<8x128xf32, #tpu.memory_space<vmem>>, vector<16xf32>,
        %get3A_404 = arith.constant 3 : i32
        %get3A_405 = arith.index_cast %get3A_404 : i32 to index
        %get3A_406 = arith.constant 16 : index
        %get3A_407 = tpu.vector_load %arg17[%get3A_405, %get3A_406] {strides = array<i32>} : memref<8x128xf32, #tpu.memory_space<vmem>>, vector<16xf32>,
        %get3A_408 = arith.index_cast %scan3A_367 : i32 to index
        %get3A_409 = arith.constant 16 : index
        %get3A_410 = tpu.vector_load %arg16[%get3A_408, %get3A_409] {strides = array<i32>} : memref<16x128xf32, #tpu.memory_space<vmem>>, vector<16xf32>,
        %add3A_411 = arith.addf %get3A_407, %get3A_410 : vector<16xf32>
        %swap3A_412 = arith.constant 3 : i32
        %swap3A_413 = arith.index_cast %swap3A_412 : i32 to index
        %swap3A_414 = arith.constant 16 : index
        %swap3A_415 = tpu.vector_load %arg17[%swap3A_413, %swap3A_414] {strides = array<i32>} : memref<8x128xf32, #tpu.memory_space<vmem>>, vector<16xf32>,
        tpu.vector_store %arg17[%swap3A_413, %swap3A_414], %add3A_411 {strides = array<i32>} : memref<8x128xf32, #tpu.memory_space<vmem>>, vector<16xf32>,
        %get3A_416 = arith.constant 1 : i32
        %get3A_417 = arith.index_cast %get3A_416 : i32 to index
        %get3A_418 = arith.constant 32 : index
        %get3A_419 = tpu.vector_load %arg17[%get3A_417, %get3A_418] {strides = array<i32>} : memref<8x128xf32, #tpu.memory_space<vmem>>, vector<16xf32>,
        %get3A_420 = arith.index_cast %scan3A_367 : i32 to index
        %get3A_421 = arith.constant 32 : index
        %get3A_422 = tpu.vector_load %arg15[%get3A_420, %get3A_421] {strides = array<i32>} : memref<16x128xf32, #tpu.memory_space<vmem>>, vector<16xf32>,
        %add3A_423 = arith.addf %get3A_419, %get3A_422 : vector<16xf32>
        %swap3A_424 = arith.constant 1 : i32
        %swap3A_425 = arith.index_cast %swap3A_424 : i32 to index
        %swap3A_426 = arith.constant 32 : index
        %swap3A_427 = tpu.vector_load %arg17[%swap3A_425, %swap3A_426] {strides = array<i32>} : memref<8x128xf32, #tpu.memory_space<vmem>>, vector<16xf32>,
        tpu.vector_store %arg17[%swap3A_425, %swap3A_426], %add3A_423 {strides = array<i32>} : memref<8x128xf32, #tpu.memory_space<vmem>>, vector<16xf32>,
        %get3A_428 = arith.constant 3 : i32
        %get3A_429 = arith.index_cast %get3A_428 : i32 to index
        %get3A_430 = arith.constant 32 : index
        %get3A_431 = tpu.vector_load %arg17[%get3A_429, %get3A_430] {strides = array<i32>} : memref<8x128xf32, #tpu.memory_space<vmem>>, vector<16xf32>,
        %get3A_432 = arith.index_cast %scan3A_367 : i32 to index
        %get3A_433 = arith.constant 32 : index
        %get3A_434 = tpu.vector_load %arg16[%get3A_432, %get3A_433] {strides = array<i32>} : memref<16x128xf32, #tpu.memory_space<vmem>>, vector<16xf32>,
        %add3A_435 = arith.addf %get3A_431, %get3A_434 : vector<16xf32>
        %swap3A_436 = arith.constant 3 : i32
        %swap3A_437 = arith.index_cast %swap3A_436 : i32 to index
        %swap3A_438 = arith.constant 32 : index
        %swap3A_439 = tpu.vector_load %arg17[%swap3A_437, %swap3A_438] {strides = array<i32>} : memref<8x128xf32, #tpu.memory_space<vmem>>, vector<16xf32>,
        tpu.vector_store %arg17[%swap3A_437, %swap3A_438], %add3A_435 {strides = array<i32>} : memref<8x128xf32, #tpu.memory_space<vmem>>, vector<16xf32>,
        %get3A_440 = arith.constant 1 : i32
        %get3A_441 = arith.index_cast %get3A_440 : i32 to index
        %get3A_442 = arith.constant 48 : index
        %get3A_443 = tpu.vector_load %arg17[%get3A_441, %get3A_442] {strides = array<i32>} : memref<8x128xf32, #tpu.memory_space<vmem>>, vector<16xf32>,
        %get3A_444 = arith.index_cast %scan3A_367 : i32 to index
        %get3A_445 = arith.constant 48 : index
        %get3A_446 = tpu.vector_load %arg15[%get3A_444, %get3A_445] {strides = array<i32>} : memref<16x128xf32, #tpu.memory_space<vmem>>, vector<16xf32>,
        %add3A_447 = arith.addf %get3A_443, %get3A_446 : vector<16xf32>
        %swap3A_448 = arith.constant 1 : i32
        %swap3A_449 = arith.index_cast %swap3A_448 : i32 to index
        %swap3A_450 = arith.constant 48 : index
        %swap3A_451 = tpu.vector_load %arg17[%swap3A_449, %swap3A_450] {strides = array<i32>} : memref<8x128xf32, #tpu.memory_space<vmem>>, vector<16xf32>,
        tpu.vector_store %arg17[%swap3A_449, %swap3A_450], %add3A_447 {strides = array<i32>} : memref<8x128xf32, #tpu.memory_space<vmem>>, vector<16xf32>,
        %get3A_452 = arith.constant 3 : i32
        %get3A_453 = arith.index_cast %get3A_452 : i32 to index
        %get3A_454 = arith.constant 48 : index
        %get3A_455 = tpu.vector_load %arg17[%get3A_453, %get3A_454] {strides = array<i32>} : memref<8x128xf32, #tpu.memory_space<vmem>>, vector<16xf32>,
        %get3A_456 = arith.index_cast %scan3A_367 : i32 to index
        %get3A_457 = arith.constant 48 : index
        %get3A_458 = tpu.vector_load %arg16[%get3A_456, %get3A_457] {strides = array<i32>} : memref<16x128xf32, #tpu.memory_space<vmem>>, vector<16xf32>,
        %add3A_459 = arith.addf %get3A_455, %get3A_458 : vector<16xf32>
        %swap3A_460 = arith.constant 3 : i32
        %swap3A_461 = arith.index_cast %swap3A_460 : i32 to index
        %swap3A_462 = arith.constant 48 : index
        %swap3A_463 = tpu.vector_load %arg17[%swap3A_461, %swap3A_462] {strides = array<i32>} : memref<8x128xf32, #tpu.memory_space<vmem>>, vector<16xf32>,
        tpu.vector_store %arg17[%swap3A_461, %swap3A_462], %add3A_459 {strides = array<i32>} : memref<8x128xf32, #tpu.memory_space<vmem>>, vector<16xf32>,
        %get3A_464 = arith.constant 1 : i32
        %get3A_465 = arith.index_cast %get3A_464 : i32 to index
        %get3A_466 = arith.constant 64 : index
        %get3A_467 = tpu.vector_load %arg17[%get3A_465, %get3A_466] {strides = array<i32>} : memref<8x128xf32, #tpu.memory_space<vmem>>, vector<16xf32>,
        %get3A_468 = arith.index_cast %scan3A_367 : i32 to index
        %get3A_469 = arith.constant 64 : index
        %get3A_470 = tpu.vector_load %arg15[%get3A_468, %get3A_469] {strides = array<i32>} : memref<16x128xf32, #tpu.memory_space<vmem>>, vector<16xf32>,
        %add3A_471 = arith.addf %get3A_467, %get3A_470 : vector<16xf32>
        %swap3A_472 = arith.constant 1 : i32
        %swap3A_473 = arith.index_cast %swap3A_472 : i32 to index
        %swap3A_474 = arith.constant 64 : index
        %swap3A_475 = tpu.vector_load %arg17[%swap3A_473, %swap3A_474] {strides = array<i32>} : memref<8x128xf32, #tpu.memory_space<vmem>>, vector<16xf32>,
        tpu.vector_store %arg17[%swap3A_473, %swap3A_474], %add3A_471 {strides = array<i32>} : memref<8x128xf32, #tpu.memory_space<vmem>>, vector<16xf32>,
        %get3A_476 = arith.constant 3 : i32
        %get3A_477 = arith.index_cast %get3A_476 : i32 to index
        %get3A_478 = arith.constant 64 : index
        %get3A_479 = tpu.vector_load %arg17[%get3A_477, %get3A_478] {strides = array<i32>} : memref<8x128xf32, #tpu.memory_space<vmem>>, vector<16xf32>,
        %get3A_480 = arith.index_cast %scan3A_367 : i32 to index
        %get3A_481 = arith.constant 64 : index
        %get3A_482 = tpu.vector_load %arg16[%get3A_480, %get3A_481] {strides = array<i32>} : memref<16x128xf32, #tpu.memory_space<vmem>>, vector<16xf32>,
        %add3A_483 = arith.addf %get3A_479, %get3A_482 : vector<16xf32>
        %swap3A_484 = arith.constant 3 : i32
        %swap3A_485 = arith.index_cast %swap3A_484 : i32 to index
        %swap3A_486 = arith.constant 64 : index
        %swap3A_487 = tpu.vector_load %arg17[%swap3A_485, %swap3A_486] {strides = array<i32>} : memref<8x128xf32, #tpu.memory_space<vmem>>, vector<16xf32>,
        tpu.vector_store %arg17[%swap3A_485, %swap3A_486], %add3A_483 {strides = array<i32>} : memref<8x128xf32, #tpu.memory_space<vmem>>, vector<16xf32>,
        %get3A_488 = arith.constant 1 : i32
        %get3A_489 = arith.index_cast %get3A_488 : i32 to index
        %get3A_490 = arith.constant 80 : index
        %get3A_491 = tpu.vector_load %arg17[%get3A_489, %get3A_490] {strides = array<i32>} : memref<8x128xf32, #tpu.memory_space<vmem>>, vector<16xf32>,
        %get3A_492 = arith.index_cast %scan3A_367 : i32 to index
        %get3A_493 = arith.constant 80 : index
        %get3A_494 = tpu.vector_load %arg15[%get3A_492, %get3A_493] {strides = array<i32>} : memref<16x128xf32, #tpu.memory_space<vmem>>, vector<16xf32>,
        %add3A_495 = arith.addf %get3A_491, %get3A_494 : vector<16xf32>
        %swap3A_496 = arith.constant 1 : i32
        %swap3A_497 = arith.index_cast %swap3A_496 : i32 to index
        %swap3A_498 = arith.constant 80 : index
        %swap3A_499 = tpu.vector_load %arg17[%swap3A_497, %swap3A_498] {strides = array<i32>} : memref<8x128xf32, #tpu.memory_space<vmem>>, vector<16xf32>,
        tpu.vector_store %arg17[%swap3A_497, %swap3A_498], %add3A_495 {strides = array<i32>} : memref<8x128xf32, #tpu.memory_space<vmem>>, vector<16xf32>,
        %get3A_500 = arith.constant 3 : i32
        %get3A_501 = arith.index_cast %get3A_500 : i32 to index
        %get3A_502 = arith.constant 80 : index
        %get3A_503 = tpu.vector_load %arg17[%get3A_501, %get3A_502] {strides = array<i32>} : memref<8x128xf32, #tpu.memory_space<vmem>>, vector<16xf32>,
        %get3A_504 = arith.index_cast %scan3A_367 : i32 to index
        %get3A_505 = arith.constant 80 : index
        %get3A_506 = tpu.vector_load %arg16[%get3A_504, %get3A_505] {strides = array<i32>} : memref<16x128xf32, #tpu.memory_space<vmem>>, vector<16xf32>,
        %add3A_507 = arith.addf %get3A_503, %get3A_506 : vector<16xf32>
        %swap3A_508 = arith.constant 3 : i32
        %swap3A_509 = arith.index_cast %swap3A_508 : i32 to index
        %swap3A_510 = arith.constant 80 : index
        %swap3A_511 = tpu.vector_load %arg17[%swap3A_509, %swap3A_510] {strides = array<i32>} : memref<8x128xf32, #tpu.memory_space<vmem>>, vector<16xf32>,
        tpu.vector_store %arg17[%swap3A_509, %swap3A_510], %add3A_507 {strides = array<i32>} : memref<8x128xf32, #tpu.memory_space<vmem>>, vector<16xf32>,
        %get3A_512 = arith.constant 1 : i32
        %get3A_513 = arith.index_cast %get3A_512 : i32 to index
        %get3A_514 = arith.constant 96 : index
        %get3A_515 = tpu.vector_load %arg17[%get3A_513, %get3A_514] {strides = array<i32>} : memref<8x128xf32, #tpu.memory_space<vmem>>, vector<16xf32>,
        %get3A_516 = arith.index_cast %scan3A_367 : i32 to index
        %get3A_517 = arith.constant 96 : index
        %get3A_518 = tpu.vector_load %arg15[%get3A_516, %get3A_517] {strides = array<i32>} : memref<16x128xf32, #tpu.memory_space<vmem>>, vector<16xf32>,
        %add3A_519 = arith.addf %get3A_515, %get3A_518 : vector<16xf32>
        %swap3A_520 = arith.constant 1 : i32
        %swap3A_521 = arith.index_cast %swap3A_520 : i32 to index
        %swap3A_522 = arith.constant 96 : index
        %swap3A_523 = tpu.vector_load %arg17[%swap3A_521, %swap3A_522] {strides = array<i32>} : memref<8x128xf32, #tpu.memory_space<vmem>>, vector<16xf32>,
        tpu.vector_store %arg17[%swap3A_521, %swap3A_522], %add3A_519 {strides = array<i32>} : memref<8x128xf32, #tpu.memory_space<vmem>>, vector<16xf32>,
        %get3A_524 = arith.constant 3 : i32
        %get3A_525 = arith.index_cast %get3A_524 : i32 to index
        %get3A_526 = arith.constant 96 : index
        %get3A_527 = tpu.vector_load %arg17[%get3A_525, %get3A_526] {strides = array<i32>} : memref<8x128xf32, #tpu.memory_space<vmem>>, vector<16xf32>,
        %get3A_528 = arith.index_cast %scan3A_367 : i32 to index
        %get3A_529 = arith.constant 96 : index
        %get3A_530 = tpu.vector_load %arg16[%get3A_528, %get3A_529] {strides = array<i32>} : memref<16x128xf32, #tpu.memory_space<vmem>>, vector<16xf32>,
        %add3A_531 = arith.addf %get3A_527, %get3A_530 : vector<16xf32>
        %swap3A_532 = arith.constant 3 : i32
        %swap3A_533 = arith.index_cast %swap3A_532 : i32 to index
        %swap3A_534 = arith.constant 96 : index
        %swap3A_535 = tpu.vector_load %arg17[%swap3A_533, %swap3A_534] {strides = array<i32>} : memref<8x128xf32, #tpu.memory_space<vmem>>, vector<16xf32>,
        tpu.vector_store %arg17[%swap3A_533, %swap3A_534], %add3A_531 {strides = array<i32>} : memref<8x128xf32, #tpu.memory_space<vmem>>, vector<16xf32>,
        %get3A_536 = arith.constant 1 : i32
        %get3A_537 = arith.index_cast %get3A_536 : i32 to index
        %get3A_538 = arith.constant 112 : index
        %get3A_539 = tpu.vector_load %arg17[%get3A_537, %get3A_538] {strides = array<i32>} : memref<8x128xf32, #tpu.memory_space<vmem>>, vector<16xf32>,
        %get3A_540 = arith.index_cast %scan3A_367 : i32 to index
        %get3A_541 = arith.constant 112 : index
        %get3A_542 = tpu.vector_load %arg15[%get3A_540, %get3A_541] {strides = array<i32>} : memref<16x128xf32, #tpu.memory_space<vmem>>, vector<16xf32>,
        %add3A_543 = arith.addf %get3A_539, %get3A_542 : vector<16xf32>
        %swap3A_544 = arith.constant 1 : i32
        %swap3A_545 = arith.index_cast %swap3A_544 : i32 to index
        %swap3A_546 = arith.constant 112 : index
        %swap3A_547 = tpu.vector_load %arg17[%swap3A_545, %swap3A_546] {strides = array<i32>} : memref<8x128xf32, #tpu.memory_space<vmem>>, vector<16xf32>,
        tpu.vector_store %arg17[%swap3A_545, %swap3A_546], %add3A_543 {strides = array<i32>} : memref<8x128xf32, #tpu.memory_space<vmem>>, vector<16xf32>,
        %get3A_548 = arith.constant 3 : i32
        %get3A_549 = arith.index_cast %get3A_548 : i32 to index
        %get3A_550 = arith.constant 112 : index
        %get3A_551 = tpu.vector_load %arg17[%get3A_549, %get3A_550] {strides = array<i32>} : memref<8x128xf32, #tpu.memory_space<vmem>>, vector<16xf32>,
        %get3A_552 = arith.index_cast %scan3A_367 : i32 to index
        %get3A_553 = arith.constant 112 : index
        %get3A_554 = tpu.vector_load %arg16[%get3A_552, %get3A_553] {strides = array<i32>} : memref<16x128xf32, #tpu.memory_space<vmem>>, vector<16xf32>,
        %add3A_555 = arith.addf %get3A_551, %get3A_554 : vector<16xf32>
        %swap3A_556 = arith.constant 3 : i32
        %swap3A_557 = arith.index_cast %swap3A_556 : i32 to index
        %swap3A_558 = arith.constant 112 : index
        %swap3A_559 = tpu.vector_load %arg17[%swap3A_557, %swap3A_558] {strides = array<i32>} : memref<8x128xf32, #tpu.memory_space<vmem>>, vector<16xf32>,
        tpu.vector_store %arg17[%swap3A_557, %swap3A_558], %add3A_555 {strides = array<i32>} : memref<8x128xf32, #tpu.memory_space<vmem>>, vector<16xf32>,
      }
      %scan3A_366 = arith.constant 16 : i32
    }
    %eq3A = arith.constant 0 : i32
    %eq3A_342 = arith.cmpi eq, %add3A, %eq3A : i32
    %convert_element_type3A = arith.extui %eq3A_342 : i1 to i32
    %cond3A = arith.constant 0 : i32
    %cond3A_343 = arith.cmpi ne, %convert_element_type3A, %cond3A : i32
    scf.if %cond3A_343 {
      "tpu.region"() ({
        %run_scoped3A = tpu.sem_alloc : memref<!tpu.dma_semaphore, #tpu.memory_space<semaphore_mem>>
        tpu.enqueue_dma source(%arg5 : memref<2xi32, #tpu.memory_space<hbm>>) target(%arg14 : memref<2xi32, #tpu.memory_space<vmem>>) target_semaphore(%run_scoped3A : memref<!tpu.dma_semaphore, #tpu.memory_space<semaphore_mem>>)
        tpu.wait_dma2 semaphore(%run_scoped3A : memref<!tpu.dma_semaphore, #tpu.memory_space<semaphore_mem>>) src(%arg5 : memref<2xi32, #tpu.memory_space<hbm>>) dst(%arg14 : memref<2xi32, #tpu.memory_space<vmem>>)
        tpu.yield
      }) : () -> ()
      %dma_start3A = arith.constant 0 : i32
      %dma_start3A_344 = arith.constant 0 : i32
      %dma_start3A_345 = tpu.memref_slice %arg15[%dma_start3A, %dma_start3A_344] : memref<16x128xf32, #tpu.memory_space<vmem>> -> memref<2x128xf32, #tpu.memory_space<vmem>>
      %dma_start3A_346 = arith.constant 0 : i32
      %dma_start3A_347 = arith.constant 0 : i32
      %dma_start3A_348 = tpu.memref_slice %arg6[%dma_start3A_346, %dma_start3A_347] : memref<10400x128xf32, #tpu.memory_space<hbm>> -> memref<10400x128xf32, #tpu.memory_space<hbm>>
      tpu.enqueue_indirect_dma source(%dma_start3A_348 : memref<10400x128xf32, #tpu.memory_space<hbm>>) target(%dma_start3A_345 : memref<2x128xf32, #tpu.memory_space<vmem>>) offsets(%arg14 : memref<2xi32, #tpu.memory_space<vmem>>) semaphore(%arg18 : memref<!tpu.dma_semaphore, #tpu.memory_space<semaphore_mem>>)
      %dma_wait3A = arith.constant 0 : i32
      %dma_wait3A_349 = arith.constant 0 : i32
      %dma_wait3A_350 = tpu.memref_slice %arg15[%dma_wait3A, %dma_wait3A_349] : memref<16x128xf32, #tpu.memory_space<vmem>> -> memref<2x128xf32, #tpu.memory_space<vmem>>
      %dma_wait3A_351 = arith.constant 0 : i32
      %dma_wait3A_352 = arith.constant 0 : i32
      %dma_wait3A_353 = tpu.memref_slice %arg6[%dma_wait3A_351, %dma_wait3A_352] : memref<10400x128xf32, #tpu.memory_space<hbm>> -> memref<10400x128xf32, #tpu.memory_space<hbm>>
      tpu.wait_indirect_dma semaphore(%arg18 : memref<!tpu.dma_semaphore, #tpu.memory_space<semaphore_mem>>) src(%dma_wait3A_353 : memref<10400x128xf32, #tpu.memory_space<hbm>>) dst(%dma_wait3A_350 : memref<2x128xf32, #tpu.memory_space<vmem>>)
      %dma_start3A_354 = arith.constant 0 : i32
      %dma_start3A_355 = arith.constant 0 : i32
      %dma_start3A_356 = tpu.memref_slice %arg16[%dma_start3A_354, %dma_start3A_355] : memref<16x128xf32, #tpu.memory_space<vmem>> -> memref<2x128xf32, #tpu.memory_space<vmem>>
      %dma_start3A_357 = arith.constant 0 : i32
      %dma_start3A_358 = arith.constant 0 : i32
      %dma_start3A_359 = tpu.memref_slice %arg7[%dma_start3A_357, %dma_start3A_358] : memref<10400x128xf32, #tpu.memory_space<hbm>> -> memref<10400x128xf32, #tpu.memory_space<hbm>>
      tpu.enqueue_indirect_dma source(%dma_start3A_359 : memref<10400x128xf32, #tpu.memory_space<hbm>>) target(%dma_start3A_356 : memref<2x128xf32, #tpu.memory_space<vmem>>) offsets(%arg14 : memref<2xi32, #tpu.memory_space<vmem>>) semaphore(%arg18 : memref<!tpu.dma_semaphore, #tpu.memory_space<semaphore_mem>>)
      %dma_wait3A_360 = arith.constant 0 : i32
      %dma_wait3A_361 = arith.constant 0 : i32
      %dma_wait3A_362 = tpu.memref_slice %arg16[%dma_wait3A_360, %dma_wait3A_361] : memref<16x128xf32, #tpu.memory_space<vmem>> -> memref<2x128xf32, #tpu.memory_space<vmem>>
      %dma_wait3A_363 = arith.constant 0 : i32
      %dma_wait3A_364 = arith.constant 0 : i32
      %dma_wait3A_365 = tpu.memref_slice %arg7[%dma_wait3A_363, %dma_wait3A_364] : memref<10400x128xf32, #tpu.memory_space<hbm>> -> memref<10400x128xf32, #tpu.memory_space<hbm>>
      tpu.wait_indirect_dma semaphore(%arg18 : memref<!tpu.dma_semaphore, #tpu.memory_space<semaphore_mem>>) src(%dma_wait3A_365 : memref<10400x128xf32, #tpu.memory_space<hbm>>) dst(%dma_wait3A_362 : memref<2x128xf32, #tpu.memory_space<vmem>>)
      %get3A_366 = arith.constant 0 : i32
      %get3A_367 = arith.index_cast %get3A_366 : i32 to index
      %get3A_368 = arith.constant 0 : index
      %get3A_369 = tpu.vector_load %arg15[%get3A_367, %get3A_368] {strides = array<i32>} : memref<16x128xf32, #tpu.memory_space<vmem>>, vector<16xf32>,
      %swap3A_370 = arith.constant 4 : i32
      %swap3A_371 = arith.index_cast %swap3A_370 : i32 to index
      %swap3A_372 = arith.constant 0 : index
      %swap3A_373 = tpu.vector_load %arg17[%swap3A_371, %swap3A_372] {strides = array<i32>} : memref<8x128xf32, #tpu.memory_space<vmem>>, vector<16xf32>,
      tpu.vector_store %arg17[%swap3A_371, %swap3A_372], %get3A_369 {strides = array<i32>} : memref<8x128xf32, #tpu.memory_space<vmem>>, vector<16xf32>,
      %get3A_374 = arith.constant 1 : i32
      %get3A_375 = arith.index_cast %get3A_374 : i32 to index
      %get3A_376 = arith.constant 0 : index
      %get3A_377 = tpu.vector_load %arg15[%get3A_375, %get3A_376] {strides = array<i32>} : memref<16x128xf32, #tpu.memory_space<vmem>>, vector<16xf32>,
      %swap3A_378 = arith.constant 5 : i32
      %swap3A_379 = arith.index_cast %swap3A_378 : i32 to index
      %swap3A_380 = arith.constant 0 : index
      %swap3A_381 = tpu.vector_load %arg17[%swap3A_379, %swap3A_380] {strides = array<i32>} : memref<8x128xf32, #tpu.memory_space<vmem>>, vector<16xf32>,
      tpu.vector_store %arg17[%swap3A_379, %swap3A_380], %get3A_377 {strides = array<i32>} : memref<8x128xf32, #tpu.memory_space<vmem>>, vector<16xf32>,
      %get3A_382 = arith.constant 0 : i32
      %get3A_383 = arith.index_cast %get3A_382 : i32 to index
      %get3A_384 = arith.constant 0 : index
      %get3A_385 = tpu.vector_load %arg16[%get3A_383, %get3A_384] {strides = array<i32>} : memref<16x128xf32, #tpu.memory_space<vmem>>, vector<16xf32>,
      %swap3A_386 = arith.constant 6 : i32
      %swap3A_387 = arith.index_cast %swap3A_386 : i32 to index
      %swap3A_388 = arith.constant 0 : index
      %swap3A_389 = tpu.vector_load %arg17[%swap3A_387, %swap3A_388] {strides = array<i32>} : memref<8x128xf32, #tpu.memory_space<vmem>>, vector<16xf32>,
      tpu.vector_store %arg17[%swap3A_387, %swap3A_388], %get3A_385 {strides = array<i32>} : memref<8x128xf32, #tpu.memory_space<vmem>>, vector<16xf32>,
      %get3A_390 = arith.constant 1 : i32
      %get3A_391 = arith.index_cast %get3A_390 : i32 to index
      %get3A_392 = arith.constant 0 : index
      %get3A_393 = tpu.vector_load %arg16[%get3A_391, %get3A_392] {strides = array<i32>} : memref<16x128xf32, #tpu.memory_space<vmem>>, vector<16xf32>,
      %swap3A_394 = arith.constant 7 : i32
      %swap3A_395 = arith.index_cast %swap3A_394 : i32 to index
      %swap3A_396 = arith.constant 0 : index
      %swap3A_397 = tpu.vector_load %arg17[%swap3A_395, %swap3A_396] {strides = array<i32>} : memref<8x128xf32, #tpu.memory_space<vmem>>, vector<16xf32>,
      tpu.vector_store %arg17[%swap3A_395, %swap3A_396], %get3A_393 {strides = array<i32>} : memref<8x128xf32, #tpu.memory_space<vmem>>, vector<16xf32>,
      %get3A_398 = arith.constant 0 : i32
      %get3A_399 = arith.index_cast %get3A_398 : i32 to index
      %get3A_400 = arith.constant 16 : index
      %get3A_401 = tpu.vector_load %arg15[%get3A_399, %get3A_400] {strides = array<i32>} : memref<16x128xf32, #tpu.memory_space<vmem>>, vector<16xf32>,
      %swap3A_402 = arith.constant 4 : i32
      %swap3A_403 = arith.index_cast %swap3A_402 : i32 to index
      %swap3A_404 = arith.constant 16 : index
      %swap3A_405 = tpu.vector_load %arg17[%swap3A_403, %swap3A_404] {strides = array<i32>} : memref<8x128xf32, #tpu.memory_space<vmem>>, vector<16xf32>,
      tpu.vector_store %arg17[%swap3A_403, %swap3A_404], %get3A_401 {strides = array<i32>} : memref<8x128xf32, #tpu.memory_space<vmem>>, vector<16xf32>,
      %get3A_406 = arith.constant 1 : i32
      %get3A_407 = arith.index_cast %get3A_406 : i32 to index
      %get3A_408 = arith.constant 16 : index
      %get3A_409 = tpu.vector_load %arg15[%get3A_407, %get3A_408] {strides = array<i32>} : memref<16x128xf32, #tpu.memory_space<vmem>>, vector<16xf32>,
      %swap3A_410 = arith.constant 5 : i32
      %swap3A_411 = arith.index_cast %swap3A_410 : i32 to index
      %swap3A_412 = arith.constant 16 : index
      %swap3A_413 = tpu.vector_load %arg17[%swap3A_411, %swap3A_412] {strides = array<i32>} : memref<8x128xf32, #tpu.memory_space<vmem>>, vector<16xf32>,
      tpu.vector_store %arg17[%swap3A_411, %swap3A_412], %get3A_409 {strides = array<i32>} : memref<8x128xf32, #tpu.memory_space<vmem>>, vector<16xf32>,
      %get3A_414 = arith.constant 0 : i32
      %get3A_415 = arith.index_cast %get3A_414 : i32 to index
      %get3A_416 = arith.constant 16 : index
      %get3A_417 = tpu.vector_load %arg16[%get3A_415, %get3A_416] {strides = array<i32>} : memref<16x128xf32, #tpu.memory_space<vmem>>, vector<16xf32>,
      %swap3A_418 = arith.constant 6 : i32
      %swap3A_419 = arith.index_cast %swap3A_418 : i32 to index
      %swap3A_420 = arith.constant 16 : index
      %swap3A_421 = tpu.vector_load %arg17[%swap3A_419, %swap3A_420] {strides = array<i32>} : memref<8x128xf32, #tpu.memory_space<vmem>>, vector<16xf32>,
      tpu.vector_store %arg17[%swap3A_419, %swap3A_420], %get3A_417 {strides = array<i32>} : memref<8x128xf32, #tpu.memory_space<vmem>>, vector<16xf32>,
      %get3A_422 = arith.constant 1 : i32
      %get3A_423 = arith.index_cast %get3A_422 : i32 to index
      %get3A_424 = arith.constant 16 : index
      %get3A_425 = tpu.vector_load %arg16[%get3A_423, %get3A_424] {strides = array<i32>} : memref<16x128xf32, #tpu.memory_space<vmem>>, vector<16xf32>,
      %swap3A_426 = arith.constant 7 : i32
      %swap3A_427 = arith.index_cast %swap3A_426 : i32 to index
      %swap3A_428 = arith.constant 16 : index
      %swap3A_429 = tpu.vector_load %arg17[%swap3A_427, %swap3A_428] {strides = array<i32>} : memref<8x128xf32, #tpu.memory_space<vmem>>, vector<16xf32>,
      tpu.vector_store %arg17[%swap3A_427, %swap3A_428], %get3A_425 {strides = array<i32>} : memref<8x128xf32, #tpu.memory_space<vmem>>, vector<16xf32>,
      %get3A_430 = arith.constant 0 : i32
      %get3A_431 = arith.index_cast %get3A_430 : i32 to index
      %get3A_432 = arith.constant 32 : index
      %get3A_433 = tpu.vector_load %arg15[%get3A_431, %get3A_432] {strides = array<i32>} : memref<16x128xf32, #tpu.memory_space<vmem>>, vector<16xf32>,
      %swap3A_434 = arith.constant 4 : i32
      %swap3A_435 = arith.index_cast %swap3A_434 : i32 to index
      %swap3A_436 = arith.constant 32 : index
      %swap3A_437 = tpu.vector_load %arg17[%swap3A_435, %swap3A_436] {strides = array<i32>} : memref<8x128xf32, #tpu.memory_space<vmem>>, vector<16xf32>,
      tpu.vector_store %arg17[%swap3A_435, %swap3A_436], %get3A_433 {strides = array<i32>} : memref<8x128xf32, #tpu.memory_space<vmem>>, vector<16xf32>,
      %get3A_438 = arith.constant 1 : i32
      %get3A_439 = arith.index_cast %get3A_438 : i32 to index
      %get3A_440 = arith.constant 32 : index
      %get3A_441 = tpu.vector_load %arg15[%get3A_439, %get3A_440] {strides = array<i32>} : memref<16x128xf32, #tpu.memory_space<vmem>>, vector<16xf32>,
      %swap3A_442 = arith.constant 5 : i32
      %swap3A_443 = arith.index_cast %swap3A_442 : i32 to index
      %swap3A_444 = arith.constant 32 : index
      %swap3A_445 = tpu.vector_load %arg17[%swap3A_443, %swap3A_444] {strides = array<i32>} : memref<8x128xf32, #tpu.memory_space<vmem>>, vector<16xf32>,
      tpu.vector_store %arg17[%swap3A_443, %swap3A_444], %get3A_441 {strides = array<i32>} : memref<8x128xf32, #tpu.memory_space<vmem>>, vector<16xf32>,
      %get3A_446 = arith.constant 0 : i32
      %get3A_447 = arith.index_cast %get3A_446 : i32 to index
      %get3A_448 = arith.constant 32 : index
      %get3A_449 = tpu.vector_load %arg16[%get3A_447, %get3A_448] {strides = array<i32>} : memref<16x128xf32, #tpu.memory_space<vmem>>, vector<16xf32>,
      %swap3A_450 = arith.constant 6 : i32
      %swap3A_451 = arith.index_cast %swap3A_450 : i32 to index
      %swap3A_452 = arith.constant 32 : index
      %swap3A_453 = tpu.vector_load %arg17[%swap3A_451, %swap3A_452] {strides = array<i32>} : memref<8x128xf32, #tpu.memory_space<vmem>>, vector<16xf32>,
      tpu.vector_store %arg17[%swap3A_451, %swap3A_452], %get3A_449 {strides = array<i32>} : memref<8x128xf32, #tpu.memory_space<vmem>>, vector<16xf32>,
      %get3A_454 = arith.constant 1 : i32
      %get3A_455 = arith.index_cast %get3A_454 : i32 to index
      %get3A_456 = arith.constant 32 : index
      %get3A_457 = tpu.vector_load %arg16[%get3A_455, %get3A_456] {strides = array<i32>} : memref<16x128xf32, #tpu.memory_space<vmem>>, vector<16xf32>,
      %swap3A_458 = arith.constant 7 : i32
      %swap3A_459 = arith.index_cast %swap3A_458 : i32 to index
      %swap3A_460 = arith.constant 32 : index
      %swap3A_461 = tpu.vector_load %arg17[%swap3A_459, %swap3A_460] {strides = array<i32>} : memref<8x128xf32, #tpu.memory_space<vmem>>, vector<16xf32>,
      tpu.vector_store %arg17[%swap3A_459, %swap3A_460], %get3A_457 {strides = array<i32>} : memref<8x128xf32, #tpu.memory_space<vmem>>, vector<16xf32>,
      %get3A_462 = arith.constant 0 : i32
      %get3A_463 = arith.index_cast %get3A_462 : i32 to index
      %get3A_464 = arith.constant 48 : index
      %get3A_465 = tpu.vector_load %arg15[%get3A_463, %get3A_464] {strides = array<i32>} : memref<16x128xf32, #tpu.memory_space<vmem>>, vector<16xf32>,
      %swap3A_466 = arith.constant 4 : i32
      %swap3A_467 = arith.index_cast %swap3A_466 : i32 to index
      %swap3A_468 = arith.constant 48 : index
      %swap3A_469 = tpu.vector_load %arg17[%swap3A_467, %swap3A_468] {strides = array<i32>} : memref<8x128xf32, #tpu.memory_space<vmem>>, vector<16xf32>,
      tpu.vector_store %arg17[%swap3A_467, %swap3A_468], %get3A_465 {strides = array<i32>} : memref<8x128xf32, #tpu.memory_space<vmem>>, vector<16xf32>,
      %get3A_470 = arith.constant 1 : i32
      %get3A_471 = arith.index_cast %get3A_470 : i32 to index
      %get3A_472 = arith.constant 48 : index
      %get3A_473 = tpu.vector_load %arg15[%get3A_471, %get3A_472] {strides = array<i32>} : memref<16x128xf32, #tpu.memory_space<vmem>>, vector<16xf32>,
      %swap3A_474 = arith.constant 5 : i32
      %swap3A_475 = arith.index_cast %swap3A_474 : i32 to index
      %swap3A_476 = arith.constant 48 : index
      %swap3A_477 = tpu.vector_load %arg17[%swap3A_475, %swap3A_476] {strides = array<i32>} : memref<8x128xf32, #tpu.memory_space<vmem>>, vector<16xf32>,
      tpu.vector_store %arg17[%swap3A_475, %swap3A_476], %get3A_473 {strides = array<i32>} : memref<8x128xf32, #tpu.memory_space<vmem>>, vector<16xf32>,
      %get3A_478 = arith.constant 0 : i32
      %get3A_479 = arith.index_cast %get3A_478 : i32 to index
      %get3A_480 = arith.constant 48 : index
      %get3A_481 = tpu.vector_load %arg16[%get3A_479, %get3A_480] {strides = array<i32>} : memref<16x128xf32, #tpu.memory_space<vmem>>, vector<16xf32>,
      %swap3A_482 = arith.constant 6 : i32
      %swap3A_483 = arith.index_cast %swap3A_482 : i32 to index
      %swap3A_484 = arith.constant 48 : index
      %swap3A_485 = tpu.vector_load %arg17[%swap3A_483, %swap3A_484] {strides = array<i32>} : memref<8x128xf32, #tpu.memory_space<vmem>>, vector<16xf32>,
      tpu.vector_store %arg17[%swap3A_483, %swap3A_484], %get3A_481 {strides = array<i32>} : memref<8x128xf32, #tpu.memory_space<vmem>>, vector<16xf32>,
      %get3A_486 = arith.constant 1 : i32
      %get3A_487 = arith.index_cast %get3A_486 : i32 to index
      %get3A_488 = arith.constant 48 : index
      %get3A_489 = tpu.vector_load %arg16[%get3A_487, %get3A_488] {strides = array<i32>} : memref<16x128xf32, #tpu.memory_space<vmem>>, vector<16xf32>,
      %swap3A_490 = arith.constant 7 : i32
      %swap3A_491 = arith.index_cast %swap3A_490 : i32 to index
      %swap3A_492 = arith.constant 48 : index
      %swap3A_493 = tpu.vector_load %arg17[%swap3A_491, %swap3A_492] {strides = array<i32>} : memref<8x128xf32, #tpu.memory_space<vmem>>, vector<16xf32>,
      tpu.vector_store %arg17[%swap3A_491, %swap3A_492], %get3A_489 {strides = array<i32>} : memref<8x128xf32, #tpu.memory_space<vmem>>, vector<16xf32>,
      %get3A_494 = arith.constant 0 : i32
      %get3A_495 = arith.index_cast %get3A_494 : i32 to index
      %get3A_496 = arith.constant 64 : index
      %get3A_497 = tpu.vector_load %arg15[%get3A_495, %get3A_496] {strides = array<i32>} : memref<16x128xf32, #tpu.memory_space<vmem>>, vector<16xf32>,
      %swap3A_498 = arith.constant 4 : i32
      %swap3A_499 = arith.index_cast %swap3A_498 : i32 to index
      %swap3A_500 = arith.constant 64 : index
      %swap3A_501 = tpu.vector_load %arg17[%swap3A_499, %swap3A_500] {strides = array<i32>} : memref<8x128xf32, #tpu.memory_space<vmem>>, vector<16xf32>,
      tpu.vector_store %arg17[%swap3A_499, %swap3A_500], %get3A_497 {strides = array<i32>} : memref<8x128xf32, #tpu.memory_space<vmem>>, vector<16xf32>,
      %get3A_502 = arith.constant 1 : i32
      %get3A_503 = arith.index_cast %get3A_502 : i32 to index
      %get3A_504 = arith.constant 64 : index
      %get3A_505 = tpu.vector_load %arg15[%get3A_503, %get3A_504] {strides = array<i32>} : memref<16x128xf32, #tpu.memory_space<vmem>>, vector<16xf32>,
      %swap3A_506 = arith.constant 5 : i32
      %swap3A_507 = arith.index_cast %swap3A_506 : i32 to index
      %swap3A_508 = arith.constant 64 : index
      %swap3A_509 = tpu.vector_load %arg17[%swap3A_507, %swap3A_508] {strides = array<i32>} : memref<8x128xf32, #tpu.memory_space<vmem>>, vector<16xf32>,
      tpu.vector_store %arg17[%swap3A_507, %swap3A_508], %get3A_505 {strides = array<i32>} : memref<8x128xf32, #tpu.memory_space<vmem>>, vector<16xf32>,
      %get3A_510 = arith.constant 0 : i32
      %get3A_511 = arith.index_cast %get3A_510 : i32 to index
      %get3A_512 = arith.constant 64 : index
      %get3A_513 = tpu.vector_load %arg16[%get3A_511, %get3A_512] {strides = array<i32>} : memref<16x128xf32, #tpu.memory_space<vmem>>, vector<16xf32>,
      %swap3A_514 = arith.constant 6 : i32
      %swap3A_515 = arith.index_cast %swap3A_514 : i32 to index
      %swap3A_516 = arith.constant 64 : index
      %swap3A_517 = tpu.vector_load %arg17[%swap3A_515, %swap3A_516] {strides = array<i32>} : memref<8x128xf32, #tpu.memory_space<vmem>>, vector<16xf32>,
      tpu.vector_store %arg17[%swap3A_515, %swap3A_516], %get3A_513 {strides = array<i32>} : memref<8x128xf32, #tpu.memory_space<vmem>>, vector<16xf32>,
      %get3A_518 = arith.constant 1 : i32
      %get3A_519 = arith.index_cast %get3A_518 : i32 to index
      %get3A_520 = arith.constant 64 : index
      %get3A_521 = tpu.vector_load %arg16[%get3A_519, %get3A_520] {strides = array<i32>} : memref<16x128xf32, #tpu.memory_space<vmem>>, vector<16xf32>,
      %swap3A_522 = arith.constant 7 : i32
      %swap3A_523 = arith.index_cast %swap3A_522 : i32 to index
      %swap3A_524 = arith.constant 64 : index
      %swap3A_525 = tpu.vector_load %arg17[%swap3A_523, %swap3A_524] {strides = array<i32>} : memref<8x128xf32, #tpu.memory_space<vmem>>, vector<16xf32>,
      tpu.vector_store %arg17[%swap3A_523, %swap3A_524], %get3A_521 {strides = array<i32>} : memref<8x128xf32, #tpu.memory_space<vmem>>, vector<16xf32>,
      %get3A_526 = arith.constant 0 : i32
      %get3A_527 = arith.index_cast %get3A_526 : i32 to index
      %get3A_528 = arith.constant 80 : index
      %get3A_529 = tpu.vector_load %arg15[%get3A_527, %get3A_528] {strides = array<i32>} : memref<16x128xf32, #tpu.memory_space<vmem>>, vector<16xf32>,
      %swap3A_530 = arith.constant 4 : i32
      %swap3A_531 = arith.index_cast %swap3A_530 : i32 to index
      %swap3A_532 = arith.constant 80 : index
      %swap3A_533 = tpu.vector_load %arg17[%swap3A_531, %swap3A_532] {strides = array<i32>} : memref<8x128xf32, #tpu.memory_space<vmem>>, vector<16xf32>,
      tpu.vector_store %arg17[%swap3A_531, %swap3A_532], %get3A_529 {strides = array<i32>} : memref<8x128xf32, #tpu.memory_space<vmem>>, vector<16xf32>,
      %get3A_534 = arith.constant 1 : i32
      %get3A_535 = arith.index_cast %get3A_534 : i32 to index
      %get3A_536 = arith.constant 80 : index
      %get3A_537 = tpu.vector_load %arg15[%get3A_535, %get3A_536] {strides = array<i32>} : memref<16x128xf32, #tpu.memory_space<vmem>>, vector<16xf32>,
      %swap3A_538 = arith.constant 5 : i32
      %swap3A_539 = arith.index_cast %swap3A_538 : i32 to index
      %swap3A_540 = arith.constant 80 : index
      %swap3A_541 = tpu.vector_load %arg17[%swap3A_539, %swap3A_540] {strides = array<i32>} : memref<8x128xf32, #tpu.memory_space<vmem>>, vector<16xf32>,
      tpu.vector_store %arg17[%swap3A_539, %swap3A_540], %get3A_537 {strides = array<i32>} : memref<8x128xf32, #tpu.memory_space<vmem>>, vector<16xf32>,
      %get3A_542 = arith.constant 0 : i32
      %get3A_543 = arith.index_cast %get3A_542 : i32 to index
      %get3A_544 = arith.constant 80 : index
      %get3A_545 = tpu.vector_load %arg16[%get3A_543, %get3A_544] {strides = array<i32>} : memref<16x128xf32, #tpu.memory_space<vmem>>, vector<16xf32>,
      %swap3A_546 = arith.constant 6 : i32
      %swap3A_547 = arith.index_cast %swap3A_546 : i32 to index
      %swap3A_548 = arith.constant 80 : index
      %swap3A_549 = tpu.vector_load %arg17[%swap3A_547, %swap3A_548] {strides = array<i32>} : memref<8x128xf32, #tpu.memory_space<vmem>>, vector<16xf32>,
      tpu.vector_store %arg17[%swap3A_547, %swap3A_548], %get3A_545 {strides = array<i32>} : memref<8x128xf32, #tpu.memory_space<vmem>>, vector<16xf32>,
      %get3A_550 = arith.constant 1 : i32
      %get3A_551 = arith.index_cast %get3A_550 : i32 to index
      %get3A_552 = arith.constant 80 : index
      %get3A_553 = tpu.vector_load %arg16[%get3A_551, %get3A_552] {strides = array<i32>} : memref<16x128xf32, #tpu.memory_space<vmem>>, vector<16xf32>,
      %swap3A_554 = arith.constant 7 : i32
      %swap3A_555 = arith.index_cast %swap3A_554 : i32 to index
      %swap3A_556 = arith.constant 80 : index
      %swap3A_557 = tpu.vector_load %arg17[%swap3A_555, %swap3A_556] {strides = array<i32>} : memref<8x128xf32, #tpu.memory_space<vmem>>, vector<16xf32>,
      tpu.vector_store %arg17[%swap3A_555, %swap3A_556], %get3A_553 {strides = array<i32>} : memref<8x128xf32, #tpu.memory_space<vmem>>, vector<16xf32>,
      %get3A_558 = arith.constant 0 : i32
      %get3A_559 = arith.index_cast %get3A_558 : i32 to index
      %get3A_560 = arith.constant 96 : index
      %get3A_561 = tpu.vector_load %arg15[%get3A_559, %get3A_560] {strides = array<i32>} : memref<16x128xf32, #tpu.memory_space<vmem>>, vector<16xf32>,
      %swap3A_562 = arith.constant 4 : i32
      %swap3A_563 = arith.index_cast %swap3A_562 : i32 to index
      %swap3A_564 = arith.constant 96 : index
      %swap3A_565 = tpu.vector_load %arg17[%swap3A_563, %swap3A_564] {strides = array<i32>} : memref<8x128xf32, #tpu.memory_space<vmem>>, vector<16xf32>,
      tpu.vector_store %arg17[%swap3A_563, %swap3A_564], %get3A_561 {strides = array<i32>} : memref<8x128xf32, #tpu.memory_space<vmem>>, vector<16xf32>,
      %get3A_566 = arith.constant 1 : i32
      %get3A_567 = arith.index_cast %get3A_566 : i32 to index
      %get3A_568 = arith.constant 96 : index
      %get3A_569 = tpu.vector_load %arg15[%get3A_567, %get3A_568] {strides = array<i32>} : memref<16x128xf32, #tpu.memory_space<vmem>>, vector<16xf32>,
      %swap3A_570 = arith.constant 5 : i32
      %swap3A_571 = arith.index_cast %swap3A_570 : i32 to index
      %swap3A_572 = arith.constant 96 : index
      %swap3A_573 = tpu.vector_load %arg17[%swap3A_571, %swap3A_572] {strides = array<i32>} : memref<8x128xf32, #tpu.memory_space<vmem>>, vector<16xf32>,
      tpu.vector_store %arg17[%swap3A_571, %swap3A_572], %get3A_569 {strides = array<i32>} : memref<8x128xf32, #tpu.memory_space<vmem>>, vector<16xf32>,
      %get3A_574 = arith.constant 0 : i32
      %get3A_575 = arith.index_cast %get3A_574 : i32 to index
      %get3A_576 = arith.constant 96 : index
      %get3A_577 = tpu.vector_load %arg16[%get3A_575, %get3A_576] {strides = array<i32>} : memref<16x128xf32, #tpu.memory_space<vmem>>, vector<16xf32>,
      %swap3A_578 = arith.constant 6 : i32
      %swap3A_579 = arith.index_cast %swap3A_578 : i32 to index
      %swap3A_580 = arith.constant 96 : index
      %swap3A_581 = tpu.vector_load %arg17[%swap3A_579, %swap3A_580] {strides = array<i32>} : memref<8x128xf32, #tpu.memory_space<vmem>>, vector<16xf32>,
      tpu.vector_store %arg17[%swap3A_579, %swap3A_580], %get3A_577 {strides = array<i32>} : memref<8x128xf32, #tpu.memory_space<vmem>>, vector<16xf32>,
      %get3A_582 = arith.constant 1 : i32
      %get3A_583 = arith.index_cast %get3A_582 : i32 to index
      %get3A_584 = arith.constant 96 : index
      %get3A_585 = tpu.vector_load %arg16[%get3A_583, %get3A_584] {strides = array<i32>} : memref<16x128xf32, #tpu.memory_space<vmem>>, vector<16xf32>,
      %swap3A_586 = arith.constant 7 : i32
      %swap3A_587 = arith.index_cast %swap3A_586 : i32 to index
      %swap3A_588 = arith.constant 96 : index
      %swap3A_589 = tpu.vector_load %arg17[%swap3A_587, %swap3A_588] {strides = array<i32>} : memref<8x128xf32, #tpu.memory_space<vmem>>, vector<16xf32>,
      tpu.vector_store %arg17[%swap3A_587, %swap3A_588], %get3A_585 {strides = array<i32>} : memref<8x128xf32, #tpu.memory_space<vmem>>, vector<16xf32>,
      %get3A_590 = arith.constant 0 : i32
      %get3A_591 = arith.index_cast %get3A_590 : i32 to index
      %get3A_592 = arith.constant 112 : index
      %get3A_593 = tpu.vector_load %arg15[%get3A_591, %get3A_592] {strides = array<i32>} : memref<16x128xf32, #tpu.memory_space<vmem>>, vector<16xf32>,
      %swap3A_594 = arith.constant 4 : i32
      %swap3A_595 = arith.index_cast %swap3A_594 : i32 to index
      %swap3A_596 = arith.constant 112 : index
      %swap3A_597 = tpu.vector_load %arg17[%swap3A_595, %swap3A_596] {strides = array<i32>} : memref<8x128xf32, #tpu.memory_space<vmem>>, vector<16xf32>,
      tpu.vector_store %arg17[%swap3A_595, %swap3A_596], %get3A_593 {strides = array<i32>} : memref<8x128xf32, #tpu.memory_space<vmem>>, vector<16xf32>,
      %get3A_598 = arith.constant 1 : i32
      %get3A_599 = arith.index_cast %get3A_598 : i32 to index
      %get3A_600 = arith.constant 112 : index
      %get3A_601 = tpu.vector_load %arg15[%get3A_599, %get3A_600] {strides = array<i32>} : memref<16x128xf32, #tpu.memory_space<vmem>>, vector<16xf32>,
      %swap3A_602 = arith.constant 5 : i32
      %swap3A_603 = arith.index_cast %swap3A_602 : i32 to index
      %swap3A_604 = arith.constant 112 : index
      %swap3A_605 = tpu.vector_load %arg17[%swap3A_603, %swap3A_604] {strides = array<i32>} : memref<8x128xf32, #tpu.memory_space<vmem>>, vector<16xf32>,
      tpu.vector_store %arg17[%swap3A_603, %swap3A_604], %get3A_601 {strides = array<i32>} : memref<8x128xf32, #tpu.memory_space<vmem>>, vector<16xf32>,
      %get3A_606 = arith.constant 0 : i32
      %get3A_607 = arith.index_cast %get3A_606 : i32 to index
      %get3A_608 = arith.constant 112 : index
      %get3A_609 = tpu.vector_load %arg16[%get3A_607, %get3A_608] {strides = array<i32>} : memref<16x128xf32, #tpu.memory_space<vmem>>, vector<16xf32>,
      %swap3A_610 = arith.constant 6 : i32
      %swap3A_611 = arith.index_cast %swap3A_610 : i32 to index
      %swap3A_612 = arith.constant 112 : index
      %swap3A_613 = tpu.vector_load %arg17[%swap3A_611, %swap3A_612] {strides = array<i32>} : memref<8x128xf32, #tpu.memory_space<vmem>>, vector<16xf32>,
      tpu.vector_store %arg17[%swap3A_611, %swap3A_612], %get3A_609 {strides = array<i32>} : memref<8x128xf32, #tpu.memory_space<vmem>>, vector<16xf32>,
      %get3A_614 = arith.constant 1 : i32
      %get3A_615 = arith.index_cast %get3A_614 : i32 to index
      %get3A_616 = arith.constant 112 : index
      %get3A_617 = tpu.vector_load %arg16[%get3A_615, %get3A_616] {strides = array<i32>} : memref<16x128xf32, #tpu.memory_space<vmem>>, vector<16xf32>,
      %swap3A_618 = arith.constant 7 : i32
      %swap3A_619 = arith.index_cast %swap3A_618 : i32 to index
      %swap3A_620 = arith.constant 112 : index
      %swap3A_621 = tpu.vector_load %arg17[%swap3A_619, %swap3A_620] {strides = array<i32>} : memref<8x128xf32, #tpu.memory_space<vmem>>, vector<16xf32>,
      tpu.vector_store %arg17[%swap3A_619, %swap3A_620], %get3A_617 {strides = array<i32>} : memref<8x128xf32, #tpu.memory_space<vmem>>, vector<16xf32>,
    } else {
    }
    "tpu.region"() ({
      %run_scoped3A = tpu.sem_alloc : memref<!tpu.dma_semaphore, #tpu.memory_space<semaphore_mem>>
      %dma_start3A = arith.constant 0 : i32
      %dma_start3A_344 = arith.constant 0 : i32
      %dma_start3A_345 = tpu.memref_slice %arg8[%arg0, %arg1, %dma_start3A, %dma_start3A_344] : memref<2x16x8x128xf32, #tpu.memory_space<hbm>> -> memref<1x1x8x128xf32, #tpu.memory_space<hbm>>
      %dma_start3A_346 = tpu.memref_squeeze %dma_start3A_345 : memref<1x1x8x128xf32, #tpu.memory_space<hbm>> -> memref<8x128xf32, #tpu.memory_space<hbm>>
      %dma_start3A_347 = arith.constant 0 : i32
      %dma_start3A_348 = arith.constant 0 : i32
      %dma_start3A_349 = tpu.memref_slice %arg8[%arg0, %arg1, %dma_start3A_347, %dma_start3A_348] : memref<2x16x8x128xf32, #tpu.memory_space<hbm>> -> memref<1x1x8x128xf32, #tpu.memory_space<hbm>>
      %dma_start3A_350 = tpu.memref_squeeze %dma_start3A_349 : memref<1x1x8x128xf32, #tpu.memory_space<hbm>> -> memref<8x128xf32, #tpu.memory_space<hbm>>
      tpu.enqueue_dma source(%arg17 : memref<8x128xf32, #tpu.memory_space<vmem>>) target(%dma_start3A_350 : memref<8x128xf32, #tpu.memory_space<hbm>>) target_semaphore(%run_scoped3A : memref<!tpu.dma_semaphore, #tpu.memory_space<semaphore_mem>>)
      %dma_wait3A = arith.constant 0 : i32
      %dma_wait3A_351 = arith.constant 0 : i32
      %dma_wait3A_352 = tpu.memref_slice %arg8[%arg0, %arg1, %dma_wait3A, %dma_wait3A_351] : memref<2x16x8x128xf32, #tpu.memory_space<hbm>> -> memref<1x1x8x128xf32, #tpu.memory_space<hbm>>
      %dma_wait3A_353 = tpu.memref_squeeze %dma_wait3A_352 : memref<1x1x8x128xf32, #tpu.memory_space<hbm>> -> memref<8x128xf32, #tpu.memory_space<hbm>>
      %dma_wait3A_354 = arith.constant 0 : i32
      %dma_wait3A_355 = arith.constant 0 : i32
      %dma_wait3A_356 = tpu.memref_slice %arg8[%arg0, %arg1, %dma_wait3A_354, %dma_wait3A_355] : memref<2x16x8x128xf32, #tpu.memory_space<hbm>> -> memref<1x1x8x128xf32, #tpu.memory_space<hbm>>
      %dma_wait3A_357 = tpu.memref_squeeze %dma_wait3A_356 : memref<1x1x8x128xf32, #tpu.memory_space<hbm>> -> memref<8x128xf32, #tpu.memory_space<hbm>>
      tpu.wait_dma2 semaphore(%run_scoped3A : memref<!tpu.dma_semaphore, #tpu.memory_space<semaphore_mem>>) src(%arg17 : memref<8x128xf32, #tpu.memory_space<vmem>>) dst(%dma_wait3A_357 : memref<8x128xf32, #tpu.memory_space<hbm>>)
      tpu.yield
    }) : () -> ()
    return
  }
}

module attributes {stable_mosaic.version = 14 : i64} {
  func.func @body(%arg0: i32, %arg1: memref<400x128xf32, #tpu.memory_space<vmem>>, %arg2: memref<32x400x1xf32, #tpu.memory_space<vmem>>, %arg3: memref<128x128xf32, #tpu.memory_space<vmem>>, %arg4: memref<128x128xf32, #tpu.memory_space<vmem>>, %arg5: memref<400x128xf32, #tpu.memory_space<vmem>>, %arg6: memref<400x128xf32, #tpu.memory_space<vmem>>, %arg7: memref<400x1xf32, #tpu.memory_space<vmem>>) attributes {dimension_semantics = [#tpu.dimension_semantics<arbitrary>], iteration_bounds = array<i64: 25>, scalar_prefetch = 0 : i64, scratch_operands = 0 : i64, tpu.core_type = #tpu.core_type<tc>, window_params = [{transform_indices = @transform_0, window_bounds = array<i64: 400, 128>}, {transform_indices = @transform_1, window_bounds = array<i64: 32, 400, 1>}, {pipeline_mode = #tpu.pipeline_mode<synchronous>, transform_indices = @transform_2, window_bounds = array<i64: 128, 128>}, {pipeline_mode = #tpu.pipeline_mode<synchronous>, transform_indices = @transform_3, window_bounds = array<i64: 128, 128>}, {transform_indices = @transform_4, window_bounds = array<i64: 400, 128>}, {transform_indices = @transform_5, window_bounds = array<i64: 400, 128>}, {transform_indices = @transform_6, window_bounds = array<i64: 400, 1>}]} {
    %get3A = arith.constant 0 : index
    %get3A_0 = arith.constant 0 : index
    %get3A_1 = arith.constant 0 : index
    %get3A_2 = vector.load %arg2[%get3A, %get3A_0, %get3A_1] : memref<32x400x1xf32, #tpu.memory_space<vmem>>, vector<32x400x1xf32>
    %reduce_sum3A = arith.constant dense<0.000000e+00> : vector<400x1xf32>
    %reduce_sum3A_3 = vector.multi_reduction <add>, %get3A_2, %reduce_sum3A [0] : vector<32x400x1xf32> to vector<400x1xf32>
    %add3A = arith.constant 1.000000e+00 : f32
    %add3A_4 = vector.broadcast %add3A : f32 to vector<400x1xf32>
    %add3A_5 = arith.addf %reduce_sum3A_3, %add3A_4 : vector<400x1xf32>
    %rsqrt3A = math.rsqrt %add3A_5 : vector<400x1xf32>
    %swap3A = arith.constant 0 : index
    %swap3A_6 = arith.constant 0 : index
    %swap3A_7 = vector.load %arg7[%swap3A, %swap3A_6] : memref<400x1xf32, #tpu.memory_space<vmem>>, vector<400x1xf32>
    tpu.vector_store %arg7[%swap3A, %swap3A_6], %rsqrt3A {strides = array<i32>} : memref<400x1xf32, #tpu.memory_space<vmem>>, vector<400x1xf32>,
    %get3A_8 = arith.constant 0 : index
    %get3A_9 = arith.constant 0 : index
    %get3A_10 = vector.load %arg1[%get3A_8, %get3A_9] : memref<400x128xf32, #tpu.memory_space<vmem>>, vector<400x128xf32>
    %mul3A = vector.broadcast %rsqrt3A : vector<400x1xf32> to vector<400x128xf32>
    %mul3A_11 = arith.mulf %mul3A, %get3A_10 : vector<400x128xf32>
    %get3A_12 = arith.constant 0 : index
    %get3A_13 = arith.constant 0 : index
    %get3A_14 = vector.load %arg3[%get3A_12, %get3A_13] : memref<128x128xf32, #tpu.memory_space<vmem>>, vector<128x128xf32>
    %dot_general3A = arith.constant dense<0.000000e+00> : vector<400x128xf32>
    %dot_general3A_15 = tpu.matmul %mul3A_11, %get3A_14, %dot_general3A {dimension_numbers = #tpu.dot_dimension_numbers<[1], [0], [0], [1], [0, 0, 1, 1], [], []>, transpose_lhs_hint = false} : vector<400x128xf32>, vector<128x128xf32>, vector<400x128xf32> -> vector<400x128xf32>
    %swap3A_16 = arith.constant 0 : index
    %swap3A_17 = arith.constant 0 : index
    %swap3A_18 = vector.load %arg5[%swap3A_16, %swap3A_17] : memref<400x128xf32, #tpu.memory_space<vmem>>, vector<400x128xf32>
    tpu.vector_store %arg5[%swap3A_16, %swap3A_17], %dot_general3A_15 {strides = array<i32>} : memref<400x128xf32, #tpu.memory_space<vmem>>, vector<400x128xf32>,
    %get3A_19 = arith.constant 0 : index
    %get3A_20 = arith.constant 0 : index
    %get3A_21 = vector.load %arg4[%get3A_19, %get3A_20] : memref<128x128xf32, #tpu.memory_space<vmem>>, vector<128x128xf32>
    %dot_general3A_22 = arith.constant dense<0.000000e+00> : vector<400x128xf32>
    %dot_general3A_23 = tpu.matmul %mul3A_11, %get3A_21, %dot_general3A_22 {dimension_numbers = #tpu.dot_dimension_numbers<[1], [0], [0], [1], [0, 0, 1, 1], [], []>, transpose_lhs_hint = false} : vector<400x128xf32>, vector<128x128xf32>, vector<400x128xf32> -> vector<400x128xf32>
    %swap3A_24 = arith.constant 0 : index
    %swap3A_25 = arith.constant 0 : index
    %swap3A_26 = vector.load %arg6[%swap3A_24, %swap3A_25] : memref<400x128xf32, #tpu.memory_space<vmem>>, vector<400x128xf32>
    tpu.vector_store %arg6[%swap3A_24, %swap3A_25], %dot_general3A_23 {strides = array<i32>} : memref<400x128xf32, #tpu.memory_space<vmem>>, vector<400x128xf32>,
    return
  }
  func.func @transform_0(%arg0: i32) -> (i32, i32) {
    %c0_i32 = arith.constant 0 : i32
    %c0_i32_0 = arith.constant 0 : i32
    return %arg0, %c0_i32 : i32, i32
  }
  func.func @transform_1(%arg0: i32) -> (i32, i32, i32) {
    %c0_i32 = arith.constant 0 : i32
    %c0_i32_0 = arith.constant 0 : i32
    %c0_i32_1 = arith.constant 0 : i32
    return %c0_i32, %arg0, %c0_i32_0 : i32, i32, i32
  }
  func.func @transform_2(%arg0: i32) -> (i32, i32) {
    %c0_i32 = arith.constant 0 : i32
    %c0_i32_0 = arith.constant 0 : i32
    %c0_i32_1 = arith.constant 0 : i32
    return %c0_i32, %c0_i32_0 : i32, i32
  }
  func.func @transform_3(%arg0: i32) -> (i32, i32) {
    %c0_i32 = arith.constant 0 : i32
    %c0_i32_0 = arith.constant 0 : i32
    %c0_i32_1 = arith.constant 0 : i32
    return %c0_i32, %c0_i32_0 : i32, i32
  }
  func.func @transform_4(%arg0: i32) -> (i32, i32) {
    %c0_i32 = arith.constant 0 : i32
    %c0_i32_0 = arith.constant 0 : i32
    return %arg0, %c0_i32 : i32, i32
  }
  func.func @transform_5(%arg0: i32) -> (i32, i32) {
    %c0_i32 = arith.constant 0 : i32
    %c0_i32_0 = arith.constant 0 : i32
    return %arg0, %c0_i32 : i32, i32
  }
  func.func @transform_6(%arg0: i32) -> (i32, i32) {
    %c0_i32 = arith.constant 0 : i32
    %c0_i32_0 = arith.constant 0 : i32
    return %arg0, %c0_i32 : i32, i32
  }
}

module attributes {stable_mosaic.version = 14 : i64} {
  func.func @body(%arg0: i32, %arg1: memref<2x400x128xf32, #tpu.memory_space<vmem>>, %arg2: memref<2x400x128xf32, #tpu.memory_space<vmem>>, %arg3: memref<400x128xf32, #tpu.memory_space<vmem>>, %arg4: memref<400x128xf32, #tpu.memory_space<vmem>>, %arg5: memref<400x1xf32, #tpu.memory_space<vmem>>, %arg6: memref<1x128xf32, #tpu.memory_space<vmem>>, %arg7: memref<1x128xf32, #tpu.memory_space<vmem>>, %arg8: memref<400x128xf32, #tpu.memory_space<vmem>>, %arg9: memref<400x128xf32, #tpu.memory_space<vmem>>) attributes {dimension_semantics = [#tpu.dimension_semantics<arbitrary>], iteration_bounds = array<i64: 26>, scalar_prefetch = 0 : i64, scratch_operands = 0 : i64, tpu.core_type = #tpu.core_type<tc>, window_params = [{transform_indices = @transform_0, window_bounds = array<i64: 2, 400, 128>}, {transform_indices = @transform_1, window_bounds = array<i64: 2, 400, 128>}, {transform_indices = @transform_2, window_bounds = array<i64: 400, 128>}, {transform_indices = @transform_3, window_bounds = array<i64: 400, 128>}, {transform_indices = @transform_4, window_bounds = array<i64: 400, 1>}, {pipeline_mode = #tpu.pipeline_mode<synchronous>, transform_indices = @transform_5, window_bounds = array<i64: 1, 128>}, {pipeline_mode = #tpu.pipeline_mode<synchronous>, transform_indices = @transform_6, window_bounds = array<i64: 1, 128>}, {transform_indices = @transform_7, window_bounds = array<i64: 400, 128>}, {transform_indices = @transform_8, window_bounds = array<i64: 400, 128>}]} {
    %get3A = arith.constant 0 : index
    %get3A_0 = arith.constant 0 : index
    %get3A_1 = vector.load %arg5[%get3A, %get3A_0] : memref<400x1xf32, #tpu.memory_space<vmem>>, vector<400x1xf32>
    %get3A_2 = arith.constant 0 : index
    %get3A_3 = arith.constant 0 : index
    %get3A_4 = arith.constant 0 : index
    %get3A_5 = vector.load %arg1[%get3A_2, %get3A_3, %get3A_4] : memref<2x400x128xf32, #tpu.memory_space<vmem>>, vector<1x400x128xf32>
    %get3A_6 = vector.shape_cast %get3A_5 : vector<1x400x128xf32> to vector<400x128xf32>
    %get3A_7 = arith.constant 1 : index
    %get3A_8 = arith.constant 0 : index
    %get3A_9 = arith.constant 0 : index
    %get3A_10 = vector.load %arg1[%get3A_7, %get3A_8, %get3A_9] : memref<2x400x128xf32, #tpu.memory_space<vmem>>, vector<1x400x128xf32>
    %get3A_11 = vector.shape_cast %get3A_10 : vector<1x400x128xf32> to vector<400x128xf32>
    %add3A = arith.addf %get3A_6, %get3A_11 : vector<400x128xf32>
    %get3A_12 = arith.constant 0 : index
    %get3A_13 = arith.constant 0 : index
    %get3A_14 = vector.load %arg3[%get3A_12, %get3A_13] : memref<400x128xf32, #tpu.memory_space<vmem>>, vector<400x128xf32>
    %add3A_15 = arith.addf %add3A, %get3A_14 : vector<400x128xf32>
    %mul3A = vector.broadcast %get3A_1 : vector<400x1xf32> to vector<400x128xf32>
    %mul3A_16 = arith.mulf %mul3A, %add3A_15 : vector<400x128xf32>
    %get3A_17 = arith.constant 0 : index
    %get3A_18 = arith.constant 0 : index
    %get3A_19 = vector.load %arg6[%get3A_17, %get3A_18] : memref<1x128xf32, #tpu.memory_space<vmem>>, vector<1x128xf32>
    %add3A_20 = vector.broadcast %get3A_19 : vector<1x128xf32> to vector<400x128xf32>
    %add3A_21 = arith.addf %mul3A_16, %add3A_20 : vector<400x128xf32>
    %max3A = arith.constant 0.000000e+00 : f32
    %max3A_22 = vector.broadcast %max3A : f32 to vector<400x128xf32>
    %max3A_23 = arith.maximumf %add3A_21, %max3A_22 : vector<400x128xf32>
    %get3A_24 = arith.constant 0 : index
    %get3A_25 = arith.constant 0 : index
    %get3A_26 = arith.constant 0 : index
    %get3A_27 = vector.load %arg2[%get3A_24, %get3A_25, %get3A_26] : memref<2x400x128xf32, #tpu.memory_space<vmem>>, vector<1x400x128xf32>
    %get3A_28 = vector.shape_cast %get3A_27 : vector<1x400x128xf32> to vector<400x128xf32>
    %get3A_29 = arith.constant 1 : index
    %get3A_30 = arith.constant 0 : index
    %get3A_31 = arith.constant 0 : index
    %get3A_32 = vector.load %arg2[%get3A_29, %get3A_30, %get3A_31] : memref<2x400x128xf32, #tpu.memory_space<vmem>>, vector<1x400x128xf32>
    %get3A_33 = vector.shape_cast %get3A_32 : vector<1x400x128xf32> to vector<400x128xf32>
    %add3A_34 = arith.addf %get3A_28, %get3A_33 : vector<400x128xf32>
    %get3A_35 = arith.constant 0 : index
    %get3A_36 = arith.constant 0 : index
    %get3A_37 = vector.load %arg4[%get3A_35, %get3A_36] : memref<400x128xf32, #tpu.memory_space<vmem>>, vector<400x128xf32>
    %add3A_38 = arith.addf %add3A_34, %get3A_37 : vector<400x128xf32>
    %mul3A_39 = vector.broadcast %get3A_1 : vector<400x1xf32> to vector<400x128xf32>
    %mul3A_40 = arith.mulf %mul3A_39, %add3A_38 : vector<400x128xf32>
    %get3A_41 = arith.constant 0 : index
    %get3A_42 = arith.constant 0 : index
    %get3A_43 = vector.load %arg7[%get3A_41, %get3A_42] : memref<1x128xf32, #tpu.memory_space<vmem>>, vector<1x128xf32>
    %add3A_44 = vector.broadcast %get3A_43 : vector<1x128xf32> to vector<400x128xf32>
    %add3A_45 = arith.addf %mul3A_40, %add3A_44 : vector<400x128xf32>
    %max3A_46 = arith.constant 0.000000e+00 : f32
    %max3A_47 = vector.broadcast %max3A_46 : f32 to vector<400x128xf32>
    %max3A_48 = arith.maximumf %add3A_45, %max3A_47 : vector<400x128xf32>
    %lt3A = arith.constant 25 : i32
    %lt3A_49 = arith.cmpi slt, %arg0, %lt3A : i32
    %convert_element_type3A = arith.extui %lt3A_49 : i1 to i32
    %convert_element_type3A_50 = arith.sitofp %convert_element_type3A : i32 to f32
    %mul3A_51 = vector.broadcast %convert_element_type3A_50 : f32 to vector<400x1xf32>
    %mul3A_52 = arith.mulf %mul3A_51, %get3A_1 : vector<400x1xf32>
    %mul3A_53 = vector.broadcast %mul3A_52 : vector<400x1xf32> to vector<400x128xf32>
    %mul3A_54 = arith.mulf %mul3A_53, %max3A_23 : vector<400x128xf32>
    %swap3A = arith.constant 0 : index
    %swap3A_55 = arith.constant 0 : index
    %swap3A_56 = vector.load %arg8[%swap3A, %swap3A_55] : memref<400x128xf32, #tpu.memory_space<vmem>>, vector<400x128xf32>
    tpu.vector_store %arg8[%swap3A, %swap3A_55], %mul3A_54 {strides = array<i32>} : memref<400x128xf32, #tpu.memory_space<vmem>>, vector<400x128xf32>,
    %mul3A_57 = vector.broadcast %convert_element_type3A_50 : f32 to vector<400x1xf32>
    %mul3A_58 = arith.mulf %mul3A_57, %get3A_1 : vector<400x1xf32>
    %mul3A_59 = vector.broadcast %mul3A_58 : vector<400x1xf32> to vector<400x128xf32>
    %mul3A_60 = arith.mulf %mul3A_59, %max3A_48 : vector<400x128xf32>
    %swap3A_61 = arith.constant 0 : index
    %swap3A_62 = arith.constant 0 : index
    %swap3A_63 = vector.load %arg9[%swap3A_61, %swap3A_62] : memref<400x128xf32, #tpu.memory_space<vmem>>, vector<400x128xf32>
    tpu.vector_store %arg9[%swap3A_61, %swap3A_62], %mul3A_60 {strides = array<i32>} : memref<400x128xf32, #tpu.memory_space<vmem>>, vector<400x128xf32>,
    return
  }
  func.func @transform_0(%arg0: i32) -> (i32, i32, i32) {
    %min3A = arith.constant 24 : i32
    %min3A_0 = arith.minsi %arg0, %min3A : i32
    %c0_i32 = arith.constant 0 : i32
    %c0_i32_1 = arith.constant 0 : i32
    %c0_i32_2 = arith.constant 0 : i32
    return %c0_i32, %min3A_0, %c0_i32_1 : i32, i32, i32
  }
  func.func @transform_1(%arg0: i32) -> (i32, i32, i32) {
    %min3A = arith.constant 24 : i32
    %min3A_0 = arith.minsi %arg0, %min3A : i32
    %c0_i32 = arith.constant 0 : i32
    %c0_i32_1 = arith.constant 0 : i32
    %c0_i32_2 = arith.constant 0 : i32
    return %c0_i32, %min3A_0, %c0_i32_1 : i32, i32, i32
  }
  func.func @transform_2(%arg0: i32) -> (i32, i32) {
    %min3A = arith.constant 24 : i32
    %min3A_0 = arith.minsi %arg0, %min3A : i32
    %c0_i32 = arith.constant 0 : i32
    %c0_i32_1 = arith.constant 0 : i32
    return %min3A_0, %c0_i32 : i32, i32
  }
  func.func @transform_3(%arg0: i32) -> (i32, i32) {
    %min3A = arith.constant 24 : i32
    %min3A_0 = arith.minsi %arg0, %min3A : i32
    %c0_i32 = arith.constant 0 : i32
    %c0_i32_1 = arith.constant 0 : i32
    return %min3A_0, %c0_i32 : i32, i32
  }
  func.func @transform_4(%arg0: i32) -> (i32, i32) {
    %min3A = arith.constant 24 : i32
    %min3A_0 = arith.minsi %arg0, %min3A : i32
    %c0_i32 = arith.constant 0 : i32
    %c0_i32_1 = arith.constant 0 : i32
    return %min3A_0, %c0_i32 : i32, i32
  }
  func.func @transform_5(%arg0: i32) -> (i32, i32) {
    %c0_i32 = arith.constant 0 : i32
    %c0_i32_0 = arith.constant 0 : i32
    %c0_i32_1 = arith.constant 0 : i32
    return %c0_i32, %c0_i32_0 : i32, i32
  }
  func.func @transform_6(%arg0: i32) -> (i32, i32) {
    %c0_i32 = arith.constant 0 : i32
    %c0_i32_0 = arith.constant 0 : i32
    %c0_i32_1 = arith.constant 0 : i32
    return %c0_i32, %c0_i32_0 : i32, i32
  }
  func.func @transform_7(%arg0: i32) -> (i32, i32) {
    %c0_i32 = arith.constant 0 : i32
    %c0_i32_0 = arith.constant 0 : i32
    return %arg0, %c0_i32 : i32, i32
  }
  func.func @transform_8(%arg0: i32) -> (i32, i32) {
    %c0_i32 = arith.constant 0 : i32
    %c0_i32_0 = arith.constant 0 : i32
    return %arg0, %c0_i32 : i32, i32
  }
}

module attributes {stable_mosaic.version = 14 : i64} {
  func.func @body(%arg0: memref<2xi32, #tpu.memory_space<smem>>, %arg1: memref<32x8x128xf32, #tpu.memory_space<vmem>>, %arg2: memref<10000x1xf32, #tpu.memory_space<vmem>>, %arg3: memref<128x128xf32, #tpu.memory_space<vmem>>, %arg4: memref<1x128xf32, #tpu.memory_space<vmem>>, %arg5: memref<128x128xf32, #tpu.memory_space<vmem>>, %arg6: memref<1x128xf32, #tpu.memory_space<vmem>>, %arg7: memref<2xf32, #tpu.memory_space<smem>>) attributes {dimension_semantics = [], scalar_prefetch = 0 : i64, scratch_operands = 0 : i64, tpu.core_type = #tpu.core_type<tc>} {
    %get3A = arith.constant 0 : index
    %get3A_0 = arith.constant 0 : index
    %get3A_1 = arith.constant 0 : index
    %get3A_2 = vector.load %arg1[%get3A, %get3A_0, %get3A_1] : memref<32x8x128xf32, #tpu.memory_space<vmem>>, vector<32x8x128xf32>
    %reduce_sum3A = arith.constant dense<0.000000e+00> : vector<8x128xf32>
    %reduce_sum3A_3 = vector.multi_reduction <add>, %get3A_2, %reduce_sum3A [0] : vector<32x8x128xf32> to vector<8x128xf32>
    %get3A_4 = arith.constant 0 : index
    %get3A_5 = memref.load %arg0[%get3A_4] : memref<2xi32, #tpu.memory_space<smem>>
    %get3A_6 = arith.constant 1 : index
    %get3A_7 = memref.load %arg0[%get3A_6] : memref<2xi32, #tpu.memory_space<smem>>
    %slice3A = vector.extract_strided_slice %reduce_sum3A_3 {offsets = [0, 0], sizes = [2, 128], strides = [1, 1]} : vector<8x128xf32> to vector<2x128xf32>
    %slice3A_8 = vector.extract_strided_slice %reduce_sum3A_3 {offsets = [4, 0], sizes = [2, 128], strides = [1, 1]} : vector<8x128xf32> to vector<2x128xf32>
    %add3A = arith.addf %slice3A, %slice3A_8 : vector<2x128xf32>
    %slice3A_9 = vector.extract_strided_slice %reduce_sum3A_3 {offsets = [2, 0], sizes = [2, 128], strides = [1, 1]} : vector<8x128xf32> to vector<2x128xf32>
    %slice3A_10 = vector.extract_strided_slice %reduce_sum3A_3 {offsets = [6, 0], sizes = [2, 128], strides = [1, 1]} : vector<8x128xf32> to vector<2x128xf32>
    %add3A_11 = arith.addf %slice3A_9, %slice3A_10 : vector<2x128xf32>
    %get3A_12 = arith.index_cast %get3A_5 : i32 to index
    %get3A_13 = arith.constant 0 : index
    %get3A_14 = vector.load %arg2[%get3A_12, %get3A_13] : memref<10000x1xf32, #tpu.memory_space<vmem>>, vector<1x1xf32>
    %get3A_15 = arith.index_cast %get3A_7 : i32 to index
    %get3A_16 = arith.constant 0 : index
    %get3A_17 = vector.load %arg2[%get3A_15, %get3A_16] : memref<10000x1xf32, #tpu.memory_space<vmem>>, vector<1x1xf32>
    %get3A_18 = arith.constant 0 : index
    %get3A_19 = arith.constant 0 : index
    %get3A_20 = vector.load %arg3[%get3A_18, %get3A_19] : memref<128x128xf32, #tpu.memory_space<vmem>>, vector<128x128xf32>
    %dot_general3A = arith.constant dense<0.000000e+00> : vector<2x128xf32>
    %dot_general3A_21 = tpu.matmul %add3A, %get3A_20, %dot_general3A {dimension_numbers = #tpu.dot_dimension_numbers<[1], [0], [0], [1], [0, 0, 1, 1], [], []>, transpose_lhs_hint = false} : vector<2x128xf32>, vector<128x128xf32>, vector<2x128xf32> -> vector<2x128xf32>
    %get3A_22 = arith.constant 0 : index
    %get3A_23 = arith.constant 0 : index
    %get3A_24 = vector.load %arg5[%get3A_22, %get3A_23] : memref<128x128xf32, #tpu.memory_space<vmem>>, vector<128x128xf32>
    %dot_general3A_25 = arith.constant dense<0.000000e+00> : vector<2x128xf32>
    %dot_general3A_26 = tpu.matmul %add3A_11, %get3A_24, %dot_general3A_25 {dimension_numbers = #tpu.dot_dimension_numbers<[1], [0], [0], [1], [0, 0, 1, 1], [], []>, transpose_lhs_hint = false} : vector<2x128xf32>, vector<128x128xf32>, vector<2x128xf32> -> vector<2x128xf32>
    %slice3A_27 = vector.extract_strided_slice %dot_general3A_21 {offsets = [0, 0], sizes = [1, 128], strides = [1, 1]} : vector<2x128xf32> to vector<1x128xf32>
    %mul3A = vector.broadcast %get3A_14 : vector<1x1xf32> to vector<1x128xf32>
    %mul3A_28 = arith.mulf %mul3A, %slice3A_27 : vector<1x128xf32>
    %get3A_29 = arith.constant 0 : index
    %get3A_30 = arith.constant 0 : index
    %get3A_31 = vector.load %arg4[%get3A_29, %get3A_30] : memref<1x128xf32, #tpu.memory_space<vmem>>, vector<1x128xf32>
    %add3A_32 = arith.addf %mul3A_28, %get3A_31 : vector<1x128xf32>
    %slice3A_33 = vector.extract_strided_slice %dot_general3A_21 {offsets = [1, 0], sizes = [1, 128], strides = [1, 1]} : vector<2x128xf32> to vector<1x128xf32>
    %mul3A_34 = vector.broadcast %get3A_17 : vector<1x1xf32> to vector<1x128xf32>
    %mul3A_35 = arith.mulf %mul3A_34, %slice3A_33 : vector<1x128xf32>
    %get3A_36 = arith.constant 0 : index
    %get3A_37 = arith.constant 0 : index
    %get3A_38 = vector.load %arg4[%get3A_36, %get3A_37] : memref<1x128xf32, #tpu.memory_space<vmem>>, vector<1x128xf32>
    %add3A_39 = arith.addf %mul3A_35, %get3A_38 : vector<1x128xf32>
    %slice3A_40 = vector.extract_strided_slice %dot_general3A_26 {offsets = [0, 0], sizes = [1, 128], strides = [1, 1]} : vector<2x128xf32> to vector<1x128xf32>
    %mul3A_41 = vector.broadcast %get3A_14 : vector<1x1xf32> to vector<1x128xf32>
    %mul3A_42 = arith.mulf %mul3A_41, %slice3A_40 : vector<1x128xf32>
    %get3A_43 = arith.constant 0 : index
    %get3A_44 = arith.constant 0 : index
    %get3A_45 = vector.load %arg6[%get3A_43, %get3A_44] : memref<1x128xf32, #tpu.memory_space<vmem>>, vector<1x128xf32>
    %add3A_46 = arith.addf %mul3A_42, %get3A_45 : vector<1x128xf32>
    %slice3A_47 = vector.extract_strided_slice %dot_general3A_26 {offsets = [1, 0], sizes = [1, 128], strides = [1, 1]} : vector<2x128xf32> to vector<1x128xf32>
    %mul3A_48 = vector.broadcast %get3A_17 : vector<1x1xf32> to vector<1x128xf32>
    %mul3A_49 = arith.mulf %mul3A_48, %slice3A_47 : vector<1x128xf32>
    %get3A_50 = arith.constant 0 : index
    %get3A_51 = arith.constant 0 : index
    %get3A_52 = vector.load %arg6[%get3A_50, %get3A_51] : memref<1x128xf32, #tpu.memory_space<vmem>>, vector<1x128xf32>
    %add3A_53 = arith.addf %mul3A_49, %get3A_52 : vector<1x128xf32>
    %mul3A_54 = arith.mulf %add3A_32, %add3A_39 : vector<1x128xf32>
    %reduce_sum3A_55 = vector.shape_cast %mul3A_54 : vector<1x128xf32> to vector<1x1x128xf32>
    %reduce_sum3A_56 = arith.constant dense<0.000000e+00> : vector<1xf32>
    %reduce_sum3A_57 = vector.multi_reduction <add>, %reduce_sum3A_55, %reduce_sum3A_56 [1, 2] : vector<1x1x128xf32> to vector<1xf32>
    %reduce_sum3A_58 = vector.shape_cast %reduce_sum3A_57 : vector<1xf32> to vector<1x1x1xf32>
    %reduce_sum3A_59 = vector.extract %reduce_sum3A_58[0, 0, 0] : f32 from vector<1x1x1xf32>
    %swap3A = arith.constant 0 : index
    %swap3A_60 = memref.load %arg7[%swap3A] : memref<2xf32, #tpu.memory_space<smem>>
    memref.store %reduce_sum3A_59, %arg7[%swap3A] : memref<2xf32, #tpu.memory_space<smem>>
    %mul3A_61 = arith.mulf %add3A_46, %add3A_53 : vector<1x128xf32>
    %reduce_sum3A_62 = vector.shape_cast %mul3A_61 : vector<1x128xf32> to vector<1x1x128xf32>
    %reduce_sum3A_63 = arith.constant dense<0.000000e+00> : vector<1xf32>
    %reduce_sum3A_64 = vector.multi_reduction <add>, %reduce_sum3A_62, %reduce_sum3A_63 [1, 2] : vector<1x1x128xf32> to vector<1xf32>
    %reduce_sum3A_65 = vector.shape_cast %reduce_sum3A_64 : vector<1xf32> to vector<1x1x1xf32>
    %reduce_sum3A_66 = vector.extract %reduce_sum3A_65[0, 0, 0] : f32 from vector<1x1x1xf32>
    %swap3A_67 = arith.constant 1 : index
    %swap3A_68 = memref.load %arg7[%swap3A_67] : memref<2xf32, #tpu.memory_space<smem>>
    memref.store %reduce_sum3A_66, %arg7[%swap3A_67] : memref<2xf32, #tpu.memory_space<smem>>
    return
  }
}

</mosaic_0001>

<sc_bundles>
// kernel: kernel.11.cloned.1.call-start
scs
__scs_entry_jumppad:
0x0: {  	(pc) =	sbr.rel $0x88, $3  }
0x1: {  	(tag) =	ssettag $0x0;
	lr =	simm.s32 $0x1  }
0x2: {  	[smem:$0x3F95] =	sst lr;
	_ =	strace $0xD0000000  }
0x3: {  	_ = 	snop  }
0x4: {  	_ = 	snop  }
0x5: {  	_ = 	snop  }
0x6: {  	_ = 	snop  }
0x7: {  	_ = 	snop  }
__scs_overlays_trampoline_lowered:
0x8: {  	[smem:$0x3FA4] =	sst s0  }
0x9: {  	[smem:$0x3FA5] =	sst s1  }
0xa: {  	[smem:$0x3FA6] =	sst s2  }
0xb: {  	[smem:$0x3FA7] =	sst s3  }
0xc: {  	[smem:$0x3FA8] =	sst s4  }
0xd: {  	[smem:$0x3FA9] =	sst s5  }
0xe: {  	[smem:$0x3FAA] =	sst s6  }
0xf: {  	[smem:$0x3FAB] =	sst s7  }
0x10: {  	[smem:$0x3FAC] =	sst s8  }
0x11: {  	[smem:$0x3FAD] =	sst s9;
	s0 =	simm.s32 @!p0 $0x0  }
0x12: {  	s1 =	sld [smem:$0x3F93];
	s0 =	simm.s32 @p0 $0x1  }
0x13: {  	[smem:$0x3FAE] =	sst s0;
	s0 =	simm.s32 @!p1 $0x0  }
0x14: {  	s2 =	sld [smem:$0x3F92];
	s0 =	simm.s32 @p1 $0x1  }
0x15: {  	[smem:$0x3FAF] =	sst s0;
	s0 =	simm.s32 @!p2 $0x0  }
0x16: {  	s3 =	sld [smem:$0x3FDB];
	s0 =	simm.s32 @p2 $0x1  }
0x17: {  	s4 =	simm.s32 $0x1BF5;
	[smem:$0x3FB1] =	sst s0  }
0x18: {  	s0 =	sld [smem:$0x3F94];
	_ =	swait.ge [sflag:s4], $0x0  }
0x19: {  	s7 =	sld [smem:$0x3F95]  }
0x1a: {  	s8 =	sadd.s32 $0xFFFFE003, lr  }
0x1b: {  	s9 =	sadd.s32 $0xFFFFFEF7, lr;
	s5 =	simm.s32 $0xFFFFFFFF;
	p2 =	slt.u32 s8, $0xFFFFF086  }
0x1c: {  	p1 =	slt.u32 s9, $0xF7A;
	s5 =	simm.s32 @!p2 $0x0  }
0x1d: {  	s5 =	simm.s32 @p1 $0x1;
	p0 =	seq.s32 s7, s2  }
0x1e: {  	s7 =	smul.u32 @!p0 $0xF7A, s2;
	p2 =	seq.s32 @!p0 s5, $0x0  }
0x1f: {  	s9 =	smul.u32 $0xF7A, s1;
	s8 =	simm.s32 @!p0 $0x1BF5;
	p2 =	por !p2, p0  }
0x20: {  	[sflag:s8] =	ssyncset.s32 @!p0 $0xFFFFF086;
	s6 =	sadd.s32 @!p0 s3, s7;
	s7 =	simm.s32 @!p0 $0x108  }
0x21: {  	s3 =	sadd.s32 s3, s9;
	s6 =	sadd.s32 @!p0 $0x88, s6;
	s7 =	simm.s32 @p2 $0x1082  }
0x22: {  	[simem:s7], [sflag:s8] =	dma.local @!p0 [hbm:s6], $0xF7A  }
0x23: {  	s9 =	sor.u32 $0xD0000000, s2;
	s6 =	simm.s32 $0x108;
	_ =	swait.ge @!p0 [sflag:s8], $0x0  }
0x24: {  	s3 =	sadd.s32 $0x88, s3;
	s6 =	simm.s32 @!p1 $0x1082;
	[sflag:s4] =	ssyncset.s32 $0xFFFFF086  }
0x25: {  	[simem:s6], [sflag:s4] =	dma.local [hbm:s3], $0xF7A  }
0x26: {  	[smem:$0x3F95] =	sst s1;
	(tag) =	ssettag s2;
	_ =	strace s9  }
0x27: {  	s1 =	sld [smem:$0x3FA5]  }
0x28: {  	s2 =	sld [smem:$0x3FA6]  }
0x29: {  	s4 =	sld [smem:$0x3FA8]  }
0x2a: {  	p0 =	seq.s32 s5, $0x0;
	s5 =	sld [smem:$0x3FA9]  }
0x2b: {  	s6 =	sld [smem:$0x3FAA]  }
0x2c: {  	s7 =	sld [smem:$0x3FAB]  }
0x2d: {  	s3 =	simm.s32 $0x108;
	s8 =	sld [smem:$0x3FAC]  }
0x2e: {  	s3 =	simm.s32 @!p0 $0x1082;
	s9 =	sld [smem:$0x3FAD]  }
0x2f: {  	lr =	sadd.s32 s0, s3;
	s0 =	sld [smem:$0x3FA4]  }
0x30: {  	s3 =	sld [smem:$0x3FA7]  }
0x31: {  	[smem:$0x3FB0] =	sst s10  }
0x32: {  	s10 =	sld [smem:$0x3FAE];
	_ =	sdelay $0x3  }
0x33: {  	p0 =	seq.s32 s10, $0x1;
	s10 =	sld [smem:$0x3FB0];
	_ =	sdelay $0x3  }
0x34: {  	[smem:$0x3FB0] =	sst s10  }
0x35: {  	s10 =	sld [smem:$0x3FAF];
	_ =	sdelay $0x3  }
0x36: {  	p1 =	seq.s32 s10, $0x1;
	s10 =	sld [smem:$0x3FB0];
	_ =	sdelay $0x3  }
0x37: {  	[smem:$0x3FB0] =	sst s10  }
0x38: {  	s10 =	sld [smem:$0x3FB1]  }
0x39: {  	_ = 	snop;
	(pc) =	sbr.ind lr, $3  }
0x3a: {  	_ = 	snop  }
0x3b: {  	_ = 	snop  }
0x3c: {  	p2 =	seq.s32 s10, $0x1;
	s10 =	sld [smem:$0x3FB0]  }
0x3d: {  	_ =	shalt  }
0x3e: {  	_ =	shalt  }
0x3f: {  	_ =	shalt  }
0x40: {  	_ =	shalt  }
0x41: {  	_ =	shalt  }
0x42: {  	_ =	shalt  }
0x43: {  	_ =	shalt  }
0x44: {  	_ =	shalt  }
0x45: {  	_ =	shalt  }
0x46: {  	_ =	shalt  }
0x47: {  	_ =	shalt  }
0x48: {  	_ =	shalt  }
0x49: {  	_ =	shalt  }
0x4a: {  	_ =	shalt  }
0x4b: {  	_ =	shalt  }
0x4c: {  	_ =	shalt  }
0x4d: {  	_ =	shalt  }
0x4e: {  	_ =	shalt  }
0x4f: {  	_ =	shalt  }
0x50: {  	_ =	shalt  }
0x51: {  	_ =	shalt  }
0x52: {  	_ =	shalt  }
0x53: {  	_ =	shalt  }
0x54: {  	_ =	shalt  }
0x55: {  	_ =	shalt  }
0x56: {  	_ =	shalt  }
0x57: {  	_ =	shalt  }
0x58: {  	_ =	shalt  }
0x59: {  	_ =	shalt  }
0x5a: {  	_ =	shalt  }
0x5b: {  	_ =	shalt  }
0x5c: {  	_ =	shalt  }
0x5d: {  	_ =	shalt  }
0x5e: {  	_ =	shalt  }
0x5f: {  	_ =	shalt  }
0x60: {  	_ =	shalt  }
0x61: {  	_ =	shalt  }
0x62: {  	_ =	shalt  }
0x63: {  	_ =	shalt  }
0x64: {  	_ =	shalt  }
0x65: {  	_ =	shalt  }
0x66: {  	_ =	shalt  }
0x67: {  	_ =	shalt  }
0x68: {  	_ =	shalt  }
0x69: {  	_ =	shalt  }
0x6a: {  	_ =	shalt  }
0x6b: {  	_ =	shalt  }
0x6c: {  	_ =	shalt  }
0x6d: {  	_ =	shalt  }
0x6e: {  	_ =	shalt  }
0x6f: {  	_ =	shalt  }
0x70: {  	_ =	shalt  }
0x71: {  	_ =	shalt  }
0x72: {  	_ =	shalt  }
0x73: {  	_ =	shalt  }
0x74: {  	_ =	shalt  }
0x75: {  	_ =	shalt  }
0x76: {  	_ =	shalt  }
0x77: {  	_ =	shalt  }
0x78: {  	_ =	shalt  }
0x79: {  	_ =	shalt  }
0x7a: {  	_ =	shalt  }
0x7b: {  	_ =	shalt  }
0x7c: {  	_ =	shalt  }
0x7d: {  	_ =	shalt  }
0x7e: {  	_ =	shalt  }
0x7f: {  	_ =	shalt  }
0x80: {  	_ =	shalt  }
0x81: {  	_ =	shalt  }
0x82: {  	_ =	shalt  }
0x83: {  	_ =	shalt  }
0x84: {  	_ =	shalt  }
0x85: {  	_ =	shalt  }
0x86: {  	_ =	shalt  }
0x87: {  	_ =	shalt  }
.Lfunc_end0:
.L_simem_size_0:
called_computation.1_lowered:
.L_overlay_start_0:
0x88: {  	s2 =	sld [smem:$0x3FD9]  }
0x89: {  	s3 =	sld [smem:$0x3FFE];
	_ =	sdelay $0x1  }
0x8a: {  	s1 =	srdreg.scid  }
0x8b: {  	s0 =	sand.u32 $0x1, s1  }
0x8c: {  	s16 =	sshll.u32 s0, $0xA;
	s2 =	sadd.s32 s3, s2  }
0x8d: {  	s2 =	sadd.s32 s2, s16  }
0x8e: {  	[smem:$0x3FBC] =	sst s2  }
0x8f: {  	_ = 	snop  }
0x90: {  	(tm) =	ssettm $0x1  }
0x91: {  	s17 =	sld [smem:$0x3FFB];
	_ =	sdelay $0x3  }
0x92: {  	_ =	strace s17  }
0x93: {  	s2 =	sld [smem:$0x3FFC];
	_ =	sdelay $0x3  }
0x94: {  	_ =	strace s2  }
0x95: {  	s2 =	sld [smem:$0x3FFD];
	_ =	sdelay $0x3  }
0x96: {  	_ =	strace s2  }
0x97: {  	_ =	strace $0x8FFFFFFF  }
0x98: {  	s18 =	sld [smem:$0x3FDB];
	_ =	sdelay $0x1  }
0x99: {  	s19 =	simm.s32 $_scs_section_size  }
0x9a: {  	s4 =	simm.s32 $_size__tile_overlayer_lowered;
	s5 =	simm.s32 $_tile_overlayer_lowered  }
0x9b: {  	s22 =	simm.s32 $0x1BFF;
	s21 =	sshll.u32 s5, $0x1;
	s2 =	sadd.s32 s19, s18  }
0x9c: {  	s6 =	simm.s32 $0x0;
	s20 =	sshll.u32 s4, $0x1;
	s4 =	sadd.s32 s21, s2  }
0x9d: {  	[timem:s6], [sflag:s22] =	dma.local [hbm:s4], s20  }
0x9e: {  	_ =	swait.ge [sflag:s22], s20  }
0x9f: {  	s3 =	ssub.s32 $0x0, s20;
	[sflag:s22] =	ssyncset.done $0x0  }
0xa0: {  	[sflag:s22] =	ssyncadd.s32 s3;
	_ =	sdelay $0x1  }
0xa1: {  	s23 =	simm.s32 $0x1B8B  }
0xa2: {  	_ =	swait.ge [sflag:s23], $0x1  }
0xa3: {  	[sflag:s23] =	ssyncset.done $0x0  }
0xa4: {  	s25 =	simm.s32 $0x1B8E;
	s24 =	sld [smem:$0x3FFE];
	[sflag:s23] =	ssyncadd.s32 $0xFFFFFFFF  }
0xa5: {  	s26 =	simm.s32 $execute0_lowered;
	[smem:$0x3FD2] =	sst s25  }
0xa6: {  	s4 =	sshll.u32 s26, $0x1;
	_ =	strace $0x80000049;
	[dreg:$0x1] =	wrdreg $0xFFFFFFFF  }
0xa7: {  	s28 =	simm.s32 $_size_execute0_lowered;
	s2 =	sadd.s32 s2, s4;
	[dreg:$0x0] =	wrdreg $0x0  }
0xa8: {  	s4 =	sshll.u32 s28, $0x1;
	[dreg:$0x2] =	wrdreg s2  }
0xa9: {  	[dreg:$0x3] =	wrdreg s4  }
0xaa: {  	[dreg:$0x4] =	wrdreg $0xC0  }
0xab: {  	_ =	task [dreg:s6], $0x5FFFF  }
0xac: {  	[dreg:$0x1] =	wrdreg $0xFFFFFFFF  }
0xad: {  	[dreg:$0x0] =	wrdreg $0x60  }
0xae: {  	[dreg:$0x2] =	wrdreg s24  }
0xaf: {  	[dreg:$0x3] =	wrdreg $0xB7800  }
0xb0: {  	[dreg:$0x4] =	wrdreg $0x9  }
0xb1: {  	_ =	task.clear_ibuf [dreg:s6], $0x5FFFF;
	_ =	strace $0x90000049  }
0xb2: {  	s29 =	simm.s32 $0x9;
	_ =	strace $0x8000004B  }
0xb3: {  	_ =	swait.ge [sflag:s29], $0x1  }
0xb4: {  	[sflag:s29] =	ssyncadd.s32 $0xFFFFFFFF  }
0xb5: {  	_ =	strace $0x9000004B  }
0xb6: {  	_ =	sfence  }
0xb7: {  	s30 =	sld [smem:$0x0];
	_ =	sdelay $0x2  }
0xb8: {  	s31 =	sshll.u32 s1, $0xD;
	s1 =	sshrl.u32 s1, $0x2  }
0xb9: {  	s3 =	sand.u32 $0x4000, s31;
	s1 =	sadd.s32 s1, s30  }
0xba: {  	s0 =	sor.u32 s3, s0;
	s1 =	sshll.u32 s1, $0x11  }
0xbb: {  	s0 =	sor.u32 s1, s0  }
0xbc: {  	s0 =	sadd.s32 $0x8F2B, s0  }
0xbd: {  	[sflag:s0] =	ssyncadd.remote.s32 $0x1  }
0xbe: {  	_ =	sfence.sel $0xFFFF  }
0xbf: {  	[dreg:$0x0] =	wrdreg $0xFFFFFFFF;
	(pc) =	sbr.abs _section_cstart, $3  }
0xc0: {  	[dreg:$0x1] =	wrdreg $0xFFFFFFFF  }
0xc1: {  	_ =	task.clear_ibuf [dreg:s6], $0x2FFFF;
	_ =	strace $0x9FFFFFFF  }
0xc2: {  	(tm) =	ssettm $0x7FFFFFFF  }
0xc3: {  	_ =	shalt  }
tec
execute0_lowered:
.L_overlay_start_1:
0x0: {  	(tag) =	ssettag $0x1  }
0x1: {  	s1 =	srdreg.scid;
	s8 =	rddreg [dreg:$0x0]  }
0x2: {  	s0 =	stileid.u32;
	s2 =	rddreg [dreg:$0x1]  }
0x3: {  	s3 =	simm.s32 $0x0;
	s16 =	simm.s32 $0x1;
	s17 =	simm.s32 $0x6580  }
0x4: {  	s18 =	simm.s32 $0x50;
	s7 =	sand.u32 $0x1, s1;
	s1 =	rddreg [dreg:$0x2]  }
0x5: {  	s19 =	simm.s32 $0x0;
	s26 =	sshll.u32 s0, $0x1;
	[smem:$0x7FF] =	sst s3  }
0x6: {  	s11 =	smul.u32 $0x13C00, s0;
	s4 =	sadd.s32 $0x31C00, s8;
	s5 =	sadd.s32 $0x58E00, s8  }
0x7: {  	s12 =	smul.u32 $0x4F000, s0;
	s31 =	sshll.u32 s0, $0x6;
	s6 =	sor.u32 s7, s26  }
0x8: {  	s10 =	smul.u32 $0x13C000, s7;
	_ =	strace $0x8000004A;
	s7 =	ssub.s32 $0x2, s7  }
0x9: {  	s9 =	smul.u32 $0x4E2, s6;
	s6 =	sshll.u32 s6, $0xB;
	s29 =	sshrl.u32 s7, $0x1  }
0xa: {  	s30 =	sshrl.u32 s12, $0x2;
	s10 =	sadd.s32 s11, s10;
	s28 =	sadd.s32 s6, s8  }
0xb: {  	s6 =	sadd.s32 $0x17E00, s8;
	s14 =	ssub.s32 s7, s29;
	s15 =	sadd.s32 s30, s2  }
0xc: {  	s7 =	sor.u32 $0x1C03, s31;
	s9 =	sadd.s32 s9, s8;
	s10 =	sshrl.u32 s10, $0x3  }
0xd: {  	s12 =	smax.u32 s14, $0x1;
	s14 =	simm.s32 $0x3;
	s13 =	sadd.s32 s10, s8  }
0xe: {  	s8 =	sadd.s32 $0xE000, s9;
	s9 =	sadd.s32 $0x21C00, s28;
	s10 =	sadd.s32 $0x80000, s13  }
0xf: {  	s11 =	sadd.s32 $0xCF000, s13;
	s13 =	sshrl.u32 s15, $0x3;
	s15 =	simm.s32 $0x6780  }
.LBB2_1:
0x10: {  	[spmem:s13], [sflag:s7] =	dma.local [hbm:s6], $0x2780  }
0x11: {  	_ =	swait.ge [sflag:s14], $0x2780  }
0x12: {  	[sflag:s14] =	ssyncset.done $0x0  }
0x13: {  	[sflag:s14] =	ssyncadd.s32 $0xFFFFD880  }
0x14: {  	[tilespmem:s3], [sflag:$0x3] =	stream.linear.gather [hbm4b:s8+s3], $0x2710, $0x38;
	[tilespmem:$0x1F380] =	vst v63  }
0x15: {  	_ =	swait.ge [sflag:s14], $0x2710  }
0x16: {  	[sflag:s14] =	ssyncset.done $0x0  }
0x17: {  	s20 =	simm.s32 $0x2780;
	[sflag:s14] =	ssyncadd.s32 $0xFFFFD8F0  }
0x18: {  	[tilespmem:s20], [sflag:$0x3] =	stream.linear.gather [hbm4b:s9+s3], $0x3E80, $0x38;
	[tilespmem:$0x1F380] =	vst v63  }
0x19: {  	_ =	swait.ge [sflag:s14], $0x3E80  }
0x1a: {  	[sflag:s14] =	ssyncset.done $0x0  }
0x1b: {  	s21 =	sand.u32 $0x1, s3;
	[sflag:s14] =	ssyncadd.s32 $0xFFFFC180  }
0x1c: {  	p0 =	seq.s32 s21, $0x1;
	[bflag:$0x0] =	sbarrier.arrive $0xFFFF  }
0x1d: {  	[tilespmem:s15], [sflag:$0x1] =	stream.indirect.gather [hbm4b:s4+s18], $0x80, s3, s18, $0xb8;
	[tilespmem:$0x1F380] =	vst v63  }
0x1e: {  	s21 =	simm.s32 @p0 $0x50;
	s22 =	simm.s32 @p0 $0x6780;
	s23 =	simm.s32 @p0 $0x2  }
0x1f: {  	[tilespmem:s22], [sflag:$0x1] =	stream.indirect.gather @p0 [hbm4b:s4+s21], $0x80, s18, s21, $0xb8;
	[tilespmem:$0x1F380] =	vst v63  }
0x20: {  	_ =	swait.ge @p0 [sflag:s23], $0x2800  }
0x21: {  	[sflag:s23] =	ssyncset.done @p0 $0x0  }
0x22: {  	s22 =	simm.s32 @p0 $0x8F80;
	[sflag:s23] =	ssyncadd.s32 @p0 $0xFFFFD800  }
0x23: {  	[spmem:s2] =	stream.indirect.scatter.add.f32 @p0 [tilespmem:s22], [sflag:$0x3], $0x80, s20, s21, $0xb8;
	[tilespmem:$0x1F380] =	vst v63  }
0x24: {  	s24 =	simm.s32 @!p0 $0x1;
	s21 =	simm.s32 @!p0 $0x50;
	s22 =	simm.s32 @!p0 $0x8F80  }
0x25: {  	[tilespmem:s22], [sflag:$0x2] =	stream.indirect.gather @!p0 [hbm4b:s4+s21], $0x80, s18, s21, $0xb8;
	[tilespmem:$0x1F380] =	vst v63  }
0x26: {  	_ =	swait.ge @!p0 [sflag:s24], $0x2800  }
0x27: {  	s25 =	simm.s32 $0x1;
	s23 =	simm.s32 @!p0 $0x4;
	[sflag:s24] =	ssyncset.done @!p0 $0x0  }
0x28: {  	s23 =	simm.s32 @p0 $0x3;
	s22 =	simm.s32 @!p0 $0x6780;
	[sflag:s24] =	ssyncadd.s32 @!p0 $0xFFFFD800  }
0x29: {  	[spmem:s2] =	stream.indirect.scatter.add.f32 @!p0 [tilespmem:s22], [sflag:$0x4], $0x80, s20, s21, $0xb8;
	[tilespmem:$0x1F380] =	vst v63  }
0x2a: {  	s24 =	sand.u32 $0x1, s25;
	s22 =	simm.s32 $0x2;
	_ =	swait.ge [sflag:s23], $0x2800  }
0x2b: {  	s21 =	simm.s32 $0xA0;
	s20 =	simm.s32 $0x2800;
	[sflag:s23] =	ssyncset.done $0x0  }
.LBB2_2:
0x2c: {  	p0 =	seq.s32 s24, $0x1  }
0x2d: {  	[sflag:s23] =	ssyncadd.s32 $0xFFFFD800;
	s24 =	smov.u32 s22;
	s22 =	sadd.s32 $0x1, s22  }
0x2e: {  	s25 =	simm.s32 @p0 $0x50;
	s23 =	simm.s32 @p0 $0x6780;
	s26 =	simm.s32 @p0 $0x2  }
0x2f: {  	[tilespmem:s23], [sflag:$0x1] =	stream.indirect.gather @p0 [hbm4b:s4+s25], $0x80, s21, s25, $0xb8;
	[tilespmem:$0x1F380] =	vst v63  }
0x30: {  	p1 =	sne.s32 s22, $0x7C;
	s23 =	simm.s32 @!p0 $0x4;
	_ =	swait.ge @p0 [sflag:s26], $0x2800  }
0x31: {  	[sflag:s26] =	ssyncset.done @p0 $0x0  }
0x32: {  	[sflag:s26] =	ssyncadd.s32 @p0 $0xFFFFD800;
	s26 =	simm.s32 @p0 $0x8F80  }
0x33: {  	[spmem:s2] =	stream.indirect.scatter.add.f32 @p0 [tilespmem:s26], [sflag:$0x3], $0x80, s20, s25, $0xb8;
	[tilespmem:$0x1F380] =	vst v63  }
0x34: {  	s28 =	simm.s32 @!p0 $0x1;
	s25 =	simm.s32 @!p0 $0x50;
	s26 =	simm.s32 @!p0 $0x8F80  }
0x35: {  	[tilespmem:s26], [sflag:$0x2] =	stream.indirect.gather @!p0 [hbm4b:s4+s25], $0x80, s21, s25, $0xb8;
	[tilespmem:$0x1F380] =	vst v63  }
0x36: {  	_ =	swait.ge @!p0 [sflag:s28], $0x2800  }
.Ltmp0:
0x37: {  	[sflag:s28] =	ssyncset.done @!p0 $0x0;
	(pc) =	sbr.rel @p1 .LBB2_2-.Ltmp0, $4  }
0x38: {  	s23 =	simm.s32 @p0 $0x3;
	s26 =	simm.s32 @!p0 $0x6780;
	[sflag:s28] =	ssyncadd.s32 @!p0 $0xFFFFD800  }
0x39: {  	[spmem:s2] =	stream.indirect.scatter.add.f32 @!p0 [tilespmem:s26], [sflag:$0x4], $0x80, s20, s25, $0xb8;
	[tilespmem:$0x1F380] =	vst v63  }
0x3a: {  	s21 =	sadd.s32 $0x50, s21;
	_ =	swait.ge [sflag:s23], $0x2800  }
0x3b: {  	s24 =	sand.u32 $0x1, s24;
	s20 =	sadd.s32 $0x80, s20;
	[sflag:s23] =	ssyncset.done $0x0  }
0x3c: {  	p0 =	seq.s32 s24, $0x1;
	[sflag:s23] =	ssyncadd.s32 $0xFFFFD800  }
0x3d: {  	s22 =	simm.s32 @p0 $0x50;
	s23 =	simm.s32 @p0 $0x6780;
	s24 =	simm.s32 @p0 $0x2  }
0x3e: {  	[tilespmem:s23], [sflag:$0x1] =	stream.indirect.gather @p0 [hbm4b:s4+s22], $0x80, s21, s22, $0xb8;
	[tilespmem:$0x1F380] =	vst v63  }
0x3f: {  	_ =	swait.ge @p0 [sflag:s24], $0x2800  }
0x40: {  	[sflag:s24] =	ssyncset.done @p0 $0x0  }
0x41: {  	s23 =	simm.s32 @p0 $0x8F80;
	[sflag:s24] =	ssyncadd.s32 @p0 $0xFFFFD800  }
0x42: {  	[spmem:s2] =	stream.indirect.scatter.add.f32 @p0 [tilespmem:s23], [sflag:$0x3], $0x80, s20, s22, $0xb8;
	[tilespmem:$0x1F380] =	vst v63  }
0x43: {  	s24 =	simm.s32 @!p0 $0x1;
	s22 =	simm.s32 @!p0 $0x50;
	s23 =	simm.s32 @!p0 $0x8F80  }
0x44: {  	[tilespmem:s23], [sflag:$0x2] =	stream.indirect.gather @!p0 [hbm4b:s4+s22], $0x80, s21, s22, $0xb8;
	[tilespmem:$0x1F380] =	vst v63  }
0x45: {  	_ =	swait.ge @!p0 [sflag:s24], $0x2800  }
0x46: {  	s21 =	simm.s32 @!p0 $0x4;
	[sflag:s24] =	ssyncset.done @!p0 $0x0  }
0x47: {  	s23 =	simm.s32 @!p0 $0x6780;
	s21 =	simm.s32 @p0 $0x3;
	[sflag:s24] =	ssyncadd.s32 @!p0 $0xFFFFD800  }
0x48: {  	[spmem:s2] =	stream.indirect.scatter.add.f32 @!p0 [tilespmem:s23], [sflag:$0x4], $0x80, s20, s22, $0xb8;
	[tilespmem:$0x1F380] =	vst v63  }
0x49: {  	_ =	swait.ge [sflag:s21], $0x2800  }
0x4a: {  	[sflag:s21] =	ssyncset.done $0x0  }
0x4b: {  	[sflag:s21] =	ssyncadd.s32 $0xFFFFD800  }
0x4c: {  	_ =	swait.ge [sflag:s16], $0x2800  }
0x4d: {  	[sflag:s16] =	ssyncset.done $0x0  }
0x4e: {  	s20 =	simm.s32 $0x50;
	[sflag:s16] =	ssyncadd.s32 $0xFFFFD800  }
0x4f: {  	[spmem:s2] =	stream.indirect.scatter.add.f32 [tilespmem:s15], [sflag:$0x3], $0x80, s17, s20, $0xb8;
	[tilespmem:$0x1F380] =	vst v63  }
0x50: {  	_ =	swait.ge [sflag:s14], $0x2800  }
0x51: {  	[sflag:s14] =	ssyncset.done $0x0  }
0x52: {  	[sflag:s14] =	ssyncadd.s32 $0xFFFFD800  }
0x53: {  	[bflag:$0x0] =	sbarrier.arrive $0xFFFF  }
0x54: {  	[hbm:s10], [sflag:s7] =	dma.local [spmem:s13], $0x2780  }
0x55: {  	_ =	swait.ge [sflag:s14], $0x2780  }
0x56: {  	[sflag:s14] =	ssyncset.done $0x0  }
0x57: {  	[sflag:s14] =	ssyncadd.s32 $0xFFFFD880  }
0x58: {  	[spmem:s13], [sflag:s7] =	dma.local [hbm:s6], $0x2780  }
0x59: {  	_ =	swait.ge [sflag:s14], $0x2780  }
0x5a: {  	s30 =	simm.s32 $0x0;
	[sflag:s14] =	ssyncset.done $0x0  }
0x5b: {  	s21 =	sand.u32 $0x1, s30;
	[sflag:s14] =	ssyncadd.s32 $0xFFFFD880  }
0x5c: {  	p0 =	seq.s32 s21, $0x1;
	[bflag:$0x0] =	sbarrier.arrive $0xFFFF  }
0x5d: {  	[tilespmem:s15], [sflag:$0x1] =	stream.indirect.gather [hbm4b:s5+s20], $0x80, s30, s20, $0xb8;
	[tilespmem:$0x1F380] =	vst v63  }
0x5e: {  	s21 =	simm.s32 @p0 $0x50;
	s22 =	simm.s32 @p0 $0x6780;
	s23 =	simm.s32 @p0 $0x2  }
0x5f: {  	[tilespmem:s22], [sflag:$0x1] =	stream.indirect.gather @p0 [hbm4b:s5+s21], $0x80, s20, s21, $0xb8;
	[tilespmem:$0x1F380] =	vst v63  }
0x60: {  	_ =	swait.ge @p0 [sflag:s23], $0x2800  }
0x61: {  	[sflag:s23] =	ssyncset.done @p0 $0x0  }
0x62: {  	s22 =	simm.s32 $0x2780;
	[sflag:s23] =	ssyncadd.s32 @p0 $0xFFFFD800;
	s23 =	simm.s32 @p0 $0x8F80  }
0x63: {  	[spmem:s2] =	stream.indirect.scatter.add.f32 @p0 [tilespmem:s23], [sflag:$0x3], $0x80, s22, s21, $0xb8;
	[tilespmem:$0x1F380] =	vst v63  }
0x64: {  	s24 =	simm.s32 @!p0 $0x1;
	s21 =	simm.s32 @!p0 $0x50;
	s23 =	simm.s32 @!p0 $0x8F80  }
0x65: {  	[tilespmem:s23], [sflag:$0x2] =	stream.indirect.gather @!p0 [hbm4b:s5+s21], $0x80, s20, s21, $0xb8;
	[tilespmem:$0x1F380] =	vst v63  }
0x66: {  	_ =	swait.ge @!p0 [sflag:s24], $0x2800  }
0x67: {  	s31 =	simm.s32 $0x1;
	s23 =	simm.s32 @!p0 $0x4;
	[sflag:s24] =	ssyncset.done @!p0 $0x0  }
0x68: {  	s23 =	simm.s32 @p0 $0x3;
	[sflag:s24] =	ssyncadd.s32 @!p0 $0xFFFFD800;
	s24 =	simm.s32 @!p0 $0x6780  }
0x69: {  	[spmem:s2] =	stream.indirect.scatter.add.f32 @!p0 [tilespmem:s24], [sflag:$0x4], $0x80, s22, s21, $0xb8;
	[tilespmem:$0x1F380] =	vst v63  }
0x6a: {  	s20 =	simm.s32 $0x2800;
	s22 =	simm.s32 $0x2;
	_ =	swait.ge [sflag:s23], $0x2800  }
0x6b: {  	s21 =	simm.s32 $0xA0;
	s24 =	sand.u32 $0x1, s31;
	[sflag:s23] =	ssyncset.done $0x0  }
.LBB2_4:
0x6c: {  	p0 =	seq.s32 s24, $0x1  }
0x6d: {  	[sflag:s23] =	ssyncadd.s32 $0xFFFFD800;
	s24 =	smov.u32 s22;
	s22 =	sadd.s32 $0x1, s22  }
0x6e: {  	s25 =	simm.s32 @p0 $0x50;
	s23 =	simm.s32 @p0 $0x6780;
	s26 =	simm.s32 @p0 $0x2  }
0x6f: {  	[tilespmem:s23], [sflag:$0x1] =	stream.indirect.gather @p0 [hbm4b:s5+s25], $0x80, s21, s25, $0xb8;
	[tilespmem:$0x1F380] =	vst v63  }
0x70: {  	p1 =	sne.s32 s22, $0x7C;
	s23 =	simm.s32 @!p0 $0x4;
	_ =	swait.ge @p0 [sflag:s26], $0x2800  }
0x71: {  	[sflag:s26] =	ssyncset.done @p0 $0x0  }
0x72: {  	[sflag:s26] =	ssyncadd.s32 @p0 $0xFFFFD800;
	s26 =	simm.s32 @p0 $0x8F80  }
0x73: {  	[spmem:s2] =	stream.indirect.scatter.add.f32 @p0 [tilespmem:s26], [sflag:$0x3], $0x80, s20, s25, $0xb8;
	[tilespmem:$0x1F380] =	vst v63  }
0x74: {  	s28 =	simm.s32 @!p0 $0x1;
	s25 =	simm.s32 @!p0 $0x50;
	s26 =	simm.s32 @!p0 $0x8F80  }
0x75: {  	[tilespmem:s26], [sflag:$0x2] =	stream.indirect.gather @!p0 [hbm4b:s5+s25], $0x80, s21, s25, $0xb8;
	[tilespmem:$0x1F380] =	vst v63  }
0x76: {  	_ =	swait.ge @!p0 [sflag:s28], $0x2800  }
.Ltmp1:
0x77: {  	[sflag:s28] =	ssyncset.done @!p0 $0x0;
	(pc) =	sbr.rel @p1 .LBB2_4-.Ltmp1, $4  }
0x78: {  	s23 =	simm.s32 @p0 $0x3;
	s26 =	simm.s32 @!p0 $0x6780;
	[sflag:s28] =	ssyncadd.s32 @!p0 $0xFFFFD800  }
0x79: {  	[spmem:s2] =	stream.indirect.scatter.add.f32 @!p0 [tilespmem:s26], [sflag:$0x4], $0x80, s20, s25, $0xb8;
	[tilespmem:$0x1F380] =	vst v63  }
0x7a: {  	s21 =	sadd.s32 $0x50, s21;
	_ =	swait.ge [sflag:s23], $0x2800  }
0x7b: {  	s24 =	sand.u32 $0x1, s24;
	s20 =	sadd.s32 $0x80, s20;
	[sflag:s23] =	ssyncset.done $0x0  }
0x7c: {  	p0 =	seq.s32 s24, $0x1;
	[sflag:s23] =	ssyncadd.s32 $0xFFFFD800  }
0x7d: {  	s22 =	simm.s32 @p0 $0x50;
	s23 =	simm.s32 @p0 $0x6780;
	s24 =	simm.s32 @p0 $0x2  }
0x7e: {  	[tilespmem:s23], [sflag:$0x1] =	stream.indirect.gather @p0 [hbm4b:s5+s22], $0x80, s21, s22, $0xb8;
	[tilespmem:$0x1F380] =	vst v63  }
0x7f: {  	_ =	swait.ge @p0 [sflag:s24], $0x2800  }
0x80: {  	[sflag:s24] =	ssyncset.done @p0 $0x0  }
0x81: {  	s23 =	simm.s32 @p0 $0x8F80;
	[sflag:s24] =	ssyncadd.s32 @p0 $0xFFFFD800  }
0x82: {  	[spmem:s2] =	stream.indirect.scatter.add.f32 @p0 [tilespmem:s23], [sflag:$0x3], $0x80, s20, s22, $0xb8;
	[tilespmem:$0x1F380] =	vst v63  }
0x83: {  	s24 =	simm.s32 @!p0 $0x1;
	s22 =	simm.s32 @!p0 $0x50;
	s23 =	simm.s32 @!p0 $0x8F80  }
0x84: {  	[tilespmem:s23], [sflag:$0x2] =	stream.indirect.gather @!p0 [hbm4b:s5+s22], $0x80, s21, s22, $0xb8;
	[tilespmem:$0x1F380] =	vst v63  }
0x85: {  	_ =	swait.ge @!p0 [sflag:s24], $0x2800  }
0x86: {  	s21 =	simm.s32 @!p0 $0x4;
	[sflag:s24] =	ssyncset.done @!p0 $0x0  }
0x87: {  	s23 =	simm.s32 @!p0 $0x6780;
	s21 =	simm.s32 @p0 $0x3;
	[sflag:s24] =	ssyncadd.s32 @!p0 $0xFFFFD800  }
0x88: {  	[spmem:s2] =	stream.indirect.scatter.add.f32 @!p0 [tilespmem:s23], [sflag:$0x4], $0x80, s20, s22, $0xb8;
	[tilespmem:$0x1F380] =	vst v63  }
0x89: {  	_ =	swait.ge [sflag:s21], $0x2800  }
0x8a: {  	[sflag:s21] =	ssyncset.done $0x0  }
0x8b: {  	[sflag:s21] =	ssyncadd.s32 $0xFFFFD800  }
0x8c: {  	_ =	swait.ge [sflag:s16], $0x2800  }
0x8d: {  	[sflag:s16] =	ssyncset.done $0x0  }
0x8e: {  	[sflag:s16] =	ssyncadd.s32 $0xFFFFD800  }
0x8f: {  	[spmem:s2] =	stream.indirect.scatter.add.f32 [tilespmem:s15], [sflag:$0x3], $0x80, s17, s18, $0xb8;
	[tilespmem:$0x1F380] =	vst v63  }
0x90: {  	_ =	swait.ge [sflag:s14], $0x2800  }
0x91: {  	s19 =	sadd.s32 $0x1, s19;
	[sflag:s14] =	ssyncset.done $0x0  }
0x92: {  	p0 =	sne.s32 s19, s12;
	[sflag:s14] =	ssyncadd.s32 $0xFFFFD800  }
.Ltmp2:
0x93: {  	[bflag:$0x0] =	sbarrier.arrive $0xFFFF;
	(pc) =	sbr.rel @p0 .LBB2_1-.Ltmp2, $4  }
0x94: {  	[hbm:s11], [sflag:s7] =	dma.local [spmem:s13], $0x2780  }
0x95: {  	_ =	swait.ge [sflag:s14], $0x2780  }
0x96: {  	[sflag:s14] =	ssyncset.done $0x0  }
0x97: {  	[sflag:s14] =	ssyncadd.s32 $0xFFFFD880  }
0x98: {  	_ =	sfence.sel $0x180000  }
0x99: {  	[bflag:$0x0] =	sbarrier.arrive $0xFFFF  }
0x9a: {  	p0 =	sne.s32 s0, $0x0;
	_ =	strace $0x9000004A  }
0x9b: {  	s0 =	sadd.s32 @!p0 $0x100000, s1;
	[bflag:$0x2] =	sbarrier.arrive $0xFFFF  }
0x9c: {  	[sflag:s0] =	ssyncadd.tile.s32 @!p0 $0x1;
	_ =	shalt  }
.Lfunc_end2:
_tile_overlayer_lowered:
.L_overlay_start_2:
0x9d: {  	(tag) =	ssettag $0x2  }
0x9e: {  	s0 =	rddreg [dreg:$0x0];
	s2 =	stileid.u32  }
0x9f: {  	s1 =	rddreg [dreg:$0x1];
	p0 =	sne.s32 s2, $0x0  }
0xa0: {  	s3 =	rddreg [dreg:$0x2];
	[bflag:$0x3] =	sbarrier.arrive $0xFFFF;
	s2 =	simm.s32 @!p0 $0x1C03  }
0xa1: {  	[timem:s3], [sflag:s2] =	dma.local @!p0 [hbm:s0], s1  }
0xa2: {  	s0 =	simm.s32 @!p0 $0x3  }
0xa3: {  	_ =	swait.ge @!p0 [sflag:s0], s1  }
0xa4: {  	s1 =	ssub.s32 @!p0 $0x0, s1;
	[sflag:s0] =	ssyncset.done @!p0 $0x0  }
0xa5: {  	[sflag:s0] =	ssyncadd.s32 @!p0 s1  }
0xa6: {  	[bflag:$0x3] =	sbarrier.arrive $0xFFFF  }
0xa7: {  	_ =	shalt  }

// kernel: kernel.14.cloned.1.call-start
scs
__scs_entry_jumppad:
0x0: {  	(pc) =	sbr.rel $0x88, $3  }
0x1: {  	(tag) =	ssettag $0x0;
	lr =	simm.s32 $0x1  }
0x2: {  	[smem:$0x3F95] =	sst lr;
	_ =	strace $0xD0000000  }
0x3: {  	_ = 	snop  }
0x4: {  	_ = 	snop  }
0x5: {  	_ = 	snop  }
0x6: {  	_ = 	snop  }
0x7: {  	_ = 	snop  }
__scs_overlays_trampoline_lowered:
0x8: {  	[smem:$0x3FA4] =	sst s0  }
0x9: {  	[smem:$0x3FA5] =	sst s1  }
0xa: {  	[smem:$0x3FA6] =	sst s2  }
0xb: {  	[smem:$0x3FA7] =	sst s3  }
0xc: {  	[smem:$0x3FA8] =	sst s4  }
0xd: {  	[smem:$0x3FA9] =	sst s5  }
0xe: {  	[smem:$0x3FAA] =	sst s6  }
0xf: {  	[smem:$0x3FAB] =	sst s7  }
0x10: {  	[smem:$0x3FAC] =	sst s8  }
0x11: {  	[smem:$0x3FAD] =	sst s9;
	s0 =	simm.s32 @!p0 $0x0  }
0x12: {  	s1 =	sld [smem:$0x3F93];
	s0 =	simm.s32 @p0 $0x1  }
0x13: {  	[smem:$0x3FAE] =	sst s0;
	s0 =	simm.s32 @!p1 $0x0  }
0x14: {  	s2 =	sld [smem:$0x3F92];
	s0 =	simm.s32 @p1 $0x1  }
0x15: {  	[smem:$0x3FAF] =	sst s0;
	s0 =	simm.s32 @!p2 $0x0  }
0x16: {  	s3 =	sld [smem:$0x3FDB];
	s0 =	simm.s32 @p2 $0x1  }
0x17: {  	s4 =	simm.s32 $0x1BF5;
	[smem:$0x3FB1] =	sst s0  }
0x18: {  	s0 =	sld [smem:$0x3F94];
	_ =	swait.ge [sflag:s4], $0x0  }
0x19: {  	s7 =	sld [smem:$0x3F95]  }
0x1a: {  	s8 =	sadd.s32 $0xFFFFE003, lr  }
0x1b: {  	s9 =	sadd.s32 $0xFFFFFEF7, lr;
	s5 =	simm.s32 $0xFFFFFFFF;
	p2 =	slt.u32 s8, $0xFFFFF086  }
0x1c: {  	p1 =	slt.u32 s9, $0xF7A;
	s5 =	simm.s32 @!p2 $0x0  }
0x1d: {  	s5 =	simm.s32 @p1 $0x1;
	p0 =	seq.s32 s7, s2  }
0x1e: {  	s7 =	smul.u32 @!p0 $0xF7A, s2;
	p2 =	seq.s32 @!p0 s5, $0x0  }
0x1f: {  	s9 =	smul.u32 $0xF7A, s1;
	s8 =	simm.s32 @!p0 $0x1BF5;
	p2 =	por !p2, p0  }
0x20: {  	[sflag:s8] =	ssyncset.s32 @!p0 $0xFFFFF086;
	s6 =	sadd.s32 @!p0 s3, s7;
	s7 =	simm.s32 @!p0 $0x108  }
0x21: {  	s3 =	sadd.s32 s3, s9;
	s6 =	sadd.s32 @!p0 $0x88, s6;
	s7 =	simm.s32 @p2 $0x1082  }
0x22: {  	[simem:s7], [sflag:s8] =	dma.local @!p0 [hbm:s6], $0xF7A  }
0x23: {  	s9 =	sor.u32 $0xD0000000, s2;
	s6 =	simm.s32 $0x108;
	_ =	swait.ge @!p0 [sflag:s8], $0x0  }
0x24: {  	s3 =	sadd.s32 $0x88, s3;
	s6 =	simm.s32 @!p1 $0x1082;
	[sflag:s4] =	ssyncset.s32 $0xFFFFF086  }
0x25: {  	[simem:s6], [sflag:s4] =	dma.local [hbm:s3], $0xF7A  }
0x26: {  	[smem:$0x3F95] =	sst s1;
	(tag) =	ssettag s2;
	_ =	strace s9  }
0x27: {  	s1 =	sld [smem:$0x3FA5]  }
0x28: {  	s2 =	sld [smem:$0x3FA6]  }
0x29: {  	s4 =	sld [smem:$0x3FA8]  }
0x2a: {  	p0 =	seq.s32 s5, $0x0;
	s5 =	sld [smem:$0x3FA9]  }
0x2b: {  	s6 =	sld [smem:$0x3FAA]  }
0x2c: {  	s7 =	sld [smem:$0x3FAB]  }
0x2d: {  	s3 =	simm.s32 $0x108;
	s8 =	sld [smem:$0x3FAC]  }
0x2e: {  	s3 =	simm.s32 @!p0 $0x1082;
	s9 =	sld [smem:$0x3FAD]  }
0x2f: {  	lr =	sadd.s32 s0, s3;
	s0 =	sld [smem:$0x3FA4]  }
0x30: {  	s3 =	sld [smem:$0x3FA7]  }
0x31: {  	[smem:$0x3FB0] =	sst s10  }
0x32: {  	s10 =	sld [smem:$0x3FAE];
	_ =	sdelay $0x3  }
0x33: {  	p0 =	seq.s32 s10, $0x1;
	s10 =	sld [smem:$0x3FB0];
	_ =	sdelay $0x3  }
0x34: {  	[smem:$0x3FB0] =	sst s10  }
0x35: {  	s10 =	sld [smem:$0x3FAF];
	_ =	sdelay $0x3  }
0x36: {  	p1 =	seq.s32 s10, $0x1;
	s10 =	sld [smem:$0x3FB0];
	_ =	sdelay $0x3  }
0x37: {  	[smem:$0x3FB0] =	sst s10  }
0x38: {  	s10 =	sld [smem:$0x3FB1]  }
0x39: {  	_ = 	snop;
	(pc) =	sbr.ind lr, $3  }
0x3a: {  	_ = 	snop  }
0x3b: {  	_ = 	snop  }
0x3c: {  	p2 =	seq.s32 s10, $0x1;
	s10 =	sld [smem:$0x3FB0]  }
0x3d: {  	_ =	shalt  }
0x3e: {  	_ =	shalt  }
0x3f: {  	_ =	shalt  }
0x40: {  	_ =	shalt  }
0x41: {  	_ =	shalt  }
0x42: {  	_ =	shalt  }
0x43: {  	_ =	shalt  }
0x44: {  	_ =	shalt  }
0x45: {  	_ =	shalt  }
0x46: {  	_ =	shalt  }
0x47: {  	_ =	shalt  }
0x48: {  	_ =	shalt  }
0x49: {  	_ =	shalt  }
0x4a: {  	_ =	shalt  }
0x4b: {  	_ =	shalt  }
0x4c: {  	_ =	shalt  }
0x4d: {  	_ =	shalt  }
0x4e: {  	_ =	shalt  }
0x4f: {  	_ =	shalt  }
0x50: {  	_ =	shalt  }
0x51: {  	_ =	shalt  }
0x52: {  	_ =	shalt  }
0x53: {  	_ =	shalt  }
0x54: {  	_ =	shalt  }
0x55: {  	_ =	shalt  }
0x56: {  	_ =	shalt  }
0x57: {  	_ =	shalt  }
0x58: {  	_ =	shalt  }
0x59: {  	_ =	shalt  }
0x5a: {  	_ =	shalt  }
0x5b: {  	_ =	shalt  }
0x5c: {  	_ =	shalt  }
0x5d: {  	_ =	shalt  }
0x5e: {  	_ =	shalt  }
0x5f: {  	_ =	shalt  }
0x60: {  	_ =	shalt  }
0x61: {  	_ =	shalt  }
0x62: {  	_ =	shalt  }
0x63: {  	_ =	shalt  }
0x64: {  	_ =	shalt  }
0x65: {  	_ =	shalt  }
0x66: {  	_ =	shalt  }
0x67: {  	_ =	shalt  }
0x68: {  	_ =	shalt  }
0x69: {  	_ =	shalt  }
0x6a: {  	_ =	shalt  }
0x6b: {  	_ =	shalt  }
0x6c: {  	_ =	shalt  }
0x6d: {  	_ =	shalt  }
0x6e: {  	_ =	shalt  }
0x6f: {  	_ =	shalt  }
0x70: {  	_ =	shalt  }
0x71: {  	_ =	shalt  }
0x72: {  	_ =	shalt  }
0x73: {  	_ =	shalt  }
0x74: {  	_ =	shalt  }
0x75: {  	_ =	shalt  }
0x76: {  	_ =	shalt  }
0x77: {  	_ =	shalt  }
0x78: {  	_ =	shalt  }
0x79: {  	_ =	shalt  }
0x7a: {  	_ =	shalt  }
0x7b: {  	_ =	shalt  }
0x7c: {  	_ =	shalt  }
0x7d: {  	_ =	shalt  }
0x7e: {  	_ =	shalt  }
0x7f: {  	_ =	shalt  }
0x80: {  	_ =	shalt  }
0x81: {  	_ =	shalt  }
0x82: {  	_ =	shalt  }
0x83: {  	_ =	shalt  }
0x84: {  	_ =	shalt  }
0x85: {  	_ =	shalt  }
0x86: {  	_ =	shalt  }
0x87: {  	_ =	shalt  }
.Lfunc_end0:
.L_simem_size_0:
called_computation.2_lowered:
.L_overlay_start_0:
0x88: {  	s2 =	sld [smem:$0x3FD9]  }
0x89: {  	s3 =	sld [smem:$0x3FFE];
	_ =	sdelay $0x1  }
0x8a: {  	s1 =	srdreg.scid  }
0x8b: {  	s0 =	sand.u32 $0x1, s1  }
0x8c: {  	s17 =	sshll.u32 s0, $0xA;
	s2 =	sadd.s32 s3, s2  }
0x8d: {  	s2 =	sadd.s32 s2, s17  }
0x8e: {  	[smem:$0x3FBC] =	sst s2  }
0x8f: {  	_ = 	snop  }
0x90: {  	s2 =	sld [smem:$0x3FD0];
	(tm) =	ssettm $0x1  }
0x91: {  	s18 =	sld [smem:$0x3FFB];
	_ =	sdelay $0x3  }
0x92: {  	_ =	strace s18  }
0x93: {  	s3 =	sld [smem:$0x3FFC];
	_ =	sdelay $0x3  }
0x94: {  	_ =	strace s3  }
0x95: {  	s3 =	sld [smem:$0x3FFD];
	_ =	sdelay $0x3  }
0x96: {  	_ =	strace s3  }
0x97: {  	_ =	strace $0x8FFFFFFF  }
0x98: {  	s19 =	sld [smem:$0x3FDB];
	_ =	sdelay $0x1  }
0x99: {  	s4 =	simm.s32 $_scs_section_size  }
0x9a: {  	s5 =	simm.s32 $_size__tile_overlayer_lowered;
	s6 =	simm.s32 $_tile_overlayer_lowered  }
0x9b: {  	s22 =	simm.s32 $0x1BFF;
	s21 =	sshll.u32 s6, $0x1;
	s3 =	sadd.s32 s4, s19  }
0x9c: {  	s7 =	simm.s32 $0x0;
	s20 =	sshll.u32 s5, $0x1;
	s5 =	sadd.s32 s21, s3  }
0x9d: {  	[timem:s7], [sflag:s22] =	dma.local [hbm:s5], s20  }
0x9e: {  	_ =	swait.ge [sflag:s22], s20  }
0x9f: {  	s4 =	ssub.s32 $0x0, s20;
	[sflag:s22] =	ssyncset.done $0x0  }
0xa0: {  	[sflag:s22] =	ssyncadd.s32 s4;
	_ =	sdelay $0x1  }
0xa1: {  	s23 =	simm.s32 $0x1B8B  }
0xa2: {  	_ =	swait.ge [sflag:s23], $0x1  }
0xa3: {  	[sflag:s23] =	ssyncset.done $0x0  }
0xa4: {  	s25 =	simm.s32 $0x1B8E;
	s24 =	sld [smem:$0x3FFE];
	[sflag:s23] =	ssyncadd.s32 $0xFFFFFFFF  }
0xa5: {  	s26 =	simm.s32 $execute0_lowered;
	[smem:$0x3FD2] =	sst s25  }
0xa6: {  	s5 =	sshll.u32 s26, $0x1;
	_ =	strace $0x8000004C;
	[dreg:$0x1] =	wrdreg $0xFFFFFFFF  }
0xa7: {  	s28 =	simm.s32 $_size_execute0_lowered;
	s3 =	sadd.s32 s3, s5;
	[dreg:$0x0] =	wrdreg $0x0  }
0xa8: {  	s5 =	sshll.u32 s28, $0x1;
	[dreg:$0x2] =	wrdreg s3  }
0xa9: {  	[dreg:$0x3] =	wrdreg s5  }
0xaa: {  	[dreg:$0x4] =	wrdreg $0xC0  }
0xab: {  	_ =	task [dreg:s7], $0x5FFFF  }
0xac: {  	[dreg:$0x1] =	wrdreg $0xFFFFFFFF  }
0xad: {  	[dreg:$0x0] =	wrdreg $0x60  }
0xae: {  	[dreg:$0x2] =	wrdreg s24  }
0xaf: {  	[dreg:$0x3] =	wrdreg s2  }
0xb0: {  	[dreg:$0x4] =	wrdreg $0x9  }
0xb1: {  	_ =	task.clear_ibuf [dreg:s7], $0x5FFFF;
	_ =	strace $0x9000004C  }
0xb2: {  	s29 =	simm.s32 $0x9;
	_ =	strace $0x8000004E  }
0xb3: {  	_ =	swait.ge [sflag:s29], $0x1  }
0xb4: {  	[sflag:s29] =	ssyncadd.s32 $0xFFFFFFFF  }
0xb5: {  	_ =	strace $0x9000004E  }
0xb6: {  	_ =	sfence  }
0xb7: {  	s30 =	sld [smem:$0x0];
	_ =	sdelay $0x2  }
0xb8: {  	s31 =	sshll.u32 s1, $0xD;
	s1 =	sshrl.u32 s1, $0x2  }
0xb9: {  	s3 =	sand.u32 $0x4000, s31;
	s1 =	sadd.s32 s1, s30  }
0xba: {  	s0 =	sor.u32 s3, s0;
	s1 =	sshll.u32 s1, $0x11  }
0xbb: {  	s0 =	sor.u32 s1, s0  }
0xbc: {  	s0 =	sadd.s32 $0x8F2B, s0  }
0xbd: {  	[sflag:s0] =	ssyncadd.remote.s32 $0x1  }
0xbe: {  	_ =	sfence.sel $0xFFFF  }
0xbf: {  	[dreg:$0x0] =	wrdreg $0xFFFFFFFF;
	(pc) =	sbr.abs _section_cstart, $3  }
0xc0: {  	[dreg:$0x1] =	wrdreg $0xFFFFFFFF  }
0xc1: {  	_ =	task.clear_ibuf [dreg:s7], $0x2FFFF;
	_ =	strace $0x9FFFFFFF  }
0xc2: {  	(tm) =	ssettm $0x7FFFFFFF  }
0xc3: {  	_ =	shalt  }
tec
execute0_lowered:
.L_overlay_start_1:
0x0: {  	(tag) =	ssettag $0x1  }
0x1: {  	s7 =	rddreg [dreg:$0x0];
	s1 =	srdreg.scid  }
0x2: {  	s0 =	stileid.u32;
	s2 =	rddreg [dreg:$0x1]  }
0x3: {  	s3 =	simm.s32 $0x0;
	s12 =	simm.s32 $0x9E00;
	s13 =	simm.s32 $0x4F00  }
0x4: {  	s14 =	simm.s32 $0x7680;
	s15 =	simm.s32 $0x1;
	s16 =	simm.s32 $0x10  }
0x5: {  	s17 =	simm.s32 $0x9F80;
	s18 =	simm.s32 $0xA780;
	s20 =	simm.s32 $0xAF80  }
0x6: {  	s21 =	simm.s32 $0x0;
	s8 =	sand.u32 $0x1, s1;
	s1 =	rddreg [dreg:$0x2]  }
0x7: {  	s4 =	sshll.u32 s0, $0x1;
	[smem:$0x7FF] =	sst s3;
	s5 =	sadd.s32 $0x40800, s7  }
0x8: {  	s6 =	sadd.s32 $0x17E00, s7;
	s10 =	sshll.u32 s0, $0x7;
	s19 =	sor.u32 s8, s4  }
0x9: {  	_ =	strace $0x8000004D;
	s11 =	ssub.s32 $0x2, s8;
	s4 =	smul.u32 $0x4E2, s19  }
.Ltmp0:
0xa: {  	s10 =	sadd.s32 s10, s7;
	s8 =	sshll.u32 s8, $0xB;
	(pc) =	sbr.rel .LBB2_1-.Ltmp0, $4  }
0xb: {  	s31 =	sshrl.u32 s11, $0x1;
	s10 =	sadd.s32 s8, s10;
	p0 =	sne.s32 s19, $0x0  }
0xc: {  	s19 =	simm.s32 $0x9F00;
	s11 =	ssub.s32 s11, s31;
	s9 =	sadd.s32 s4, s7  }
0xd: {  	s4 =	sadd.s32 $0x69200, s7;
	s7 =	sadd.s32 $0x4200, s9;
	s8 =	sadd.s32 $0xE000, s9  }
0xe: {  	v0 =	vimm.f32 $0.0e+00;
	v1 =	vimm.s32 $0x0;
	v2 =	vimm.s32 $0x2710;
	s9 =	sadd.s32 $0x69400, s10;
	s10 =	smax.u32 s11, $0x1;
	s11 =	simm.s32 $0x2  }
.LBB2_17:
0xf: {  	s21 =	sadd.s32 $0x1, s21  }
0x10: {  	p1 =	sne.s32 s21, s10  }
.Ltmp1:
0x11: {  	_ = 	snop;
	(pc) =	sbr.rel @!p1 .LBB2_18-.Ltmp1, $4  }
0x12: {  	[hbm4b:s9+s3] =	stream.linear.scatter [tilespmem:s20], [sflag:$0x2], $0x400, $0x38;
	[tilespmem:$0xB380] =	vst v63  }
0x13: {  	_ =	swait.ge [sflag:s11], $0x400  }
0x14: {  	[sflag:s11] =	ssyncset.done $0x0  }
0x15: {  	[sflag:s11] =	ssyncadd.s32 $0xFFFFFC00  }
.LBB2_1:
0x16: {  	[tilespmem:s3], [sflag:$0x2] =	stream.linear.gather [hbm4b:s7+s3], $0x2710, $0x38;
	[tilespmem:$0xB380] =	vst v63  }
0x17: {  	_ =	swait.ge [sflag:s11], $0x2710  }
0x18: {  	[sflag:s11] =	ssyncset.done $0x0  }
0x19: {  	s23 =	simm.s32 $0x2780;
	[sflag:s11] =	ssyncadd.s32 $0xFFFFD8F0  }
0x1a: {  	[tilespmem:s23], [sflag:$0x2] =	stream.linear.gather [hbm4b:s8+s3], $0x2710, $0x38;
	[tilespmem:$0xB380] =	vst v63  }
0x1b: {  	_ =	swait.ge [sflag:s11], $0x2710  }
0x1c: {  	[sflag:s11] =	ssyncset.done $0x0  }
0x1d: {  	[sflag:s11] =	ssyncadd.s32 $0xFFFFD8F0  }
0x1e: {  	[tilespmem:s12], [sflag:$0x2] =	stream.linear.gather [hbm4b:s4+s3], $0x100, $0x38;
	[tilespmem:$0xB380] =	vst v63  }
0x1f: {  	_ =	swait.ge [sflag:s11], $0x100  }
0x20: {  	[sflag:s11] =	ssyncset.done $0x0  }
0x21: {  	[sflag:s11] =	ssyncadd.s32 $0xFFFFFF00  }
0x22: {  	[tilespmem:$0xAF80] =	vst v0  }
0x23: {  	[tilespmem:$0xAF90] =	vst v0  }
0x24: {  	[tilespmem:$0xAFA0] =	vst v0  }
0x25: {  	[tilespmem:$0xAFB0] =	vst v0  }
0x26: {  	[tilespmem:$0xAFC0] =	vst v0  }
0x27: {  	[tilespmem:$0xAFD0] =	vst v0  }
0x28: {  	[tilespmem:$0xAFE0] =	vst v0  }
0x29: {  	[tilespmem:$0xAFF0] =	vst v0  }
0x2a: {  	[tilespmem:$0xB000] =	vst v0  }
0x2b: {  	[tilespmem:$0xB010] =	vst v0  }
0x2c: {  	[tilespmem:$0xB020] =	vst v0  }
0x2d: {  	[tilespmem:$0xB030] =	vst v0  }
0x2e: {  	[tilespmem:$0xB040] =	vst v0  }
0x2f: {  	[tilespmem:$0xB050] =	vst v0  }
0x30: {  	[tilespmem:$0xB060] =	vst v0  }
0x31: {  	[tilespmem:$0xB070] =	vst v0  }
0x32: {  	[tilespmem:$0xB080] =	vst v0  }
0x33: {  	[tilespmem:$0xB090] =	vst v0  }
0x34: {  	[tilespmem:$0xB0A0] =	vst v0  }
0x35: {  	[tilespmem:$0xB0B0] =	vst v0  }
0x36: {  	[tilespmem:$0xB0C0] =	vst v0  }
0x37: {  	[tilespmem:$0xB0D0] =	vst v0  }
0x38: {  	[tilespmem:$0xB0E0] =	vst v0  }
0x39: {  	[tilespmem:$0xB0F0] =	vst v0  }
0x3a: {  	[tilespmem:$0xB100] =	vst v0  }
0x3b: {  	[tilespmem:$0xB110] =	vst v0  }
0x3c: {  	[tilespmem:$0xB120] =	vst v0  }
0x3d: {  	[tilespmem:$0xB130] =	vst v0  }
0x3e: {  	[tilespmem:$0xB140] =	vst v0  }
0x3f: {  	[tilespmem:$0xB150] =	vst v0  }
0x40: {  	[tilespmem:$0xB160] =	vst v0  }
0x41: {  	[tilespmem:$0xB170] =	vst v0  }
0x42: {  	[tilespmem:$0xB180] =	vst v0  }
0x43: {  	[tilespmem:$0xB190] =	vst v0  }
0x44: {  	[tilespmem:$0xB1A0] =	vst v0  }
0x45: {  	[tilespmem:$0xB1B0] =	vst v0  }
0x46: {  	[tilespmem:$0xB1C0] =	vst v0  }
0x47: {  	[tilespmem:$0xB1D0] =	vst v0  }
0x48: {  	[tilespmem:$0xB1E0] =	vst v0  }
0x49: {  	[tilespmem:$0xB1F0] =	vst v0  }
0x4a: {  	[tilespmem:$0xB200] =	vst v0  }
0x4b: {  	[tilespmem:$0xB210] =	vst v0  }
0x4c: {  	[tilespmem:$0xB220] =	vst v0  }
0x4d: {  	[tilespmem:$0xB230] =	vst v0  }
0x4e: {  	[tilespmem:$0xB240] =	vst v0  }
0x4f: {  	[tilespmem:$0xB250] =	vst v0  }
0x50: {  	[tilespmem:$0xB260] =	vst v0  }
0x51: {  	[tilespmem:$0xB270] =	vst v0  }
0x52: {  	[tilespmem:$0xB280] =	vst v0  }
0x53: {  	[tilespmem:$0xB290] =	vst v0  }
0x54: {  	[tilespmem:$0xB2A0] =	vst v0  }
0x55: {  	[tilespmem:$0xB2B0] =	vst v0  }
0x56: {  	[tilespmem:$0xB2C0] =	vst v0  }
0x57: {  	[tilespmem:$0xB2D0] =	vst v0  }
0x58: {  	[tilespmem:$0xB2E0] =	vst v0  }
0x59: {  	[tilespmem:$0xB2F0] =	vst v0  }
0x5a: {  	[tilespmem:$0xB300] =	vst v0  }
0x5b: {  	[tilespmem:$0xB310] =	vst v0  }
0x5c: {  	[tilespmem:$0xB320] =	vst v0  }
.Ltmp2:
0x5d: {  	[tilespmem:$0xB330] =	vst v0;
	(pc) =	sbr.rel .LBB2_2-.Ltmp2, $4  }
0x5e: {  	[tilespmem:$0xB340] =	vst v0  }
0x5f: {  	[tilespmem:$0xB350] =	vst v0  }
0x60: {  	s24 =	simm.s32 $0x0;
	v3 =	vld [tilespmem:$0x9E00];
	[tilespmem:$0xB360] =	vst v0  }
0x61: {  	s22 =	simm.s32 $0x0;
	s26 =	simm.s32 $0x0;
	s25 =	simm.s32 $0x0;
	v4 =	vld [tilespmem:$0x9E80];
	[tilespmem:$0xB370] =	vst v0  }
.LBB2_6:
0x62: {  	s25 =	sadd.s32 $0x1, s25  }
0x63: {  	p1 =	sne.s32 s25, $0x19  }
.Ltmp3:
0x64: {  	_ = 	snop;
	(pc) =	sbr.rel @!p1 .LBB2_7-.Ltmp3, $2  }
0x65: {  	_ =	sdelay $0x2  }
0x66: {  	s24 =	sadd.s32 $0x190, s24;
	s23 =	sadd.s32 $0x190, s23  }
.LBB2_2:
0x67: {  	s28 =	smul.u32 $0x640, s25;
	_ =	sdelay $0x1  }
0x68: {  	s28 =	sshra.s32 s28, $0x2  }
0x69: {  	v5 =	vld [tilespmem:s28+$0x0]  }
0x6a: {  	v6 =	vld [tilespmem:s28+$0x10];
	_ =	sdelay $0x1  }
0x6b: {  	v7 =	vld [tilespmem:s28+$0x20];
	_ =	sdelay $0x1  }
0x6c: {  	vm0 =	veq.s32 v5, v3;
	vm1 =	veq.s32 v5, v4;
	v5 =	vld [tilespmem:s28+$0x30]  }
0x6d: {  	vm4 =	veq.s32 v6, v3;
	vm0 =	vmor vm0, vm1  }
0x6e: {  	vm5 =	veq.s32 v6, v4;
	v6 =	vld [tilespmem:s28+$0x40];
	vm0 =	vmor vm0, vm4  }
0x6f: {  	vm6 =	veq.s32 v7, v3;
	vm0 =	vmor vm5, vm0  }
0x70: {  	vm7 =	veq.s32 v7, v4;
	v7 =	vld [tilespmem:s28+$0x50];
	vm0 =	vmor vm6, vm0  }
0x71: {  	vm0 =	vmor vm7, vm0;
	vm8 =	veq.s32 v5, v3  }
0x72: {  	vm9 =	veq.s32 v5, v4;
	v5 =	vld [tilespmem:s28+$0x60];
	vm0 =	vmor vm8, vm0  }
0x73: {  	s29 =	smul.u32 $0x190, s25;
	vm10 =	veq.s32 v6, v3;
	vm0 =	vmor vm9, vm0  }
0x74: {  	vm11 =	veq.s32 v6, v4;
	v6 =	vld [tilespmem:s28+$0x70];
	vm0 =	vmor vm10, vm0  }
0x75: {  	s29 =	sand.u32 $0x3FF0, s29;
	vm12 =	veq.s32 v7, v3;
	vm0 =	vmor vm11, vm0  }
0x76: {  	vm13 =	veq.s32 v7, v4;
	v7 =	vld [tilespmem:s29+$0x80];
	vm0 =	vmor vm12, vm0  }
0x77: {  	vm14 =	veq.s32 v5, v3;
	vm0 =	vmor vm13, vm0  }
0x78: {  	vm15 =	veq.s32 v5, v4;
	v5 =	vld [tilespmem:s28+$0x90];
	vm0 =	vmor vm14, vm0  }
0x79: {  	vm4 =	veq.s32 v6, v3;
	vm0 =	vmor vm15, vm0  }
0x7a: {  	vm5 =	veq.s32 v6, v4;
	v6 =	vld [tilespmem:s28+$0xA0];
	vm0 =	vmor vm4, vm0  }
0x7b: {  	vm6 =	veq.s32 v7, v3;
	vm0 =	vmor vm5, vm0  }
0x7c: {  	vm7 =	veq.s32 v7, v4;
	v7 =	vld [tilespmem:s28+$0xB0];
	vm0 =	vmor vm6, vm0  }
0x7d: {  	vm8 =	veq.s32 v5, v3;
	vm0 =	vmor vm7, vm0  }
0x7e: {  	vm9 =	veq.s32 v5, v4;
	v5 =	vld [tilespmem:s28+$0xC0];
	vm0 =	vmor vm8, vm0  }
0x7f: {  	vm10 =	veq.s32 v6, v3;
	vm0 =	vmor vm9, vm0  }
0x80: {  	vm11 =	veq.s32 v6, v4;
	v6 =	vld [tilespmem:s28+$0xD0];
	vm0 =	vmor vm10, vm0  }
0x81: {  	vm12 =	veq.s32 v7, v3;
	vm0 =	vmor vm11, vm0  }
0x82: {  	vm13 =	veq.s32 v7, v4;
	v7 =	vld [tilespmem:s28+$0xE0];
	vm0 =	vmor vm12, vm0  }
0x83: {  	vm14 =	veq.s32 v5, v3;
	vm0 =	vmor vm13, vm0  }
0x84: {  	vm15 =	veq.s32 v5, v4;
	v5 =	vld [tilespmem:s28+$0xF0];
	vm0 =	vmor vm14, vm0  }
0x85: {  	vm4 =	veq.s32 v6, v3;
	vm0 =	vmor vm15, vm0  }
0x86: {  	vm5 =	veq.s32 v6, v4;
	v6 =	vld [tilespmem:s29+$0x100];
	vm0 =	vmor vm4, vm0  }
0x87: {  	vm6 =	veq.s32 v7, v3;
	vm0 =	vmor vm5, vm0  }
0x88: {  	vm7 =	veq.s32 v7, v4;
	v7 =	vld [tilespmem:s28+$0x110];
	vm0 =	vmor vm6, vm0  }
0x89: {  	vm8 =	veq.s32 v5, v3;
	vm0 =	vmor vm7, vm0  }
0x8a: {  	vm9 =	veq.s32 v5, v4;
	v5 =	vld [tilespmem:s28+$0x120];
	vm0 =	vmor vm8, vm0  }
0x8b: {  	vm10 =	veq.s32 v6, v3;
	vm0 =	vmor vm9, vm0  }
0x8c: {  	vm11 =	veq.s32 v6, v4;
	v6 =	vld [tilespmem:s28+$0x130];
	vm0 =	vmor vm10, vm0  }
0x8d: {  	vm12 =	veq.s32 v7, v3;
	vm0 =	vmor vm11, vm0  }
0x8e: {  	vm13 =	veq.s32 v7, v4;
	v7 =	vld [tilespmem:s28+$0x140];
	vm0 =	vmor vm12, vm0  }
0x8f: {  	vm14 =	veq.s32 v5, v3;
	vm0 =	vmor vm13, vm0  }
0x90: {  	vm15 =	veq.s32 v5, v4;
	v5 =	vld [tilespmem:s28+$0x150];
	vm0 =	vmor vm14, vm0  }
0x91: {  	vm4 =	veq.s32 v6, v3;
	vm0 =	vmor vm15, vm0  }
0x92: {  	vm5 =	veq.s32 v6, v4;
	v6 =	vld [tilespmem:s28+$0x160];
	vm0 =	vmor vm4, vm0  }
0x93: {  	vm6 =	veq.s32 v7, v3;
	vm0 =	vmor vm5, vm0  }
0x94: {  	vm7 =	veq.s32 v7, v4;
	v7 =	vld [tilespmem:s28+$0x170];
	vm0 =	vmor vm6, vm0  }
0x95: {  	vm8 =	veq.s32 v5, v3;
	vm0 =	vmor vm7, vm0  }
0x96: {  	vm9 =	veq.s32 v5, v4;
	v5 =	vld [tilespmem:s29+$0x180];
	vm0 =	vmor vm8, vm0  }
0x97: {  	vm10 =	veq.s32 v6, v3;
	vm0 =	vmor vm9, vm0  }
0x98: {  	vm11 =	veq.s32 v6, v4;
	vm0 =	vmor vm10, vm0  }
0x99: {  	vm12 =	veq.s32 v7, v3;
	vm0 =	vmor vm11, vm0  }
0x9a: {  	vm13 =	veq.s32 v7, v4;
	vm0 =	vmor vm12, vm0  }
0x9b: {  	vm14 =	veq.s32 v5, v3;
	vm0 =	vmor vm13, vm0  }
0x9c: {  	vm15 =	veq.s32 v5, v4;
	vm0 =	vmor vm14, vm0  }
0x9d: {  	vm0 =	vmor vm15, vm0  }
0x9e: {  	v5 =	vmpcnt.ones.xlane vm0;
	_ =	sdelay $0x1  }
0x9f: {  	(v2sf) =	vpush v5, $0x0;
	_ =	sdelay $0xe  }
0xa0: {  	s31 =	spop (v2sf)  }
0xa1: {  	p1 =	slt.s32 s31, $0x1  }
.Ltmp4:
0xa2: {  	_ = 	snop;
	(pc) =	sbr.rel @p1 .LBB2_6-.Ltmp4, $1  }
0xa3: {  	_ =	sdelay $0x3  }
0xa4: {  	s28 =	sadd.s32 $0x0, s24  }
0xa5: {  	v5 =	vld [tilespmem:s28+$0x0];
	_ =	sdelay $0x4  }
0xa6: {  	vm0 =	veq.s32 v5, v3  }
0xa7: {  	vm1 =	veq.s32 v5, v4;
	v5 =	vsel vm0, $0x1, v1  }
0xa8: {  	v6 =	vsel vm1, $0x1, v1;
	(xrf0) =	vadd.scan.msk.s32 $0xffff, v5  }
0xa9: {  	(xrf0) =	vadd.scan.msk.s32 $0xffff, v6;
	_ =	sdelay $0x4  }
0xaa: {  	v5, _, _ =	vpop (xrf0)  }
0xab: {  	v6 =	vxor.u32 $0x80000000, v5;
	v7, _, _ =	vpop (xrf0)  }
0xac: {  	v8 =	vxor.u32 $0x80000000, v7;
	(xrf0) =	vmax.scan.msk.u32 $0xffff, v6  }
0xad: {  	v6 =	vmov s26;
	(xrf0) =	vmax.scan.msk.u32 $0xffff, v8  }
0xae: {  	v6 =	vadd.s32 $0xFFFFFFFF, v6  }
0xaf: {  	v62 =	vmov s22;
	v6 =	vbroadcast v6, $0x0  }
0xb0: {  	v8 =	vadd.s32 $0xFFFFFFFF, v62  }
0xb1: {  	v8 =	vbroadcast v8, $0x0  }
0xb2: {  	s28 =	sadd.s32 $0x0, s23;
	v5 =	vadd.s32 v5, v6;
	v9, _, _ =	vpop (xrf0)  }
0xb3: {  	v63 =	vld [tilespmem:s28+$0x0];
	v7 =	vadd.s32 v7, v8;
	v5 =	vnsel vm0, $0x272F, v5;
	(v2sf) =	vpush v9, $0xF;
	v6, _, _ =	vpop (xrf0)  }
0xb4: {  	(v2sf) =	vpush v6, $0xF;
	v6 =	vnsel vm1, $0x272F, v7;
	_ =	sdelay $0x3  }
0xb5: {  	[tilespmem:v5+s13+$0x0] =	vst.idx.msk $0xffff, v63  }
0xb6: {  	s28 =	sadd.s32 $0x10, s24;
	[tilespmem:v6+s14+$0x0] =	vst.idx.msk $0xffff, v63  }
0xb7: {  	v5 =	vld [tilespmem:s28+$0x0];
	_ =	sdelay $0x4  }
0xb8: {  	vm1 =	veq.s32 v5, v3  }
0xb9: {  	vm0 =	veq.s32 v5, v4;
	v5 =	vsel vm1, $0x1, v1  }
0xba: {  	v6 =	vsel vm0, $0x1, v1;
	(xrf0) =	vadd.scan.msk.s32 $0xffff, v5  }
0xbb: {  	(xrf0) =	vadd.scan.msk.s32 $0xffff, v6;
	_ =	sdelay $0x1  }
0xbc: {  	s31 =	simm.s32 $0x80;
	s29 =	spop (v2sf)  }
0xbd: {  	s28 =	sadd.s32 $0x10, s23;
	s26 =	sadd.s32 s29, s26;
	s30 =	spop (v2sf)  }
.LBB2_4:
0xbe: {  	s26 =	sadd.s32 $0x80000000, s26  }
0xbf: {  	v5, _, _ =	vpop (xrf0);
	s22 =	sadd.s32 s30, s22;
	s30 =	smov.u32 s31;
	s29 =	sadd.s32 $0x40, s31  }
0xc0: {  	p1 =	sne.s32 s31, $0x600;
	v6 =	vmov s26;
	v7 =	vxor.u32 $0x80000000, v5;
	v8, _, _ =	vpop (xrf0);
	s22 =	sadd.s32 $0x80000000, s22  }
0xc1: {  	v9 =	vmov s22;
	v6 =	vadd.s32 $0xFFFFFFFF, v6;
	v10 =	vxor.u32 $0x80000000, v8;
	(xrf0) =	vmax.scan.msk.u32 $0xffff, v7  }
0xc2: {  	v6 =	vbroadcast v6, $0x0;
	v7 =	vadd.s32 $0xFFFFFFFF, v9;
	(xrf0) =	vmax.scan.msk.u32 $0xffff, v10  }
0xc3: {  	v7 =	vbroadcast v7, $0x0  }
0xc4: {  	v5 =	vadd.s32 v5, v6  }
0xc5: {  	v6 =	vld [tilespmem:s28+$0x0];
	v5 =	vnsel vm1, $0x272F, v5;
	v7 =	vadd.s32 v8, v7  }
0xc6: {  	v7 =	vnsel vm0, $0x272F, v7  }
0xc7: {  	v8, _, _ =	vpop (xrf0)  }
0xc8: {  	(v2sf) =	vpush v8, $0xF;
	v8, _, _ =	vpop (xrf0)  }
0xc9: {  	(v2sf) =	vpush v8, $0xF  }
0xca: {  	s28 =	sshra.s32 s30, $0x2;
	[tilespmem:v5+s13+$0x0] =	vst.idx.msk $0xffff, v6  }
0xcb: {  	s30 =	sadd.s32 s28, s24;
	s28 =	sadd.s32 s28, s23;
	[tilespmem:v7+s14+$0x0] =	vst.idx.msk $0xffff, v6  }
0xcc: {  	v5 =	vld [tilespmem:s30+$0x0];
	_ =	sdelay $0x4  }
0xcd: {  	vm1 =	veq.s32 v5, v3;
	vm0 =	veq.s32 v5, v4  }
0xce: {  	v5 =	vsel vm1, $0x1, v1;
	v6 =	vsel vm0, $0x1, v1  }
0xcf: {  	(xrf0) =	vadd.scan.msk.s32 $0xffff, v5  }
.Ltmp5:
0xd0: {  	(xrf0) =	vadd.scan.msk.s32 $0xffff, v6;
	(pc) =	sbr.rel @p1 .LBB2_4-.Ltmp5, $3  }
0xd1: {  	_ =	sdelay $0x1  }
0xd2: {  	s30 =	spop (v2sf)  }
0xd3: {  	s31 =	smov.u32 s29;
	s26 =	sadd.s32 s30, s26;
	s30 =	spop (v2sf)  }
0xd4: {  	v5, _, _ =	vpop (xrf0)  }
0xd5: {  	v6 =	vxor.u32 $0x80000000, v5;
	v7, _, _ =	vpop (xrf0)  }
0xd6: {  	v8 =	vxor.u32 $0x80000000, v7;
	(xrf0) =	vmax.scan.msk.u32 $0xffff, v6  }
0xd7: {  	(xrf0) =	vmax.scan.msk.u32 $0xffff, v8;
	_ =	sdelay $0x4  }
0xd8: {  	v6, _, _ =	vpop (xrf0)  }
0xd9: {  	(v2sf) =	vpush v6, $0xF;
	v6, _, _ =	vpop (xrf0)  }
0xda: {  	(v2sf) =	vpush v6, $0xF;
	_ =	sdelay $0x4  }
0xdb: {  	s26 =	sadd.s32 $0x80000000, s26;
	s22 =	sadd.s32 s30, s22  }
0xdc: {  	s22 =	sadd.s32 $0x80000000, s22;
	v6 =	vmov s26  }
0xdd: {  	v63 =	vmov s22;
	v6 =	vadd.s32 $0xFFFFFFFF, v6  }
0xde: {  	v8 =	vadd.s32 $0xFFFFFFFF, v63;
	v6 =	vbroadcast v6, $0x0  }
0xdf: {  	v8 =	vbroadcast v8, $0x0  }
0xe0: {  	v5 =	vadd.s32 v5, v6  }
0xe1: {  	v7 =	vadd.s32 v7, v8;
	v6 =	vld [tilespmem:s28+$0x0];
	v5 =	vnsel vm1, $0x272F, v5  }
0xe2: {  	v7 =	vnsel vm0, $0x272F, v7  }
.Ltmp6:
0xe3: {  	_ = 	snop;
	(pc) =	sbr.rel .LBB2_6-.Ltmp6, $4  }
0xe4: {  	s31 =	spop (v2sf)  }
0xe5: {  	s29 =	spop (v2sf)  }
0xe6: {  	[tilespmem:v5+s13+$0x0] =	vst.idx.msk $0xffff, v6;
	s26 =	sadd.s32 s31, s26;
	s22 =	sadd.s32 s29, s22  }
0xe7: {  	[tilespmem:v7+s14+$0x0] =	vst.idx.msk $0xffff, v6;
	s26 =	sadd.s32 $0x80000000, s26;
	s22 =	sadd.s32 $0x80000000, s22  }
.LBB2_7:
0xe8: {  	s23 =	sadd.s32 $0xF, s26  }
0xe9: {  	s24 =	sand.u32 $0xF, s23  }
0xea: {  	s31 =	sshra.s32 s23, $0x1F;
	p2 =	slt.s32 s23, $0x1;
	p1 =	sne.s32 s24, $0x0  }
0xeb: {  	s24 =	sshrl.u32 s31, $0x1C;
	p1 =	por !p2, !p1  }
0xec: {  	s23 =	sadd.s32 s24, s23;
	s24 =	simm.s32 $0x1;
	p1 =	por !p1, !p1  }
0xed: {  	s23 =	sshra.s32 s23, $0x4;
	s24 =	simm.s32 @!p1 $0x0  }
0xee: {  	s23 =	ssub.s32 s23, s24  }
0xef: {  	p1 =	slt.s32 s23, $0x1  }
.Ltmp7:
0xf0: {  	_ = 	snop;
	(pc) =	sbr.rel @p1 .LBB2_11-.Ltmp7, $2  }
0xf1: {  	_ =	sdelay $0x2  }
0xf2: {  	[tilespmem:s26+$0x4F00] =	vst v2;
	s24 =	simm.s32 $0x0  }
.LBB2_8:
0xf3: {  	s25 =	sshll.u32 s24, $0x6  }
0xf4: {  	s25 =	sshra.s32 s25, $0x2  }
0xf5: {  	s25 =	sadd.s32 $0x4F00, s25  }
0xf6: {  	[tilespmem:s17], [sflag:$0x1] =	stream.indirect.gather [hbm4b:s5+s16], $0x80, s25, s16, $0xb8;
	[tilespmem:$0xB380] =	vst v63  }
0xf7: {  	_ =	swait.ge [sflag:s15], $0x800  }
0xf8: {  	[sflag:s15] =	ssyncset.done $0x0  }
0xf9: {  	[sflag:s15] =	ssyncadd.s32 $0xFFFFF800  }
0xfa: {  	[tilespmem:s18], [sflag:$0x1] =	stream.indirect.gather [hbm4b:s6+s16], $0x80, s25, s16, $0xb8;
	[tilespmem:$0xB380] =	vst v63  }
0xfb: {  	_ =	swait.ge [sflag:s15], $0x800  }
0xfc: {  	[sflag:s15] =	ssyncset.done $0x0  }
0xfd: {  	[sflag:s15] =	ssyncadd.s32 $0xFFFFF800  }
0xfe: {  	v18 =	vld [tilespmem:$0xAF80]  }
0xff: {  	v17 =	vld [tilespmem:$0xB080]  }
0x100: {  	v16 =	vld [tilespmem:$0xAF90]  }
0x101: {  	v15 =	vld [tilespmem:$0xB090]  }
0x102: {  	v14 =	vld [tilespmem:$0xAFA0]  }
0x103: {  	v13 =	vld [tilespmem:$0xB0A0]  }
0x104: {  	v12 =	vld [tilespmem:$0xAFB0]  }
0x105: {  	v11 =	vld [tilespmem:$0xB0B0]  }
0x106: {  	v10 =	vld [tilespmem:$0xAFC0]  }
0x107: {  	v9 =	vld [tilespmem:$0xB0C0]  }
0x108: {  	v8 =	vld [tilespmem:$0xAFD0]  }
0x109: {  	v7 =	vld [tilespmem:$0xB0D0]  }
0x10a: {  	v6 =	vld [tilespmem:$0xAFE0]  }
0x10b: {  	v5 =	vld [tilespmem:$0xB0E0]  }
0x10c: {  	v4 =	vld [tilespmem:$0xAFF0]  }
0x10d: {  	s26 =	simm.s32 $0x200;
	s25 =	simm.s32 $0x0;
	v3 =	vld [tilespmem:$0xB0F0]  }
.LBB2_9:
0x10e: {  	p1 =	sne.s32 s26, $0x1E00;
	v19 =	vld [tilespmem:s25+$0x9F80];
	_ =	sdelay $0x4  }
0x10f: {  	v18 =	vadd.f32 v19, v18;
	_ =	sdelay $0x1  }
0x110: {  	[tilespmem:$0xAF80] =	vst v18  }
0x111: {  	v19 =	vld [tilespmem:s25+$0xA780];
	_ =	sdelay $0x4  }
0x112: {  	v17 =	vadd.f32 v19, v17;
	_ =	sdelay $0x1  }
0x113: {  	[tilespmem:$0xB080] =	vst v17  }
0x114: {  	v19 =	vld [tilespmem:s25+$0x9F90];
	_ =	sdelay $0x4  }
0x115: {  	v16 =	vadd.f32 v19, v16;
	_ =	sdelay $0x1  }
0x116: {  	[tilespmem:$0xAF90] =	vst v16  }
0x117: {  	v19 =	vld [tilespmem:s25+$0xA790];
	_ =	sdelay $0x4  }
0x118: {  	v15 =	vadd.f32 v19, v15;
	_ =	sdelay $0x1  }
0x119: {  	[tilespmem:$0xB090] =	vst v15  }
0x11a: {  	v19 =	vld [tilespmem:s25+$0x9FA0];
	_ =	sdelay $0x4  }
0x11b: {  	v14 =	vadd.f32 v19, v14;
	_ =	sdelay $0x1  }
0x11c: {  	[tilespmem:$0xAFA0] =	vst v14  }
0x11d: {  	v19 =	vld [tilespmem:s25+$0xA7A0];
	_ =	sdelay $0x4  }
0x11e: {  	v13 =	vadd.f32 v19, v13;
	_ =	sdelay $0x1  }
0x11f: {  	[tilespmem:$0xB0A0] =	vst v13  }
0x120: {  	v19 =	vld [tilespmem:s25+$0x9FB0];
	_ =	sdelay $0x4  }
0x121: {  	v12 =	vadd.f32 v19, v12;
	_ =	sdelay $0x1  }
0x122: {  	[tilespmem:$0xAFB0] =	vst v12  }
0x123: {  	v19 =	vld [tilespmem:s25+$0xA7B0];
	_ =	sdelay $0x4  }
0x124: {  	v11 =	vadd.f32 v19, v11;
	_ =	sdelay $0x1  }
0x125: {  	[tilespmem:$0xB0B0] =	vst v11  }
0x126: {  	v19 =	vld [tilespmem:s25+$0x9FC0];
	_ =	sdelay $0x4  }
0x127: {  	v10 =	vadd.f32 v19, v10;
	_ =	sdelay $0x1  }
0x128: {  	[tilespmem:$0xAFC0] =	vst v10  }
0x129: {  	v19 =	vld [tilespmem:s25+$0xA7C0];
	_ =	sdelay $0x4  }
0x12a: {  	v9 =	vadd.f32 v19, v9;
	_ =	sdelay $0x1  }
0x12b: {  	[tilespmem:$0xB0C0] =	vst v9  }
0x12c: {  	v19 =	vld [tilespmem:s25+$0x9FD0];
	_ =	sdelay $0x4  }
0x12d: {  	v8 =	vadd.f32 v19, v8;
	_ =	sdelay $0x1  }
0x12e: {  	[tilespmem:$0xAFD0] =	vst v8  }
0x12f: {  	v19 =	vld [tilespmem:s25+$0xA7D0];
	_ =	sdelay $0x4  }
0x130: {  	v7 =	vadd.f32 v19, v7;
	_ =	sdelay $0x1  }
0x131: {  	[tilespmem:$0xB0D0] =	vst v7  }
0x132: {  	v19 =	vld [tilespmem:s25+$0x9FE0];
	_ =	sdelay $0x4  }
0x133: {  	v6 =	vadd.f32 v19, v6;
	_ =	sdelay $0x1  }
0x134: {  	[tilespmem:$0xAFE0] =	vst v6  }
0x135: {  	v19 =	vld [tilespmem:s25+$0xA7E0];
	_ =	sdelay $0x4  }
0x136: {  	v5 =	vadd.f32 v19, v5;
	_ =	sdelay $0x1  }
0x137: {  	[tilespmem:$0xB0E0] =	vst v5  }
0x138: {  	v19 =	vld [tilespmem:s25+$0x9FF0];
	_ =	sdelay $0x4  }
0x139: {  	v4 =	vadd.f32 v19, v4;
	_ =	sdelay $0x1  }
0x13a: {  	[tilespmem:$0xAFF0] =	vst v4  }
0x13b: {  	v19 =	vld [tilespmem:s25+$0xA7F0];
	_ =	sdelay $0x2  }
.Ltmp8:
0x13c: {  	(pc) =	sbr.rel @p1 .LBB2_9-.Ltmp8, $3  }
0x13d: {  	_ = 	snop  }
0x13e: {  	v3 =	vadd.f32 v19, v3;
	_ =	sdelay $0x1  }
0x13f: {  	s25 =	sshra.s32 s26, $0x2;
	s26 =	sadd.s32 $0x200, s26;
	[tilespmem:$0xB0F0] =	vst v3  }
0x140: {  	v19 =	vld [tilespmem:s25+$0x9F80];
	_ =	sdelay $0x4  }
0x141: {  	v18 =	vadd.f32 v19, v18;
	_ =	sdelay $0x1  }
0x142: {  	[tilespmem:$0xAF80] =	vst v18  }
0x143: {  	v18 =	vld [tilespmem:s25+$0xA780];
	_ =	sdelay $0x4  }
0x144: {  	v17 =	vadd.f32 v18, v17;
	_ =	sdelay $0x1  }
0x145: {  	[tilespmem:$0xB080] =	vst v17  }
0x146: {  	v17 =	vld [tilespmem:s25+$0x9F90];
	_ =	sdelay $0x4  }
0x147: {  	v16 =	vadd.f32 v17, v16;
	_ =	sdelay $0x1  }
0x148: {  	[tilespmem:$0xAF90] =	vst v16  }
0x149: {  	v16 =	vld [tilespmem:s25+$0xA790];
	_ =	sdelay $0x4  }
0x14a: {  	v15 =	vadd.f32 v16, v15;
	_ =	sdelay $0x1  }
0x14b: {  	[tilespmem:$0xB090] =	vst v15  }
0x14c: {  	v15 =	vld [tilespmem:s25+$0x9FA0];
	_ =	sdelay $0x4  }
0x14d: {  	v14 =	vadd.f32 v15, v14;
	_ =	sdelay $0x1  }
0x14e: {  	[tilespmem:$0xAFA0] =	vst v14  }
0x14f: {  	v14 =	vld [tilespmem:s25+$0xA7A0];
	_ =	sdelay $0x4  }
0x150: {  	v13 =	vadd.f32 v14, v13;
	_ =	sdelay $0x1  }
0x151: {  	[tilespmem:$0xB0A0] =	vst v13  }
0x152: {  	v13 =	vld [tilespmem:s25+$0x9FB0];
	_ =	sdelay $0x4  }
0x153: {  	v12 =	vadd.f32 v13, v12;
	_ =	sdelay $0x1  }
0x154: {  	[tilespmem:$0xAFB0] =	vst v12  }
0x155: {  	v12 =	vld [tilespmem:s25+$0xA7B0];
	_ =	sdelay $0x4  }
0x156: {  	v11 =	vadd.f32 v12, v11;
	_ =	sdelay $0x1  }
0x157: {  	[tilespmem:$0xB0B0] =	vst v11  }
0x158: {  	v11 =	vld [tilespmem:s25+$0x9FC0];
	_ =	sdelay $0x4  }
0x159: {  	v10 =	vadd.f32 v11, v10;
	_ =	sdelay $0x1  }
0x15a: {  	[tilespmem:$0xAFC0] =	vst v10  }
0x15b: {  	v10 =	vld [tilespmem:s25+$0xA7C0];
	_ =	sdelay $0x4  }
0x15c: {  	v9 =	vadd.f32 v10, v9;
	_ =	sdelay $0x1  }
0x15d: {  	[tilespmem:$0xB0C0] =	vst v9  }
0x15e: {  	v9 =	vld [tilespmem:s25+$0x9FD0];
	_ =	sdelay $0x4  }
0x15f: {  	v8 =	vadd.f32 v9, v8;
	_ =	sdelay $0x1  }
0x160: {  	[tilespmem:$0xAFD0] =	vst v8  }
0x161: {  	v8 =	vld [tilespmem:s25+$0xA7D0];
	_ =	sdelay $0x4  }
0x162: {  	v7 =	vadd.f32 v8, v7;
	_ =	sdelay $0x1  }
0x163: {  	[tilespmem:$0xB0D0] =	vst v7  }
0x164: {  	v7 =	vld [tilespmem:s25+$0x9FE0];
	_ =	sdelay $0x4  }
0x165: {  	v6 =	vadd.f32 v7, v6;
	_ =	sdelay $0x1  }
0x166: {  	[tilespmem:$0xAFE0] =	vst v6  }
0x167: {  	v6 =	vld [tilespmem:s25+$0xA7E0];
	_ =	sdelay $0x4  }
0x168: {  	v5 =	vadd.f32 v6, v5;
	_ =	sdelay $0x1  }
0x169: {  	[tilespmem:$0xB0E0] =	vst v5  }
0x16a: {  	v5 =	vld [tilespmem:s25+$0x9FF0];
	_ =	sdelay $0x4  }
0x16b: {  	v4 =	vadd.f32 v5, v4;
	_ =	sdelay $0x1  }
0x16c: {  	[tilespmem:$0xAFF0] =	vst v4  }
0x16d: {  	v4 =	vld [tilespmem:s25+$0xA7F0]  }
0x16e: {  	s24 =	sadd.s32 $0x1, s24  }
0x16f: {  	p1 =	sne.s32 s24, s23  }
.Ltmp9:
0x170: {  	_ = 	snop;
	(pc) =	sbr.rel @p1 .LBB2_8-.Ltmp9, $3  }
0x171: {  	_ = 	snop  }
0x172: {  	v3 =	vadd.f32 v4, v3;
	_ =	sdelay $0x1  }
0x173: {  	[tilespmem:$0xB0F0] =	vst v3  }
.LBB2_11:
0x174: {  	s23 =	sadd.s32 $0xF, s22  }
0x175: {  	s24 =	sand.u32 $0xF, s23  }
0x176: {  	s31 =	sshra.s32 s23, $0x1F;
	p2 =	slt.s32 s23, $0x1;
	p1 =	sne.s32 s24, $0x0  }
0x177: {  	s24 =	sshrl.u32 s31, $0x1C;
	p1 =	por !p2, !p1  }
0x178: {  	s23 =	sadd.s32 s24, s23;
	s24 =	simm.s32 $0x1;
	p1 =	por !p1, !p1  }
0x179: {  	s23 =	sshra.s32 s23, $0x4;
	s24 =	simm.s32 @!p1 $0x0  }
0x17a: {  	s23 =	ssub.s32 s23, s24  }
0x17b: {  	p1 =	slt.s32 s23, $0x1  }
.Ltmp10:
0x17c: {  	_ = 	snop;
	(pc) =	sbr.rel @p1 .LBB2_15-.Ltmp10, $2  }
0x17d: {  	_ =	sdelay $0x2  }
0x17e: {  	[tilespmem:s22+$0x7680] =	vst v2;
	s22 =	simm.s32 $0x0  }
.LBB2_12:
0x17f: {  	s24 =	sshll.u32 s22, $0x6  }
0x180: {  	s24 =	sshra.s32 s24, $0x2  }
0x181: {  	s24 =	sadd.s32 $0x7680, s24  }
0x182: {  	[tilespmem:s17], [sflag:$0x1] =	stream.indirect.gather [hbm4b:s5+s16], $0x80, s24, s16, $0xb8;
	[tilespmem:$0xB380] =	vst v63  }
0x183: {  	_ =	swait.ge [sflag:s15], $0x800  }
0x184: {  	[sflag:s15] =	ssyncset.done $0x0  }
0x185: {  	[sflag:s15] =	ssyncadd.s32 $0xFFFFF800  }
0x186: {  	[tilespmem:s18], [sflag:$0x1] =	stream.indirect.gather [hbm4b:s6+s16], $0x80, s24, s16, $0xb8;
	[tilespmem:$0xB380] =	vst v63  }
0x187: {  	_ =	swait.ge [sflag:s15], $0x800  }
0x188: {  	[sflag:s15] =	ssyncset.done $0x0  }
0x189: {  	[sflag:s15] =	ssyncadd.s32 $0xFFFFF800  }
0x18a: {  	v18 =	vld [tilespmem:$0xB000]  }
0x18b: {  	v17 =	vld [tilespmem:$0xB100]  }
0x18c: {  	v16 =	vld [tilespmem:$0xB010]  }
0x18d: {  	v15 =	vld [tilespmem:$0xB110]  }
0x18e: {  	v14 =	vld [tilespmem:$0xB020]  }
0x18f: {  	v13 =	vld [tilespmem:$0xB120]  }
0x190: {  	v12 =	vld [tilespmem:$0xB030]  }
0x191: {  	v11 =	vld [tilespmem:$0xB130]  }
0x192: {  	v10 =	vld [tilespmem:$0xB040]  }
0x193: {  	v9 =	vld [tilespmem:$0xB140]  }
0x194: {  	v8 =	vld [tilespmem:$0xB050]  }
0x195: {  	v7 =	vld [tilespmem:$0xB150]  }
0x196: {  	v6 =	vld [tilespmem:$0xB060]  }
0x197: {  	v5 =	vld [tilespmem:$0xB160]  }
0x198: {  	v4 =	vld [tilespmem:$0xB070]  }
0x199: {  	s25 =	simm.s32 $0x200;
	s24 =	simm.s32 $0x0;
	v3 =	vld [tilespmem:$0xB170]  }
.LBB2_13:
0x19a: {  	p1 =	sne.s32 s25, $0x1E00;
	v19 =	vld [tilespmem:s24+$0x9F80];
	_ =	sdelay $0x4  }
0x19b: {  	v18 =	vadd.f32 v19, v18;
	_ =	sdelay $0x1  }
0x19c: {  	[tilespmem:$0xB000] =	vst v18  }
0x19d: {  	v19 =	vld [tilespmem:s24+$0xA780];
	_ =	sdelay $0x4  }
0x19e: {  	v17 =	vadd.f32 v19, v17;
	_ =	sdelay $0x1  }
0x19f: {  	[tilespmem:$0xB100] =	vst v17  }
0x1a0: {  	v19 =	vld [tilespmem:s24+$0x9F90];
	_ =	sdelay $0x4  }
0x1a1: {  	v16 =	vadd.f32 v19, v16;
	_ =	sdelay $0x1  }
0x1a2: {  	[tilespmem:$0xB010] =	vst v16  }
0x1a3: {  	v19 =	vld [tilespmem:s24+$0xA790];
	_ =	sdelay $0x4  }
0x1a4: {  	v15 =	vadd.f32 v19, v15;
	_ =	sdelay $0x1  }
0x1a5: {  	[tilespmem:$0xB110] =	vst v15  }
0x1a6: {  	v19 =	vld [tilespmem:s24+$0x9FA0];
	_ =	sdelay $0x4  }
0x1a7: {  	v14 =	vadd.f32 v19, v14;
	_ =	sdelay $0x1  }
0x1a8: {  	[tilespmem:$0xB020] =	vst v14  }
0x1a9: {  	v19 =	vld [tilespmem:s24+$0xA7A0];
	_ =	sdelay $0x4  }
0x1aa: {  	v13 =	vadd.f32 v19, v13;
	_ =	sdelay $0x1  }
0x1ab: {  	[tilespmem:$0xB120] =	vst v13  }
0x1ac: {  	v19 =	vld [tilespmem:s24+$0x9FB0];
	_ =	sdelay $0x4  }
0x1ad: {  	v12 =	vadd.f32 v19, v12;
	_ =	sdelay $0x1  }
0x1ae: {  	[tilespmem:$0xB030] =	vst v12  }
0x1af: {  	v19 =	vld [tilespmem:s24+$0xA7B0];
	_ =	sdelay $0x4  }
0x1b0: {  	v11 =	vadd.f32 v19, v11;
	_ =	sdelay $0x1  }
0x1b1: {  	[tilespmem:$0xB130] =	vst v11  }
0x1b2: {  	v19 =	vld [tilespmem:s24+$0x9FC0];
	_ =	sdelay $0x4  }
0x1b3: {  	v10 =	vadd.f32 v19, v10;
	_ =	sdelay $0x1  }
0x1b4: {  	[tilespmem:$0xB040] =	vst v10  }
0x1b5: {  	v19 =	vld [tilespmem:s24+$0xA7C0];
	_ =	sdelay $0x4  }
0x1b6: {  	v9 =	vadd.f32 v19, v9;
	_ =	sdelay $0x1  }
0x1b7: {  	[tilespmem:$0xB140] =	vst v9  }
0x1b8: {  	v19 =	vld [tilespmem:s24+$0x9FD0];
	_ =	sdelay $0x4  }
0x1b9: {  	v8 =	vadd.f32 v19, v8;
	_ =	sdelay $0x1  }
0x1ba: {  	[tilespmem:$0xB050] =	vst v8  }
0x1bb: {  	v19 =	vld [tilespmem:s24+$0xA7D0];
	_ =	sdelay $0x4  }
0x1bc: {  	v7 =	vadd.f32 v19, v7;
	_ =	sdelay $0x1  }
0x1bd: {  	[tilespmem:$0xB150] =	vst v7  }
0x1be: {  	v19 =	vld [tilespmem:s24+$0x9FE0];
	_ =	sdelay $0x4  }
0x1bf: {  	v6 =	vadd.f32 v19, v6;
	_ =	sdelay $0x1  }
0x1c0: {  	[tilespmem:$0xB060] =	vst v6  }
0x1c1: {  	v19 =	vld [tilespmem:s24+$0xA7E0];
	_ =	sdelay $0x4  }
0x1c2: {  	v5 =	vadd.f32 v19, v5;
	_ =	sdelay $0x1  }
0x1c3: {  	[tilespmem:$0xB160] =	vst v5  }
0x1c4: {  	v19 =	vld [tilespmem:s24+$0x9FF0];
	_ =	sdelay $0x4  }
0x1c5: {  	v4 =	vadd.f32 v19, v4;
	_ =	sdelay $0x1  }
0x1c6: {  	[tilespmem:$0xB070] =	vst v4  }
0x1c7: {  	v19 =	vld [tilespmem:s24+$0xA7F0];
	_ =	sdelay $0x2  }
.Ltmp11:
0x1c8: {  	(pc) =	sbr.rel @p1 .LBB2_13-.Ltmp11, $3  }
0x1c9: {  	_ = 	snop  }
0x1ca: {  	v3 =	vadd.f32 v19, v3;
	_ =	sdelay $0x1  }
0x1cb: {  	s24 =	sshra.s32 s25, $0x2;
	s25 =	sadd.s32 $0x200, s25;
	[tilespmem:$0xB170] =	vst v3  }
0x1cc: {  	v19 =	vld [tilespmem:s24+$0x9F80];
	_ =	sdelay $0x4  }
0x1cd: {  	v18 =	vadd.f32 v19, v18;
	_ =	sdelay $0x1  }
0x1ce: {  	[tilespmem:$0xB000] =	vst v18  }
0x1cf: {  	v18 =	vld [tilespmem:s24+$0xA780];
	_ =	sdelay $0x4  }
0x1d0: {  	v17 =	vadd.f32 v18, v17;
	_ =	sdelay $0x1  }
0x1d1: {  	[tilespmem:$0xB100] =	vst v17  }
0x1d2: {  	v17 =	vld [tilespmem:s24+$0x9F90];
	_ =	sdelay $0x4  }
0x1d3: {  	v16 =	vadd.f32 v17, v16;
	_ =	sdelay $0x1  }
0x1d4: {  	[tilespmem:$0xB010] =	vst v16  }
0x1d5: {  	v16 =	vld [tilespmem:s24+$0xA790];
	_ =	sdelay $0x4  }
0x1d6: {  	v15 =	vadd.f32 v16, v15;
	_ =	sdelay $0x1  }
0x1d7: {  	[tilespmem:$0xB110] =	vst v15  }
0x1d8: {  	v15 =	vld [tilespmem:s24+$0x9FA0];
	_ =	sdelay $0x4  }
0x1d9: {  	v14 =	vadd.f32 v15, v14;
	_ =	sdelay $0x1  }
0x1da: {  	[tilespmem:$0xB020] =	vst v14  }
0x1db: {  	v14 =	vld [tilespmem:s24+$0xA7A0];
	_ =	sdelay $0x4  }
0x1dc: {  	v13 =	vadd.f32 v14, v13;
	_ =	sdelay $0x1  }
0x1dd: {  	[tilespmem:$0xB120] =	vst v13  }
0x1de: {  	v13 =	vld [tilespmem:s24+$0x9FB0];
	_ =	sdelay $0x4  }
0x1df: {  	v12 =	vadd.f32 v13, v12;
	_ =	sdelay $0x1  }
0x1e0: {  	[tilespmem:$0xB030] =	vst v12  }
0x1e1: {  	v12 =	vld [tilespmem:s24+$0xA7B0];
	_ =	sdelay $0x4  }
0x1e2: {  	v11 =	vadd.f32 v12, v11;
	_ =	sdelay $0x1  }
0x1e3: {  	[tilespmem:$0xB130] =	vst v11  }
0x1e4: {  	v11 =	vld [tilespmem:s24+$0x9FC0];
	_ =	sdelay $0x4  }
0x1e5: {  	v10 =	vadd.f32 v11, v10;
	_ =	sdelay $0x1  }
0x1e6: {  	[tilespmem:$0xB040] =	vst v10  }
0x1e7: {  	v10 =	vld [tilespmem:s24+$0xA7C0];
	_ =	sdelay $0x4  }
0x1e8: {  	v9 =	vadd.f32 v10, v9;
	_ =	sdelay $0x1  }
0x1e9: {  	[tilespmem:$0xB140] =	vst v9  }
0x1ea: {  	v9 =	vld [tilespmem:s24+$0x9FD0];
	_ =	sdelay $0x4  }
0x1eb: {  	v8 =	vadd.f32 v9, v8;
	_ =	sdelay $0x1  }
0x1ec: {  	[tilespmem:$0xB050] =	vst v8  }
0x1ed: {  	v8 =	vld [tilespmem:s24+$0xA7D0];
	_ =	sdelay $0x4  }
0x1ee: {  	v7 =	vadd.f32 v8, v7;
	_ =	sdelay $0x1  }
0x1ef: {  	[tilespmem:$0xB150] =	vst v7  }
0x1f0: {  	v7 =	vld [tilespmem:s24+$0x9FE0];
	_ =	sdelay $0x4  }
0x1f1: {  	v6 =	vadd.f32 v7, v6;
	_ =	sdelay $0x1  }
0x1f2: {  	[tilespmem:$0xB060] =	vst v6  }
0x1f3: {  	v6 =	vld [tilespmem:s24+$0xA7E0];
	_ =	sdelay $0x4  }
0x1f4: {  	v5 =	vadd.f32 v6, v5;
	_ =	sdelay $0x1  }
0x1f5: {  	[tilespmem:$0xB160] =	vst v5  }
0x1f6: {  	v5 =	vld [tilespmem:s24+$0x9FF0];
	_ =	sdelay $0x4  }
0x1f7: {  	v4 =	vadd.f32 v5, v4;
	_ =	sdelay $0x1  }
0x1f8: {  	[tilespmem:$0xB070] =	vst v4  }
0x1f9: {  	v4 =	vld [tilespmem:s24+$0xA7F0]  }
0x1fa: {  	s22 =	sadd.s32 $0x1, s22  }
0x1fb: {  	p1 =	sne.s32 s22, s23  }
.Ltmp12:
0x1fc: {  	_ = 	snop;
	(pc) =	sbr.rel @p1 .LBB2_12-.Ltmp12, $3  }
0x1fd: {  	_ = 	snop  }
0x1fe: {  	v3 =	vadd.f32 v4, v3;
	_ =	sdelay $0x1  }
0x1ff: {  	[tilespmem:$0xB170] =	vst v3  }
.LBB2_15:
.Ltmp13:
0x200: {  	(pc) =	sbr.rel @p0 .LBB2_17-.Ltmp13, $1  }
0x201: {  	_ =	sdelay $0x3  }
0x202: {  	[tilespmem:s19], [sflag:$0x2] =	stream.linear.gather [hbm4b:s2+s3], $0x80, $0x38;
	[tilespmem:$0xB380] =	vst v63  }
0x203: {  	_ =	swait.ge [sflag:s11], $0x80  }
0x204: {  	[sflag:s11] =	ssyncset.done $0x0  }
0x205: {  	[sflag:s11] =	ssyncadd.s32 $0xFFFFFF80  }
0x206: {  	[tilespmem:s17], [sflag:$0x1] =	stream.indirect.gather [hbm4b:s5+s11], $0x80, s19, s11, $0xb8;
	[tilespmem:$0xB380] =	vst v63  }
0x207: {  	_ =	swait.ge [sflag:s15], $0x100  }
0x208: {  	[sflag:s15] =	ssyncset.done $0x0  }
0x209: {  	[sflag:s15] =	ssyncadd.s32 $0xFFFFFF00  }
0x20a: {  	[tilespmem:s18], [sflag:$0x1] =	stream.indirect.gather [hbm4b:s6+s11], $0x80, s19, s11, $0xb8;
	[tilespmem:$0xB380] =	vst v63  }
0x20b: {  	_ =	swait.ge [sflag:s15], $0x100  }
0x20c: {  	[sflag:s15] =	ssyncset.done $0x0  }
0x20d: {  	[sflag:s15] =	ssyncadd.s32 $0xFFFFFF00  }
0x20e: {  	v3 =	vld [tilespmem:$0x9F80]  }
0x20f: {  	v4 =	vld [tilespmem:$0xA000]  }
0x210: {  	v5 =	vld [tilespmem:$0xA780]  }
0x211: {  	v6 =	vld [tilespmem:$0xA800]  }
0x212: {  	v7 =	vld [tilespmem:$0x9F90]  }
0x213: {  	v43 =	vld [tilespmem:$0xA790];
	[tilespmem:$0xB180] =	vst v3  }
0x214: {  	v3 =	vld [tilespmem:$0xA010];
	[tilespmem:$0xB200] =	vst v4  }
0x215: {  	v44 =	vld [tilespmem:$0xA810];
	[tilespmem:$0xB280] =	vst v5  }
0x216: {  	v45 =	vld [tilespmem:$0x9FA0];
	[tilespmem:$0xB300] =	vst v6  }
0x217: {  	v46 =	vld [tilespmem:$0xA020];
	[tilespmem:$0xB190] =	vst v7  }
0x218: {  	v47 =	vld [tilespmem:$0xA820];
	[tilespmem:$0xB290] =	vst v43  }
0x219: {  	[tilespmem:$0xB210] =	vst v3;
	v3 =	vld [tilespmem:$0xA7A0]  }
0x21a: {  	v48 =	vld [tilespmem:$0x9FB0];
	[tilespmem:$0xB310] =	vst v44  }
0x21b: {  	v49 =	vld [tilespmem:$0xA030];
	[tilespmem:$0xB1A0] =	vst v45  }
0x21c: {  	v50 =	vld [tilespmem:$0xA7B0];
	[tilespmem:$0xB220] =	vst v46  }
0x21d: {  	v51 =	vld [tilespmem:$0x9FC0];
	[tilespmem:$0xB320] =	vst v47  }
0x21e: {  	[tilespmem:$0xB2A0] =	vst v3;
	v3 =	vld [tilespmem:$0xA830]  }
0x21f: {  	v52 =	vld [tilespmem:$0xA040];
	[tilespmem:$0xB1B0] =	vst v48  }
0x220: {  	v53 =	vld [tilespmem:$0xA7C0];
	[tilespmem:$0xB230] =	vst v49  }
0x221: {  	v54 =	vld [tilespmem:$0xA840];
	[tilespmem:$0xB2B0] =	vst v50  }
0x222: {  	v55 =	vld [tilespmem:$0xA050];
	[tilespmem:$0xB1C0] =	vst v51  }
0x223: {  	[tilespmem:$0xB330] =	vst v3;
	v3 =	vld [tilespmem:$0x9FD0]  }
0x224: {  	v56 =	vld [tilespmem:$0xA7D0];
	[tilespmem:$0xB240] =	vst v52  }
0x225: {  	v57 =	vld [tilespmem:$0xA850];
	[tilespmem:$0xB2C0] =	vst v53  }
0x226: {  	v58 =	vld [tilespmem:$0x9FE0];
	[tilespmem:$0xB340] =	vst v54  }
0x227: {  	v59 =	vld [tilespmem:$0xA7E0];
	[tilespmem:$0xB250] =	vst v55  }
0x228: {  	[tilespmem:$0xB1D0] =	vst v3;
	v3 =	vld [tilespmem:$0xA060]  }
0x229: {  	v60 =	vld [tilespmem:$0xA860];
	[tilespmem:$0xB2D0] =	vst v56  }
0x22a: {  	v61 =	vld [tilespmem:$0x9FF0];
	[tilespmem:$0xB350] =	vst v57  }
0x22b: {  	v62 =	vld [tilespmem:$0xA070];
	[tilespmem:$0xB1E0] =	vst v58  }
0x22c: {  	v63 =	vld [tilespmem:$0xA870];
	[tilespmem:$0xB2E0] =	vst v59  }
0x22d: {  	[tilespmem:$0xB260] =	vst v3;
	v3 =	vld [tilespmem:$0xA7F0]  }
.Ltmp14:
0x22e: {  	[tilespmem:$0xB360] =	vst v60;
	(pc) =	sbr.rel .LBB2_17-.Ltmp14, $4  }
0x22f: {  	[tilespmem:$0xB1F0] =	vst v61  }
0x230: {  	[tilespmem:$0xB270] =	vst v62  }
0x231: {  	[tilespmem:$0xB370] =	vst v63  }
0x232: {  	[tilespmem:$0xB2F0] =	vst v3  }
.LBB2_18:
0x233: {  	_ =	sfence.sel $0x180000  }
0x234: {  	[bflag:$0x0] =	sbarrier.arrive $0xFFFF  }
0x235: {  	p0 =	sne.s32 s0, $0x0;
	_ =	strace $0x9000004D  }
0x236: {  	s0 =	sadd.s32 @!p0 $0x100000, s1;
	[bflag:$0x2] =	sbarrier.arrive $0xFFFF  }
0x237: {  	[sflag:s0] =	ssyncadd.tile.s32 @!p0 $0x1;
	_ =	shalt  }
.Lfunc_end2:
_tile_overlayer_lowered:
.L_overlay_start_2:
0x238: {  	(tag) =	ssettag $0x2  }
0x239: {  	s0 =	rddreg [dreg:$0x0];
	s2 =	stileid.u32  }
0x23a: {  	s1 =	rddreg [dreg:$0x1];
	p0 =	sne.s32 s2, $0x0  }
0x23b: {  	s3 =	rddreg [dreg:$0x2];
	[bflag:$0x3] =	sbarrier.arrive $0xFFFF;
	s2 =	simm.s32 @!p0 $0x1C02  }
0x23c: {  	[timem:s3], [sflag:s2] =	dma.local @!p0 [hbm:s0], s1  }
0x23d: {  	s0 =	simm.s32 @!p0 $0x2  }
0x23e: {  	_ =	swait.ge @!p0 [sflag:s0], s1  }
0x23f: {  	s1 =	ssub.s32 @!p0 $0x0, s1;
	[sflag:s0] =	ssyncset.done @!p0 $0x0  }
0x240: {  	[sflag:s0] =	ssyncadd.s32 @!p0 s1  }
0x241: {  	[bflag:$0x3] =	sbarrier.arrive $0xFFFF  }
0x242: {  	_ =	shalt  }

// kernel: kernel.8.cloned.1.call-start
scs
__scs_entry_jumppad:
0x0: {  	(pc) =	sbr.rel $0x88, $3  }
0x1: {  	(tag) =	ssettag $0x0;
	lr =	simm.s32 $0x1  }
0x2: {  	[smem:$0x3F95] =	sst lr;
	_ =	strace $0xD0000000  }
0x3: {  	_ = 	snop  }
0x4: {  	_ = 	snop  }
0x5: {  	_ = 	snop  }
0x6: {  	_ = 	snop  }
0x7: {  	_ = 	snop  }
__scs_overlays_trampoline_lowered:
0x8: {  	[smem:$0x3FA4] =	sst s0  }
0x9: {  	[smem:$0x3FA5] =	sst s1  }
0xa: {  	[smem:$0x3FA6] =	sst s2  }
0xb: {  	[smem:$0x3FA7] =	sst s3  }
0xc: {  	[smem:$0x3FA8] =	sst s4  }
0xd: {  	[smem:$0x3FA9] =	sst s5  }
0xe: {  	[smem:$0x3FAA] =	sst s6  }
0xf: {  	[smem:$0x3FAB] =	sst s7  }
0x10: {  	[smem:$0x3FAC] =	sst s8  }
0x11: {  	[smem:$0x3FAD] =	sst s9;
	s0 =	simm.s32 @!p0 $0x0  }
0x12: {  	s1 =	sld [smem:$0x3F93];
	s0 =	simm.s32 @p0 $0x1  }
0x13: {  	[smem:$0x3FAE] =	sst s0;
	s0 =	simm.s32 @!p1 $0x0  }
0x14: {  	s2 =	sld [smem:$0x3F92];
	s0 =	simm.s32 @p1 $0x1  }
0x15: {  	[smem:$0x3FAF] =	sst s0;
	s0 =	simm.s32 @!p2 $0x0  }
0x16: {  	s3 =	sld [smem:$0x3FDB];
	s0 =	simm.s32 @p2 $0x1  }
0x17: {  	s4 =	simm.s32 $0x1BF5;
	[smem:$0x3FB1] =	sst s0  }
0x18: {  	s0 =	sld [smem:$0x3F94];
	_ =	swait.ge [sflag:s4], $0x0  }
0x19: {  	s7 =	sld [smem:$0x3F95]  }
0x1a: {  	s8 =	sadd.s32 $0xFFFFE003, lr  }
0x1b: {  	s9 =	sadd.s32 $0xFFFFFEF7, lr;
	s5 =	simm.s32 $0xFFFFFFFF;
	p2 =	slt.u32 s8, $0xFFFFF086  }
0x1c: {  	p1 =	slt.u32 s9, $0xF7A;
	s5 =	simm.s32 @!p2 $0x0  }
0x1d: {  	s5 =	simm.s32 @p1 $0x1;
	p0 =	seq.s32 s7, s2  }
0x1e: {  	s7 =	smul.u32 @!p0 $0xF7A, s2;
	p2 =	seq.s32 @!p0 s5, $0x0  }
0x1f: {  	s9 =	smul.u32 $0xF7A, s1;
	s8 =	simm.s32 @!p0 $0x1BF5;
	p2 =	por !p2, p0  }
0x20: {  	[sflag:s8] =	ssyncset.s32 @!p0 $0xFFFFF086;
	s6 =	sadd.s32 @!p0 s3, s7;
	s7 =	simm.s32 @!p0 $0x108  }
0x21: {  	s3 =	sadd.s32 s3, s9;
	s6 =	sadd.s32 @!p0 $0x88, s6;
	s7 =	simm.s32 @p2 $0x1082  }
0x22: {  	[simem:s7], [sflag:s8] =	dma.local @!p0 [hbm:s6], $0xF7A  }
0x23: {  	s9 =	sor.u32 $0xD0000000, s2;
	s6 =	simm.s32 $0x108;
	_ =	swait.ge @!p0 [sflag:s8], $0x0  }
0x24: {  	s3 =	sadd.s32 $0x88, s3;
	s6 =	simm.s32 @!p1 $0x1082;
	[sflag:s4] =	ssyncset.s32 $0xFFFFF086  }
0x25: {  	[simem:s6], [sflag:s4] =	dma.local [hbm:s3], $0xF7A  }
0x26: {  	[smem:$0x3F95] =	sst s1;
	(tag) =	ssettag s2;
	_ =	strace s9  }
0x27: {  	s1 =	sld [smem:$0x3FA5]  }
0x28: {  	s2 =	sld [smem:$0x3FA6]  }
0x29: {  	s4 =	sld [smem:$0x3FA8]  }
0x2a: {  	p0 =	seq.s32 s5, $0x0;
	s5 =	sld [smem:$0x3FA9]  }
0x2b: {  	s6 =	sld [smem:$0x3FAA]  }
0x2c: {  	s7 =	sld [smem:$0x3FAB]  }
0x2d: {  	s3 =	simm.s32 $0x108;
	s8 =	sld [smem:$0x3FAC]  }
0x2e: {  	s3 =	simm.s32 @!p0 $0x1082;
	s9 =	sld [smem:$0x3FAD]  }
0x2f: {  	lr =	sadd.s32 s0, s3;
	s0 =	sld [smem:$0x3FA4]  }
0x30: {  	s3 =	sld [smem:$0x3FA7]  }
0x31: {  	[smem:$0x3FB0] =	sst s10  }
0x32: {  	s10 =	sld [smem:$0x3FAE];
	_ =	sdelay $0x3  }
0x33: {  	p0 =	seq.s32 s10, $0x1;
	s10 =	sld [smem:$0x3FB0];
	_ =	sdelay $0x3  }
0x34: {  	[smem:$0x3FB0] =	sst s10  }
0x35: {  	s10 =	sld [smem:$0x3FAF];
	_ =	sdelay $0x3  }
0x36: {  	p1 =	seq.s32 s10, $0x1;
	s10 =	sld [smem:$0x3FB0];
	_ =	sdelay $0x3  }
0x37: {  	[smem:$0x3FB0] =	sst s10  }
0x38: {  	s10 =	sld [smem:$0x3FB1]  }
0x39: {  	_ = 	snop;
	(pc) =	sbr.ind lr, $3  }
0x3a: {  	_ = 	snop  }
0x3b: {  	_ = 	snop  }
0x3c: {  	p2 =	seq.s32 s10, $0x1;
	s10 =	sld [smem:$0x3FB0]  }
0x3d: {  	_ =	shalt  }
0x3e: {  	_ =	shalt  }
0x3f: {  	_ =	shalt  }
0x40: {  	_ =	shalt  }
0x41: {  	_ =	shalt  }
0x42: {  	_ =	shalt  }
0x43: {  	_ =	shalt  }
0x44: {  	_ =	shalt  }
0x45: {  	_ =	shalt  }
0x46: {  	_ =	shalt  }
0x47: {  	_ =	shalt  }
0x48: {  	_ =	shalt  }
0x49: {  	_ =	shalt  }
0x4a: {  	_ =	shalt  }
0x4b: {  	_ =	shalt  }
0x4c: {  	_ =	shalt  }
0x4d: {  	_ =	shalt  }
0x4e: {  	_ =	shalt  }
0x4f: {  	_ =	shalt  }
0x50: {  	_ =	shalt  }
0x51: {  	_ =	shalt  }
0x52: {  	_ =	shalt  }
0x53: {  	_ =	shalt  }
0x54: {  	_ =	shalt  }
0x55: {  	_ =	shalt  }
0x56: {  	_ =	shalt  }
0x57: {  	_ =	shalt  }
0x58: {  	_ =	shalt  }
0x59: {  	_ =	shalt  }
0x5a: {  	_ =	shalt  }
0x5b: {  	_ =	shalt  }
0x5c: {  	_ =	shalt  }
0x5d: {  	_ =	shalt  }
0x5e: {  	_ =	shalt  }
0x5f: {  	_ =	shalt  }
0x60: {  	_ =	shalt  }
0x61: {  	_ =	shalt  }
0x62: {  	_ =	shalt  }
0x63: {  	_ =	shalt  }
0x64: {  	_ =	shalt  }
0x65: {  	_ =	shalt  }
0x66: {  	_ =	shalt  }
0x67: {  	_ =	shalt  }
0x68: {  	_ =	shalt  }
0x69: {  	_ =	shalt  }
0x6a: {  	_ =	shalt  }
0x6b: {  	_ =	shalt  }
0x6c: {  	_ =	shalt  }
0x6d: {  	_ =	shalt  }
0x6e: {  	_ =	shalt  }
0x6f: {  	_ =	shalt  }
0x70: {  	_ =	shalt  }
0x71: {  	_ =	shalt  }
0x72: {  	_ =	shalt  }
0x73: {  	_ =	shalt  }
0x74: {  	_ =	shalt  }
0x75: {  	_ =	shalt  }
0x76: {  	_ =	shalt  }
0x77: {  	_ =	shalt  }
0x78: {  	_ =	shalt  }
0x79: {  	_ =	shalt  }
0x7a: {  	_ =	shalt  }
0x7b: {  	_ =	shalt  }
0x7c: {  	_ =	shalt  }
0x7d: {  	_ =	shalt  }
0x7e: {  	_ =	shalt  }
0x7f: {  	_ =	shalt  }
0x80: {  	_ =	shalt  }
0x81: {  	_ =	shalt  }
0x82: {  	_ =	shalt  }
0x83: {  	_ =	shalt  }
0x84: {  	_ =	shalt  }
0x85: {  	_ =	shalt  }
0x86: {  	_ =	shalt  }
0x87: {  	_ =	shalt  }
.Lfunc_end0:
.L_simem_size_0:
called_computation_lowered:
.L_overlay_start_0:
0x88: {  	s2 =	sld [smem:$0x3FD9]  }
0x89: {  	s3 =	sld [smem:$0x3FFE];
	_ =	sdelay $0x1  }
0x8a: {  	s1 =	srdreg.scid  }
0x8b: {  	s0 =	sand.u32 $0x1, s1  }
0x8c: {  	s16 =	sshll.u32 s0, $0xA;
	s2 =	sadd.s32 s3, s2  }
0x8d: {  	s2 =	sadd.s32 s2, s16  }
0x8e: {  	[smem:$0x3FBC] =	sst s2  }
0x8f: {  	_ = 	snop  }
0x90: {  	(tm) =	ssettm $0x1  }
0x91: {  	s17 =	sld [smem:$0x3FFB];
	_ =	sdelay $0x3  }
0x92: {  	_ =	strace s17  }
0x93: {  	s2 =	sld [smem:$0x3FFC];
	_ =	sdelay $0x3  }
0x94: {  	_ =	strace s2  }
0x95: {  	s2 =	sld [smem:$0x3FFD];
	_ =	sdelay $0x3  }
0x96: {  	_ =	strace s2  }
0x97: {  	_ =	strace $0x8FFFFFFF  }
0x98: {  	s18 =	sld [smem:$0x3FDB];
	_ =	sdelay $0x1  }
0x99: {  	s19 =	simm.s32 $_scs_section_size  }
0x9a: {  	s4 =	simm.s32 $_size__tile_overlayer_lowered;
	s5 =	simm.s32 $_tile_overlayer_lowered  }
0x9b: {  	s22 =	simm.s32 $0x1BFF;
	s21 =	sshll.u32 s5, $0x1;
	s2 =	sadd.s32 s19, s18  }
0x9c: {  	s6 =	simm.s32 $0x0;
	s20 =	sshll.u32 s4, $0x1;
	s4 =	sadd.s32 s21, s2  }
0x9d: {  	[timem:s6], [sflag:s22] =	dma.local [hbm:s4], s20  }
0x9e: {  	_ =	swait.ge [sflag:s22], s20  }
0x9f: {  	s3 =	ssub.s32 $0x0, s20;
	[sflag:s22] =	ssyncset.done $0x0  }
0xa0: {  	[sflag:s22] =	ssyncadd.s32 s3;
	_ =	sdelay $0x1  }
0xa1: {  	s23 =	simm.s32 $0x1B8B  }
0xa2: {  	_ =	swait.ge [sflag:s23], $0x1  }
0xa3: {  	[sflag:s23] =	ssyncset.done $0x0  }
0xa4: {  	s25 =	simm.s32 $0x1B8E;
	s24 =	sld [smem:$0x3FFE];
	[sflag:s23] =	ssyncadd.s32 $0xFFFFFFFF  }
0xa5: {  	s26 =	simm.s32 $execute0_lowered;
	[smem:$0x3FD2] =	sst s25  }
0xa6: {  	s4 =	sshll.u32 s26, $0x1;
	_ =	strace $0x80000046;
	[dreg:$0x1] =	wrdreg $0xFFFFFFFF  }
0xa7: {  	s28 =	simm.s32 $_size_execute0_lowered;
	s2 =	sadd.s32 s2, s4;
	[dreg:$0x0] =	wrdreg $0x0  }
0xa8: {  	s4 =	sshll.u32 s28, $0x1;
	[dreg:$0x2] =	wrdreg s2  }
0xa9: {  	[dreg:$0x3] =	wrdreg s4  }
0xaa: {  	[dreg:$0x4] =	wrdreg $0xC0  }
0xab: {  	_ =	task [dreg:s6], $0x5FFFF  }
0xac: {  	[dreg:$0x1] =	wrdreg $0xFFFFFFFF  }
0xad: {  	[dreg:$0x0] =	wrdreg $0x60  }
0xae: {  	[dreg:$0x2] =	wrdreg s24  }
0xaf: {  	[dreg:$0x3] =	wrdreg $0x9  }
0xb0: {  	_ =	task.clear_ibuf [dreg:s6], $0x4FFFF;
	_ =	strace $0x90000046  }
0xb1: {  	s29 =	simm.s32 $0x9;
	_ =	strace $0x80000048  }
0xb2: {  	_ =	swait.ge [sflag:s29], $0x1  }
0xb3: {  	[sflag:s29] =	ssyncadd.s32 $0xFFFFFFFF  }
0xb4: {  	_ =	strace $0x90000048  }
0xb5: {  	_ =	sfence  }
0xb6: {  	s30 =	sld [smem:$0x0];
	_ =	sdelay $0x2  }
0xb7: {  	s31 =	sshll.u32 s1, $0xD;
	s1 =	sshrl.u32 s1, $0x2  }
0xb8: {  	s3 =	sand.u32 $0x4000, s31;
	s1 =	sadd.s32 s1, s30  }
0xb9: {  	s0 =	sor.u32 s3, s0;
	s1 =	sshll.u32 s1, $0x11  }
0xba: {  	s0 =	sor.u32 s1, s0  }
0xbb: {  	s0 =	sadd.s32 $0x8F2B, s0  }
0xbc: {  	[sflag:s0] =	ssyncadd.remote.s32 $0x1  }
0xbd: {  	_ =	sfence.sel $0xFFFF  }
0xbe: {  	[dreg:$0x0] =	wrdreg $0xFFFFFFFF;
	(pc) =	sbr.abs _section_cstart, $3  }
0xbf: {  	[dreg:$0x1] =	wrdreg $0xFFFFFFFF  }
0xc0: {  	_ =	task.clear_ibuf [dreg:s6], $0x2FFFF;
	_ =	strace $0x9FFFFFFF  }
0xc1: {  	(tm) =	ssettm $0x7FFFFFFF  }
tec
execute0_lowered:
.L_overlay_start_1:
0x0: {  	(tag) =	ssettag $0x1  }
0x1: {  	s1 =	srdreg.scid  }
0x2: {  	s0 =	stileid.u32;
	s5 =	rddreg [dreg:$0x0]  }
0x3: {  	s2 =	simm.s32 $0x0;
	s8 =	simm.s32 $0x80;
	s9 =	simm.s32 $0x400  }
0x4: {  	s10 =	simm.s32 $0x0;
	s3 =	sand.u32 $0x1, s1;
	s29 =	sshll.u32 s0, $0x1  }
0x5: {  	s30 =	sshrl.u32 s0, $0x2;
	s1 =	rddreg [dreg:$0x1];
	s4 =	sor.u32 s3, s29  }
0x6: {  	[smem:$0x7FF] =	sst s2;
	s6 =	smul.u32 $0x13C00, s30;
	s7 =	sshll.u32 s4, $0x7  }
0x7: {  	s3 =	ssub.s32 $0x2, s3;
	s4 =	smul.u32 $0x4E2, s4;
	s7 =	sand.u32 $0x380, s7  }
0x8: {  	_ =	strace $0x80000047;
	s31 =	sshrl.u32 s3, $0x1;
	s6 =	sor.u32 s6, s7  }
0x9: {  	s4 =	sadd.s32 s4, s5;
	s7 =	simm.s32 $0x2780;
	s6 =	sshrl.u32 s6, $0x3  }
0xa: {  	s5 =	sadd.s32 s6, s5;
	s6 =	ssub.s32 s3, s31;
	s3 =	sadd.s32 $0x4200, s4  }
0xb: {  	v0 =	vimm.f32 $0.0e+00;
	v1 =	vimm.f32 $1.000000000e+00;
	s4 =	sadd.s32 $0x17E00, s5;
	s5 =	smax.u32 s6, $0x1;
	s6 =	simm.s32 $0x1  }
.LBB2_1:
0xc: {  	[tilespmem:s2], [sflag:$0x1] =	stream.linear.gather [hbm4b:s3+s2], $0x2710, $0x38;
	[tilespmem:$0x4F00] =	vst v63  }
0xd: {  	_ =	swait.ge [sflag:s6], $0x2710  }
0xe: {  	[sflag:s6] =	ssyncset.done $0x0  }
0xf: {  	s11 =	simm.s32 $0x0;
	[sflag:s6] =	ssyncadd.s32 $0xFFFFD8F0  }
.LBB2_2:
0x10: {  	p0 =	sne.s32 s11, $0x9DC0  }
.Ltmp0:
0x11: {  	_ = 	snop;
	(pc) =	sbr.rel @p0 .LBB2_2-.Ltmp0, $3  }
0x12: {  	_ =	sdelay $0x1  }
0x13: {  	s12 =	sshra.s32 s11, $0x2  }
0x14: {  	s11 =	sadd.s32 $0x40, s11;
	[tilespmem:s12+$0x2780] =	vst v0  }
0x15: {  	s12 =	simm.s32 $0x0;
	s11 =	simm.s32 $0x40  }
.LBB2_4:
0x16: {  	p0 =	sne.s32 s11, $0x9C00;
	v2 =	vld [tilespmem:s12+$0x0];
	_ =	sdelay $0x3  }
.Ltmp1:
0x17: {  	(pc) =	sbr.rel @p0 .LBB2_4-.Ltmp1, $2  }
0x18: {  	_ =	sdelay $0x2  }
0x19: {  	s12 =	sshra.s32 s11, $0x2;
	s11 =	sadd.s32 $0x40, s11;
	[tilespmem:v2+s7+$0x0] =	vst.idx.add.f32.msk $0xffff, v1  }
0x1a: {  	v2 =	vld [tilespmem:s12+$0x0];
	_ =	sdelay $0x5  }
0x1b: {  	s10 =	sadd.s32 $0x1, s10  }
0x1c: {  	p0 =	sne.s32 s10, s5  }
.Ltmp2:
0x1d: {  	[tilespmem:v2+s7+$0x0] =	vst.idx.add.f32.msk $0xffff, v1;
	(pc) =	sbr.rel @p0 .LBB2_1-.Ltmp2, $4  }
0x1e: {  	[hbm4b:s4+s8] =	stream.strided.scatter [tilespmem:s7], [sflag:$0x1], $0x2780, s9, s8, $0x38;
	[tilespmem:$0x4F00] =	vst v63  }
0x1f: {  	_ =	swait.ge [sflag:s6], $0x2780  }
0x20: {  	[sflag:s6] =	ssyncset.done $0x0  }
0x21: {  	[sflag:s6] =	ssyncadd.s32 $0xFFFFD880  }
0x22: {  	_ =	sfence.sel $0x180000  }
0x23: {  	[bflag:$0x0] =	sbarrier.arrive $0xFFFF  }
0x24: {  	p0 =	sne.s32 s0, $0x0;
	_ =	strace $0x90000047  }
0x25: {  	s0 =	sadd.s32 @!p0 $0x100000, s1;
	[bflag:$0x2] =	sbarrier.arrive $0xFFFF  }
0x26: {  	[sflag:s0] =	ssyncadd.tile.s32 @!p0 $0x1;
	_ =	shalt  }
.Lfunc_end2:
_tile_overlayer_lowered:
.L_overlay_start_2:
0x27: {  	(tag) =	ssettag $0x2  }
0x28: {  	s0 =	rddreg [dreg:$0x0];
	s2 =	stileid.u32  }
0x29: {  	s1 =	rddreg [dreg:$0x1];
	p0 =	sne.s32 s2, $0x0  }
0x2a: {  	s3 =	rddreg [dreg:$0x2];
	[bflag:$0x3] =	sbarrier.arrive $0xFFFF;
	s2 =	simm.s32 @!p0 $0x1C01  }
0x2b: {  	[timem:s3], [sflag:s2] =	dma.local @!p0 [hbm:s0], s1  }
0x2c: {  	s0 =	simm.s32 @!p0 $0x1  }
0x2d: {  	_ =	swait.ge @!p0 [sflag:s0], s1  }
0x2e: {  	s1 =	ssub.s32 @!p0 $0x0, s1;
	[sflag:s0] =	ssyncset.done @!p0 $0x0  }
0x2f: {  	[sflag:s0] =	ssyncadd.s32 @!p0 s1  }
0x30: {  	[bflag:$0x3] =	sbarrier.arrive $0xFFFF  }
0x31: {  	_ =	shalt  }

</sc_bundles>
